<compile_context>
chip_gen: v7x
topology: tpu7x:2x2x1
jax: 0.10.2.dev20260603
libtpu: 0.0.44.dev20260713+nightly
codegen_flags: <defaults>
</compile_context>

<pallas_src>
import jax
import jax.numpy as jnp
from jax import lax
from jax.experimental import pallas as pl
from jax.experimental.pallas import tpu as pltpu
import jax.experimental.pallas.tpu_sc as plsc

N = 10000
K = 32
DIM = 128
ATTN = 32
VAL = 32


_P1 = 2000


def _qkv_body(x_ref, wq_ref, bq_ref, wkv_ref, bkv_ref, q_ref, kv_ref):
    x = x_ref[...]
    mu = jnp.mean(x, axis=-1, keepdims=True)
    xc = x - mu
    var = jnp.mean(xc * xc, axis=-1, keepdims=True)
    h = xc * lax.rsqrt(var + 1e-5)
    q_ref[...] = jnp.dot(h, wq_ref[...], preferred_element_type=jnp.float32) + bq_ref[...]
    kv_ref[...] = jnp.dot(h, wkv_ref[...], preferred_element_type=jnp.float32) + bkv_ref[...]


def _qkv(x2d, wq, bq, wkv, bkv):
    return pl.pallas_call(
        _qkv_body,
        grid=(N // _P1,),
        in_specs=[
            pl.BlockSpec((_P1, DIM), lambda i: (i, 0)),
            pl.BlockSpec((DIM, ATTN), lambda i: (0, 0)),
            pl.BlockSpec((1, ATTN), lambda i: (0, 0)),
            pl.BlockSpec((DIM, 2 * ATTN), lambda i: (0, 0)),
            pl.BlockSpec((1, 2 * ATTN), lambda i: (0, 0)),
        ],
        out_specs=[
            pl.BlockSpec((_P1, ATTN), lambda i: (i, 0)),
            pl.BlockSpec((_P1, 2 * ATTN), lambda i: (i, 0)),
        ],
        out_shape=[
            jax.ShapeDtypeStruct((N, ATTN), jnp.float32),
            jax.ShapeDtypeStruct((N, 2 * ATTN), jnp.float32),
        ],
    )(x2d, wq, bq, wkv, bkv)



_NC = 2
_NS = 16
_NW = _NC * _NS
_E_TOT = N * K
_NPAIR = _E_TOT // 2
_CHUNK = 200


def _make_gather_body(p_per_w):
    nsteps = p_per_w // _CHUNK

    def _gather_body(kvtab, idxe_hbm, idxo_hbm, kvg_hbm,
                     idx_ve0, idx_vo0, idx_ve1, idx_vo1,
                     buf_e0, buf_o0, buf_e1, buf_o1, sem0, sem1):
        wid = lax.axis_index("s") * _NC + lax.axis_index("c")
        base = wid * p_per_w
        idx_v = ((idx_ve0, idx_vo0), (idx_ve1, idx_vo1))
        bufs = ((buf_e0, buf_o0), (buf_e1, buf_o1))
        sems = (sem0, sem1)

        def load_and_fire(i):
            s = i % 2
            off = base + i * _CHUNK
            pltpu.sync_copy(idxe_hbm.at[pl.ds(off, _CHUNK)], idx_v[s][0])
            pltpu.sync_copy(idxo_hbm.at[pl.ds(off, _CHUNK)], idx_v[s][1])
            ce = pltpu.async_copy(kvtab.at[idx_v[s][0]], bufs[s][0], sems[s])
            co = pltpu.async_copy(kvtab.at[idx_v[s][1]], bufs[s][1], sems[s])
            return ce, co

        def drain(i, descs):
            s = i % 2
            off = base + i * _CHUNK
            descs[0].wait()
            descs[1].wait()
            pltpu.sync_copy(bufs[s][0], kvg_hbm.at[pl.ds(off, _CHUNK), pl.ds(0, 2 * ATTN)])
            pltpu.sync_copy(bufs[s][1], kvg_hbm.at[pl.ds(off, _CHUNK), pl.ds(2 * ATTN, 2 * ATTN)])

        inflight = load_and_fire(0)
        for i in range(nsteps):
            nxt = load_and_fire(i + 1) if i + 1 < nsteps else None
            drain(i, inflight)
            inflight = nxt

    return _gather_body


def _sc_gather(kvtab, idx_e, idx_o):
    npair = idx_e.shape[0]
    mesh = plsc.VectorSubcoreMesh(core_axis_name="c", subcore_axis_name="s",
                                  num_cores=_NC, num_subcores=_NS)
    fn = pl.kernel(
        _make_gather_body(npair // _NW),
        out_type=jax.ShapeDtypeStruct((npair, DIM), jnp.float32),
        mesh=mesh,
        compiler_params=pltpu.CompilerParams(use_tc_tiling_on_sc=False),
        scratch_types=[
            pltpu.VMEM((_CHUNK,), jnp.int32),
            pltpu.VMEM((_CHUNK,), jnp.int32),
            pltpu.VMEM((_CHUNK,), jnp.int32),
            pltpu.VMEM((_CHUNK,), jnp.int32),
            pltpu.VMEM((_CHUNK, 2 * ATTN), jnp.float32),
            pltpu.VMEM((_CHUNK, 2 * ATTN), jnp.float32),
            pltpu.VMEM((_CHUNK, 2 * ATTN), jnp.float32),
            pltpu.VMEM((_CHUNK, 2 * ATTN), jnp.float32),
            pltpu.SemaphoreType.DMA,
            pltpu.SemaphoreType.DMA,
        ],
    )
    return fn(kvtab, idx_e, idx_o)



_P3 = 400
_R3 = _P3 * K // 2
_RPP = K // 2
_HALVES = (5200, 4800)


def _block_body(x_ref, q_ref, kvg_ref, rp_ref,
                w1c, b1c, w2c, b2c, tq, wsm1, bsm1, msc, bsc, maskv,
                wo2, bo, ln2g, ln2b, f1w, f1b, f2w, f2b,
                out_ref):
    dn = (((0,), (0,)), ((), ()))
    w1 = w1c[...]
    hid = jnp.concatenate(
        [lax.dot_general(rp_ref[0, j], w1, dn, preferred_element_type=jnp.float32)[None]
         for j in range(_RPP)], axis=0)
    hid = jnp.maximum(hid.reshape(_R3, DIM) + b1c[...], 0.0)
    rarv = jnp.dot(hid, w2c[...], preferred_element_type=jnp.float32) + b2c[...]

    qrow = jnp.dot(q_ref[...], tq[...], preferred_element_type=jnp.float32)
    qe = jnp.broadcast_to(qrow[None], (_RPP, _P3, DIM)).reshape(_R3, DIM)

    kvg = kvg_ref[...].reshape(_R3, DIM)
    u = jnp.tanh(qe - kvg + rarv)
    s1 = jnp.maximum(jnp.dot(u, wsm1[...], preferred_element_type=jnp.float32) + bsm1[...], 0.0)
    sc = jnp.dot(s1, msc[...], preferred_element_type=jnp.float32) + bsc[...]
    sc3 = sc.reshape(_RPP, _P3, DIM)
    mask = maskv[...]

    m = jnp.max(sc3, axis=0)
    mm = jnp.maximum(m, pltpu.roll(m, 64, axis=1))
    e = jnp.exp(sc3 - mm[None]) * mask[None]
    d = jnp.sum(e, axis=0)
    d2 = d + pltpu.roll(d, 64, axis=1) + (1.0 - mask)

    vpr = (kvg + rarv).reshape(_RPP, _P3, DIM)
    vsum = jnp.sum(e * vpr, axis=0) / d2

    x2 = x_ref[...] + jnp.dot(vsum, wo2[...], preferred_element_type=jnp.float32) + bo[...]

    mu = jnp.mean(x2, axis=-1, keepdims=True)
    xc = x2 - mu
    var = jnp.mean(xc * xc, axis=-1, keepdims=True)
    h2 = xc * lax.rsqrt(var + 1e-5) * ln2g[...] + ln2b[...]

    f1 = jnp.dot(h2, f1w[...], preferred_element_type=jnp.float32) + f1b[...]
    g1 = f1 * 0.5 * (1.0 + lax.erf(f1 * (2.0 ** -0.5)))
    out_ref[...] = x2 + jnp.dot(g1, f2w[...], preferred_element_type=jnp.float32) + f2b[...]


def _attn_ffn(x2d, q_all, kvg, rp6, consts, nh, boff):
    def fixed(shape):
        nd = len(shape)
        return pl.BlockSpec(shape, lambda i, _nd=nd: (0,) * _nd)

    in_specs = [
        pl.BlockSpec((_P3, DIM), lambda i: (i + boff, 0)),
        pl.BlockSpec((_P3, ATTN), lambda i: (i + boff, 0)),
        pl.BlockSpec((_RPP, _P3, DIM), lambda i: (0, i, 0)),
        pl.BlockSpec((1, _RPP, 6, _P3), lambda i: (i, 0, 0, 0)),
    ] + [fixed(c.shape) for c in consts]
    return pl.pallas_call(
        _block_body,
        grid=(nh // _P3,),
        in_specs=in_specs,
        out_specs=pl.BlockSpec((_P3, DIM), lambda i: (i, 0)),
        out_shape=jax.ShapeDtypeStruct((nh, DIM), jnp.float32),
    )(x2d, q_all, kvg, rp6, *consts)




def kernel(x, knn_idx, knn_rel_pos, ln1_g, ln1_b, ln2_g, ln2_b, Wq, bq, Wk, bk,
           Wv, bv, Wo, bo, pa1_W, pa1_b, pa2_W, pa2_b, pv1_W, pv1_b, pv2_W,
           pv2_b, sm1_W, sm1_b, sm2_W, sm2_b, ffn1_W, ffn1_b, ffn2_W, ffn2_b):
    f32 = jnp.float32
    x2d = x[0]
    wq = ln1_g[:, None] * Wq
    bq2 = (bq + ln1_b @ Wq)[None, :]
    wkv_raw = jnp.concatenate([Wk, Wv], axis=1)
    wkv = ln1_g[:, None] * wkv_raw
    bkv2 = (jnp.concatenate([bk, bv]) + ln1_b @ wkv_raw)[None, :]
    q_all, kv_all = _qkv(x2d, wq, bq2, wkv, bkv2)

    idx3 = knn_idx.reshape(N, K // 2, 2).astype(jnp.int32)
    rp_t = jnp.transpose(knn_rel_pos, (2, 1, 0))
    halves = []
    p0 = 0
    for nh in _HALVES:
        idx_e = idx3[p0:p0 + nh, :, 0].transpose(1, 0).reshape(-1)
        idx_o = idx3[p0:p0 + nh, :, 1].transpose(1, 0).reshape(-1)
        nb = nh // _P3
        rp6 = (rp_t[:, :, p0:p0 + nh].reshape(3, K // 2, 2, nb, _P3)
               .transpose(3, 1, 2, 0, 4).reshape(nb, K // 2, 6, _P3))
        halves.append((nh, p0 // _P3, idx_e, idx_o, rp6))
        p0 += nh
    kvgs = [_sc_gather(kv_all, h[2], h[3]).reshape(K // 2, h[0], DIM)
            for h in halves]

    Z = jnp.zeros((ATTN, ATTN), f32)
    inv = 1.0 / jnp.sqrt(jnp.float32(ATTN))
    sm2r = jnp.broadcast_to(sm2_W * inv, (ATTN, ATTN))

    def four(b00, b01, b10, b11, b20, b21, b30, b31):
        top = jnp.concatenate([b00, b01, b10, b11], axis=1)
        bot = jnp.concatenate([b20, b21, b30, b31], axis=1)
        return top, bot

    w1c_top = jnp.concatenate([pa1_W, pv1_W, jnp.zeros((3, 2 * ATTN), f32)], axis=1)
    w1c_bot = jnp.concatenate([jnp.zeros((3, 2 * ATTN), f32), pa1_W, pv1_W], axis=1)
    w1c = jnp.concatenate([w1c_top, w1c_bot], axis=0)
    b1c = jnp.tile(jnp.concatenate([pa1_b, pv1_b]), 2)[None, :]

    r0, r1 = four(pa2_W, Z, Z, Z, Z, pv2_W, Z, Z)
    r2, r3 = four(Z, Z, pa2_W, Z, Z, Z, Z, pv2_W)
    w2c = jnp.concatenate([r0, r1, r2, r3], axis=0)
    b2c = jnp.tile(jnp.concatenate([pa2_b, pv2_b]), 2)[None, :]

    I = jnp.eye(ATTN, dtype=f32)
    tq = jnp.concatenate([I, Z, I, Z], axis=1)

    r0, r1 = four(sm1_W, Z, Z, Z, Z, Z, Z, Z)
    r2, r3 = four(Z, Z, sm1_W, Z, Z, Z, Z, Z)
    wsm1 = jnp.concatenate([r0, r1, r2, r3], axis=0)
    bsm1 = jnp.tile(jnp.concatenate([sm1_b, jnp.zeros((ATTN,), f32)]), 2)[None, :]

    r0, r1 = four(Z, sm2r, Z, Z, Z, Z, Z, Z)
    r2, r3 = four(Z, Z, Z, Z, Z, Z, Z, sm2r)
    msc = jnp.concatenate([r0, r1, r2, r3], axis=0)
    zb = jnp.zeros((ATTN,), f32)
    bsc = jnp.tile(jnp.concatenate([zb, jnp.full((ATTN,), sm2_b[0] * inv, f32)]), 2)[None, :]

    maskv = jnp.tile(jnp.concatenate([zb, jnp.ones((ATTN,), f32)]), 2)[None, :]
    wo2 = jnp.concatenate([jnp.zeros((ATTN, DIM), f32), Wo] * 2, axis=0)

    consts = [
        w1c, b1c, w2c, b2c, tq, wsm1, bsm1, msc, bsc, maskv,
        wo2, bo[None, :], ln2_g[None, :], ln2_b[None, :],
        ffn1_W, ffn1_b[None, :], ffn2_W, ffn2_b[None, :],
    ]
    outs = [_attn_ffn(x2d, q_all, kvg, h[4], consts, h[0], h[1])
            for h, kvg in zip(halves, kvgs)]
    return jnp.concatenate(outs, axis=0)[None]

# --- scband reference (transcript-rebuilt; emitter-appended) ---
"""Pipeline reference for scband-light-point-transformer-block-41729902248114 (READ-ONLY COPY).

The authoritative reference and input builder live on the scoring server;
editing this copy changes nothing except your own understanding.
"""

import jax, jax.numpy as jnp
import numpy as np

B = 1; N = 10000; K = 32; DIM = 128; ATTN = 32; VAL = 32

def setup_inputs(seed: int = 0) -> dict:
    key = jax.random.key(seed)
    def nk(i):
        return jax.random.fold_in(key, i)
    def w(i, shape):
        return jax.random.normal(nk(i), shape, dtype=jnp.float32) * 0.02
    inp = {}
    inp["x"] = jax.random.normal(nk(0), (B, N, DIM), dtype=jnp.float32)
    inp["knn_idx"] = jax.random.randint(nk(1), (N, K), 0, N)
    inp["knn_rel_pos"] = jax.random.normal(nk(2), (N, K, 3), dtype=jnp.float32)
    inp["ln1_g"] = jnp.ones((DIM,), jnp.float32); inp["ln1_b"] = jnp.zeros((DIM,), jnp.float32)
    inp["ln2_g"] = jnp.ones((DIM,), jnp.float32); inp["ln2_b"] = jnp.zeros((DIM,), jnp.float32)
    inp["Wq"] = w(3, (DIM, ATTN)); inp["bq"] = jnp.zeros((ATTN,), jnp.float32)
    inp["Wk"] = w(4, (DIM, ATTN)); inp["bk"] = jnp.zeros((ATTN,), jnp.float32)
    inp["Wv"] = w(5, (DIM, VAL)); inp["bv"] = jnp.zeros((VAL,), jnp.float32)
    inp["Wo"] = w(6, (VAL, DIM)); inp["bo"] = jnp.zeros((DIM,), jnp.float32)
    inp["pa1_W"] = w(7, (3, ATTN)); inp["pa1_b"] = jnp.zeros((ATTN,), jnp.float32)
    inp["pa2_W"] = w(8, (ATTN, ATTN)); inp["pa2_b"] = jnp.zeros((ATTN,), jnp.float32)
    inp["pv1_W"] = w(9, (3, VAL)); inp["pv1_b"] = jnp.zeros((VAL,), jnp.float32)
    inp["pv2_W"] = w(10, (VAL, VAL)); inp["pv2_b"] = jnp.zeros((VAL,), jnp.float32)
    inp["sm1_W"] = w(11, (ATTN, ATTN)); inp["sm1_b"] = jnp.zeros((ATTN,), jnp.float32)
    inp["sm2_W"] = w(12, (ATTN, 1)); inp["sm2_b"] = jnp.zeros((1,), jnp.float32)
    inp["ffn1_W"] = w(13, (DIM, 2 * DIM)); inp["ffn1_b"] = jnp.zeros((2 * DIM,), jnp.float32)
    inp["ffn2_W"] = w(14, (2 * DIM, DIM)); inp["ffn2_b"] = jnp.zeros((DIM,), jnp.float32)
    return inp

def _ln(t, g, b):
    m = jnp.mean(t, axis=-1, keepdims=True)
    v = jnp.var(t, axis=-1, keepdims=True)
    return (t - m) / jnp.sqrt(v + 1e-5) * g + b

def reference(x, knn_idx, knn_rel_pos, ln1_g, ln1_b, ln2_g, ln2_b, Wq, bq, Wk, bk, Wv, bv, Wo, bo, pa1_W, pa1_b, pa2_W, pa2_b, pv1_W, pv1_b, pv2_W, pv2_b, sm1_W, sm1_b, sm2_W, sm2_b, ffn1_W, ffn1_b, ffn2_W, ffn2_b):
    h = _ln(x, ln1_g, ln1_b)
    q_all = h @ Wq + bq
    k_all = h @ Wk + bk
    v_all = h @ Wv + bv
    # gather neighbor features over fixed kNN graph: [B, N, K, d]
    k = jnp.take(k_all, knn_idx, axis=1)
    v = jnp.take(v_all, knn_idx, axis=1)
    ra = jnp.maximum(knn_rel_pos @ pa1_W + pa1_b, 0.0) @ pa2_W + pa2_b  # [N, K, ATTN]
    rv = jnp.maximum(knn_rel_pos @ pv1_W + pv1_b, 0.0) @ pv2_W + pv2_b  # [N, K, VAL]
    t = jnp.tanh(q_all[:, :, None, :] - k + ra[None])
    score = (jnp.maximum(t @ sm1_W + sm1_b, 0.0) @ sm2_W + sm2_b)[..., 0]  # [B, N, K]
    attn = jax.nn.softmax(score / np.sqrt(float(ATTN)), axis=2)
    ctx = jnp.sum(attn[..., None] * (v + rv[None]), axis=2)  # [B, N, VAL]
    x = x + ctx @ Wo + bo
    h2 = _ln(x, ln2_g, ln2_b)
    f = jax.nn.gelu(h2 @ ffn1_W + ffn1_b, approximate=False) @ ffn2_W + ffn2_b
    return x + f

if __name__ == "__main__":
    import jax
    _d = setup_inputs()
    print(jax.jit(kernel)(*tuple(_d.values())))

</pallas_src>

<mosaic_0001>
#map = affine_map<(d0, d1) -> (0, 0)>
#map1 = affine_map<(d0, d1) -> (0)>
module attributes {stable_mosaic.version = 14 : i64} {
  func.func @_gather_body(%arg0: i32, %arg1: i32, %arg2: memref<10000x64xf32, #tpu.memory_space<hbm>>, %arg3: memref<83200xi32, #tpu.memory_space<hbm>>, %arg4: memref<83200xi32, #tpu.memory_space<hbm>>, %arg5: memref<83200x128xf32, #tpu.memory_space<hbm>>, %arg6: memref<200xi32, #tpu.memory_space<vmem>>, %arg7: memref<200xi32, #tpu.memory_space<vmem>>, %arg8: memref<200xi32, #tpu.memory_space<vmem>>, %arg9: memref<200xi32, #tpu.memory_space<vmem>>, %arg10: memref<200x64xf32, #tpu.memory_space<vmem>>, %arg11: memref<200x64xf32, #tpu.memory_space<vmem>>, %arg12: memref<200x64xf32, #tpu.memory_space<vmem>>, %arg13: memref<200x64xf32, #tpu.memory_space<vmem>>, %arg14: memref<!tpu.dma_semaphore, #tpu.memory_space<semaphore_mem>>, %arg15: memref<!tpu.dma_semaphore, #tpu.memory_space<semaphore_mem>>) attributes {dimension_semantics = [#tpu.dimension_semantics<core_parallel>, #tpu.dimension_semantics<subcore_parallel>], iteration_bounds = array<i64: 2, 16>, scalar_prefetch = 0 : i64, scratch_operands = 10 : i64, tpu.core_type = #tpu.core_type<sc_vector_subcore>, window_params = [{transform_indices = #map}, {transform_indices = #map1}, {transform_indices = #map1}, {transform_indices = #map}]} {
    %mul3A = arith.constant 2 : i32
    %mul3A_0 = arith.muli %arg1, %mul3A : i32
    %add3A = arith.addi %mul3A_0, %arg0 : i32
    %mul3A_1 = arith.constant 2600 : i32
    %mul3A_2 = arith.muli %add3A, %mul3A_1 : i32
    %add3A_3 = arith.constant 0 : i32
    %add3A_4 = arith.addi %mul3A_2, %add3A_3 : i32
    "tpu.region"() ({
      %run_scoped3A = tpu.sem_alloc : memref<!tpu.dma_semaphore, #tpu.memory_space<semaphore_mem>>
      %dma_start3A_209 = tpu.memref_slice %arg3[%add3A_4] : memref<83200xi32, #tpu.memory_space<hbm>> -> memref<200xi32, #tpu.memory_space<hbm>>
      %dma_start3A_210 = tpu.memref_slice %arg3[%add3A_4] : memref<83200xi32, #tpu.memory_space<hbm>> -> memref<200xi32, #tpu.memory_space<hbm>>
      tpu.enqueue_dma source(%dma_start3A_210 : memref<200xi32, #tpu.memory_space<hbm>>) target(%arg6 : memref<200xi32, #tpu.memory_space<vmem>>) target_semaphore(%run_scoped3A : memref<!tpu.dma_semaphore, #tpu.memory_space<semaphore_mem>>)
      %dma_wait3A_211 = tpu.memref_slice %arg3[%add3A_4] : memref<83200xi32, #tpu.memory_space<hbm>> -> memref<200xi32, #tpu.memory_space<hbm>>
      %dma_wait3A_212 = tpu.memref_slice %arg3[%add3A_4] : memref<83200xi32, #tpu.memory_space<hbm>> -> memref<200xi32, #tpu.memory_space<hbm>>
      tpu.wait_dma2 semaphore(%run_scoped3A : memref<!tpu.dma_semaphore, #tpu.memory_space<semaphore_mem>>) src(%dma_wait3A_212 : memref<200xi32, #tpu.memory_space<hbm>>) dst(%arg6 : memref<200xi32, #tpu.memory_space<vmem>>)
      tpu.yield
    }) : () -> ()
    "tpu.region"() ({
      %run_scoped3A = tpu.sem_alloc : memref<!tpu.dma_semaphore, #tpu.memory_space<semaphore_mem>>
      %dma_start3A_209 = tpu.memref_slice %arg4[%add3A_4] : memref<83200xi32, #tpu.memory_space<hbm>> -> memref<200xi32, #tpu.memory_space<hbm>>
      %dma_start3A_210 = tpu.memref_slice %arg4[%add3A_4] : memref<83200xi32, #tpu.memory_space<hbm>> -> memref<200xi32, #tpu.memory_space<hbm>>
      tpu.enqueue_dma source(%dma_start3A_210 : memref<200xi32, #tpu.memory_space<hbm>>) target(%arg7 : memref<200xi32, #tpu.memory_space<vmem>>) target_semaphore(%run_scoped3A : memref<!tpu.dma_semaphore, #tpu.memory_space<semaphore_mem>>)
      %dma_wait3A_211 = tpu.memref_slice %arg4[%add3A_4] : memref<83200xi32, #tpu.memory_space<hbm>> -> memref<200xi32, #tpu.memory_space<hbm>>
      %dma_wait3A_212 = tpu.memref_slice %arg4[%add3A_4] : memref<83200xi32, #tpu.memory_space<hbm>> -> memref<200xi32, #tpu.memory_space<hbm>>
      tpu.wait_dma2 semaphore(%run_scoped3A : memref<!tpu.dma_semaphore, #tpu.memory_space<semaphore_mem>>) src(%dma_wait3A_212 : memref<200xi32, #tpu.memory_space<hbm>>) dst(%arg7 : memref<200xi32, #tpu.memory_space<vmem>>)
      tpu.yield
    }) : () -> ()
    %dma_start3A = arith.constant 0 : i32
    %dma_start3A_5 = arith.constant 0 : i32
    %dma_start3A_6 = tpu.memref_slice %arg2[%dma_start3A, %dma_start3A_5] : memref<10000x64xf32, #tpu.memory_space<hbm>> -> memref<10000x64xf32, #tpu.memory_space<hbm>>
    tpu.enqueue_indirect_dma source(%dma_start3A_6 : memref<10000x64xf32, #tpu.memory_space<hbm>>) target(%arg10 : memref<200x64xf32, #tpu.memory_space<vmem>>) offsets(%arg6 : memref<200xi32, #tpu.memory_space<vmem>>) semaphore(%arg14 : memref<!tpu.dma_semaphore, #tpu.memory_space<semaphore_mem>>)
    %dma_start3A_7 = arith.constant 0 : i32
    %dma_start3A_8 = arith.constant 0 : i32
    %dma_start3A_9 = tpu.memref_slice %arg2[%dma_start3A_7, %dma_start3A_8] : memref<10000x64xf32, #tpu.memory_space<hbm>> -> memref<10000x64xf32, #tpu.memory_space<hbm>>
    tpu.enqueue_indirect_dma source(%dma_start3A_9 : memref<10000x64xf32, #tpu.memory_space<hbm>>) target(%arg11 : memref<200x64xf32, #tpu.memory_space<vmem>>) offsets(%arg7 : memref<200xi32, #tpu.memory_space<vmem>>) semaphore(%arg14 : memref<!tpu.dma_semaphore, #tpu.memory_space<semaphore_mem>>)
    %add3A_10 = arith.constant 200 : i32
    %add3A_11 = arith.addi %mul3A_2, %add3A_10 : i32
    "tpu.region"() ({
      %run_scoped3A = tpu.sem_alloc : memref<!tpu.dma_semaphore, #tpu.memory_space<semaphore_mem>>
      %dma_start3A_209 = tpu.memref_slice %arg3[%add3A_11] : memref<83200xi32, #tpu.memory_space<hbm>> -> memref<200xi32, #tpu.memory_space<hbm>>
      %dma_start3A_210 = tpu.memref_slice %arg3[%add3A_11] : memref<83200xi32, #tpu.memory_space<hbm>> -> memref<200xi32, #tpu.memory_space<hbm>>
      tpu.enqueue_dma source(%dma_start3A_210 : memref<200xi32, #tpu.memory_space<hbm>>) target(%arg8 : memref<200xi32, #tpu.memory_space<vmem>>) target_semaphore(%run_scoped3A : memref<!tpu.dma_semaphore, #tpu.memory_space<semaphore_mem>>)
      %dma_wait3A_211 = tpu.memref_slice %arg3[%add3A_11] : memref<83200xi32, #tpu.memory_space<hbm>> -> memref<200xi32, #tpu.memory_space<hbm>>
      %dma_wait3A_212 = tpu.memref_slice %arg3[%add3A_11] : memref<83200xi32, #tpu.memory_space<hbm>> -> memref<200xi32, #tpu.memory_space<hbm>>
      tpu.wait_dma2 semaphore(%run_scoped3A : memref<!tpu.dma_semaphore, #tpu.memory_space<semaphore_mem>>) src(%dma_wait3A_212 : memref<200xi32, #tpu.memory_space<hbm>>) dst(%arg8 : memref<200xi32, #tpu.memory_space<vmem>>)
      tpu.yield
    }) : () -> ()
    "tpu.region"() ({
      %run_scoped3A = tpu.sem_alloc : memref<!tpu.dma_semaphore, #tpu.memory_space<semaphore_mem>>
      %dma_start3A_209 = tpu.memref_slice %arg4[%add3A_11] : memref<83200xi32, #tpu.memory_space<hbm>> -> memref<200xi32, #tpu.memory_space<hbm>>
      %dma_start3A_210 = tpu.memref_slice %arg4[%add3A_11] : memref<83200xi32, #tpu.memory_space<hbm>> -> memref<200xi32, #tpu.memory_space<hbm>>
      tpu.enqueue_dma source(%dma_start3A_210 : memref<200xi32, #tpu.memory_space<hbm>>) target(%arg9 : memref<200xi32, #tpu.memory_space<vmem>>) target_semaphore(%run_scoped3A : memref<!tpu.dma_semaphore, #tpu.memory_space<semaphore_mem>>)
      %dma_wait3A_211 = tpu.memref_slice %arg4[%add3A_11] : memref<83200xi32, #tpu.memory_space<hbm>> -> memref<200xi32, #tpu.memory_space<hbm>>
      %dma_wait3A_212 = tpu.memref_slice %arg4[%add3A_11] : memref<83200xi32, #tpu.memory_space<hbm>> -> memref<200xi32, #tpu.memory_space<hbm>>
      tpu.wait_dma2 semaphore(%run_scoped3A : memref<!tpu.dma_semaphore, #tpu.memory_space<semaphore_mem>>) src(%dma_wait3A_212 : memref<200xi32, #tpu.memory_space<hbm>>) dst(%arg9 : memref<200xi32, #tpu.memory_space<vmem>>)
      tpu.yield
    }) : () -> ()
    %dma_start3A_12 = arith.constant 0 : i32
    %dma_start3A_13 = arith.constant 0 : i32
    %dma_start3A_14 = tpu.memref_slice %arg2[%dma_start3A_12, %dma_start3A_13] : memref<10000x64xf32, #tpu.memory_space<hbm>> -> memref<10000x64xf32, #tpu.memory_space<hbm>>
    tpu.enqueue_indirect_dma source(%dma_start3A_14 : memref<10000x64xf32, #tpu.memory_space<hbm>>) target(%arg12 : memref<200x64xf32, #tpu.memory_space<vmem>>) offsets(%arg8 : memref<200xi32, #tpu.memory_space<vmem>>) semaphore(%arg15 : memref<!tpu.dma_semaphore, #tpu.memory_space<semaphore_mem>>)
    %dma_start3A_15 = arith.constant 0 : i32
    %dma_start3A_16 = arith.constant 0 : i32
    %dma_start3A_17 = tpu.memref_slice %arg2[%dma_start3A_15, %dma_start3A_16] : memref<10000x64xf32, #tpu.memory_space<hbm>> -> memref<10000x64xf32, #tpu.memory_space<hbm>>
    tpu.enqueue_indirect_dma source(%dma_start3A_17 : memref<10000x64xf32, #tpu.memory_space<hbm>>) target(%arg13 : memref<200x64xf32, #tpu.memory_space<vmem>>) offsets(%arg9 : memref<200xi32, #tpu.memory_space<vmem>>) semaphore(%arg15 : memref<!tpu.dma_semaphore, #tpu.memory_space<semaphore_mem>>)
    %add3A_18 = arith.constant 0 : i32
    %add3A_19 = arith.addi %mul3A_2, %add3A_18 : i32
    %dma_wait3A = arith.constant 0 : i32
    %dma_wait3A_20 = arith.constant 0 : i32
    %dma_wait3A_21 = tpu.memref_slice %arg2[%dma_wait3A, %dma_wait3A_20] : memref<10000x64xf32, #tpu.memory_space<hbm>> -> memref<10000x64xf32, #tpu.memory_space<hbm>>
    tpu.wait_indirect_dma semaphore(%arg14 : memref<!tpu.dma_semaphore, #tpu.memory_space<semaphore_mem>>) src(%dma_wait3A_21 : memref<10000x64xf32, #tpu.memory_space<hbm>>) dst(%arg10 : memref<200x64xf32, #tpu.memory_space<vmem>>)
    %dma_wait3A_22 = arith.constant 0 : i32
    %dma_wait3A_23 = arith.constant 0 : i32
    %dma_wait3A_24 = tpu.memref_slice %arg2[%dma_wait3A_22, %dma_wait3A_23] : memref<10000x64xf32, #tpu.memory_space<hbm>> -> memref<10000x64xf32, #tpu.memory_space<hbm>>
    tpu.wait_indirect_dma semaphore(%arg14 : memref<!tpu.dma_semaphore, #tpu.memory_space<semaphore_mem>>) src(%dma_wait3A_24 : memref<10000x64xf32, #tpu.memory_space<hbm>>) dst(%arg11 : memref<200x64xf32, #tpu.memory_space<vmem>>)
    "tpu.region"() ({
      %run_scoped3A = tpu.sem_alloc : memref<!tpu.dma_semaphore, #tpu.memory_space<semaphore_mem>>
      %dma_start3A_209 = arith.constant 0 : i32
      %dma_start3A_210 = tpu.memref_slice %arg5[%add3A_19, %dma_start3A_209] : memref<83200x128xf32, #tpu.memory_space<hbm>> -> memref<200x64xf32, #tpu.memory_space<hbm>>
      %dma_start3A_211 = arith.constant 0 : i32
      %dma_start3A_212 = tpu.memref_slice %arg5[%add3A_19, %dma_start3A_211] : memref<83200x128xf32, #tpu.memory_space<hbm>> -> memref<200x64xf32, #tpu.memory_space<hbm>>
      tpu.enqueue_dma source(%arg10 : memref<200x64xf32, #tpu.memory_space<vmem>>) target(%dma_start3A_212 : memref<200x64xf32, #tpu.memory_space<hbm>>) target_semaphore(%run_scoped3A : memref<!tpu.dma_semaphore, #tpu.memory_space<semaphore_mem>>)
      %dma_wait3A_213 = arith.constant 0 : i32
      %dma_wait3A_214 = tpu.memref_slice %arg5[%add3A_19, %dma_wait3A_213] : memref<83200x128xf32, #tpu.memory_space<hbm>> -> memref<200x64xf32, #tpu.memory_space<hbm>>
      %dma_wait3A_215 = arith.constant 0 : i32
      %dma_wait3A_216 = tpu.memref_slice %arg5[%add3A_19, %dma_wait3A_215] : memref<83200x128xf32, #tpu.memory_space<hbm>> -> memref<200x64xf32, #tpu.memory_space<hbm>>
      tpu.wait_dma2 semaphore(%run_scoped3A : memref<!tpu.dma_semaphore, #tpu.memory_space<semaphore_mem>>) src(%arg10 : memref<200x64xf32, #tpu.memory_space<vmem>>) dst(%dma_wait3A_216 : memref<200x64xf32, #tpu.memory_space<hbm>>)
      tpu.yield
    }) : () -> ()
    "tpu.region"() ({
      %run_scoped3A = tpu.sem_alloc : memref<!tpu.dma_semaphore, #tpu.memory_space<semaphore_mem>>
      %dma_start3A_209 = arith.constant 64 : i32
      %dma_start3A_210 = tpu.memref_slice %arg5[%add3A_19, %dma_start3A_209] : memref<83200x128xf32, #tpu.memory_space<hbm>> -> memref<200x64xf32, #tpu.memory_space<hbm>>
      %dma_start3A_211 = arith.constant 64 : i32
      %dma_start3A_212 = tpu.memref_slice %arg5[%add3A_19, %dma_start3A_211] : memref<83200x128xf32, #tpu.memory_space<hbm>> -> memref<200x64xf32, #tpu.memory_space<hbm>>
      tpu.enqueue_dma source(%arg11 : memref<200x64xf32, #tpu.memory_space<vmem>>) target(%dma_start3A_212 : memref<200x64xf32, #tpu.memory_space<hbm>>) target_semaphore(%run_scoped3A : memref<!tpu.dma_semaphore, #tpu.memory_space<semaphore_mem>>)
      %dma_wait3A_213 = arith.constant 64 : i32
      %dma_wait3A_214 = tpu.memref_slice %arg5[%add3A_19, %dma_wait3A_213] : memref<83200x128xf32, #tpu.memory_space<hbm>> -> memref<200x64xf32, #tpu.memory_space<hbm>>
      %dma_wait3A_215 = arith.constant 64 : i32
      %dma_wait3A_216 = tpu.memref_slice %arg5[%add3A_19, %dma_wait3A_215] : memref<83200x128xf32, #tpu.memory_space<hbm>> -> memref<200x64xf32, #tpu.memory_space<hbm>>
      tpu.wait_dma2 semaphore(%run_scoped3A : memref<!tpu.dma_semaphore, #tpu.memory_space<semaphore_mem>>) src(%arg11 : memref<200x64xf32, #tpu.memory_space<vmem>>) dst(%dma_wait3A_216 : memref<200x64xf32, #tpu.memory_space<hbm>>)
      tpu.yield
    }) : () -> ()
    %add3A_25 = arith.constant 400 : i32
    %add3A_26 = arith.addi %mul3A_2, %add3A_25 : i32
    "tpu.region"() ({
      %run_scoped3A = tpu.sem_alloc : memref<!tpu.dma_semaphore, #tpu.memory_space<semaphore_mem>>
      %dma_start3A_209 = tpu.memref_slice %arg3[%add3A_26] : memref<83200xi32, #tpu.memory_space<hbm>> -> memref<200xi32, #tpu.memory_space<hbm>>
      %dma_start3A_210 = tpu.memref_slice %arg3[%add3A_26] : memref<83200xi32, #tpu.memory_space<hbm>> -> memref<200xi32, #tpu.memory_space<hbm>>
      tpu.enqueue_dma source(%dma_start3A_210 : memref<200xi32, #tpu.memory_space<hbm>>) target(%arg6 : memref<200xi32, #tpu.memory_space<vmem>>) target_semaphore(%run_scoped3A : memref<!tpu.dma_semaphore, #tpu.memory_space<semaphore_mem>>)
      %dma_wait3A_211 = tpu.memref_slice %arg3[%add3A_26] : memref<83200xi32, #tpu.memory_space<hbm>> -> memref<200xi32, #tpu.memory_space<hbm>>
      %dma_wait3A_212 = tpu.memref_slice %arg3[%add3A_26] : memref<83200xi32, #tpu.memory_space<hbm>> -> memref<200xi32, #tpu.memory_space<hbm>>
      tpu.wait_dma2 semaphore(%run_scoped3A : memref<!tpu.dma_semaphore, #tpu.memory_space<semaphore_mem>>) src(%dma_wait3A_212 : memref<200xi32, #tpu.memory_space<hbm>>) dst(%arg6 : memref<200xi32, #tpu.memory_space<vmem>>)
      tpu.yield
    }) : () -> ()
    "tpu.region"() ({
      %run_scoped3A = tpu.sem_alloc : memref<!tpu.dma_semaphore, #tpu.memory_space<semaphore_mem>>
      %dma_start3A_209 = tpu.memref_slice %arg4[%add3A_26] : memref<83200xi32, #tpu.memory_space<hbm>> -> memref<200xi32, #tpu.memory_space<hbm>>
      %dma_start3A_210 = tpu.memref_slice %arg4[%add3A_26] : memref<83200xi32, #tpu.memory_space<hbm>> -> memref<200xi32, #tpu.memory_space<hbm>>
      tpu.enqueue_dma source(%dma_start3A_210 : memref<200xi32, #tpu.memory_space<hbm>>) target(%arg7 : memref<200xi32, #tpu.memory_space<vmem>>) target_semaphore(%run_scoped3A : memref<!tpu.dma_semaphore, #tpu.memory_space<semaphore_mem>>)
      %dma_wait3A_211 = tpu.memref_slice %arg4[%add3A_26] : memref<83200xi32, #tpu.memory_space<hbm>> -> memref<200xi32, #tpu.memory_space<hbm>>
      %dma_wait3A_212 = tpu.memref_slice %arg4[%add3A_26] : memref<83200xi32, #tpu.memory_space<hbm>> -> memref<200xi32, #tpu.memory_space<hbm>>
      tpu.wait_dma2 semaphore(%run_scoped3A : memref<!tpu.dma_semaphore, #tpu.memory_space<semaphore_mem>>) src(%dma_wait3A_212 : memref<200xi32, #tpu.memory_space<hbm>>) dst(%arg7 : memref<200xi32, #tpu.memory_space<vmem>>)
      tpu.yield
    }) : () -> ()
    %dma_start3A_27 = arith.constant 0 : i32
    %dma_start3A_28 = arith.constant 0 : i32
    %dma_start3A_29 = tpu.memref_slice %arg2[%dma_start3A_27, %dma_start3A_28] : memref<10000x64xf32, #tpu.memory_space<hbm>> -> memref<10000x64xf32, #tpu.memory_space<hbm>>
    tpu.enqueue_indirect_dma source(%dma_start3A_29 : memref<10000x64xf32, #tpu.memory_space<hbm>>) target(%arg10 : memref<200x64xf32, #tpu.memory_space<vmem>>) offsets(%arg6 : memref<200xi32, #tpu.memory_space<vmem>>) semaphore(%arg14 : memref<!tpu.dma_semaphore, #tpu.memory_space<semaphore_mem>>)
    %dma_start3A_30 = arith.constant 0 : i32
    %dma_start3A_31 = arith.constant 0 : i32
    %dma_start3A_32 = tpu.memref_slice %arg2[%dma_start3A_30, %dma_start3A_31] : memref<10000x64xf32, #tpu.memory_space<hbm>> -> memref<10000x64xf32, #tpu.memory_space<hbm>>
    tpu.enqueue_indirect_dma source(%dma_start3A_32 : memref<10000x64xf32, #tpu.memory_space<hbm>>) target(%arg11 : memref<200x64xf32, #tpu.memory_space<vmem>>) offsets(%arg7 : memref<200xi32, #tpu.memory_space<vmem>>) semaphore(%arg14 : memref<!tpu.dma_semaphore, #tpu.memory_space<semaphore_mem>>)
    %add3A_33 = arith.constant 200 : i32
    %add3A_34 = arith.addi %mul3A_2, %add3A_33 : i32
    %dma_wait3A_35 = arith.constant 0 : i32
    %dma_wait3A_36 = arith.constant 0 : i32
    %dma_wait3A_37 = tpu.memref_slice %arg2[%dma_wait3A_35, %dma_wait3A_36] : memref<10000x64xf32, #tpu.memory_space<hbm>> -> memref<10000x64xf32, #tpu.memory_space<hbm>>
    tpu.wait_indirect_dma semaphore(%arg15 : memref<!tpu.dma_semaphore, #tpu.memory_space<semaphore_mem>>) src(%dma_wait3A_37 : memref<10000x64xf32, #tpu.memory_space<hbm>>) dst(%arg12 : memref<200x64xf32, #tpu.memory_space<vmem>>)
    %dma_wait3A_38 = arith.constant 0 : i32
    %dma_wait3A_39 = arith.constant 0 : i32
    %dma_wait3A_40 = tpu.memref_slice %arg2[%dma_wait3A_38, %dma_wait3A_39] : memref<10000x64xf32, #tpu.memory_space<hbm>> -> memref<10000x64xf32, #tpu.memory_space<hbm>>
    tpu.wait_indirect_dma semaphore(%arg15 : memref<!tpu.dma_semaphore, #tpu.memory_space<semaphore_mem>>) src(%dma_wait3A_40 : memref<10000x64xf32, #tpu.memory_space<hbm>>) dst(%arg13 : memref<200x64xf32, #tpu.memory_space<vmem>>)
    "tpu.region"() ({
      %run_scoped3A = tpu.sem_alloc : memref<!tpu.dma_semaphore, #tpu.memory_space<semaphore_mem>>
      %dma_start3A_209 = arith.constant 0 : i32
      %dma_start3A_210 = tpu.memref_slice %arg5[%add3A_34, %dma_start3A_209] : memref<83200x128xf32, #tpu.memory_space<hbm>> -> memref<200x64xf32, #tpu.memory_space<hbm>>
      %dma_start3A_211 = arith.constant 0 : i32
      %dma_start3A_212 = tpu.memref_slice %arg5[%add3A_34, %dma_start3A_211] : memref<83200x128xf32, #tpu.memory_space<hbm>> -> memref<200x64xf32, #tpu.memory_space<hbm>>
      tpu.enqueue_dma source(%arg12 : memref<200x64xf32, #tpu.memory_space<vmem>>) target(%dma_start3A_212 : memref<200x64xf32, #tpu.memory_space<hbm>>) target_semaphore(%run_scoped3A : memref<!tpu.dma_semaphore, #tpu.memory_space<semaphore_mem>>)
      %dma_wait3A_213 = arith.constant 0 : i32
      %dma_wait3A_214 = tpu.memref_slice %arg5[%add3A_34, %dma_wait3A_213] : memref<83200x128xf32, #tpu.memory_space<hbm>> -> memref<200x64xf32, #tpu.memory_space<hbm>>
      %dma_wait3A_215 = arith.constant 0 : i32
      %dma_wait3A_216 = tpu.memref_slice %arg5[%add3A_34, %dma_wait3A_215] : memref<83200x128xf32, #tpu.memory_space<hbm>> -> memref<200x64xf32, #tpu.memory_space<hbm>>
      tpu.wait_dma2 semaphore(%run_scoped3A : memref<!tpu.dma_semaphore, #tpu.memory_space<semaphore_mem>>) src(%arg12 : memref<200x64xf32, #tpu.memory_space<vmem>>) dst(%dma_wait3A_216 : memref<200x64xf32, #tpu.memory_space<hbm>>)
      tpu.yield
    }) : () -> ()
    "tpu.region"() ({
      %run_scoped3A = tpu.sem_alloc : memref<!tpu.dma_semaphore, #tpu.memory_space<semaphore_mem>>
      %dma_start3A_209 = arith.constant 64 : i32
      %dma_start3A_210 = tpu.memref_slice %arg5[%add3A_34, %dma_start3A_209] : memref<83200x128xf32, #tpu.memory_space<hbm>> -> memref<200x64xf32, #tpu.memory_space<hbm>>
      %dma_start3A_211 = arith.constant 64 : i32
      %dma_start3A_212 = tpu.memref_slice %arg5[%add3A_34, %dma_start3A_211] : memref<83200x128xf32, #tpu.memory_space<hbm>> -> memref<200x64xf32, #tpu.memory_space<hbm>>
      tpu.enqueue_dma source(%arg13 : memref<200x64xf32, #tpu.memory_space<vmem>>) target(%dma_start3A_212 : memref<200x64xf32, #tpu.memory_space<hbm>>) target_semaphore(%run_scoped3A : memref<!tpu.dma_semaphore, #tpu.memory_space<semaphore_mem>>)
      %dma_wait3A_213 = arith.constant 64 : i32
      %dma_wait3A_214 = tpu.memref_slice %arg5[%add3A_34, %dma_wait3A_213] : memref<83200x128xf32, #tpu.memory_space<hbm>> -> memref<200x64xf32, #tpu.memory_space<hbm>>
      %dma_wait3A_215 = arith.constant 64 : i32
      %dma_wait3A_216 = tpu.memref_slice %arg5[%add3A_34, %dma_wait3A_215] : memref<83200x128xf32, #tpu.memory_space<hbm>> -> memref<200x64xf32, #tpu.memory_space<hbm>>
      tpu.wait_dma2 semaphore(%run_scoped3A : memref<!tpu.dma_semaphore, #tpu.memory_space<semaphore_mem>>) src(%arg13 : memref<200x64xf32, #tpu.memory_space<vmem>>) dst(%dma_wait3A_216 : memref<200x64xf32, #tpu.memory_space<hbm>>)
      tpu.yield
    }) : () -> ()
    %add3A_41 = arith.constant 600 : i32
    %add3A_42 = arith.addi %mul3A_2, %add3A_41 : i32
    "tpu.region"() ({
      %run_scoped3A = tpu.sem_alloc : memref<!tpu.dma_semaphore, #tpu.memory_space<semaphore_mem>>
      %dma_start3A_209 = tpu.memref_slice %arg3[%add3A_42] : memref<83200xi32, #tpu.memory_space<hbm>> -> memref<200xi32, #tpu.memory_space<hbm>>
      %dma_start3A_210 = tpu.memref_slice %arg3[%add3A_42] : memref<83200xi32, #tpu.memory_space<hbm>> -> memref<200xi32, #tpu.memory_space<hbm>>
      tpu.enqueue_dma source(%dma_start3A_210 : memref<200xi32, #tpu.memory_space<hbm>>) target(%arg8 : memref<200xi32, #tpu.memory_space<vmem>>) target_semaphore(%run_scoped3A : memref<!tpu.dma_semaphore, #tpu.memory_space<semaphore_mem>>)
      %dma_wait3A_211 = tpu.memref_slice %arg3[%add3A_42] : memref<83200xi32, #tpu.memory_space<hbm>> -> memref<200xi32, #tpu.memory_space<hbm>>
      %dma_wait3A_212 = tpu.memref_slice %arg3[%add3A_42] : memref<83200xi32, #tpu.memory_space<hbm>> -> memref<200xi32, #tpu.memory_space<hbm>>
      tpu.wait_dma2 semaphore(%run_scoped3A : memref<!tpu.dma_semaphore, #tpu.memory_space<semaphore_mem>>) src(%dma_wait3A_212 : memref<200xi32, #tpu.memory_space<hbm>>) dst(%arg8 : memref<200xi32, #tpu.memory_space<vmem>>)
      tpu.yield
    }) : () -> ()
    "tpu.region"() ({
      %run_scoped3A = tpu.sem_alloc : memref<!tpu.dma_semaphore, #tpu.memory_space<semaphore_mem>>
      %dma_start3A_209 = tpu.memref_slice %arg4[%add3A_42] : memref<83200xi32, #tpu.memory_space<hbm>> -> memref<200xi32, #tpu.memory_space<hbm>>
      %dma_start3A_210 = tpu.memref_slice %arg4[%add3A_42] : memref<83200xi32, #tpu.memory_space<hbm>> -> memref<200xi32, #tpu.memory_space<hbm>>
      tpu.enqueue_dma source(%dma_start3A_210 : memref<200xi32, #tpu.memory_space<hbm>>) target(%arg9 : memref<200xi32, #tpu.memory_space<vmem>>) target_semaphore(%run_scoped3A : memref<!tpu.dma_semaphore, #tpu.memory_space<semaphore_mem>>)
      %dma_wait3A_211 = tpu.memref_slice %arg4[%add3A_42] : memref<83200xi32, #tpu.memory_space<hbm>> -> memref<200xi32, #tpu.memory_space<hbm>>
      %dma_wait3A_212 = tpu.memref_slice %arg4[%add3A_42] : memref<83200xi32, #tpu.memory_space<hbm>> -> memref<200xi32, #tpu.memory_space<hbm>>
      tpu.wait_dma2 semaphore(%run_scoped3A : memref<!tpu.dma_semaphore, #tpu.memory_space<semaphore_mem>>) src(%dma_wait3A_212 : memref<200xi32, #tpu.memory_space<hbm>>) dst(%arg9 : memref<200xi32, #tpu.memory_space<vmem>>)
      tpu.yield
    }) : () -> ()
    %dma_start3A_43 = arith.constant 0 : i32
    %dma_start3A_44 = arith.constant 0 : i32
    %dma_start3A_45 = tpu.memref_slice %arg2[%dma_start3A_43, %dma_start3A_44] : memref<10000x64xf32, #tpu.memory_space<hbm>> -> memref<10000x64xf32, #tpu.memory_space<hbm>>
    tpu.enqueue_indirect_dma source(%dma_start3A_45 : memref<10000x64xf32, #tpu.memory_space<hbm>>) target(%arg12 : memref<200x64xf32, #tpu.memory_space<vmem>>) offsets(%arg8 : memref<200xi32, #tpu.memory_space<vmem>>) semaphore(%arg15 : memref<!tpu.dma_semaphore, #tpu.memory_space<semaphore_mem>>)
    %dma_start3A_46 = arith.constant 0 : i32
    %dma_start3A_47 = arith.constant 0 : i32
    %dma_start3A_48 = tpu.memref_slice %arg2[%dma_start3A_46, %dma_start3A_47] : memref<10000x64xf32, #tpu.memory_space<hbm>> -> memref<10000x64xf32, #tpu.memory_space<hbm>>
    tpu.enqueue_indirect_dma source(%dma_start3A_48 : memref<10000x64xf32, #tpu.memory_space<hbm>>) target(%arg13 : memref<200x64xf32, #tpu.memory_space<vmem>>) offsets(%arg9 : memref<200xi32, #tpu.memory_space<vmem>>) semaphore(%arg15 : memref<!tpu.dma_semaphore, #tpu.memory_space<semaphore_mem>>)
    %add3A_49 = arith.constant 400 : i32
    %add3A_50 = arith.addi %mul3A_2, %add3A_49 : i32
    %dma_wait3A_51 = arith.constant 0 : i32
    %dma_wait3A_52 = arith.constant 0 : i32
    %dma_wait3A_53 = tpu.memref_slice %arg2[%dma_wait3A_51, %dma_wait3A_52] : memref<10000x64xf32, #tpu.memory_space<hbm>> -> memref<10000x64xf32, #tpu.memory_space<hbm>>
    tpu.wait_indirect_dma semaphore(%arg14 : memref<!tpu.dma_semaphore, #tpu.memory_space<semaphore_mem>>) src(%dma_wait3A_53 : memref<10000x64xf32, #tpu.memory_space<hbm>>) dst(%arg10 : memref<200x64xf32, #tpu.memory_space<vmem>>)
    %dma_wait3A_54 = arith.constant 0 : i32
    %dma_wait3A_55 = arith.constant 0 : i32
    %dma_wait3A_56 = tpu.memref_slice %arg2[%dma_wait3A_54, %dma_wait3A_55] : memref<10000x64xf32, #tpu.memory_space<hbm>> -> memref<10000x64xf32, #tpu.memory_space<hbm>>
    tpu.wait_indirect_dma semaphore(%arg14 : memref<!tpu.dma_semaphore, #tpu.memory_space<semaphore_mem>>) src(%dma_wait3A_56 : memref<10000x64xf32, #tpu.memory_space<hbm>>) dst(%arg11 : memref<200x64xf32, #tpu.memory_space<vmem>>)
    "tpu.region"() ({
      %run_scoped3A = tpu.sem_alloc : memref<!tpu.dma_semaphore, #tpu.memory_space<semaphore_mem>>
      %dma_start3A_209 = arith.constant 0 : i32
      %dma_start3A_210 = tpu.memref_slice %arg5[%add3A_50, %dma_start3A_209] : memref<83200x128xf32, #tpu.memory_space<hbm>> -> memref<200x64xf32, #tpu.memory_space<hbm>>
      %dma_start3A_211 = arith.constant 0 : i32
      %dma_start3A_212 = tpu.memref_slice %arg5[%add3A_50, %dma_start3A_211] : memref<83200x128xf32, #tpu.memory_space<hbm>> -> memref<200x64xf32, #tpu.memory_space<hbm>>
      tpu.enqueue_dma source(%arg10 : memref<200x64xf32, #tpu.memory_space<vmem>>) target(%dma_start3A_212 : memref<200x64xf32, #tpu.memory_space<hbm>>) target_semaphore(%run_scoped3A : memref<!tpu.dma_semaphore, #tpu.memory_space<semaphore_mem>>)
      %dma_wait3A_213 = arith.constant 0 : i32
      %dma_wait3A_214 = tpu.memref_slice %arg5[%add3A_50, %dma_wait3A_213] : memref<83200x128xf32, #tpu.memory_space<hbm>> -> memref<200x64xf32, #tpu.memory_space<hbm>>
      %dma_wait3A_215 = arith.constant 0 : i32
      %dma_wait3A_216 = tpu.memref_slice %arg5[%add3A_50, %dma_wait3A_215] : memref<83200x128xf32, #tpu.memory_space<hbm>> -> memref<200x64xf32, #tpu.memory_space<hbm>>
      tpu.wait_dma2 semaphore(%run_scoped3A : memref<!tpu.dma_semaphore, #tpu.memory_space<semaphore_mem>>) src(%arg10 : memref<200x64xf32, #tpu.memory_space<vmem>>) dst(%dma_wait3A_216 : memref<200x64xf32, #tpu.memory_space<hbm>>)
      tpu.yield
    }) : () -> ()
    "tpu.region"() ({
      %run_scoped3A = tpu.sem_alloc : memref<!tpu.dma_semaphore, #tpu.memory_space<semaphore_mem>>
      %dma_start3A_209 = arith.constant 64 : i32
      %dma_start3A_210 = tpu.memref_slice %arg5[%add3A_50, %dma_start3A_209] : memref<83200x128xf32, #tpu.memory_space<hbm>> -> memref<200x64xf32, #tpu.memory_space<hbm>>
      %dma_start3A_211 = arith.constant 64 : i32
      %dma_start3A_212 = tpu.memref_slice %arg5[%add3A_50, %dma_start3A_211] : memref<83200x128xf32, #tpu.memory_space<hbm>> -> memref<200x64xf32, #tpu.memory_space<hbm>>
      tpu.enqueue_dma source(%arg11 : memref<200x64xf32, #tpu.memory_space<vmem>>) target(%dma_start3A_212 : memref<200x64xf32, #tpu.memory_space<hbm>>) target_semaphore(%run_scoped3A : memref<!tpu.dma_semaphore, #tpu.memory_space<semaphore_mem>>)
      %dma_wait3A_213 = arith.constant 64 : i32
      %dma_wait3A_214 = tpu.memref_slice %arg5[%add3A_50, %dma_wait3A_213] : memref<83200x128xf32, #tpu.memory_space<hbm>> -> memref<200x64xf32, #tpu.memory_space<hbm>>
      %dma_wait3A_215 = arith.constant 64 : i32
      %dma_wait3A_216 = tpu.memref_slice %arg5[%add3A_50, %dma_wait3A_215] : memref<83200x128xf32, #tpu.memory_space<hbm>> -> memref<200x64xf32, #tpu.memory_space<hbm>>
      tpu.wait_dma2 semaphore(%run_scoped3A : memref<!tpu.dma_semaphore, #tpu.memory_space<semaphore_mem>>) src(%arg11 : memref<200x64xf32, #tpu.memory_space<vmem>>) dst(%dma_wait3A_216 : memref<200x64xf32, #tpu.memory_space<hbm>>)
      tpu.yield
    }) : () -> ()
    %add3A_57 = arith.constant 800 : i32
    %add3A_58 = arith.addi %mul3A_2, %add3A_57 : i32
    "tpu.region"() ({
      %run_scoped3A = tpu.sem_alloc : memref<!tpu.dma_semaphore, #tpu.memory_space<semaphore_mem>>
      %dma_start3A_209 = tpu.memref_slice %arg3[%add3A_58] : memref<83200xi32, #tpu.memory_space<hbm>> -> memref<200xi32, #tpu.memory_space<hbm>>
      %dma_start3A_210 = tpu.memref_slice %arg3[%add3A_58] : memref<83200xi32, #tpu.memory_space<hbm>> -> memref<200xi32, #tpu.memory_space<hbm>>
      tpu.enqueue_dma source(%dma_start3A_210 : memref<200xi32, #tpu.memory_space<hbm>>) target(%arg6 : memref<200xi32, #tpu.memory_space<vmem>>) target_semaphore(%run_scoped3A : memref<!tpu.dma_semaphore, #tpu.memory_space<semaphore_mem>>)
      %dma_wait3A_211 = tpu.memref_slice %arg3[%add3A_58] : memref<83200xi32, #tpu.memory_space<hbm>> -> memref<200xi32, #tpu.memory_space<hbm>>
      %dma_wait3A_212 = tpu.memref_slice %arg3[%add3A_58] : memref<83200xi32, #tpu.memory_space<hbm>> -> memref<200xi32, #tpu.memory_space<hbm>>
      tpu.wait_dma2 semaphore(%run_scoped3A : memref<!tpu.dma_semaphore, #tpu.memory_space<semaphore_mem>>) src(%dma_wait3A_212 : memref<200xi32, #tpu.memory_space<hbm>>) dst(%arg6 : memref<200xi32, #tpu.memory_space<vmem>>)
      tpu.yield
    }) : () -> ()
    "tpu.region"() ({
      %run_scoped3A = tpu.sem_alloc : memref<!tpu.dma_semaphore, #tpu.memory_space<semaphore_mem>>
      %dma_start3A_209 = tpu.memref_slice %arg4[%add3A_58] : memref<83200xi32, #tpu.memory_space<hbm>> -> memref<200xi32, #tpu.memory_space<hbm>>
      %dma_start3A_210 = tpu.memref_slice %arg4[%add3A_58] : memref<83200xi32, #tpu.memory_space<hbm>> -> memref<200xi32, #tpu.memory_space<hbm>>
      tpu.enqueue_dma source(%dma_start3A_210 : memref<200xi32, #tpu.memory_space<hbm>>) target(%arg7 : memref<200xi32, #tpu.memory_space<vmem>>) target_semaphore(%run_scoped3A : memref<!tpu.dma_semaphore, #tpu.memory_space<semaphore_mem>>)
      %dma_wait3A_211 = tpu.memref_slice %arg4[%add3A_58] : memref<83200xi32, #tpu.memory_space<hbm>> -> memref<200xi32, #tpu.memory_space<hbm>>
      %dma_wait3A_212 = tpu.memref_slice %arg4[%add3A_58] : memref<83200xi32, #tpu.memory_space<hbm>> -> memref<200xi32, #tpu.memory_space<hbm>>
      tpu.wait_dma2 semaphore(%run_scoped3A : memref<!tpu.dma_semaphore, #tpu.memory_space<semaphore_mem>>) src(%dma_wait3A_212 : memref<200xi32, #tpu.memory_space<hbm>>) dst(%arg7 : memref<200xi32, #tpu.memory_space<vmem>>)
      tpu.yield
    }) : () -> ()
    %dma_start3A_59 = arith.constant 0 : i32
    %dma_start3A_60 = arith.constant 0 : i32
    %dma_start3A_61 = tpu.memref_slice %arg2[%dma_start3A_59, %dma_start3A_60] : memref<10000x64xf32, #tpu.memory_space<hbm>> -> memref<10000x64xf32, #tpu.memory_space<hbm>>
    tpu.enqueue_indirect_dma source(%dma_start3A_61 : memref<10000x64xf32, #tpu.memory_space<hbm>>) target(%arg10 : memref<200x64xf32, #tpu.memory_space<vmem>>) offsets(%arg6 : memref<200xi32, #tpu.memory_space<vmem>>) semaphore(%arg14 : memref<!tpu.dma_semaphore, #tpu.memory_space<semaphore_mem>>)
    %dma_start3A_62 = arith.constant 0 : i32
    %dma_start3A_63 = arith.constant 0 : i32
    %dma_start3A_64 = tpu.memref_slice %arg2[%dma_start3A_62, %dma_start3A_63] : memref<10000x64xf32, #tpu.memory_space<hbm>> -> memref<10000x64xf32, #tpu.memory_space<hbm>>
    tpu.enqueue_indirect_dma source(%dma_start3A_64 : memref<10000x64xf32, #tpu.memory_space<hbm>>) target(%arg11 : memref<200x64xf32, #tpu.memory_space<vmem>>) offsets(%arg7 : memref<200xi32, #tpu.memory_space<vmem>>) semaphore(%arg14 : memref<!tpu.dma_semaphore, #tpu.memory_space<semaphore_mem>>)
    %add3A_65 = arith.constant 600 : i32
    %add3A_66 = arith.addi %mul3A_2, %add3A_65 : i32
    %dma_wait3A_67 = arith.constant 0 : i32
    %dma_wait3A_68 = arith.constant 0 : i32
    %dma_wait3A_69 = tpu.memref_slice %arg2[%dma_wait3A_67, %dma_wait3A_68] : memref<10000x64xf32, #tpu.memory_space<hbm>> -> memref<10000x64xf32, #tpu.memory_space<hbm>>
    tpu.wait_indirect_dma semaphore(%arg15 : memref<!tpu.dma_semaphore, #tpu.memory_space<semaphore_mem>>) src(%dma_wait3A_69 : memref<10000x64xf32, #tpu.memory_space<hbm>>) dst(%arg12 : memref<200x64xf32, #tpu.memory_space<vmem>>)
    %dma_wait3A_70 = arith.constant 0 : i32
    %dma_wait3A_71 = arith.constant 0 : i32
    %dma_wait3A_72 = tpu.memref_slice %arg2[%dma_wait3A_70, %dma_wait3A_71] : memref<10000x64xf32, #tpu.memory_space<hbm>> -> memref<10000x64xf32, #tpu.memory_space<hbm>>
    tpu.wait_indirect_dma semaphore(%arg15 : memref<!tpu.dma_semaphore, #tpu.memory_space<semaphore_mem>>) src(%dma_wait3A_72 : memref<10000x64xf32, #tpu.memory_space<hbm>>) dst(%arg13 : memref<200x64xf32, #tpu.memory_space<vmem>>)
    "tpu.region"() ({
      %run_scoped3A = tpu.sem_alloc : memref<!tpu.dma_semaphore, #tpu.memory_space<semaphore_mem>>
      %dma_start3A_209 = arith.constant 0 : i32
      %dma_start3A_210 = tpu.memref_slice %arg5[%add3A_66, %dma_start3A_209] : memref<83200x128xf32, #tpu.memory_space<hbm>> -> memref<200x64xf32, #tpu.memory_space<hbm>>
      %dma_start3A_211 = arith.constant 0 : i32
      %dma_start3A_212 = tpu.memref_slice %arg5[%add3A_66, %dma_start3A_211] : memref<83200x128xf32, #tpu.memory_space<hbm>> -> memref<200x64xf32, #tpu.memory_space<hbm>>
      tpu.enqueue_dma source(%arg12 : memref<200x64xf32, #tpu.memory_space<vmem>>) target(%dma_start3A_212 : memref<200x64xf32, #tpu.memory_space<hbm>>) target_semaphore(%run_scoped3A : memref<!tpu.dma_semaphore, #tpu.memory_space<semaphore_mem>>)
      %dma_wait3A_213 = arith.constant 0 : i32
      %dma_wait3A_214 = tpu.memref_slice %arg5[%add3A_66, %dma_wait3A_213] : memref<83200x128xf32, #tpu.memory_space<hbm>> -> memref<200x64xf32, #tpu.memory_space<hbm>>
      %dma_wait3A_215 = arith.constant 0 : i32
      %dma_wait3A_216 = tpu.memref_slice %arg5[%add3A_66, %dma_wait3A_215] : memref<83200x128xf32, #tpu.memory_space<hbm>> -> memref<200x64xf32, #tpu.memory_space<hbm>>
      tpu.wait_dma2 semaphore(%run_scoped3A : memref<!tpu.dma_semaphore, #tpu.memory_space<semaphore_mem>>) src(%arg12 : memref<200x64xf32, #tpu.memory_space<vmem>>) dst(%dma_wait3A_216 : memref<200x64xf32, #tpu.memory_space<hbm>>)
      tpu.yield
    }) : () -> ()
    "tpu.region"() ({
      %run_scoped3A = tpu.sem_alloc : memref<!tpu.dma_semaphore, #tpu.memory_space<semaphore_mem>>
      %dma_start3A_209 = arith.constant 64 : i32
      %dma_start3A_210 = tpu.memref_slice %arg5[%add3A_66, %dma_start3A_209] : memref<83200x128xf32, #tpu.memory_space<hbm>> -> memref<200x64xf32, #tpu.memory_space<hbm>>
      %dma_start3A_211 = arith.constant 64 : i32
      %dma_start3A_212 = tpu.memref_slice %arg5[%add3A_66, %dma_start3A_211] : memref<83200x128xf32, #tpu.memory_space<hbm>> -> memref<200x64xf32, #tpu.memory_space<hbm>>
      tpu.enqueue_dma source(%arg13 : memref<200x64xf32, #tpu.memory_space<vmem>>) target(%dma_start3A_212 : memref<200x64xf32, #tpu.memory_space<hbm>>) target_semaphore(%run_scoped3A : memref<!tpu.dma_semaphore, #tpu.memory_space<semaphore_mem>>)
      %dma_wait3A_213 = arith.constant 64 : i32
      %dma_wait3A_214 = tpu.memref_slice %arg5[%add3A_66, %dma_wait3A_213] : memref<83200x128xf32, #tpu.memory_space<hbm>> -> memref<200x64xf32, #tpu.memory_space<hbm>>
      %dma_wait3A_215 = arith.constant 64 : i32
      %dma_wait3A_216 = tpu.memref_slice %arg5[%add3A_66, %dma_wait3A_215] : memref<83200x128xf32, #tpu.memory_space<hbm>> -> memref<200x64xf32, #tpu.memory_space<hbm>>
      tpu.wait_dma2 semaphore(%run_scoped3A : memref<!tpu.dma_semaphore, #tpu.memory_space<semaphore_mem>>) src(%arg13 : memref<200x64xf32, #tpu.memory_space<vmem>>) dst(%dma_wait3A_216 : memref<200x64xf32, #tpu.memory_space<hbm>>)
      tpu.yield
    }) : () -> ()
    %add3A_73 = arith.constant 1000 : i32
    %add3A_74 = arith.addi %mul3A_2, %add3A_73 : i32
    "tpu.region"() ({
      %run_scoped3A = tpu.sem_alloc : memref<!tpu.dma_semaphore, #tpu.memory_space<semaphore_mem>>
      %dma_start3A_209 = tpu.memref_slice %arg3[%add3A_74] : memref<83200xi32, #tpu.memory_space<hbm>> -> memref<200xi32, #tpu.memory_space<hbm>>
      %dma_start3A_210 = tpu.memref_slice %arg3[%add3A_74] : memref<83200xi32, #tpu.memory_space<hbm>> -> memref<200xi32, #tpu.memory_space<hbm>>
      tpu.enqueue_dma source(%dma_start3A_210 : memref<200xi32, #tpu.memory_space<hbm>>) target(%arg8 : memref<200xi32, #tpu.memory_space<vmem>>) target_semaphore(%run_scoped3A : memref<!tpu.dma_semaphore, #tpu.memory_space<semaphore_mem>>)
      %dma_wait3A_211 = tpu.memref_slice %arg3[%add3A_74] : memref<83200xi32, #tpu.memory_space<hbm>> -> memref<200xi32, #tpu.memory_space<hbm>>
      %dma_wait3A_212 = tpu.memref_slice %arg3[%add3A_74] : memref<83200xi32, #tpu.memory_space<hbm>> -> memref<200xi32, #tpu.memory_space<hbm>>
      tpu.wait_dma2 semaphore(%run_scoped3A : memref<!tpu.dma_semaphore, #tpu.memory_space<semaphore_mem>>) src(%dma_wait3A_212 : memref<200xi32, #tpu.memory_space<hbm>>) dst(%arg8 : memref<200xi32, #tpu.memory_space<vmem>>)
      tpu.yield
    }) : () -> ()
    "tpu.region"() ({
      %run_scoped3A = tpu.sem_alloc : memref<!tpu.dma_semaphore, #tpu.memory_space<semaphore_mem>>
      %dma_start3A_209 = tpu.memref_slice %arg4[%add3A_74] : memref<83200xi32, #tpu.memory_space<hbm>> -> memref<200xi32, #tpu.memory_space<hbm>>
      %dma_start3A_210 = tpu.memref_slice %arg4[%add3A_74] : memref<83200xi32, #tpu.memory_space<hbm>> -> memref<200xi32, #tpu.memory_space<hbm>>
      tpu.enqueue_dma source(%dma_start3A_210 : memref<200xi32, #tpu.memory_space<hbm>>) target(%arg9 : memref<200xi32, #tpu.memory_space<vmem>>) target_semaphore(%run_scoped3A : memref<!tpu.dma_semaphore, #tpu.memory_space<semaphore_mem>>)
      %dma_wait3A_211 = tpu.memref_slice %arg4[%add3A_74] : memref<83200xi32, #tpu.memory_space<hbm>> -> memref<200xi32, #tpu.memory_space<hbm>>
      %dma_wait3A_212 = tpu.memref_slice %arg4[%add3A_74] : memref<83200xi32, #tpu.memory_space<hbm>> -> memref<200xi32, #tpu.memory_space<hbm>>
      tpu.wait_dma2 semaphore(%run_scoped3A : memref<!tpu.dma_semaphore, #tpu.memory_space<semaphore_mem>>) src(%dma_wait3A_212 : memref<200xi32, #tpu.memory_space<hbm>>) dst(%arg9 : memref<200xi32, #tpu.memory_space<vmem>>)
      tpu.yield
    }) : () -> ()
    %dma_start3A_75 = arith.constant 0 : i32
    %dma_start3A_76 = arith.constant 0 : i32
    %dma_start3A_77 = tpu.memref_slice %arg2[%dma_start3A_75, %dma_start3A_76] : memref<10000x64xf32, #tpu.memory_space<hbm>> -> memref<10000x64xf32, #tpu.memory_space<hbm>>
    tpu.enqueue_indirect_dma source(%dma_start3A_77 : memref<10000x64xf32, #tpu.memory_space<hbm>>) target(%arg12 : memref<200x64xf32, #tpu.memory_space<vmem>>) offsets(%arg8 : memref<200xi32, #tpu.memory_space<vmem>>) semaphore(%arg15 : memref<!tpu.dma_semaphore, #tpu.memory_space<semaphore_mem>>)
    %dma_start3A_78 = arith.constant 0 : i32
    %dma_start3A_79 = arith.constant 0 : i32
    %dma_start3A_80 = tpu.memref_slice %arg2[%dma_start3A_78, %dma_start3A_79] : memref<10000x64xf32, #tpu.memory_space<hbm>> -> memref<10000x64xf32, #tpu.memory_space<hbm>>
    tpu.enqueue_indirect_dma source(%dma_start3A_80 : memref<10000x64xf32, #tpu.memory_space<hbm>>) target(%arg13 : memref<200x64xf32, #tpu.memory_space<vmem>>) offsets(%arg9 : memref<200xi32, #tpu.memory_space<vmem>>) semaphore(%arg15 : memref<!tpu.dma_semaphore, #tpu.memory_space<semaphore_mem>>)
    %add3A_81 = arith.constant 800 : i32
    %add3A_82 = arith.addi %mul3A_2, %add3A_81 : i32
    %dma_wait3A_83 = arith.constant 0 : i32
    %dma_wait3A_84 = arith.constant 0 : i32
    %dma_wait3A_85 = tpu.memref_slice %arg2[%dma_wait3A_83, %dma_wait3A_84] : memref<10000x64xf32, #tpu.memory_space<hbm>> -> memref<10000x64xf32, #tpu.memory_space<hbm>>
    tpu.wait_indirect_dma semaphore(%arg14 : memref<!tpu.dma_semaphore, #tpu.memory_space<semaphore_mem>>) src(%dma_wait3A_85 : memref<10000x64xf32, #tpu.memory_space<hbm>>) dst(%arg10 : memref<200x64xf32, #tpu.memory_space<vmem>>)
    %dma_wait3A_86 = arith.constant 0 : i32
    %dma_wait3A_87 = arith.constant 0 : i32
    %dma_wait3A_88 = tpu.memref_slice %arg2[%dma_wait3A_86, %dma_wait3A_87] : memref<10000x64xf32, #tpu.memory_space<hbm>> -> memref<10000x64xf32, #tpu.memory_space<hbm>>
    tpu.wait_indirect_dma semaphore(%arg14 : memref<!tpu.dma_semaphore, #tpu.memory_space<semaphore_mem>>) src(%dma_wait3A_88 : memref<10000x64xf32, #tpu.memory_space<hbm>>) dst(%arg11 : memref<200x64xf32, #tpu.memory_space<vmem>>)
    "tpu.region"() ({
      %run_scoped3A = tpu.sem_alloc : memref<!tpu.dma_semaphore, #tpu.memory_space<semaphore_mem>>
      %dma_start3A_209 = arith.constant 0 : i32
      %dma_start3A_210 = tpu.memref_slice %arg5[%add3A_82, %dma_start3A_209] : memref<83200x128xf32, #tpu.memory_space<hbm>> -> memref<200x64xf32, #tpu.memory_space<hbm>>
      %dma_start3A_211 = arith.constant 0 : i32
      %dma_start3A_212 = tpu.memref_slice %arg5[%add3A_82, %dma_start3A_211] : memref<83200x128xf32, #tpu.memory_space<hbm>> -> memref<200x64xf32, #tpu.memory_space<hbm>>
      tpu.enqueue_dma source(%arg10 : memref<200x64xf32, #tpu.memory_space<vmem>>) target(%dma_start3A_212 : memref<200x64xf32, #tpu.memory_space<hbm>>) target_semaphore(%run_scoped3A : memref<!tpu.dma_semaphore, #tpu.memory_space<semaphore_mem>>)
      %dma_wait3A_213 = arith.constant 0 : i32
      %dma_wait3A_214 = tpu.memref_slice %arg5[%add3A_82, %dma_wait3A_213] : memref<83200x128xf32, #tpu.memory_space<hbm>> -> memref<200x64xf32, #tpu.memory_space<hbm>>
      %dma_wait3A_215 = arith.constant 0 : i32
      %dma_wait3A_216 = tpu.memref_slice %arg5[%add3A_82, %dma_wait3A_215] : memref<83200x128xf32, #tpu.memory_space<hbm>> -> memref<200x64xf32, #tpu.memory_space<hbm>>
      tpu.wait_dma2 semaphore(%run_scoped3A : memref<!tpu.dma_semaphore, #tpu.memory_space<semaphore_mem>>) src(%arg10 : memref<200x64xf32, #tpu.memory_space<vmem>>) dst(%dma_wait3A_216 : memref<200x64xf32, #tpu.memory_space<hbm>>)
      tpu.yield
    }) : () -> ()
    "tpu.region"() ({
      %run_scoped3A = tpu.sem_alloc : memref<!tpu.dma_semaphore, #tpu.memory_space<semaphore_mem>>
      %dma_start3A_209 = arith.constant 64 : i32
      %dma_start3A_210 = tpu.memref_slice %arg5[%add3A_82, %dma_start3A_209] : memref<83200x128xf32, #tpu.memory_space<hbm>> -> memref<200x64xf32, #tpu.memory_space<hbm>>
      %dma_start3A_211 = arith.constant 64 : i32
      %dma_start3A_212 = tpu.memref_slice %arg5[%add3A_82, %dma_start3A_211] : memref<83200x128xf32, #tpu.memory_space<hbm>> -> memref<200x64xf32, #tpu.memory_space<hbm>>
      tpu.enqueue_dma source(%arg11 : memref<200x64xf32, #tpu.memory_space<vmem>>) target(%dma_start3A_212 : memref<200x64xf32, #tpu.memory_space<hbm>>) target_semaphore(%run_scoped3A : memref<!tpu.dma_semaphore, #tpu.memory_space<semaphore_mem>>)
      %dma_wait3A_213 = arith.constant 64 : i32
      %dma_wait3A_214 = tpu.memref_slice %arg5[%add3A_82, %dma_wait3A_213] : memref<83200x128xf32, #tpu.memory_space<hbm>> -> memref<200x64xf32, #tpu.memory_space<hbm>>
      %dma_wait3A_215 = arith.constant 64 : i32
      %dma_wait3A_216 = tpu.memref_slice %arg5[%add3A_82, %dma_wait3A_215] : memref<83200x128xf32, #tpu.memory_space<hbm>> -> memref<200x64xf32, #tpu.memory_space<hbm>>
      tpu.wait_dma2 semaphore(%run_scoped3A : memref<!tpu.dma_semaphore, #tpu.memory_space<semaphore_mem>>) src(%arg11 : memref<200x64xf32, #tpu.memory_space<vmem>>) dst(%dma_wait3A_216 : memref<200x64xf32, #tpu.memory_space<hbm>>)
      tpu.yield
    }) : () -> ()
    %add3A_89 = arith.constant 1200 : i32
    %add3A_90 = arith.addi %mul3A_2, %add3A_89 : i32
    "tpu.region"() ({
      %run_scoped3A = tpu.sem_alloc : memref<!tpu.dma_semaphore, #tpu.memory_space<semaphore_mem>>
      %dma_start3A_209 = tpu.memref_slice %arg3[%add3A_90] : memref<83200xi32, #tpu.memory_space<hbm>> -> memref<200xi32, #tpu.memory_space<hbm>>
      %dma_start3A_210 = tpu.memref_slice %arg3[%add3A_90] : memref<83200xi32, #tpu.memory_space<hbm>> -> memref<200xi32, #tpu.memory_space<hbm>>
      tpu.enqueue_dma source(%dma_start3A_210 : memref<200xi32, #tpu.memory_space<hbm>>) target(%arg6 : memref<200xi32, #tpu.memory_space<vmem>>) target_semaphore(%run_scoped3A : memref<!tpu.dma_semaphore, #tpu.memory_space<semaphore_mem>>)
      %dma_wait3A_211 = tpu.memref_slice %arg3[%add3A_90] : memref<83200xi32, #tpu.memory_space<hbm>> -> memref<200xi32, #tpu.memory_space<hbm>>
      %dma_wait3A_212 = tpu.memref_slice %arg3[%add3A_90] : memref<83200xi32, #tpu.memory_space<hbm>> -> memref<200xi32, #tpu.memory_space<hbm>>
      tpu.wait_dma2 semaphore(%run_scoped3A : memref<!tpu.dma_semaphore, #tpu.memory_space<semaphore_mem>>) src(%dma_wait3A_212 : memref<200xi32, #tpu.memory_space<hbm>>) dst(%arg6 : memref<200xi32, #tpu.memory_space<vmem>>)
      tpu.yield
    }) : () -> ()
    "tpu.region"() ({
      %run_scoped3A = tpu.sem_alloc : memref<!tpu.dma_semaphore, #tpu.memory_space<semaphore_mem>>
      %dma_start3A_209 = tpu.memref_slice %arg4[%add3A_90] : memref<83200xi32, #tpu.memory_space<hbm>> -> memref<200xi32, #tpu.memory_space<hbm>>
      %dma_start3A_210 = tpu.memref_slice %arg4[%add3A_90] : memref<83200xi32, #tpu.memory_space<hbm>> -> memref<200xi32, #tpu.memory_space<hbm>>
      tpu.enqueue_dma source(%dma_start3A_210 : memref<200xi32, #tpu.memory_space<hbm>>) target(%arg7 : memref<200xi32, #tpu.memory_space<vmem>>) target_semaphore(%run_scoped3A : memref<!tpu.dma_semaphore, #tpu.memory_space<semaphore_mem>>)
      %dma_wait3A_211 = tpu.memref_slice %arg4[%add3A_90] : memref<83200xi32, #tpu.memory_space<hbm>> -> memref<200xi32, #tpu.memory_space<hbm>>
      %dma_wait3A_212 = tpu.memref_slice %arg4[%add3A_90] : memref<83200xi32, #tpu.memory_space<hbm>> -> memref<200xi32, #tpu.memory_space<hbm>>
      tpu.wait_dma2 semaphore(%run_scoped3A : memref<!tpu.dma_semaphore, #tpu.memory_space<semaphore_mem>>) src(%dma_wait3A_212 : memref<200xi32, #tpu.memory_space<hbm>>) dst(%arg7 : memref<200xi32, #tpu.memory_space<vmem>>)
      tpu.yield
    }) : () -> ()
    %dma_start3A_91 = arith.constant 0 : i32
    %dma_start3A_92 = arith.constant 0 : i32
    %dma_start3A_93 = tpu.memref_slice %arg2[%dma_start3A_91, %dma_start3A_92] : memref<10000x64xf32, #tpu.memory_space<hbm>> -> memref<10000x64xf32, #tpu.memory_space<hbm>>
    tpu.enqueue_indirect_dma source(%dma_start3A_93 : memref<10000x64xf32, #tpu.memory_space<hbm>>) target(%arg10 : memref<200x64xf32, #tpu.memory_space<vmem>>) offsets(%arg6 : memref<200xi32, #tpu.memory_space<vmem>>) semaphore(%arg14 : memref<!tpu.dma_semaphore, #tpu.memory_space<semaphore_mem>>)
    %dma_start3A_94 = arith.constant 0 : i32
    %dma_start3A_95 = arith.constant 0 : i32
    %dma_start3A_96 = tpu.memref_slice %arg2[%dma_start3A_94, %dma_start3A_95] : memref<10000x64xf32, #tpu.memory_space<hbm>> -> memref<10000x64xf32, #tpu.memory_space<hbm>>
    tpu.enqueue_indirect_dma source(%dma_start3A_96 : memref<10000x64xf32, #tpu.memory_space<hbm>>) target(%arg11 : memref<200x64xf32, #tpu.memory_space<vmem>>) offsets(%arg7 : memref<200xi32, #tpu.memory_space<vmem>>) semaphore(%arg14 : memref<!tpu.dma_semaphore, #tpu.memory_space<semaphore_mem>>)
    %add3A_97 = arith.constant 1000 : i32
    %add3A_98 = arith.addi %mul3A_2, %add3A_97 : i32
    %dma_wait3A_99 = arith.constant 0 : i32
    %dma_wait3A_100 = arith.constant 0 : i32
    %dma_wait3A_101 = tpu.memref_slice %arg2[%dma_wait3A_99, %dma_wait3A_100] : memref<10000x64xf32, #tpu.memory_space<hbm>> -> memref<10000x64xf32, #tpu.memory_space<hbm>>
    tpu.wait_indirect_dma semaphore(%arg15 : memref<!tpu.dma_semaphore, #tpu.memory_space<semaphore_mem>>) src(%dma_wait3A_101 : memref<10000x64xf32, #tpu.memory_space<hbm>>) dst(%arg12 : memref<200x64xf32, #tpu.memory_space<vmem>>)
    %dma_wait3A_102 = arith.constant 0 : i32
    %dma_wait3A_103 = arith.constant 0 : i32
    %dma_wait3A_104 = tpu.memref_slice %arg2[%dma_wait3A_102, %dma_wait3A_103] : memref<10000x64xf32, #tpu.memory_space<hbm>> -> memref<10000x64xf32, #tpu.memory_space<hbm>>
    tpu.wait_indirect_dma semaphore(%arg15 : memref<!tpu.dma_semaphore, #tpu.memory_space<semaphore_mem>>) src(%dma_wait3A_104 : memref<10000x64xf32, #tpu.memory_space<hbm>>) dst(%arg13 : memref<200x64xf32, #tpu.memory_space<vmem>>)
    "tpu.region"() ({
      %run_scoped3A = tpu.sem_alloc : memref<!tpu.dma_semaphore, #tpu.memory_space<semaphore_mem>>
      %dma_start3A_209 = arith.constant 0 : i32
      %dma_start3A_210 = tpu.memref_slice %arg5[%add3A_98, %dma_start3A_209] : memref<83200x128xf32, #tpu.memory_space<hbm>> -> memref<200x64xf32, #tpu.memory_space<hbm>>
      %dma_start3A_211 = arith.constant 0 : i32
      %dma_start3A_212 = tpu.memref_slice %arg5[%add3A_98, %dma_start3A_211] : memref<83200x128xf32, #tpu.memory_space<hbm>> -> memref<200x64xf32, #tpu.memory_space<hbm>>
      tpu.enqueue_dma source(%arg12 : memref<200x64xf32, #tpu.memory_space<vmem>>) target(%dma_start3A_212 : memref<200x64xf32, #tpu.memory_space<hbm>>) target_semaphore(%run_scoped3A : memref<!tpu.dma_semaphore, #tpu.memory_space<semaphore_mem>>)
      %dma_wait3A_213 = arith.constant 0 : i32
      %dma_wait3A_214 = tpu.memref_slice %arg5[%add3A_98, %dma_wait3A_213] : memref<83200x128xf32, #tpu.memory_space<hbm>> -> memref<200x64xf32, #tpu.memory_space<hbm>>
      %dma_wait3A_215 = arith.constant 0 : i32
      %dma_wait3A_216 = tpu.memref_slice %arg5[%add3A_98, %dma_wait3A_215] : memref<83200x128xf32, #tpu.memory_space<hbm>> -> memref<200x64xf32, #tpu.memory_space<hbm>>
      tpu.wait_dma2 semaphore(%run_scoped3A : memref<!tpu.dma_semaphore, #tpu.memory_space<semaphore_mem>>) src(%arg12 : memref<200x64xf32, #tpu.memory_space<vmem>>) dst(%dma_wait3A_216 : memref<200x64xf32, #tpu.memory_space<hbm>>)
      tpu.yield
    }) : () -> ()
    "tpu.region"() ({
      %run_scoped3A = tpu.sem_alloc : memref<!tpu.dma_semaphore, #tpu.memory_space<semaphore_mem>>
      %dma_start3A_209 = arith.constant 64 : i32
      %dma_start3A_210 = tpu.memref_slice %arg5[%add3A_98, %dma_start3A_209] : memref<83200x128xf32, #tpu.memory_space<hbm>> -> memref<200x64xf32, #tpu.memory_space<hbm>>
      %dma_start3A_211 = arith.constant 64 : i32
      %dma_start3A_212 = tpu.memref_slice %arg5[%add3A_98, %dma_start3A_211] : memref<83200x128xf32, #tpu.memory_space<hbm>> -> memref<200x64xf32, #tpu.memory_space<hbm>>
      tpu.enqueue_dma source(%arg13 : memref<200x64xf32, #tpu.memory_space<vmem>>) target(%dma_start3A_212 : memref<200x64xf32, #tpu.memory_space<hbm>>) target_semaphore(%run_scoped3A : memref<!tpu.dma_semaphore, #tpu.memory_space<semaphore_mem>>)
      %dma_wait3A_213 = arith.constant 64 : i32
      %dma_wait3A_214 = tpu.memref_slice %arg5[%add3A_98, %dma_wait3A_213] : memref<83200x128xf32, #tpu.memory_space<hbm>> -> memref<200x64xf32, #tpu.memory_space<hbm>>
      %dma_wait3A_215 = arith.constant 64 : i32
      %dma_wait3A_216 = tpu.memref_slice %arg5[%add3A_98, %dma_wait3A_215] : memref<83200x128xf32, #tpu.memory_space<hbm>> -> memref<200x64xf32, #tpu.memory_space<hbm>>
      tpu.wait_dma2 semaphore(%run_scoped3A : memref<!tpu.dma_semaphore, #tpu.memory_space<semaphore_mem>>) src(%arg13 : memref<200x64xf32, #tpu.memory_space<vmem>>) dst(%dma_wait3A_216 : memref<200x64xf32, #tpu.memory_space<hbm>>)
      tpu.yield
    }) : () -> ()
    %add3A_105 = arith.constant 1400 : i32
    %add3A_106 = arith.addi %mul3A_2, %add3A_105 : i32
    "tpu.region"() ({
      %run_scoped3A = tpu.sem_alloc : memref<!tpu.dma_semaphore, #tpu.memory_space<semaphore_mem>>
      %dma_start3A_209 = tpu.memref_slice %arg3[%add3A_106] : memref<83200xi32, #tpu.memory_space<hbm>> -> memref<200xi32, #tpu.memory_space<hbm>>
      %dma_start3A_210 = tpu.memref_slice %arg3[%add3A_106] : memref<83200xi32, #tpu.memory_space<hbm>> -> memref<200xi32, #tpu.memory_space<hbm>>
      tpu.enqueue_dma source(%dma_start3A_210 : memref<200xi32, #tpu.memory_space<hbm>>) target(%arg8 : memref<200xi32, #tpu.memory_space<vmem>>) target_semaphore(%run_scoped3A : memref<!tpu.dma_semaphore, #tpu.memory_space<semaphore_mem>>)
      %dma_wait3A_211 = tpu.memref_slice %arg3[%add3A_106] : memref<83200xi32, #tpu.memory_space<hbm>> -> memref<200xi32, #tpu.memory_space<hbm>>
      %dma_wait3A_212 = tpu.memref_slice %arg3[%add3A_106] : memref<83200xi32, #tpu.memory_space<hbm>> -> memref<200xi32, #tpu.memory_space<hbm>>
      tpu.wait_dma2 semaphore(%run_scoped3A : memref<!tpu.dma_semaphore, #tpu.memory_space<semaphore_mem>>) src(%dma_wait3A_212 : memref<200xi32, #tpu.memory_space<hbm>>) dst(%arg8 : memref<200xi32, #tpu.memory_space<vmem>>)
      tpu.yield
    }) : () -> ()
    "tpu.region"() ({
      %run_scoped3A = tpu.sem_alloc : memref<!tpu.dma_semaphore, #tpu.memory_space<semaphore_mem>>
      %dma_start3A_209 = tpu.memref_slice %arg4[%add3A_106] : memref<83200xi32, #tpu.memory_space<hbm>> -> memref<200xi32, #tpu.memory_space<hbm>>
      %dma_start3A_210 = tpu.memref_slice %arg4[%add3A_106] : memref<83200xi32, #tpu.memory_space<hbm>> -> memref<200xi32, #tpu.memory_space<hbm>>
      tpu.enqueue_dma source(%dma_start3A_210 : memref<200xi32, #tpu.memory_space<hbm>>) target(%arg9 : memref<200xi32, #tpu.memory_space<vmem>>) target_semaphore(%run_scoped3A : memref<!tpu.dma_semaphore, #tpu.memory_space<semaphore_mem>>)
      %dma_wait3A_211 = tpu.memref_slice %arg4[%add3A_106] : memref<83200xi32, #tpu.memory_space<hbm>> -> memref<200xi32, #tpu.memory_space<hbm>>
      %dma_wait3A_212 = tpu.memref_slice %arg4[%add3A_106] : memref<83200xi32, #tpu.memory_space<hbm>> -> memref<200xi32, #tpu.memory_space<hbm>>
      tpu.wait_dma2 semaphore(%run_scoped3A : memref<!tpu.dma_semaphore, #tpu.memory_space<semaphore_mem>>) src(%dma_wait3A_212 : memref<200xi32, #tpu.memory_space<hbm>>) dst(%arg9 : memref<200xi32, #tpu.memory_space<vmem>>)
      tpu.yield
    }) : () -> ()
    %dma_start3A_107 = arith.constant 0 : i32
    %dma_start3A_108 = arith.constant 0 : i32
    %dma_start3A_109 = tpu.memref_slice %arg2[%dma_start3A_107, %dma_start3A_108] : memref<10000x64xf32, #tpu.memory_space<hbm>> -> memref<10000x64xf32, #tpu.memory_space<hbm>>
    tpu.enqueue_indirect_dma source(%dma_start3A_109 : memref<10000x64xf32, #tpu.memory_space<hbm>>) target(%arg12 : memref<200x64xf32, #tpu.memory_space<vmem>>) offsets(%arg8 : memref<200xi32, #tpu.memory_space<vmem>>) semaphore(%arg15 : memref<!tpu.dma_semaphore, #tpu.memory_space<semaphore_mem>>)
    %dma_start3A_110 = arith.constant 0 : i32
    %dma_start3A_111 = arith.constant 0 : i32
    %dma_start3A_112 = tpu.memref_slice %arg2[%dma_start3A_110, %dma_start3A_111] : memref<10000x64xf32, #tpu.memory_space<hbm>> -> memref<10000x64xf32, #tpu.memory_space<hbm>>
    tpu.enqueue_indirect_dma source(%dma_start3A_112 : memref<10000x64xf32, #tpu.memory_space<hbm>>) target(%arg13 : memref<200x64xf32, #tpu.memory_space<vmem>>) offsets(%arg9 : memref<200xi32, #tpu.memory_space<vmem>>) semaphore(%arg15 : memref<!tpu.dma_semaphore, #tpu.memory_space<semaphore_mem>>)
    %add3A_113 = arith.constant 1200 : i32
    %add3A_114 = arith.addi %mul3A_2, %add3A_113 : i32
    %dma_wait3A_115 = arith.constant 0 : i32
    %dma_wait3A_116 = arith.constant 0 : i32
    %dma_wait3A_117 = tpu.memref_slice %arg2[%dma_wait3A_115, %dma_wait3A_116] : memref<10000x64xf32, #tpu.memory_space<hbm>> -> memref<10000x64xf32, #tpu.memory_space<hbm>>
    tpu.wait_indirect_dma semaphore(%arg14 : memref<!tpu.dma_semaphore, #tpu.memory_space<semaphore_mem>>) src(%dma_wait3A_117 : memref<10000x64xf32, #tpu.memory_space<hbm>>) dst(%arg10 : memref<200x64xf32, #tpu.memory_space<vmem>>)
    %dma_wait3A_118 = arith.constant 0 : i32
    %dma_wait3A_119 = arith.constant 0 : i32
    %dma_wait3A_120 = tpu.memref_slice %arg2[%dma_wait3A_118, %dma_wait3A_119] : memref<10000x64xf32, #tpu.memory_space<hbm>> -> memref<10000x64xf32, #tpu.memory_space<hbm>>
    tpu.wait_indirect_dma semaphore(%arg14 : memref<!tpu.dma_semaphore, #tpu.memory_space<semaphore_mem>>) src(%dma_wait3A_120 : memref<10000x64xf32, #tpu.memory_space<hbm>>) dst(%arg11 : memref<200x64xf32, #tpu.memory_space<vmem>>)
    "tpu.region"() ({
      %run_scoped3A = tpu.sem_alloc : memref<!tpu.dma_semaphore, #tpu.memory_space<semaphore_mem>>
      %dma_start3A_209 = arith.constant 0 : i32
      %dma_start3A_210 = tpu.memref_slice %arg5[%add3A_114, %dma_start3A_209] : memref<83200x128xf32, #tpu.memory_space<hbm>> -> memref<200x64xf32, #tpu.memory_space<hbm>>
      %dma_start3A_211 = arith.constant 0 : i32
      %dma_start3A_212 = tpu.memref_slice %arg5[%add3A_114, %dma_start3A_211] : memref<83200x128xf32, #tpu.memory_space<hbm>> -> memref<200x64xf32, #tpu.memory_space<hbm>>
      tpu.enqueue_dma source(%arg10 : memref<200x64xf32, #tpu.memory_space<vmem>>) target(%dma_start3A_212 : memref<200x64xf32, #tpu.memory_space<hbm>>) target_semaphore(%run_scoped3A : memref<!tpu.dma_semaphore, #tpu.memory_space<semaphore_mem>>)
      %dma_wait3A_213 = arith.constant 0 : i32
      %dma_wait3A_214 = tpu.memref_slice %arg5[%add3A_114, %dma_wait3A_213] : memref<83200x128xf32, #tpu.memory_space<hbm>> -> memref<200x64xf32, #tpu.memory_space<hbm>>
      %dma_wait3A_215 = arith.constant 0 : i32
      %dma_wait3A_216 = tpu.memref_slice %arg5[%add3A_114, %dma_wait3A_215] : memref<83200x128xf32, #tpu.memory_space<hbm>> -> memref<200x64xf32, #tpu.memory_space<hbm>>
      tpu.wait_dma2 semaphore(%run_scoped3A : memref<!tpu.dma_semaphore, #tpu.memory_space<semaphore_mem>>) src(%arg10 : memref<200x64xf32, #tpu.memory_space<vmem>>) dst(%dma_wait3A_216 : memref<200x64xf32, #tpu.memory_space<hbm>>)
      tpu.yield
    }) : () -> ()
    "tpu.region"() ({
      %run_scoped3A = tpu.sem_alloc : memref<!tpu.dma_semaphore, #tpu.memory_space<semaphore_mem>>
      %dma_start3A_209 = arith.constant 64 : i32
      %dma_start3A_210 = tpu.memref_slice %arg5[%add3A_114, %dma_start3A_209] : memref<83200x128xf32, #tpu.memory_space<hbm>> -> memref<200x64xf32, #tpu.memory_space<hbm>>
      %dma_start3A_211 = arith.constant 64 : i32
      %dma_start3A_212 = tpu.memref_slice %arg5[%add3A_114, %dma_start3A_211] : memref<83200x128xf32, #tpu.memory_space<hbm>> -> memref<200x64xf32, #tpu.memory_space<hbm>>
      tpu.enqueue_dma source(%arg11 : memref<200x64xf32, #tpu.memory_space<vmem>>) target(%dma_start3A_212 : memref<200x64xf32, #tpu.memory_space<hbm>>) target_semaphore(%run_scoped3A : memref<!tpu.dma_semaphore, #tpu.memory_space<semaphore_mem>>)
      %dma_wait3A_213 = arith.constant 64 : i32
      %dma_wait3A_214 = tpu.memref_slice %arg5[%add3A_114, %dma_wait3A_213] : memref<83200x128xf32, #tpu.memory_space<hbm>> -> memref<200x64xf32, #tpu.memory_space<hbm>>
      %dma_wait3A_215 = arith.constant 64 : i32
      %dma_wait3A_216 = tpu.memref_slice %arg5[%add3A_114, %dma_wait3A_215] : memref<83200x128xf32, #tpu.memory_space<hbm>> -> memref<200x64xf32, #tpu.memory_space<hbm>>
      tpu.wait_dma2 semaphore(%run_scoped3A : memref<!tpu.dma_semaphore, #tpu.memory_space<semaphore_mem>>) src(%arg11 : memref<200x64xf32, #tpu.memory_space<vmem>>) dst(%dma_wait3A_216 : memref<200x64xf32, #tpu.memory_space<hbm>>)
      tpu.yield
    }) : () -> ()
    %add3A_121 = arith.constant 1600 : i32
    %add3A_122 = arith.addi %mul3A_2, %add3A_121 : i32
    "tpu.region"() ({
      %run_scoped3A = tpu.sem_alloc : memref<!tpu.dma_semaphore, #tpu.memory_space<semaphore_mem>>
      %dma_start3A_209 = tpu.memref_slice %arg3[%add3A_122] : memref<83200xi32, #tpu.memory_space<hbm>> -> memref<200xi32, #tpu.memory_space<hbm>>
      %dma_start3A_210 = tpu.memref_slice %arg3[%add3A_122] : memref<83200xi32, #tpu.memory_space<hbm>> -> memref<200xi32, #tpu.memory_space<hbm>>
      tpu.enqueue_dma source(%dma_start3A_210 : memref<200xi32, #tpu.memory_space<hbm>>) target(%arg6 : memref<200xi32, #tpu.memory_space<vmem>>) target_semaphore(%run_scoped3A : memref<!tpu.dma_semaphore, #tpu.memory_space<semaphore_mem>>)
      %dma_wait3A_211 = tpu.memref_slice %arg3[%add3A_122] : memref<83200xi32, #tpu.memory_space<hbm>> -> memref<200xi32, #tpu.memory_space<hbm>>
      %dma_wait3A_212 = tpu.memref_slice %arg3[%add3A_122] : memref<83200xi32, #tpu.memory_space<hbm>> -> memref<200xi32, #tpu.memory_space<hbm>>
      tpu.wait_dma2 semaphore(%run_scoped3A : memref<!tpu.dma_semaphore, #tpu.memory_space<semaphore_mem>>) src(%dma_wait3A_212 : memref<200xi32, #tpu.memory_space<hbm>>) dst(%arg6 : memref<200xi32, #tpu.memory_space<vmem>>)
      tpu.yield
    }) : () -> ()
    "tpu.region"() ({
      %run_scoped3A = tpu.sem_alloc : memref<!tpu.dma_semaphore, #tpu.memory_space<semaphore_mem>>
      %dma_start3A_209 = tpu.memref_slice %arg4[%add3A_122] : memref<83200xi32, #tpu.memory_space<hbm>> -> memref<200xi32, #tpu.memory_space<hbm>>
      %dma_start3A_210 = tpu.memref_slice %arg4[%add3A_122] : memref<83200xi32, #tpu.memory_space<hbm>> -> memref<200xi32, #tpu.memory_space<hbm>>
      tpu.enqueue_dma source(%dma_start3A_210 : memref<200xi32, #tpu.memory_space<hbm>>) target(%arg7 : memref<200xi32, #tpu.memory_space<vmem>>) target_semaphore(%run_scoped3A : memref<!tpu.dma_semaphore, #tpu.memory_space<semaphore_mem>>)
      %dma_wait3A_211 = tpu.memref_slice %arg4[%add3A_122] : memref<83200xi32, #tpu.memory_space<hbm>> -> memref<200xi32, #tpu.memory_space<hbm>>
      %dma_wait3A_212 = tpu.memref_slice %arg4[%add3A_122] : memref<83200xi32, #tpu.memory_space<hbm>> -> memref<200xi32, #tpu.memory_space<hbm>>
      tpu.wait_dma2 semaphore(%run_scoped3A : memref<!tpu.dma_semaphore, #tpu.memory_space<semaphore_mem>>) src(%dma_wait3A_212 : memref<200xi32, #tpu.memory_space<hbm>>) dst(%arg7 : memref<200xi32, #tpu.memory_space<vmem>>)
      tpu.yield
    }) : () -> ()
    %dma_start3A_123 = arith.constant 0 : i32
    %dma_start3A_124 = arith.constant 0 : i32
    %dma_start3A_125 = tpu.memref_slice %arg2[%dma_start3A_123, %dma_start3A_124] : memref<10000x64xf32, #tpu.memory_space<hbm>> -> memref<10000x64xf32, #tpu.memory_space<hbm>>
    tpu.enqueue_indirect_dma source(%dma_start3A_125 : memref<10000x64xf32, #tpu.memory_space<hbm>>) target(%arg10 : memref<200x64xf32, #tpu.memory_space<vmem>>) offsets(%arg6 : memref<200xi32, #tpu.memory_space<vmem>>) semaphore(%arg14 : memref<!tpu.dma_semaphore, #tpu.memory_space<semaphore_mem>>)
    %dma_start3A_126 = arith.constant 0 : i32
    %dma_start3A_127 = arith.constant 0 : i32
    %dma_start3A_128 = tpu.memref_slice %arg2[%dma_start3A_126, %dma_start3A_127] : memref<10000x64xf32, #tpu.memory_space<hbm>> -> memref<10000x64xf32, #tpu.memory_space<hbm>>
    tpu.enqueue_indirect_dma source(%dma_start3A_128 : memref<10000x64xf32, #tpu.memory_space<hbm>>) target(%arg11 : memref<200x64xf32, #tpu.memory_space<vmem>>) offsets(%arg7 : memref<200xi32, #tpu.memory_space<vmem>>) semaphore(%arg14 : memref<!tpu.dma_semaphore, #tpu.memory_space<semaphore_mem>>)
    %add3A_129 = arith.constant 1400 : i32
    %add3A_130 = arith.addi %mul3A_2, %add3A_129 : i32
    %dma_wait3A_131 = arith.constant 0 : i32
    %dma_wait3A_132 = arith.constant 0 : i32
    %dma_wait3A_133 = tpu.memref_slice %arg2[%dma_wait3A_131, %dma_wait3A_132] : memref<10000x64xf32, #tpu.memory_space<hbm>> -> memref<10000x64xf32, #tpu.memory_space<hbm>>
    tpu.wait_indirect_dma semaphore(%arg15 : memref<!tpu.dma_semaphore, #tpu.memory_space<semaphore_mem>>) src(%dma_wait3A_133 : memref<10000x64xf32, #tpu.memory_space<hbm>>) dst(%arg12 : memref<200x64xf32, #tpu.memory_space<vmem>>)
    %dma_wait3A_134 = arith.constant 0 : i32
    %dma_wait3A_135 = arith.constant 0 : i32
    %dma_wait3A_136 = tpu.memref_slice %arg2[%dma_wait3A_134, %dma_wait3A_135] : memref<10000x64xf32, #tpu.memory_space<hbm>> -> memref<10000x64xf32, #tpu.memory_space<hbm>>
    tpu.wait_indirect_dma semaphore(%arg15 : memref<!tpu.dma_semaphore, #tpu.memory_space<semaphore_mem>>) src(%dma_wait3A_136 : memref<10000x64xf32, #tpu.memory_space<hbm>>) dst(%arg13 : memref<200x64xf32, #tpu.memory_space<vmem>>)
    "tpu.region"() ({
      %run_scoped3A = tpu.sem_alloc : memref<!tpu.dma_semaphore, #tpu.memory_space<semaphore_mem>>
      %dma_start3A_209 = arith.constant 0 : i32
      %dma_start3A_210 = tpu.memref_slice %arg5[%add3A_130, %dma_start3A_209] : memref<83200x128xf32, #tpu.memory_space<hbm>> -> memref<200x64xf32, #tpu.memory_space<hbm>>
      %dma_start3A_211 = arith.constant 0 : i32
      %dma_start3A_212 = tpu.memref_slice %arg5[%add3A_130, %dma_start3A_211] : memref<83200x128xf32, #tpu.memory_space<hbm>> -> memref<200x64xf32, #tpu.memory_space<hbm>>
      tpu.enqueue_dma source(%arg12 : memref<200x64xf32, #tpu.memory_space<vmem>>) target(%dma_start3A_212 : memref<200x64xf32, #tpu.memory_space<hbm>>) target_semaphore(%run_scoped3A : memref<!tpu.dma_semaphore, #tpu.memory_space<semaphore_mem>>)
      %dma_wait3A_213 = arith.constant 0 : i32
      %dma_wait3A_214 = tpu.memref_slice %arg5[%add3A_130, %dma_wait3A_213] : memref<83200x128xf32, #tpu.memory_space<hbm>> -> memref<200x64xf32, #tpu.memory_space<hbm>>
      %dma_wait3A_215 = arith.constant 0 : i32
      %dma_wait3A_216 = tpu.memref_slice %arg5[%add3A_130, %dma_wait3A_215] : memref<83200x128xf32, #tpu.memory_space<hbm>> -> memref<200x64xf32, #tpu.memory_space<hbm>>
      tpu.wait_dma2 semaphore(%run_scoped3A : memref<!tpu.dma_semaphore, #tpu.memory_space<semaphore_mem>>) src(%arg12 : memref<200x64xf32, #tpu.memory_space<vmem>>) dst(%dma_wait3A_216 : memref<200x64xf32, #tpu.memory_space<hbm>>)
      tpu.yield
    }) : () -> ()
    "tpu.region"() ({
      %run_scoped3A = tpu.sem_alloc : memref<!tpu.dma_semaphore, #tpu.memory_space<semaphore_mem>>
      %dma_start3A_209 = arith.constant 64 : i32
      %dma_start3A_210 = tpu.memref_slice %arg5[%add3A_130, %dma_start3A_209] : memref<83200x128xf32, #tpu.memory_space<hbm>> -> memref<200x64xf32, #tpu.memory_space<hbm>>
      %dma_start3A_211 = arith.constant 64 : i32
      %dma_start3A_212 = tpu.memref_slice %arg5[%add3A_130, %dma_start3A_211] : memref<83200x128xf32, #tpu.memory_space<hbm>> -> memref<200x64xf32, #tpu.memory_space<hbm>>
      tpu.enqueue_dma source(%arg13 : memref<200x64xf32, #tpu.memory_space<vmem>>) target(%dma_start3A_212 : memref<200x64xf32, #tpu.memory_space<hbm>>) target_semaphore(%run_scoped3A : memref<!tpu.dma_semaphore, #tpu.memory_space<semaphore_mem>>)
      %dma_wait3A_213 = arith.constant 64 : i32
      %dma_wait3A_214 = tpu.memref_slice %arg5[%add3A_130, %dma_wait3A_213] : memref<83200x128xf32, #tpu.memory_space<hbm>> -> memref<200x64xf32, #tpu.memory_space<hbm>>
      %dma_wait3A_215 = arith.constant 64 : i32
      %dma_wait3A_216 = tpu.memref_slice %arg5[%add3A_130, %dma_wait3A_215] : memref<83200x128xf32, #tpu.memory_space<hbm>> -> memref<200x64xf32, #tpu.memory_space<hbm>>
      tpu.wait_dma2 semaphore(%run_scoped3A : memref<!tpu.dma_semaphore, #tpu.memory_space<semaphore_mem>>) src(%arg13 : memref<200x64xf32, #tpu.memory_space<vmem>>) dst(%dma_wait3A_216 : memref<200x64xf32, #tpu.memory_space<hbm>>)
      tpu.yield
    }) : () -> ()
    %add3A_137 = arith.constant 1800 : i32
    %add3A_138 = arith.addi %mul3A_2, %add3A_137 : i32
    "tpu.region"() ({
      %run_scoped3A = tpu.sem_alloc : memref<!tpu.dma_semaphore, #tpu.memory_space<semaphore_mem>>
      %dma_start3A_209 = tpu.memref_slice %arg3[%add3A_138] : memref<83200xi32, #tpu.memory_space<hbm>> -> memref<200xi32, #tpu.memory_space<hbm>>
      %dma_start3A_210 = tpu.memref_slice %arg3[%add3A_138] : memref<83200xi32, #tpu.memory_space<hbm>> -> memref<200xi32, #tpu.memory_space<hbm>>
      tpu.enqueue_dma source(%dma_start3A_210 : memref<200xi32, #tpu.memory_space<hbm>>) target(%arg8 : memref<200xi32, #tpu.memory_space<vmem>>) target_semaphore(%run_scoped3A : memref<!tpu.dma_semaphore, #tpu.memory_space<semaphore_mem>>)
      %dma_wait3A_211 = tpu.memref_slice %arg3[%add3A_138] : memref<83200xi32, #tpu.memory_space<hbm>> -> memref<200xi32, #tpu.memory_space<hbm>>
      %dma_wait3A_212 = tpu.memref_slice %arg3[%add3A_138] : memref<83200xi32, #tpu.memory_space<hbm>> -> memref<200xi32, #tpu.memory_space<hbm>>
      tpu.wait_dma2 semaphore(%run_scoped3A : memref<!tpu.dma_semaphore, #tpu.memory_space<semaphore_mem>>) src(%dma_wait3A_212 : memref<200xi32, #tpu.memory_space<hbm>>) dst(%arg8 : memref<200xi32, #tpu.memory_space<vmem>>)
      tpu.yield
    }) : () -> ()
    "tpu.region"() ({
      %run_scoped3A = tpu.sem_alloc : memref<!tpu.dma_semaphore, #tpu.memory_space<semaphore_mem>>
      %dma_start3A_209 = tpu.memref_slice %arg4[%add3A_138] : memref<83200xi32, #tpu.memory_space<hbm>> -> memref<200xi32, #tpu.memory_space<hbm>>
      %dma_start3A_210 = tpu.memref_slice %arg4[%add3A_138] : memref<83200xi32, #tpu.memory_space<hbm>> -> memref<200xi32, #tpu.memory_space<hbm>>
      tpu.enqueue_dma source(%dma_start3A_210 : memref<200xi32, #tpu.memory_space<hbm>>) target(%arg9 : memref<200xi32, #tpu.memory_space<vmem>>) target_semaphore(%run_scoped3A : memref<!tpu.dma_semaphore, #tpu.memory_space<semaphore_mem>>)
      %dma_wait3A_211 = tpu.memref_slice %arg4[%add3A_138] : memref<83200xi32, #tpu.memory_space<hbm>> -> memref<200xi32, #tpu.memory_space<hbm>>
      %dma_wait3A_212 = tpu.memref_slice %arg4[%add3A_138] : memref<83200xi32, #tpu.memory_space<hbm>> -> memref<200xi32, #tpu.memory_space<hbm>>
      tpu.wait_dma2 semaphore(%run_scoped3A : memref<!tpu.dma_semaphore, #tpu.memory_space<semaphore_mem>>) src(%dma_wait3A_212 : memref<200xi32, #tpu.memory_space<hbm>>) dst(%arg9 : memref<200xi32, #tpu.memory_space<vmem>>)
      tpu.yield
    }) : () -> ()
    %dma_start3A_139 = arith.constant 0 : i32
    %dma_start3A_140 = arith.constant 0 : i32
    %dma_start3A_141 = tpu.memref_slice %arg2[%dma_start3A_139, %dma_start3A_140] : memref<10000x64xf32, #tpu.memory_space<hbm>> -> memref<10000x64xf32, #tpu.memory_space<hbm>>
    tpu.enqueue_indirect_dma source(%dma_start3A_141 : memref<10000x64xf32, #tpu.memory_space<hbm>>) target(%arg12 : memref<200x64xf32, #tpu.memory_space<vmem>>) offsets(%arg8 : memref<200xi32, #tpu.memory_space<vmem>>) semaphore(%arg15 : memref<!tpu.dma_semaphore, #tpu.memory_space<semaphore_mem>>)
    %dma_start3A_142 = arith.constant 0 : i32
    %dma_start3A_143 = arith.constant 0 : i32
    %dma_start3A_144 = tpu.memref_slice %arg2[%dma_start3A_142, %dma_start3A_143] : memref<10000x64xf32, #tpu.memory_space<hbm>> -> memref<10000x64xf32, #tpu.memory_space<hbm>>
    tpu.enqueue_indirect_dma source(%dma_start3A_144 : memref<10000x64xf32, #tpu.memory_space<hbm>>) target(%arg13 : memref<200x64xf32, #tpu.memory_space<vmem>>) offsets(%arg9 : memref<200xi32, #tpu.memory_space<vmem>>) semaphore(%arg15 : memref<!tpu.dma_semaphore, #tpu.memory_space<semaphore_mem>>)
    %add3A_145 = arith.constant 1600 : i32
    %add3A_146 = arith.addi %mul3A_2, %add3A_145 : i32
    %dma_wait3A_147 = arith.constant 0 : i32
    %dma_wait3A_148 = arith.constant 0 : i32
    %dma_wait3A_149 = tpu.memref_slice %arg2[%dma_wait3A_147, %dma_wait3A_148] : memref<10000x64xf32, #tpu.memory_space<hbm>> -> memref<10000x64xf32, #tpu.memory_space<hbm>>
    tpu.wait_indirect_dma semaphore(%arg14 : memref<!tpu.dma_semaphore, #tpu.memory_space<semaphore_mem>>) src(%dma_wait3A_149 : memref<10000x64xf32, #tpu.memory_space<hbm>>) dst(%arg10 : memref<200x64xf32, #tpu.memory_space<vmem>>)
    %dma_wait3A_150 = arith.constant 0 : i32
    %dma_wait3A_151 = arith.constant 0 : i32
    %dma_wait3A_152 = tpu.memref_slice %arg2[%dma_wait3A_150, %dma_wait3A_151] : memref<10000x64xf32, #tpu.memory_space<hbm>> -> memref<10000x64xf32, #tpu.memory_space<hbm>>
    tpu.wait_indirect_dma semaphore(%arg14 : memref<!tpu.dma_semaphore, #tpu.memory_space<semaphore_mem>>) src(%dma_wait3A_152 : memref<10000x64xf32, #tpu.memory_space<hbm>>) dst(%arg11 : memref<200x64xf32, #tpu.memory_space<vmem>>)
    "tpu.region"() ({
      %run_scoped3A = tpu.sem_alloc : memref<!tpu.dma_semaphore, #tpu.memory_space<semaphore_mem>>
      %dma_start3A_209 = arith.constant 0 : i32
      %dma_start3A_210 = tpu.memref_slice %arg5[%add3A_146, %dma_start3A_209] : memref<83200x128xf32, #tpu.memory_space<hbm>> -> memref<200x64xf32, #tpu.memory_space<hbm>>
      %dma_start3A_211 = arith.constant 0 : i32
      %dma_start3A_212 = tpu.memref_slice %arg5[%add3A_146, %dma_start3A_211] : memref<83200x128xf32, #tpu.memory_space<hbm>> -> memref<200x64xf32, #tpu.memory_space<hbm>>
      tpu.enqueue_dma source(%arg10 : memref<200x64xf32, #tpu.memory_space<vmem>>) target(%dma_start3A_212 : memref<200x64xf32, #tpu.memory_space<hbm>>) target_semaphore(%run_scoped3A : memref<!tpu.dma_semaphore, #tpu.memory_space<semaphore_mem>>)
      %dma_wait3A_213 = arith.constant 0 : i32
      %dma_wait3A_214 = tpu.memref_slice %arg5[%add3A_146, %dma_wait3A_213] : memref<83200x128xf32, #tpu.memory_space<hbm>> -> memref<200x64xf32, #tpu.memory_space<hbm>>
      %dma_wait3A_215 = arith.constant 0 : i32
      %dma_wait3A_216 = tpu.memref_slice %arg5[%add3A_146, %dma_wait3A_215] : memref<83200x128xf32, #tpu.memory_space<hbm>> -> memref<200x64xf32, #tpu.memory_space<hbm>>
      tpu.wait_dma2 semaphore(%run_scoped3A : memref<!tpu.dma_semaphore, #tpu.memory_space<semaphore_mem>>) src(%arg10 : memref<200x64xf32, #tpu.memory_space<vmem>>) dst(%dma_wait3A_216 : memref<200x64xf32, #tpu.memory_space<hbm>>)
      tpu.yield
    }) : () -> ()
    "tpu.region"() ({
      %run_scoped3A = tpu.sem_alloc : memref<!tpu.dma_semaphore, #tpu.memory_space<semaphore_mem>>
      %dma_start3A_209 = arith.constant 64 : i32
      %dma_start3A_210 = tpu.memref_slice %arg5[%add3A_146, %dma_start3A_209] : memref<83200x128xf32, #tpu.memory_space<hbm>> -> memref<200x64xf32, #tpu.memory_space<hbm>>
      %dma_start3A_211 = arith.constant 64 : i32
      %dma_start3A_212 = tpu.memref_slice %arg5[%add3A_146, %dma_start3A_211] : memref<83200x128xf32, #tpu.memory_space<hbm>> -> memref<200x64xf32, #tpu.memory_space<hbm>>
      tpu.enqueue_dma source(%arg11 : memref<200x64xf32, #tpu.memory_space<vmem>>) target(%dma_start3A_212 : memref<200x64xf32, #tpu.memory_space<hbm>>) target_semaphore(%run_scoped3A : memref<!tpu.dma_semaphore, #tpu.memory_space<semaphore_mem>>)
      %dma_wait3A_213 = arith.constant 64 : i32
      %dma_wait3A_214 = tpu.memref_slice %arg5[%add3A_146, %dma_wait3A_213] : memref<83200x128xf32, #tpu.memory_space<hbm>> -> memref<200x64xf32, #tpu.memory_space<hbm>>
      %dma_wait3A_215 = arith.constant 64 : i32
      %dma_wait3A_216 = tpu.memref_slice %arg5[%add3A_146, %dma_wait3A_215] : memref<83200x128xf32, #tpu.memory_space<hbm>> -> memref<200x64xf32, #tpu.memory_space<hbm>>
      tpu.wait_dma2 semaphore(%run_scoped3A : memref<!tpu.dma_semaphore, #tpu.memory_space<semaphore_mem>>) src(%arg11 : memref<200x64xf32, #tpu.memory_space<vmem>>) dst(%dma_wait3A_216 : memref<200x64xf32, #tpu.memory_space<hbm>>)
      tpu.yield
    }) : () -> ()
    %add3A_153 = arith.constant 2000 : i32
    %add3A_154 = arith.addi %mul3A_2, %add3A_153 : i32
    "tpu.region"() ({
      %run_scoped3A = tpu.sem_alloc : memref<!tpu.dma_semaphore, #tpu.memory_space<semaphore_mem>>
      %dma_start3A_209 = tpu.memref_slice %arg3[%add3A_154] : memref<83200xi32, #tpu.memory_space<hbm>> -> memref<200xi32, #tpu.memory_space<hbm>>
      %dma_start3A_210 = tpu.memref_slice %arg3[%add3A_154] : memref<83200xi32, #tpu.memory_space<hbm>> -> memref<200xi32, #tpu.memory_space<hbm>>
      tpu.enqueue_dma source(%dma_start3A_210 : memref<200xi32, #tpu.memory_space<hbm>>) target(%arg6 : memref<200xi32, #tpu.memory_space<vmem>>) target_semaphore(%run_scoped3A : memref<!tpu.dma_semaphore, #tpu.memory_space<semaphore_mem>>)
      %dma_wait3A_211 = tpu.memref_slice %arg3[%add3A_154] : memref<83200xi32, #tpu.memory_space<hbm>> -> memref<200xi32, #tpu.memory_space<hbm>>
      %dma_wait3A_212 = tpu.memref_slice %arg3[%add3A_154] : memref<83200xi32, #tpu.memory_space<hbm>> -> memref<200xi32, #tpu.memory_space<hbm>>
      tpu.wait_dma2 semaphore(%run_scoped3A : memref<!tpu.dma_semaphore, #tpu.memory_space<semaphore_mem>>) src(%dma_wait3A_212 : memref<200xi32, #tpu.memory_space<hbm>>) dst(%arg6 : memref<200xi32, #tpu.memory_space<vmem>>)
      tpu.yield
    }) : () -> ()
    "tpu.region"() ({
      %run_scoped3A = tpu.sem_alloc : memref<!tpu.dma_semaphore, #tpu.memory_space<semaphore_mem>>
      %dma_start3A_209 = tpu.memref_slice %arg4[%add3A_154] : memref<83200xi32, #tpu.memory_space<hbm>> -> memref<200xi32, #tpu.memory_space<hbm>>
      %dma_start3A_210 = tpu.memref_slice %arg4[%add3A_154] : memref<83200xi32, #tpu.memory_space<hbm>> -> memref<200xi32, #tpu.memory_space<hbm>>
      tpu.enqueue_dma source(%dma_start3A_210 : memref<200xi32, #tpu.memory_space<hbm>>) target(%arg7 : memref<200xi32, #tpu.memory_space<vmem>>) target_semaphore(%run_scoped3A : memref<!tpu.dma_semaphore, #tpu.memory_space<semaphore_mem>>)
      %dma_wait3A_211 = tpu.memref_slice %arg4[%add3A_154] : memref<83200xi32, #tpu.memory_space<hbm>> -> memref<200xi32, #tpu.memory_space<hbm>>
      %dma_wait3A_212 = tpu.memref_slice %arg4[%add3A_154] : memref<83200xi32, #tpu.memory_space<hbm>> -> memref<200xi32, #tpu.memory_space<hbm>>
      tpu.wait_dma2 semaphore(%run_scoped3A : memref<!tpu.dma_semaphore, #tpu.memory_space<semaphore_mem>>) src(%dma_wait3A_212 : memref<200xi32, #tpu.memory_space<hbm>>) dst(%arg7 : memref<200xi32, #tpu.memory_space<vmem>>)
      tpu.yield
    }) : () -> ()
    %dma_start3A_155 = arith.constant 0 : i32
    %dma_start3A_156 = arith.constant 0 : i32
    %dma_start3A_157 = tpu.memref_slice %arg2[%dma_start3A_155, %dma_start3A_156] : memref<10000x64xf32, #tpu.memory_space<hbm>> -> memref<10000x64xf32, #tpu.memory_space<hbm>>
    tpu.enqueue_indirect_dma source(%dma_start3A_157 : memref<10000x64xf32, #tpu.memory_space<hbm>>) target(%arg10 : memref<200x64xf32, #tpu.memory_space<vmem>>) offsets(%arg6 : memref<200xi32, #tpu.memory_space<vmem>>) semaphore(%arg14 : memref<!tpu.dma_semaphore, #tpu.memory_space<semaphore_mem>>)
    %dma_start3A_158 = arith.constant 0 : i32
    %dma_start3A_159 = arith.constant 0 : i32
    %dma_start3A_160 = tpu.memref_slice %arg2[%dma_start3A_158, %dma_start3A_159] : memref<10000x64xf32, #tpu.memory_space<hbm>> -> memref<10000x64xf32, #tpu.memory_space<hbm>>
    tpu.enqueue_indirect_dma source(%dma_start3A_160 : memref<10000x64xf32, #tpu.memory_space<hbm>>) target(%arg11 : memref<200x64xf32, #tpu.memory_space<vmem>>) offsets(%arg7 : memref<200xi32, #tpu.memory_space<vmem>>) semaphore(%arg14 : memref<!tpu.dma_semaphore, #tpu.memory_space<semaphore_mem>>)
    %add3A_161 = arith.constant 1800 : i32
    %add3A_162 = arith.addi %mul3A_2, %add3A_161 : i32
    %dma_wait3A_163 = arith.constant 0 : i32
    %dma_wait3A_164 = arith.constant 0 : i32
    %dma_wait3A_165 = tpu.memref_slice %arg2[%dma_wait3A_163, %dma_wait3A_164] : memref<10000x64xf32, #tpu.memory_space<hbm>> -> memref<10000x64xf32, #tpu.memory_space<hbm>>
    tpu.wait_indirect_dma semaphore(%arg15 : memref<!tpu.dma_semaphore, #tpu.memory_space<semaphore_mem>>) src(%dma_wait3A_165 : memref<10000x64xf32, #tpu.memory_space<hbm>>) dst(%arg12 : memref<200x64xf32, #tpu.memory_space<vmem>>)
    %dma_wait3A_166 = arith.constant 0 : i32
    %dma_wait3A_167 = arith.constant 0 : i32
    %dma_wait3A_168 = tpu.memref_slice %arg2[%dma_wait3A_166, %dma_wait3A_167] : memref<10000x64xf32, #tpu.memory_space<hbm>> -> memref<10000x64xf32, #tpu.memory_space<hbm>>
    tpu.wait_indirect_dma semaphore(%arg15 : memref<!tpu.dma_semaphore, #tpu.memory_space<semaphore_mem>>) src(%dma_wait3A_168 : memref<10000x64xf32, #tpu.memory_space<hbm>>) dst(%arg13 : memref<200x64xf32, #tpu.memory_space<vmem>>)
    "tpu.region"() ({
      %run_scoped3A = tpu.sem_alloc : memref<!tpu.dma_semaphore, #tpu.memory_space<semaphore_mem>>
      %dma_start3A_209 = arith.constant 0 : i32
      %dma_start3A_210 = tpu.memref_slice %arg5[%add3A_162, %dma_start3A_209] : memref<83200x128xf32, #tpu.memory_space<hbm>> -> memref<200x64xf32, #tpu.memory_space<hbm>>
      %dma_start3A_211 = arith.constant 0 : i32
      %dma_start3A_212 = tpu.memref_slice %arg5[%add3A_162, %dma_start3A_211] : memref<83200x128xf32, #tpu.memory_space<hbm>> -> memref<200x64xf32, #tpu.memory_space<hbm>>
      tpu.enqueue_dma source(%arg12 : memref<200x64xf32, #tpu.memory_space<vmem>>) target(%dma_start3A_212 : memref<200x64xf32, #tpu.memory_space<hbm>>) target_semaphore(%run_scoped3A : memref<!tpu.dma_semaphore, #tpu.memory_space<semaphore_mem>>)
      %dma_wait3A_213 = arith.constant 0 : i32
      %dma_wait3A_214 = tpu.memref_slice %arg5[%add3A_162, %dma_wait3A_213] : memref<83200x128xf32, #tpu.memory_space<hbm>> -> memref<200x64xf32, #tpu.memory_space<hbm>>
      %dma_wait3A_215 = arith.constant 0 : i32
      %dma_wait3A_216 = tpu.memref_slice %arg5[%add3A_162, %dma_wait3A_215] : memref<83200x128xf32, #tpu.memory_space<hbm>> -> memref<200x64xf32, #tpu.memory_space<hbm>>
      tpu.wait_dma2 semaphore(%run_scoped3A : memref<!tpu.dma_semaphore, #tpu.memory_space<semaphore_mem>>) src(%arg12 : memref<200x64xf32, #tpu.memory_space<vmem>>) dst(%dma_wait3A_216 : memref<200x64xf32, #tpu.memory_space<hbm>>)
      tpu.yield
    }) : () -> ()
    "tpu.region"() ({
      %run_scoped3A = tpu.sem_alloc : memref<!tpu.dma_semaphore, #tpu.memory_space<semaphore_mem>>
      %dma_start3A_209 = arith.constant 64 : i32
      %dma_start3A_210 = tpu.memref_slice %arg5[%add3A_162, %dma_start3A_209] : memref<83200x128xf32, #tpu.memory_space<hbm>> -> memref<200x64xf32, #tpu.memory_space<hbm>>
      %dma_start3A_211 = arith.constant 64 : i32
      %dma_start3A_212 = tpu.memref_slice %arg5[%add3A_162, %dma_start3A_211] : memref<83200x128xf32, #tpu.memory_space<hbm>> -> memref<200x64xf32, #tpu.memory_space<hbm>>
      tpu.enqueue_dma source(%arg13 : memref<200x64xf32, #tpu.memory_space<vmem>>) target(%dma_start3A_212 : memref<200x64xf32, #tpu.memory_space<hbm>>) target_semaphore(%run_scoped3A : memref<!tpu.dma_semaphore, #tpu.memory_space<semaphore_mem>>)
      %dma_wait3A_213 = arith.constant 64 : i32
      %dma_wait3A_214 = tpu.memref_slice %arg5[%add3A_162, %dma_wait3A_213] : memref<83200x128xf32, #tpu.memory_space<hbm>> -> memref<200x64xf32, #tpu.memory_space<hbm>>
      %dma_wait3A_215 = arith.constant 64 : i32
      %dma_wait3A_216 = tpu.memref_slice %arg5[%add3A_162, %dma_wait3A_215] : memref<83200x128xf32, #tpu.memory_space<hbm>> -> memref<200x64xf32, #tpu.memory_space<hbm>>
      tpu.wait_dma2 semaphore(%run_scoped3A : memref<!tpu.dma_semaphore, #tpu.memory_space<semaphore_mem>>) src(%arg13 : memref<200x64xf32, #tpu.memory_space<vmem>>) dst(%dma_wait3A_216 : memref<200x64xf32, #tpu.memory_space<hbm>>)
      tpu.yield
    }) : () -> ()
    %add3A_169 = arith.constant 2200 : i32
    %add3A_170 = arith.addi %mul3A_2, %add3A_169 : i32
    "tpu.region"() ({
      %run_scoped3A = tpu.sem_alloc : memref<!tpu.dma_semaphore, #tpu.memory_space<semaphore_mem>>
      %dma_start3A_209 = tpu.memref_slice %arg3[%add3A_170] : memref<83200xi32, #tpu.memory_space<hbm>> -> memref<200xi32, #tpu.memory_space<hbm>>
      %dma_start3A_210 = tpu.memref_slice %arg3[%add3A_170] : memref<83200xi32, #tpu.memory_space<hbm>> -> memref<200xi32, #tpu.memory_space<hbm>>
      tpu.enqueue_dma source(%dma_start3A_210 : memref<200xi32, #tpu.memory_space<hbm>>) target(%arg8 : memref<200xi32, #tpu.memory_space<vmem>>) target_semaphore(%run_scoped3A : memref<!tpu.dma_semaphore, #tpu.memory_space<semaphore_mem>>)
      %dma_wait3A_211 = tpu.memref_slice %arg3[%add3A_170] : memref<83200xi32, #tpu.memory_space<hbm>> -> memref<200xi32, #tpu.memory_space<hbm>>
      %dma_wait3A_212 = tpu.memref_slice %arg3[%add3A_170] : memref<83200xi32, #tpu.memory_space<hbm>> -> memref<200xi32, #tpu.memory_space<hbm>>
      tpu.wait_dma2 semaphore(%run_scoped3A : memref<!tpu.dma_semaphore, #tpu.memory_space<semaphore_mem>>) src(%dma_wait3A_212 : memref<200xi32, #tpu.memory_space<hbm>>) dst(%arg8 : memref<200xi32, #tpu.memory_space<vmem>>)
      tpu.yield
    }) : () -> ()
    "tpu.region"() ({
      %run_scoped3A = tpu.sem_alloc : memref<!tpu.dma_semaphore, #tpu.memory_space<semaphore_mem>>
      %dma_start3A_209 = tpu.memref_slice %arg4[%add3A_170] : memref<83200xi32, #tpu.memory_space<hbm>> -> memref<200xi32, #tpu.memory_space<hbm>>
      %dma_start3A_210 = tpu.memref_slice %arg4[%add3A_170] : memref<83200xi32, #tpu.memory_space<hbm>> -> memref<200xi32, #tpu.memory_space<hbm>>
      tpu.enqueue_dma source(%dma_start3A_210 : memref<200xi32, #tpu.memory_space<hbm>>) target(%arg9 : memref<200xi32, #tpu.memory_space<vmem>>) target_semaphore(%run_scoped3A : memref<!tpu.dma_semaphore, #tpu.memory_space<semaphore_mem>>)
      %dma_wait3A_211 = tpu.memref_slice %arg4[%add3A_170] : memref<83200xi32, #tpu.memory_space<hbm>> -> memref<200xi32, #tpu.memory_space<hbm>>
      %dma_wait3A_212 = tpu.memref_slice %arg4[%add3A_170] : memref<83200xi32, #tpu.memory_space<hbm>> -> memref<200xi32, #tpu.memory_space<hbm>>
      tpu.wait_dma2 semaphore(%run_scoped3A : memref<!tpu.dma_semaphore, #tpu.memory_space<semaphore_mem>>) src(%dma_wait3A_212 : memref<200xi32, #tpu.memory_space<hbm>>) dst(%arg9 : memref<200xi32, #tpu.memory_space<vmem>>)
      tpu.yield
    }) : () -> ()
    %dma_start3A_171 = arith.constant 0 : i32
    %dma_start3A_172 = arith.constant 0 : i32
    %dma_start3A_173 = tpu.memref_slice %arg2[%dma_start3A_171, %dma_start3A_172] : memref<10000x64xf32, #tpu.memory_space<hbm>> -> memref<10000x64xf32, #tpu.memory_space<hbm>>
    tpu.enqueue_indirect_dma source(%dma_start3A_173 : memref<10000x64xf32, #tpu.memory_space<hbm>>) target(%arg12 : memref<200x64xf32, #tpu.memory_space<vmem>>) offsets(%arg8 : memref<200xi32, #tpu.memory_space<vmem>>) semaphore(%arg15 : memref<!tpu.dma_semaphore, #tpu.memory_space<semaphore_mem>>)
    %dma_start3A_174 = arith.constant 0 : i32
    %dma_start3A_175 = arith.constant 0 : i32
    %dma_start3A_176 = tpu.memref_slice %arg2[%dma_start3A_174, %dma_start3A_175] : memref<10000x64xf32, #tpu.memory_space<hbm>> -> memref<10000x64xf32, #tpu.memory_space<hbm>>
    tpu.enqueue_indirect_dma source(%dma_start3A_176 : memref<10000x64xf32, #tpu.memory_space<hbm>>) target(%arg13 : memref<200x64xf32, #tpu.memory_space<vmem>>) offsets(%arg9 : memref<200xi32, #tpu.memory_space<vmem>>) semaphore(%arg15 : memref<!tpu.dma_semaphore, #tpu.memory_space<semaphore_mem>>)
    %add3A_177 = arith.constant 2000 : i32
    %add3A_178 = arith.addi %mul3A_2, %add3A_177 : i32
    %dma_wait3A_179 = arith.constant 0 : i32
    %dma_wait3A_180 = arith.constant 0 : i32
    %dma_wait3A_181 = tpu.memref_slice %arg2[%dma_wait3A_179, %dma_wait3A_180] : memref<10000x64xf32, #tpu.memory_space<hbm>> -> memref<10000x64xf32, #tpu.memory_space<hbm>>
    tpu.wait_indirect_dma semaphore(%arg14 : memref<!tpu.dma_semaphore, #tpu.memory_space<semaphore_mem>>) src(%dma_wait3A_181 : memref<10000x64xf32, #tpu.memory_space<hbm>>) dst(%arg10 : memref<200x64xf32, #tpu.memory_space<vmem>>)
    %dma_wait3A_182 = arith.constant 0 : i32
    %dma_wait3A_183 = arith.constant 0 : i32
    %dma_wait3A_184 = tpu.memref_slice %arg2[%dma_wait3A_182, %dma_wait3A_183] : memref<10000x64xf32, #tpu.memory_space<hbm>> -> memref<10000x64xf32, #tpu.memory_space<hbm>>
    tpu.wait_indirect_dma semaphore(%arg14 : memref<!tpu.dma_semaphore, #tpu.memory_space<semaphore_mem>>) src(%dma_wait3A_184 : memref<10000x64xf32, #tpu.memory_space<hbm>>) dst(%arg11 : memref<200x64xf32, #tpu.memory_space<vmem>>)
    "tpu.region"() ({
      %run_scoped3A = tpu.sem_alloc : memref<!tpu.dma_semaphore, #tpu.memory_space<semaphore_mem>>
      %dma_start3A_209 = arith.constant 0 : i32
      %dma_start3A_210 = tpu.memref_slice %arg5[%add3A_178, %dma_start3A_209] : memref<83200x128xf32, #tpu.memory_space<hbm>> -> memref<200x64xf32, #tpu.memory_space<hbm>>
      %dma_start3A_211 = arith.constant 0 : i32
      %dma_start3A_212 = tpu.memref_slice %arg5[%add3A_178, %dma_start3A_211] : memref<83200x128xf32, #tpu.memory_space<hbm>> -> memref<200x64xf32, #tpu.memory_space<hbm>>
      tpu.enqueue_dma source(%arg10 : memref<200x64xf32, #tpu.memory_space<vmem>>) target(%dma_start3A_212 : memref<200x64xf32, #tpu.memory_space<hbm>>) target_semaphore(%run_scoped3A : memref<!tpu.dma_semaphore, #tpu.memory_space<semaphore_mem>>)
      %dma_wait3A_213 = arith.constant 0 : i32
      %dma_wait3A_214 = tpu.memref_slice %arg5[%add3A_178, %dma_wait3A_213] : memref<83200x128xf32, #tpu.memory_space<hbm>> -> memref<200x64xf32, #tpu.memory_space<hbm>>
      %dma_wait3A_215 = arith.constant 0 : i32
      %dma_wait3A_216 = tpu.memref_slice %arg5[%add3A_178, %dma_wait3A_215] : memref<83200x128xf32, #tpu.memory_space<hbm>> -> memref<200x64xf32, #tpu.memory_space<hbm>>
      tpu.wait_dma2 semaphore(%run_scoped3A : memref<!tpu.dma_semaphore, #tpu.memory_space<semaphore_mem>>) src(%arg10 : memref<200x64xf32, #tpu.memory_space<vmem>>) dst(%dma_wait3A_216 : memref<200x64xf32, #tpu.memory_space<hbm>>)
      tpu.yield
    }) : () -> ()
    "tpu.region"() ({
      %run_scoped3A = tpu.sem_alloc : memref<!tpu.dma_semaphore, #tpu.memory_space<semaphore_mem>>
      %dma_start3A_209 = arith.constant 64 : i32
      %dma_start3A_210 = tpu.memref_slice %arg5[%add3A_178, %dma_start3A_209] : memref<83200x128xf32, #tpu.memory_space<hbm>> -> memref<200x64xf32, #tpu.memory_space<hbm>>
      %dma_start3A_211 = arith.constant 64 : i32
      %dma_start3A_212 = tpu.memref_slice %arg5[%add3A_178, %dma_start3A_211] : memref<83200x128xf32, #tpu.memory_space<hbm>> -> memref<200x64xf32, #tpu.memory_space<hbm>>
      tpu.enqueue_dma source(%arg11 : memref<200x64xf32, #tpu.memory_space<vmem>>) target(%dma_start3A_212 : memref<200x64xf32, #tpu.memory_space<hbm>>) target_semaphore(%run_scoped3A : memref<!tpu.dma_semaphore, #tpu.memory_space<semaphore_mem>>)
      %dma_wait3A_213 = arith.constant 64 : i32
      %dma_wait3A_214 = tpu.memref_slice %arg5[%add3A_178, %dma_wait3A_213] : memref<83200x128xf32, #tpu.memory_space<hbm>> -> memref<200x64xf32, #tpu.memory_space<hbm>>
      %dma_wait3A_215 = arith.constant 64 : i32
      %dma_wait3A_216 = tpu.memref_slice %arg5[%add3A_178, %dma_wait3A_215] : memref<83200x128xf32, #tpu.memory_space<hbm>> -> memref<200x64xf32, #tpu.memory_space<hbm>>
      tpu.wait_dma2 semaphore(%run_scoped3A : memref<!tpu.dma_semaphore, #tpu.memory_space<semaphore_mem>>) src(%arg11 : memref<200x64xf32, #tpu.memory_space<vmem>>) dst(%dma_wait3A_216 : memref<200x64xf32, #tpu.memory_space<hbm>>)
      tpu.yield
    }) : () -> ()
    %add3A_185 = arith.constant 2400 : i32
    %add3A_186 = arith.addi %mul3A_2, %add3A_185 : i32
    "tpu.region"() ({
      %run_scoped3A = tpu.sem_alloc : memref<!tpu.dma_semaphore, #tpu.memory_space<semaphore_mem>>
      %dma_start3A_209 = tpu.memref_slice %arg3[%add3A_186] : memref<83200xi32, #tpu.memory_space<hbm>> -> memref<200xi32, #tpu.memory_space<hbm>>
      %dma_start3A_210 = tpu.memref_slice %arg3[%add3A_186] : memref<83200xi32, #tpu.memory_space<hbm>> -> memref<200xi32, #tpu.memory_space<hbm>>
      tpu.enqueue_dma source(%dma_start3A_210 : memref<200xi32, #tpu.memory_space<hbm>>) target(%arg6 : memref<200xi32, #tpu.memory_space<vmem>>) target_semaphore(%run_scoped3A : memref<!tpu.dma_semaphore, #tpu.memory_space<semaphore_mem>>)
      %dma_wait3A_211 = tpu.memref_slice %arg3[%add3A_186] : memref<83200xi32, #tpu.memory_space<hbm>> -> memref<200xi32, #tpu.memory_space<hbm>>
      %dma_wait3A_212 = tpu.memref_slice %arg3[%add3A_186] : memref<83200xi32, #tpu.memory_space<hbm>> -> memref<200xi32, #tpu.memory_space<hbm>>
      tpu.wait_dma2 semaphore(%run_scoped3A : memref<!tpu.dma_semaphore, #tpu.memory_space<semaphore_mem>>) src(%dma_wait3A_212 : memref<200xi32, #tpu.memory_space<hbm>>) dst(%arg6 : memref<200xi32, #tpu.memory_space<vmem>>)
      tpu.yield
    }) : () -> ()
    "tpu.region"() ({
      %run_scoped3A = tpu.sem_alloc : memref<!tpu.dma_semaphore, #tpu.memory_space<semaphore_mem>>
      %dma_start3A_209 = tpu.memref_slice %arg4[%add3A_186] : memref<83200xi32, #tpu.memory_space<hbm>> -> memref<200xi32, #tpu.memory_space<hbm>>
      %dma_start3A_210 = tpu.memref_slice %arg4[%add3A_186] : memref<83200xi32, #tpu.memory_space<hbm>> -> memref<200xi32, #tpu.memory_space<hbm>>
      tpu.enqueue_dma source(%dma_start3A_210 : memref<200xi32, #tpu.memory_space<hbm>>) target(%arg7 : memref<200xi32, #tpu.memory_space<vmem>>) target_semaphore(%run_scoped3A : memref<!tpu.dma_semaphore, #tpu.memory_space<semaphore_mem>>)
      %dma_wait3A_211 = tpu.memref_slice %arg4[%add3A_186] : memref<83200xi32, #tpu.memory_space<hbm>> -> memref<200xi32, #tpu.memory_space<hbm>>
      %dma_wait3A_212 = tpu.memref_slice %arg4[%add3A_186] : memref<83200xi32, #tpu.memory_space<hbm>> -> memref<200xi32, #tpu.memory_space<hbm>>
      tpu.wait_dma2 semaphore(%run_scoped3A : memref<!tpu.dma_semaphore, #tpu.memory_space<semaphore_mem>>) src(%dma_wait3A_212 : memref<200xi32, #tpu.memory_space<hbm>>) dst(%arg7 : memref<200xi32, #tpu.memory_space<vmem>>)
      tpu.yield
    }) : () -> ()
    %dma_start3A_187 = arith.constant 0 : i32
    %dma_start3A_188 = arith.constant 0 : i32
    %dma_start3A_189 = tpu.memref_slice %arg2[%dma_start3A_187, %dma_start3A_188] : memref<10000x64xf32, #tpu.memory_space<hbm>> -> memref<10000x64xf32, #tpu.memory_space<hbm>>
    tpu.enqueue_indirect_dma source(%dma_start3A_189 : memref<10000x64xf32, #tpu.memory_space<hbm>>) target(%arg10 : memref<200x64xf32, #tpu.memory_space<vmem>>) offsets(%arg6 : memref<200xi32, #tpu.memory_space<vmem>>) semaphore(%arg14 : memref<!tpu.dma_semaphore, #tpu.memory_space<semaphore_mem>>)
    %dma_start3A_190 = arith.constant 0 : i32
    %dma_start3A_191 = arith.constant 0 : i32
    %dma_start3A_192 = tpu.memref_slice %arg2[%dma_start3A_190, %dma_start3A_191] : memref<10000x64xf32, #tpu.memory_space<hbm>> -> memref<10000x64xf32, #tpu.memory_space<hbm>>
    tpu.enqueue_indirect_dma source(%dma_start3A_192 : memref<10000x64xf32, #tpu.memory_space<hbm>>) target(%arg11 : memref<200x64xf32, #tpu.memory_space<vmem>>) offsets(%arg7 : memref<200xi32, #tpu.memory_space<vmem>>) semaphore(%arg14 : memref<!tpu.dma_semaphore, #tpu.memory_space<semaphore_mem>>)
    %add3A_193 = arith.constant 2200 : i32
    %add3A_194 = arith.addi %mul3A_2, %add3A_193 : i32
    %dma_wait3A_195 = arith.constant 0 : i32
    %dma_wait3A_196 = arith.constant 0 : i32
    %dma_wait3A_197 = tpu.memref_slice %arg2[%dma_wait3A_195, %dma_wait3A_196] : memref<10000x64xf32, #tpu.memory_space<hbm>> -> memref<10000x64xf32, #tpu.memory_space<hbm>>
    tpu.wait_indirect_dma semaphore(%arg15 : memref<!tpu.dma_semaphore, #tpu.memory_space<semaphore_mem>>) src(%dma_wait3A_197 : memref<10000x64xf32, #tpu.memory_space<hbm>>) dst(%arg12 : memref<200x64xf32, #tpu.memory_space<vmem>>)
    %dma_wait3A_198 = arith.constant 0 : i32
    %dma_wait3A_199 = arith.constant 0 : i32
    %dma_wait3A_200 = tpu.memref_slice %arg2[%dma_wait3A_198, %dma_wait3A_199] : memref<10000x64xf32, #tpu.memory_space<hbm>> -> memref<10000x64xf32, #tpu.memory_space<hbm>>
    tpu.wait_indirect_dma semaphore(%arg15 : memref<!tpu.dma_semaphore, #tpu.memory_space<semaphore_mem>>) src(%dma_wait3A_200 : memref<10000x64xf32, #tpu.memory_space<hbm>>) dst(%arg13 : memref<200x64xf32, #tpu.memory_space<vmem>>)
    "tpu.region"() ({
      %run_scoped3A = tpu.sem_alloc : memref<!tpu.dma_semaphore, #tpu.memory_space<semaphore_mem>>
      %dma_start3A_209 = arith.constant 0 : i32
      %dma_start3A_210 = tpu.memref_slice %arg5[%add3A_194, %dma_start3A_209] : memref<83200x128xf32, #tpu.memory_space<hbm>> -> memref<200x64xf32, #tpu.memory_space<hbm>>
      %dma_start3A_211 = arith.constant 0 : i32
      %dma_start3A_212 = tpu.memref_slice %arg5[%add3A_194, %dma_start3A_211] : memref<83200x128xf32, #tpu.memory_space<hbm>> -> memref<200x64xf32, #tpu.memory_space<hbm>>
      tpu.enqueue_dma source(%arg12 : memref<200x64xf32, #tpu.memory_space<vmem>>) target(%dma_start3A_212 : memref<200x64xf32, #tpu.memory_space<hbm>>) target_semaphore(%run_scoped3A : memref<!tpu.dma_semaphore, #tpu.memory_space<semaphore_mem>>)
      %dma_wait3A_213 = arith.constant 0 : i32
      %dma_wait3A_214 = tpu.memref_slice %arg5[%add3A_194, %dma_wait3A_213] : memref<83200x128xf32, #tpu.memory_space<hbm>> -> memref<200x64xf32, #tpu.memory_space<hbm>>
      %dma_wait3A_215 = arith.constant 0 : i32
      %dma_wait3A_216 = tpu.memref_slice %arg5[%add3A_194, %dma_wait3A_215] : memref<83200x128xf32, #tpu.memory_space<hbm>> -> memref<200x64xf32, #tpu.memory_space<hbm>>
      tpu.wait_dma2 semaphore(%run_scoped3A : memref<!tpu.dma_semaphore, #tpu.memory_space<semaphore_mem>>) src(%arg12 : memref<200x64xf32, #tpu.memory_space<vmem>>) dst(%dma_wait3A_216 : memref<200x64xf32, #tpu.memory_space<hbm>>)
      tpu.yield
    }) : () -> ()
    "tpu.region"() ({
      %run_scoped3A = tpu.sem_alloc : memref<!tpu.dma_semaphore, #tpu.memory_space<semaphore_mem>>
      %dma_start3A_209 = arith.constant 64 : i32
      %dma_start3A_210 = tpu.memref_slice %arg5[%add3A_194, %dma_start3A_209] : memref<83200x128xf32, #tpu.memory_space<hbm>> -> memref<200x64xf32, #tpu.memory_space<hbm>>
      %dma_start3A_211 = arith.constant 64 : i32
      %dma_start3A_212 = tpu.memref_slice %arg5[%add3A_194, %dma_start3A_211] : memref<83200x128xf32, #tpu.memory_space<hbm>> -> memref<200x64xf32, #tpu.memory_space<hbm>>
      tpu.enqueue_dma source(%arg13 : memref<200x64xf32, #tpu.memory_space<vmem>>) target(%dma_start3A_212 : memref<200x64xf32, #tpu.memory_space<hbm>>) target_semaphore(%run_scoped3A : memref<!tpu.dma_semaphore, #tpu.memory_space<semaphore_mem>>)
      %dma_wait3A_213 = arith.constant 64 : i32
      %dma_wait3A_214 = tpu.memref_slice %arg5[%add3A_194, %dma_wait3A_213] : memref<83200x128xf32, #tpu.memory_space<hbm>> -> memref<200x64xf32, #tpu.memory_space<hbm>>
      %dma_wait3A_215 = arith.constant 64 : i32
      %dma_wait3A_216 = tpu.memref_slice %arg5[%add3A_194, %dma_wait3A_215] : memref<83200x128xf32, #tpu.memory_space<hbm>> -> memref<200x64xf32, #tpu.memory_space<hbm>>
      tpu.wait_dma2 semaphore(%run_scoped3A : memref<!tpu.dma_semaphore, #tpu.memory_space<semaphore_mem>>) src(%arg13 : memref<200x64xf32, #tpu.memory_space<vmem>>) dst(%dma_wait3A_216 : memref<200x64xf32, #tpu.memory_space<hbm>>)
      tpu.yield
    }) : () -> ()
    %add3A_201 = arith.constant 2400 : i32
    %add3A_202 = arith.addi %mul3A_2, %add3A_201 : i32
    %dma_wait3A_203 = arith.constant 0 : i32
    %dma_wait3A_204 = arith.constant 0 : i32
    %dma_wait3A_205 = tpu.memref_slice %arg2[%dma_wait3A_203, %dma_wait3A_204] : memref<10000x64xf32, #tpu.memory_space<hbm>> -> memref<10000x64xf32, #tpu.memory_space<hbm>>
    tpu.wait_indirect_dma semaphore(%arg14 : memref<!tpu.dma_semaphore, #tpu.memory_space<semaphore_mem>>) src(%dma_wait3A_205 : memref<10000x64xf32, #tpu.memory_space<hbm>>) dst(%arg10 : memref<200x64xf32, #tpu.memory_space<vmem>>)
    %dma_wait3A_206 = arith.constant 0 : i32
    %dma_wait3A_207 = arith.constant 0 : i32
    %dma_wait3A_208 = tpu.memref_slice %arg2[%dma_wait3A_206, %dma_wait3A_207] : memref<10000x64xf32, #tpu.memory_space<hbm>> -> memref<10000x64xf32, #tpu.memory_space<hbm>>
    tpu.wait_indirect_dma semaphore(%arg14 : memref<!tpu.dma_semaphore, #tpu.memory_space<semaphore_mem>>) src(%dma_wait3A_208 : memref<10000x64xf32, #tpu.memory_space<hbm>>) dst(%arg11 : memref<200x64xf32, #tpu.memory_space<vmem>>)
    "tpu.region"() ({
      %run_scoped3A = tpu.sem_alloc : memref<!tpu.dma_semaphore, #tpu.memory_space<semaphore_mem>>
      %dma_start3A_209 = arith.constant 0 : i32
      %dma_start3A_210 = tpu.memref_slice %arg5[%add3A_202, %dma_start3A_209] : memref<83200x128xf32, #tpu.memory_space<hbm>> -> memref<200x64xf32, #tpu.memory_space<hbm>>
      %dma_start3A_211 = arith.constant 0 : i32
      %dma_start3A_212 = tpu.memref_slice %arg5[%add3A_202, %dma_start3A_211] : memref<83200x128xf32, #tpu.memory_space<hbm>> -> memref<200x64xf32, #tpu.memory_space<hbm>>
      tpu.enqueue_dma source(%arg10 : memref<200x64xf32, #tpu.memory_space<vmem>>) target(%dma_start3A_212 : memref<200x64xf32, #tpu.memory_space<hbm>>) target_semaphore(%run_scoped3A : memref<!tpu.dma_semaphore, #tpu.memory_space<semaphore_mem>>)
      %dma_wait3A_213 = arith.constant 0 : i32
      %dma_wait3A_214 = tpu.memref_slice %arg5[%add3A_202, %dma_wait3A_213] : memref<83200x128xf32, #tpu.memory_space<hbm>> -> memref<200x64xf32, #tpu.memory_space<hbm>>
      %dma_wait3A_215 = arith.constant 0 : i32
      %dma_wait3A_216 = tpu.memref_slice %arg5[%add3A_202, %dma_wait3A_215] : memref<83200x128xf32, #tpu.memory_space<hbm>> -> memref<200x64xf32, #tpu.memory_space<hbm>>
      tpu.wait_dma2 semaphore(%run_scoped3A : memref<!tpu.dma_semaphore, #tpu.memory_space<semaphore_mem>>) src(%arg10 : memref<200x64xf32, #tpu.memory_space<vmem>>) dst(%dma_wait3A_216 : memref<200x64xf32, #tpu.memory_space<hbm>>)
      tpu.yield
    }) : () -> ()
    "tpu.region"() ({
      %run_scoped3A = tpu.sem_alloc : memref<!tpu.dma_semaphore, #tpu.memory_space<semaphore_mem>>
      %dma_start3A_209 = arith.constant 64 : i32
      %dma_start3A_210 = tpu.memref_slice %arg5[%add3A_202, %dma_start3A_209] : memref<83200x128xf32, #tpu.memory_space<hbm>> -> memref<200x64xf32, #tpu.memory_space<hbm>>
      %dma_start3A_211 = arith.constant 64 : i32
      %dma_start3A_212 = tpu.memref_slice %arg5[%add3A_202, %dma_start3A_211] : memref<83200x128xf32, #tpu.memory_space<hbm>> -> memref<200x64xf32, #tpu.memory_space<hbm>>
      tpu.enqueue_dma source(%arg11 : memref<200x64xf32, #tpu.memory_space<vmem>>) target(%dma_start3A_212 : memref<200x64xf32, #tpu.memory_space<hbm>>) target_semaphore(%run_scoped3A : memref<!tpu.dma_semaphore, #tpu.memory_space<semaphore_mem>>)
      %dma_wait3A_213 = arith.constant 64 : i32
      %dma_wait3A_214 = tpu.memref_slice %arg5[%add3A_202, %dma_wait3A_213] : memref<83200x128xf32, #tpu.memory_space<hbm>> -> memref<200x64xf32, #tpu.memory_space<hbm>>
      %dma_wait3A_215 = arith.constant 64 : i32
      %dma_wait3A_216 = tpu.memref_slice %arg5[%add3A_202, %dma_wait3A_215] : memref<83200x128xf32, #tpu.memory_space<hbm>> -> memref<200x64xf32, #tpu.memory_space<hbm>>
      tpu.wait_dma2 semaphore(%run_scoped3A : memref<!tpu.dma_semaphore, #tpu.memory_space<semaphore_mem>>) src(%arg11 : memref<200x64xf32, #tpu.memory_space<vmem>>) dst(%dma_wait3A_216 : memref<200x64xf32, #tpu.memory_space<hbm>>)
      tpu.yield
    }) : () -> ()
    return
  }
}

#map = affine_map<(d0, d1) -> (0, 0)>
#map1 = affine_map<(d0, d1) -> (0)>
module attributes {stable_mosaic.version = 14 : i64} {
  func.func @_gather_body(%arg0: i32, %arg1: i32, %arg2: memref<10000x64xf32, #tpu.memory_space<hbm>>, %arg3: memref<76800xi32, #tpu.memory_space<hbm>>, %arg4: memref<76800xi32, #tpu.memory_space<hbm>>, %arg5: memref<76800x128xf32, #tpu.memory_space<hbm>>, %arg6: memref<200xi32, #tpu.memory_space<vmem>>, %arg7: memref<200xi32, #tpu.memory_space<vmem>>, %arg8: memref<200xi32, #tpu.memory_space<vmem>>, %arg9: memref<200xi32, #tpu.memory_space<vmem>>, %arg10: memref<200x64xf32, #tpu.memory_space<vmem>>, %arg11: memref<200x64xf32, #tpu.memory_space<vmem>>, %arg12: memref<200x64xf32, #tpu.memory_space<vmem>>, %arg13: memref<200x64xf32, #tpu.memory_space<vmem>>, %arg14: memref<!tpu.dma_semaphore, #tpu.memory_space<semaphore_mem>>, %arg15: memref<!tpu.dma_semaphore, #tpu.memory_space<semaphore_mem>>) attributes {dimension_semantics = [#tpu.dimension_semantics<core_parallel>, #tpu.dimension_semantics<subcore_parallel>], iteration_bounds = array<i64: 2, 16>, scalar_prefetch = 0 : i64, scratch_operands = 10 : i64, tpu.core_type = #tpu.core_type<sc_vector_subcore>, window_params = [{transform_indices = #map}, {transform_indices = #map1}, {transform_indices = #map1}, {transform_indices = #map}]} {
    %mul3A = arith.constant 2 : i32
    %mul3A_0 = arith.muli %arg1, %mul3A : i32
    %add3A = arith.addi %mul3A_0, %arg0 : i32
    %mul3A_1 = arith.constant 2400 : i32
    %mul3A_2 = arith.muli %add3A, %mul3A_1 : i32
    %add3A_3 = arith.constant 0 : i32
    %add3A_4 = arith.addi %mul3A_2, %add3A_3 : i32
    "tpu.region"() ({
      %run_scoped3A = tpu.sem_alloc : memref<!tpu.dma_semaphore, #tpu.memory_space<semaphore_mem>>
      %dma_start3A_193 = tpu.memref_slice %arg3[%add3A_4] : memref<76800xi32, #tpu.memory_space<hbm>> -> memref<200xi32, #tpu.memory_space<hbm>>
      %dma_start3A_194 = tpu.memref_slice %arg3[%add3A_4] : memref<76800xi32, #tpu.memory_space<hbm>> -> memref<200xi32, #tpu.memory_space<hbm>>
      tpu.enqueue_dma source(%dma_start3A_194 : memref<200xi32, #tpu.memory_space<hbm>>) target(%arg6 : memref<200xi32, #tpu.memory_space<vmem>>) target_semaphore(%run_scoped3A : memref<!tpu.dma_semaphore, #tpu.memory_space<semaphore_mem>>)
      %dma_wait3A_195 = tpu.memref_slice %arg3[%add3A_4] : memref<76800xi32, #tpu.memory_space<hbm>> -> memref<200xi32, #tpu.memory_space<hbm>>
      %dma_wait3A_196 = tpu.memref_slice %arg3[%add3A_4] : memref<76800xi32, #tpu.memory_space<hbm>> -> memref<200xi32, #tpu.memory_space<hbm>>
      tpu.wait_dma2 semaphore(%run_scoped3A : memref<!tpu.dma_semaphore, #tpu.memory_space<semaphore_mem>>) src(%dma_wait3A_196 : memref<200xi32, #tpu.memory_space<hbm>>) dst(%arg6 : memref<200xi32, #tpu.memory_space<vmem>>)
      tpu.yield
    }) : () -> ()
    "tpu.region"() ({
      %run_scoped3A = tpu.sem_alloc : memref<!tpu.dma_semaphore, #tpu.memory_space<semaphore_mem>>
      %dma_start3A_193 = tpu.memref_slice %arg4[%add3A_4] : memref<76800xi32, #tpu.memory_space<hbm>> -> memref<200xi32, #tpu.memory_space<hbm>>
      %dma_start3A_194 = tpu.memref_slice %arg4[%add3A_4] : memref<76800xi32, #tpu.memory_space<hbm>> -> memref<200xi32, #tpu.memory_space<hbm>>
      tpu.enqueue_dma source(%dma_start3A_194 : memref<200xi32, #tpu.memory_space<hbm>>) target(%arg7 : memref<200xi32, #tpu.memory_space<vmem>>) target_semaphore(%run_scoped3A : memref<!tpu.dma_semaphore, #tpu.memory_space<semaphore_mem>>)
      %dma_wait3A_195 = tpu.memref_slice %arg4[%add3A_4] : memref<76800xi32, #tpu.memory_space<hbm>> -> memref<200xi32, #tpu.memory_space<hbm>>
      %dma_wait3A_196 = tpu.memref_slice %arg4[%add3A_4] : memref<76800xi32, #tpu.memory_space<hbm>> -> memref<200xi32, #tpu.memory_space<hbm>>
      tpu.wait_dma2 semaphore(%run_scoped3A : memref<!tpu.dma_semaphore, #tpu.memory_space<semaphore_mem>>) src(%dma_wait3A_196 : memref<200xi32, #tpu.memory_space<hbm>>) dst(%arg7 : memref<200xi32, #tpu.memory_space<vmem>>)
      tpu.yield
    }) : () -> ()
    %dma_start3A = arith.constant 0 : i32
    %dma_start3A_5 = arith.constant 0 : i32
    %dma_start3A_6 = tpu.memref_slice %arg2[%dma_start3A, %dma_start3A_5] : memref<10000x64xf32, #tpu.memory_space<hbm>> -> memref<10000x64xf32, #tpu.memory_space<hbm>>
    tpu.enqueue_indirect_dma source(%dma_start3A_6 : memref<10000x64xf32, #tpu.memory_space<hbm>>) target(%arg10 : memref<200x64xf32, #tpu.memory_space<vmem>>) offsets(%arg6 : memref<200xi32, #tpu.memory_space<vmem>>) semaphore(%arg14 : memref<!tpu.dma_semaphore, #tpu.memory_space<semaphore_mem>>)
    %dma_start3A_7 = arith.constant 0 : i32
    %dma_start3A_8 = arith.constant 0 : i32
    %dma_start3A_9 = tpu.memref_slice %arg2[%dma_start3A_7, %dma_start3A_8] : memref<10000x64xf32, #tpu.memory_space<hbm>> -> memref<10000x64xf32, #tpu.memory_space<hbm>>
    tpu.enqueue_indirect_dma source(%dma_start3A_9 : memref<10000x64xf32, #tpu.memory_space<hbm>>) target(%arg11 : memref<200x64xf32, #tpu.memory_space<vmem>>) offsets(%arg7 : memref<200xi32, #tpu.memory_space<vmem>>) semaphore(%arg14 : memref<!tpu.dma_semaphore, #tpu.memory_space<semaphore_mem>>)
    %add3A_10 = arith.constant 200 : i32
    %add3A_11 = arith.addi %mul3A_2, %add3A_10 : i32
    "tpu.region"() ({
      %run_scoped3A = tpu.sem_alloc : memref<!tpu.dma_semaphore, #tpu.memory_space<semaphore_mem>>
      %dma_start3A_193 = tpu.memref_slice %arg3[%add3A_11] : memref<76800xi32, #tpu.memory_space<hbm>> -> memref<200xi32, #tpu.memory_space<hbm>>
      %dma_start3A_194 = tpu.memref_slice %arg3[%add3A_11] : memref<76800xi32, #tpu.memory_space<hbm>> -> memref<200xi32, #tpu.memory_space<hbm>>
      tpu.enqueue_dma source(%dma_start3A_194 : memref<200xi32, #tpu.memory_space<hbm>>) target(%arg8 : memref<200xi32, #tpu.memory_space<vmem>>) target_semaphore(%run_scoped3A : memref<!tpu.dma_semaphore, #tpu.memory_space<semaphore_mem>>)
      %dma_wait3A_195 = tpu.memref_slice %arg3[%add3A_11] : memref<76800xi32, #tpu.memory_space<hbm>> -> memref<200xi32, #tpu.memory_space<hbm>>
      %dma_wait3A_196 = tpu.memref_slice %arg3[%add3A_11] : memref<76800xi32, #tpu.memory_space<hbm>> -> memref<200xi32, #tpu.memory_space<hbm>>
      tpu.wait_dma2 semaphore(%run_scoped3A : memref<!tpu.dma_semaphore, #tpu.memory_space<semaphore_mem>>) src(%dma_wait3A_196 : memref<200xi32, #tpu.memory_space<hbm>>) dst(%arg8 : memref<200xi32, #tpu.memory_space<vmem>>)
      tpu.yield
    }) : () -> ()
    "tpu.region"() ({
      %run_scoped3A = tpu.sem_alloc : memref<!tpu.dma_semaphore, #tpu.memory_space<semaphore_mem>>
      %dma_start3A_193 = tpu.memref_slice %arg4[%add3A_11] : memref<76800xi32, #tpu.memory_space<hbm>> -> memref<200xi32, #tpu.memory_space<hbm>>
      %dma_start3A_194 = tpu.memref_slice %arg4[%add3A_11] : memref<76800xi32, #tpu.memory_space<hbm>> -> memref<200xi32, #tpu.memory_space<hbm>>
      tpu.enqueue_dma source(%dma_start3A_194 : memref<200xi32, #tpu.memory_space<hbm>>) target(%arg9 : memref<200xi32, #tpu.memory_space<vmem>>) target_semaphore(%run_scoped3A : memref<!tpu.dma_semaphore, #tpu.memory_space<semaphore_mem>>)
      %dma_wait3A_195 = tpu.memref_slice %arg4[%add3A_11] : memref<76800xi32, #tpu.memory_space<hbm>> -> memref<200xi32, #tpu.memory_space<hbm>>
      %dma_wait3A_196 = tpu.memref_slice %arg4[%add3A_11] : memref<76800xi32, #tpu.memory_space<hbm>> -> memref<200xi32, #tpu.memory_space<hbm>>
      tpu.wait_dma2 semaphore(%run_scoped3A : memref<!tpu.dma_semaphore, #tpu.memory_space<semaphore_mem>>) src(%dma_wait3A_196 : memref<200xi32, #tpu.memory_space<hbm>>) dst(%arg9 : memref<200xi32, #tpu.memory_space<vmem>>)
      tpu.yield
    }) : () -> ()
    %dma_start3A_12 = arith.constant 0 : i32
    %dma_start3A_13 = arith.constant 0 : i32
    %dma_start3A_14 = tpu.memref_slice %arg2[%dma_start3A_12, %dma_start3A_13] : memref<10000x64xf32, #tpu.memory_space<hbm>> -> memref<10000x64xf32, #tpu.memory_space<hbm>>
    tpu.enqueue_indirect_dma source(%dma_start3A_14 : memref<10000x64xf32, #tpu.memory_space<hbm>>) target(%arg12 : memref<200x64xf32, #tpu.memory_space<vmem>>) offsets(%arg8 : memref<200xi32, #tpu.memory_space<vmem>>) semaphore(%arg15 : memref<!tpu.dma_semaphore, #tpu.memory_space<semaphore_mem>>)
    %dma_start3A_15 = arith.constant 0 : i32
    %dma_start3A_16 = arith.constant 0 : i32
    %dma_start3A_17 = tpu.memref_slice %arg2[%dma_start3A_15, %dma_start3A_16] : memref<10000x64xf32, #tpu.memory_space<hbm>> -> memref<10000x64xf32, #tpu.memory_space<hbm>>
    tpu.enqueue_indirect_dma source(%dma_start3A_17 : memref<10000x64xf32, #tpu.memory_space<hbm>>) target(%arg13 : memref<200x64xf32, #tpu.memory_space<vmem>>) offsets(%arg9 : memref<200xi32, #tpu.memory_space<vmem>>) semaphore(%arg15 : memref<!tpu.dma_semaphore, #tpu.memory_space<semaphore_mem>>)
    %add3A_18 = arith.constant 0 : i32
    %add3A_19 = arith.addi %mul3A_2, %add3A_18 : i32
    %dma_wait3A = arith.constant 0 : i32
    %dma_wait3A_20 = arith.constant 0 : i32
    %dma_wait3A_21 = tpu.memref_slice %arg2[%dma_wait3A, %dma_wait3A_20] : memref<10000x64xf32, #tpu.memory_space<hbm>> -> memref<10000x64xf32, #tpu.memory_space<hbm>>
    tpu.wait_indirect_dma semaphore(%arg14 : memref<!tpu.dma_semaphore, #tpu.memory_space<semaphore_mem>>) src(%dma_wait3A_21 : memref<10000x64xf32, #tpu.memory_space<hbm>>) dst(%arg10 : memref<200x64xf32, #tpu.memory_space<vmem>>)
    %dma_wait3A_22 = arith.constant 0 : i32
    %dma_wait3A_23 = arith.constant 0 : i32
    %dma_wait3A_24 = tpu.memref_slice %arg2[%dma_wait3A_22, %dma_wait3A_23] : memref<10000x64xf32, #tpu.memory_space<hbm>> -> memref<10000x64xf32, #tpu.memory_space<hbm>>
    tpu.wait_indirect_dma semaphore(%arg14 : memref<!tpu.dma_semaphore, #tpu.memory_space<semaphore_mem>>) src(%dma_wait3A_24 : memref<10000x64xf32, #tpu.memory_space<hbm>>) dst(%arg11 : memref<200x64xf32, #tpu.memory_space<vmem>>)
    "tpu.region"() ({
      %run_scoped3A = tpu.sem_alloc : memref<!tpu.dma_semaphore, #tpu.memory_space<semaphore_mem>>
      %dma_start3A_193 = arith.constant 0 : i32
      %dma_start3A_194 = tpu.memref_slice %arg5[%add3A_19, %dma_start3A_193] : memref<76800x128xf32, #tpu.memory_space<hbm>> -> memref<200x64xf32, #tpu.memory_space<hbm>>
      %dma_start3A_195 = arith.constant 0 : i32
      %dma_start3A_196 = tpu.memref_slice %arg5[%add3A_19, %dma_start3A_195] : memref<76800x128xf32, #tpu.memory_space<hbm>> -> memref<200x64xf32, #tpu.memory_space<hbm>>
      tpu.enqueue_dma source(%arg10 : memref<200x64xf32, #tpu.memory_space<vmem>>) target(%dma_start3A_196 : memref<200x64xf32, #tpu.memory_space<hbm>>) target_semaphore(%run_scoped3A : memref<!tpu.dma_semaphore, #tpu.memory_space<semaphore_mem>>)
      %dma_wait3A_197 = arith.constant 0 : i32
      %dma_wait3A_198 = tpu.memref_slice %arg5[%add3A_19, %dma_wait3A_197] : memref<76800x128xf32, #tpu.memory_space<hbm>> -> memref<200x64xf32, #tpu.memory_space<hbm>>
      %dma_wait3A_199 = arith.constant 0 : i32
      %dma_wait3A_200 = tpu.memref_slice %arg5[%add3A_19, %dma_wait3A_199] : memref<76800x128xf32, #tpu.memory_space<hbm>> -> memref<200x64xf32, #tpu.memory_space<hbm>>
      tpu.wait_dma2 semaphore(%run_scoped3A : memref<!tpu.dma_semaphore, #tpu.memory_space<semaphore_mem>>) src(%arg10 : memref<200x64xf32, #tpu.memory_space<vmem>>) dst(%dma_wait3A_200 : memref<200x64xf32, #tpu.memory_space<hbm>>)
      tpu.yield
    }) : () -> ()
    "tpu.region"() ({
      %run_scoped3A = tpu.sem_alloc : memref<!tpu.dma_semaphore, #tpu.memory_space<semaphore_mem>>
      %dma_start3A_193 = arith.constant 64 : i32
      %dma_start3A_194 = tpu.memref_slice %arg5[%add3A_19, %dma_start3A_193] : memref<76800x128xf32, #tpu.memory_space<hbm>> -> memref<200x64xf32, #tpu.memory_space<hbm>>
      %dma_start3A_195 = arith.constant 64 : i32
      %dma_start3A_196 = tpu.memref_slice %arg5[%add3A_19, %dma_start3A_195] : memref<76800x128xf32, #tpu.memory_space<hbm>> -> memref<200x64xf32, #tpu.memory_space<hbm>>
      tpu.enqueue_dma source(%arg11 : memref<200x64xf32, #tpu.memory_space<vmem>>) target(%dma_start3A_196 : memref<200x64xf32, #tpu.memory_space<hbm>>) target_semaphore(%run_scoped3A : memref<!tpu.dma_semaphore, #tpu.memory_space<semaphore_mem>>)
      %dma_wait3A_197 = arith.constant 64 : i32
      %dma_wait3A_198 = tpu.memref_slice %arg5[%add3A_19, %dma_wait3A_197] : memref<76800x128xf32, #tpu.memory_space<hbm>> -> memref<200x64xf32, #tpu.memory_space<hbm>>
      %dma_wait3A_199 = arith.constant 64 : i32
      %dma_wait3A_200 = tpu.memref_slice %arg5[%add3A_19, %dma_wait3A_199] : memref<76800x128xf32, #tpu.memory_space<hbm>> -> memref<200x64xf32, #tpu.memory_space<hbm>>
      tpu.wait_dma2 semaphore(%run_scoped3A : memref<!tpu.dma_semaphore, #tpu.memory_space<semaphore_mem>>) src(%arg11 : memref<200x64xf32, #tpu.memory_space<vmem>>) dst(%dma_wait3A_200 : memref<200x64xf32, #tpu.memory_space<hbm>>)
      tpu.yield
    }) : () -> ()
    %add3A_25 = arith.constant 400 : i32
    %add3A_26 = arith.addi %mul3A_2, %add3A_25 : i32
    "tpu.region"() ({
      %run_scoped3A = tpu.sem_alloc : memref<!tpu.dma_semaphore, #tpu.memory_space<semaphore_mem>>
      %dma_start3A_193 = tpu.memref_slice %arg3[%add3A_26] : memref<76800xi32, #tpu.memory_space<hbm>> -> memref<200xi32, #tpu.memory_space<hbm>>
      %dma_start3A_194 = tpu.memref_slice %arg3[%add3A_26] : memref<76800xi32, #tpu.memory_space<hbm>> -> memref<200xi32, #tpu.memory_space<hbm>>
      tpu.enqueue_dma source(%dma_start3A_194 : memref<200xi32, #tpu.memory_space<hbm>>) target(%arg6 : memref<200xi32, #tpu.memory_space<vmem>>) target_semaphore(%run_scoped3A : memref<!tpu.dma_semaphore, #tpu.memory_space<semaphore_mem>>)
      %dma_wait3A_195 = tpu.memref_slice %arg3[%add3A_26] : memref<76800xi32, #tpu.memory_space<hbm>> -> memref<200xi32, #tpu.memory_space<hbm>>
      %dma_wait3A_196 = tpu.memref_slice %arg3[%add3A_26] : memref<76800xi32, #tpu.memory_space<hbm>> -> memref<200xi32, #tpu.memory_space<hbm>>
      tpu.wait_dma2 semaphore(%run_scoped3A : memref<!tpu.dma_semaphore, #tpu.memory_space<semaphore_mem>>) src(%dma_wait3A_196 : memref<200xi32, #tpu.memory_space<hbm>>) dst(%arg6 : memref<200xi32, #tpu.memory_space<vmem>>)
      tpu.yield
    }) : () -> ()
    "tpu.region"() ({
      %run_scoped3A = tpu.sem_alloc : memref<!tpu.dma_semaphore, #tpu.memory_space<semaphore_mem>>
      %dma_start3A_193 = tpu.memref_slice %arg4[%add3A_26] : memref<76800xi32, #tpu.memory_space<hbm>> -> memref<200xi32, #tpu.memory_space<hbm>>
      %dma_start3A_194 = tpu.memref_slice %arg4[%add3A_26] : memref<76800xi32, #tpu.memory_space<hbm>> -> memref<200xi32, #tpu.memory_space<hbm>>
      tpu.enqueue_dma source(%dma_start3A_194 : memref<200xi32, #tpu.memory_space<hbm>>) target(%arg7 : memref<200xi32, #tpu.memory_space<vmem>>) target_semaphore(%run_scoped3A : memref<!tpu.dma_semaphore, #tpu.memory_space<semaphore_mem>>)
      %dma_wait3A_195 = tpu.memref_slice %arg4[%add3A_26] : memref<76800xi32, #tpu.memory_space<hbm>> -> memref<200xi32, #tpu.memory_space<hbm>>
      %dma_wait3A_196 = tpu.memref_slice %arg4[%add3A_26] : memref<76800xi32, #tpu.memory_space<hbm>> -> memref<200xi32, #tpu.memory_space<hbm>>
      tpu.wait_dma2 semaphore(%run_scoped3A : memref<!tpu.dma_semaphore, #tpu.memory_space<semaphore_mem>>) src(%dma_wait3A_196 : memref<200xi32, #tpu.memory_space<hbm>>) dst(%arg7 : memref<200xi32, #tpu.memory_space<vmem>>)
      tpu.yield
    }) : () -> ()
    %dma_start3A_27 = arith.constant 0 : i32
    %dma_start3A_28 = arith.constant 0 : i32
    %dma_start3A_29 = tpu.memref_slice %arg2[%dma_start3A_27, %dma_start3A_28] : memref<10000x64xf32, #tpu.memory_space<hbm>> -> memref<10000x64xf32, #tpu.memory_space<hbm>>
    tpu.enqueue_indirect_dma source(%dma_start3A_29 : memref<10000x64xf32, #tpu.memory_space<hbm>>) target(%arg10 : memref<200x64xf32, #tpu.memory_space<vmem>>) offsets(%arg6 : memref<200xi32, #tpu.memory_space<vmem>>) semaphore(%arg14 : memref<!tpu.dma_semaphore, #tpu.memory_space<semaphore_mem>>)
    %dma_start3A_30 = arith.constant 0 : i32
    %dma_start3A_31 = arith.constant 0 : i32
    %dma_start3A_32 = tpu.memref_slice %arg2[%dma_start3A_30, %dma_start3A_31] : memref<10000x64xf32, #tpu.memory_space<hbm>> -> memref<10000x64xf32, #tpu.memory_space<hbm>>
    tpu.enqueue_indirect_dma source(%dma_start3A_32 : memref<10000x64xf32, #tpu.memory_space<hbm>>) target(%arg11 : memref<200x64xf32, #tpu.memory_space<vmem>>) offsets(%arg7 : memref<200xi32, #tpu.memory_space<vmem>>) semaphore(%arg14 : memref<!tpu.dma_semaphore, #tpu.memory_space<semaphore_mem>>)
    %add3A_33 = arith.constant 200 : i32
    %add3A_34 = arith.addi %mul3A_2, %add3A_33 : i32
    %dma_wait3A_35 = arith.constant 0 : i32
    %dma_wait3A_36 = arith.constant 0 : i32
    %dma_wait3A_37 = tpu.memref_slice %arg2[%dma_wait3A_35, %dma_wait3A_36] : memref<10000x64xf32, #tpu.memory_space<hbm>> -> memref<10000x64xf32, #tpu.memory_space<hbm>>
    tpu.wait_indirect_dma semaphore(%arg15 : memref<!tpu.dma_semaphore, #tpu.memory_space<semaphore_mem>>) src(%dma_wait3A_37 : memref<10000x64xf32, #tpu.memory_space<hbm>>) dst(%arg12 : memref<200x64xf32, #tpu.memory_space<vmem>>)
    %dma_wait3A_38 = arith.constant 0 : i32
    %dma_wait3A_39 = arith.constant 0 : i32
    %dma_wait3A_40 = tpu.memref_slice %arg2[%dma_wait3A_38, %dma_wait3A_39] : memref<10000x64xf32, #tpu.memory_space<hbm>> -> memref<10000x64xf32, #tpu.memory_space<hbm>>
    tpu.wait_indirect_dma semaphore(%arg15 : memref<!tpu.dma_semaphore, #tpu.memory_space<semaphore_mem>>) src(%dma_wait3A_40 : memref<10000x64xf32, #tpu.memory_space<hbm>>) dst(%arg13 : memref<200x64xf32, #tpu.memory_space<vmem>>)
    "tpu.region"() ({
      %run_scoped3A = tpu.sem_alloc : memref<!tpu.dma_semaphore, #tpu.memory_space<semaphore_mem>>
      %dma_start3A_193 = arith.constant 0 : i32
      %dma_start3A_194 = tpu.memref_slice %arg5[%add3A_34, %dma_start3A_193] : memref<76800x128xf32, #tpu.memory_space<hbm>> -> memref<200x64xf32, #tpu.memory_space<hbm>>
      %dma_start3A_195 = arith.constant 0 : i32
      %dma_start3A_196 = tpu.memref_slice %arg5[%add3A_34, %dma_start3A_195] : memref<76800x128xf32, #tpu.memory_space<hbm>> -> memref<200x64xf32, #tpu.memory_space<hbm>>
      tpu.enqueue_dma source(%arg12 : memref<200x64xf32, #tpu.memory_space<vmem>>) target(%dma_start3A_196 : memref<200x64xf32, #tpu.memory_space<hbm>>) target_semaphore(%run_scoped3A : memref<!tpu.dma_semaphore, #tpu.memory_space<semaphore_mem>>)
      %dma_wait3A_197 = arith.constant 0 : i32
      %dma_wait3A_198 = tpu.memref_slice %arg5[%add3A_34, %dma_wait3A_197] : memref<76800x128xf32, #tpu.memory_space<hbm>> -> memref<200x64xf32, #tpu.memory_space<hbm>>
      %dma_wait3A_199 = arith.constant 0 : i32
      %dma_wait3A_200 = tpu.memref_slice %arg5[%add3A_34, %dma_wait3A_199] : memref<76800x128xf32, #tpu.memory_space<hbm>> -> memref<200x64xf32, #tpu.memory_space<hbm>>
      tpu.wait_dma2 semaphore(%run_scoped3A : memref<!tpu.dma_semaphore, #tpu.memory_space<semaphore_mem>>) src(%arg12 : memref<200x64xf32, #tpu.memory_space<vmem>>) dst(%dma_wait3A_200 : memref<200x64xf32, #tpu.memory_space<hbm>>)
      tpu.yield
    }) : () -> ()
    "tpu.region"() ({
      %run_scoped3A = tpu.sem_alloc : memref<!tpu.dma_semaphore, #tpu.memory_space<semaphore_mem>>
      %dma_start3A_193 = arith.constant 64 : i32
      %dma_start3A_194 = tpu.memref_slice %arg5[%add3A_34, %dma_start3A_193] : memref<76800x128xf32, #tpu.memory_space<hbm>> -> memref<200x64xf32, #tpu.memory_space<hbm>>
      %dma_start3A_195 = arith.constant 64 : i32
      %dma_start3A_196 = tpu.memref_slice %arg5[%add3A_34, %dma_start3A_195] : memref<76800x128xf32, #tpu.memory_space<hbm>> -> memref<200x64xf32, #tpu.memory_space<hbm>>
      tpu.enqueue_dma source(%arg13 : memref<200x64xf32, #tpu.memory_space<vmem>>) target(%dma_start3A_196 : memref<200x64xf32, #tpu.memory_space<hbm>>) target_semaphore(%run_scoped3A : memref<!tpu.dma_semaphore, #tpu.memory_space<semaphore_mem>>)
      %dma_wait3A_197 = arith.constant 64 : i32
      %dma_wait3A_198 = tpu.memref_slice %arg5[%add3A_34, %dma_wait3A_197] : memref<76800x128xf32, #tpu.memory_space<hbm>> -> memref<200x64xf32, #tpu.memory_space<hbm>>
      %dma_wait3A_199 = arith.constant 64 : i32
      %dma_wait3A_200 = tpu.memref_slice %arg5[%add3A_34, %dma_wait3A_199] : memref<76800x128xf32, #tpu.memory_space<hbm>> -> memref<200x64xf32, #tpu.memory_space<hbm>>
      tpu.wait_dma2 semaphore(%run_scoped3A : memref<!tpu.dma_semaphore, #tpu.memory_space<semaphore_mem>>) src(%arg13 : memref<200x64xf32, #tpu.memory_space<vmem>>) dst(%dma_wait3A_200 : memref<200x64xf32, #tpu.memory_space<hbm>>)
      tpu.yield
    }) : () -> ()
    %add3A_41 = arith.constant 600 : i32
    %add3A_42 = arith.addi %mul3A_2, %add3A_41 : i32
    "tpu.region"() ({
      %run_scoped3A = tpu.sem_alloc : memref<!tpu.dma_semaphore, #tpu.memory_space<semaphore_mem>>
      %dma_start3A_193 = tpu.memref_slice %arg3[%add3A_42] : memref<76800xi32, #tpu.memory_space<hbm>> -> memref<200xi32, #tpu.memory_space<hbm>>
      %dma_start3A_194 = tpu.memref_slice %arg3[%add3A_42] : memref<76800xi32, #tpu.memory_space<hbm>> -> memref<200xi32, #tpu.memory_space<hbm>>
      tpu.enqueue_dma source(%dma_start3A_194 : memref<200xi32, #tpu.memory_space<hbm>>) target(%arg8 : memref<200xi32, #tpu.memory_space<vmem>>) target_semaphore(%run_scoped3A : memref<!tpu.dma_semaphore, #tpu.memory_space<semaphore_mem>>)
      %dma_wait3A_195 = tpu.memref_slice %arg3[%add3A_42] : memref<76800xi32, #tpu.memory_space<hbm>> -> memref<200xi32, #tpu.memory_space<hbm>>
      %dma_wait3A_196 = tpu.memref_slice %arg3[%add3A_42] : memref<76800xi32, #tpu.memory_space<hbm>> -> memref<200xi32, #tpu.memory_space<hbm>>
      tpu.wait_dma2 semaphore(%run_scoped3A : memref<!tpu.dma_semaphore, #tpu.memory_space<semaphore_mem>>) src(%dma_wait3A_196 : memref<200xi32, #tpu.memory_space<hbm>>) dst(%arg8 : memref<200xi32, #tpu.memory_space<vmem>>)
      tpu.yield
    }) : () -> ()
    "tpu.region"() ({
      %run_scoped3A = tpu.sem_alloc : memref<!tpu.dma_semaphore, #tpu.memory_space<semaphore_mem>>
      %dma_start3A_193 = tpu.memref_slice %arg4[%add3A_42] : memref<76800xi32, #tpu.memory_space<hbm>> -> memref<200xi32, #tpu.memory_space<hbm>>
      %dma_start3A_194 = tpu.memref_slice %arg4[%add3A_42] : memref<76800xi32, #tpu.memory_space<hbm>> -> memref<200xi32, #tpu.memory_space<hbm>>
      tpu.enqueue_dma source(%dma_start3A_194 : memref<200xi32, #tpu.memory_space<hbm>>) target(%arg9 : memref<200xi32, #tpu.memory_space<vmem>>) target_semaphore(%run_scoped3A : memref<!tpu.dma_semaphore, #tpu.memory_space<semaphore_mem>>)
      %dma_wait3A_195 = tpu.memref_slice %arg4[%add3A_42] : memref<76800xi32, #tpu.memory_space<hbm>> -> memref<200xi32, #tpu.memory_space<hbm>>
      %dma_wait3A_196 = tpu.memref_slice %arg4[%add3A_42] : memref<76800xi32, #tpu.memory_space<hbm>> -> memref<200xi32, #tpu.memory_space<hbm>>
      tpu.wait_dma2 semaphore(%run_scoped3A : memref<!tpu.dma_semaphore, #tpu.memory_space<semaphore_mem>>) src(%dma_wait3A_196 : memref<200xi32, #tpu.memory_space<hbm>>) dst(%arg9 : memref<200xi32, #tpu.memory_space<vmem>>)
      tpu.yield
    }) : () -> ()
    %dma_start3A_43 = arith.constant 0 : i32
    %dma_start3A_44 = arith.constant 0 : i32
    %dma_start3A_45 = tpu.memref_slice %arg2[%dma_start3A_43, %dma_start3A_44] : memref<10000x64xf32, #tpu.memory_space<hbm>> -> memref<10000x64xf32, #tpu.memory_space<hbm>>
    tpu.enqueue_indirect_dma source(%dma_start3A_45 : memref<10000x64xf32, #tpu.memory_space<hbm>>) target(%arg12 : memref<200x64xf32, #tpu.memory_space<vmem>>) offsets(%arg8 : memref<200xi32, #tpu.memory_space<vmem>>) semaphore(%arg15 : memref<!tpu.dma_semaphore, #tpu.memory_space<semaphore_mem>>)
    %dma_start3A_46 = arith.constant 0 : i32
    %dma_start3A_47 = arith.constant 0 : i32
    %dma_start3A_48 = tpu.memref_slice %arg2[%dma_start3A_46, %dma_start3A_47] : memref<10000x64xf32, #tpu.memory_space<hbm>> -> memref<10000x64xf32, #tpu.memory_space<hbm>>
    tpu.enqueue_indirect_dma source(%dma_start3A_48 : memref<10000x64xf32, #tpu.memory_space<hbm>>) target(%arg13 : memref<200x64xf32, #tpu.memory_space<vmem>>) offsets(%arg9 : memref<200xi32, #tpu.memory_space<vmem>>) semaphore(%arg15 : memref<!tpu.dma_semaphore, #tpu.memory_space<semaphore_mem>>)
    %add3A_49 = arith.constant 400 : i32
    %add3A_50 = arith.addi %mul3A_2, %add3A_49 : i32
    %dma_wait3A_51 = arith.constant 0 : i32
    %dma_wait3A_52 = arith.constant 0 : i32
    %dma_wait3A_53 = tpu.memref_slice %arg2[%dma_wait3A_51, %dma_wait3A_52] : memref<10000x64xf32, #tpu.memory_space<hbm>> -> memref<10000x64xf32, #tpu.memory_space<hbm>>
    tpu.wait_indirect_dma semaphore(%arg14 : memref<!tpu.dma_semaphore, #tpu.memory_space<semaphore_mem>>) src(%dma_wait3A_53 : memref<10000x64xf32, #tpu.memory_space<hbm>>) dst(%arg10 : memref<200x64xf32, #tpu.memory_space<vmem>>)
    %dma_wait3A_54 = arith.constant 0 : i32
    %dma_wait3A_55 = arith.constant 0 : i32
    %dma_wait3A_56 = tpu.memref_slice %arg2[%dma_wait3A_54, %dma_wait3A_55] : memref<10000x64xf32, #tpu.memory_space<hbm>> -> memref<10000x64xf32, #tpu.memory_space<hbm>>
    tpu.wait_indirect_dma semaphore(%arg14 : memref<!tpu.dma_semaphore, #tpu.memory_space<semaphore_mem>>) src(%dma_wait3A_56 : memref<10000x64xf32, #tpu.memory_space<hbm>>) dst(%arg11 : memref<200x64xf32, #tpu.memory_space<vmem>>)
    "tpu.region"() ({
      %run_scoped3A = tpu.sem_alloc : memref<!tpu.dma_semaphore, #tpu.memory_space<semaphore_mem>>
      %dma_start3A_193 = arith.constant 0 : i32
      %dma_start3A_194 = tpu.memref_slice %arg5[%add3A_50, %dma_start3A_193] : memref<76800x128xf32, #tpu.memory_space<hbm>> -> memref<200x64xf32, #tpu.memory_space<hbm>>
      %dma_start3A_195 = arith.constant 0 : i32
      %dma_start3A_196 = tpu.memref_slice %arg5[%add3A_50, %dma_start3A_195] : memref<76800x128xf32, #tpu.memory_space<hbm>> -> memref<200x64xf32, #tpu.memory_space<hbm>>
      tpu.enqueue_dma source(%arg10 : memref<200x64xf32, #tpu.memory_space<vmem>>) target(%dma_start3A_196 : memref<200x64xf32, #tpu.memory_space<hbm>>) target_semaphore(%run_scoped3A : memref<!tpu.dma_semaphore, #tpu.memory_space<semaphore_mem>>)
      %dma_wait3A_197 = arith.constant 0 : i32
      %dma_wait3A_198 = tpu.memref_slice %arg5[%add3A_50, %dma_wait3A_197] : memref<76800x128xf32, #tpu.memory_space<hbm>> -> memref<200x64xf32, #tpu.memory_space<hbm>>
      %dma_wait3A_199 = arith.constant 0 : i32
      %dma_wait3A_200 = tpu.memref_slice %arg5[%add3A_50, %dma_wait3A_199] : memref<76800x128xf32, #tpu.memory_space<hbm>> -> memref<200x64xf32, #tpu.memory_space<hbm>>
      tpu.wait_dma2 semaphore(%run_scoped3A : memref<!tpu.dma_semaphore, #tpu.memory_space<semaphore_mem>>) src(%arg10 : memref<200x64xf32, #tpu.memory_space<vmem>>) dst(%dma_wait3A_200 : memref<200x64xf32, #tpu.memory_space<hbm>>)
      tpu.yield
    }) : () -> ()
    "tpu.region"() ({
      %run_scoped3A = tpu.sem_alloc : memref<!tpu.dma_semaphore, #tpu.memory_space<semaphore_mem>>
      %dma_start3A_193 = arith.constant 64 : i32
      %dma_start3A_194 = tpu.memref_slice %arg5[%add3A_50, %dma_start3A_193] : memref<76800x128xf32, #tpu.memory_space<hbm>> -> memref<200x64xf32, #tpu.memory_space<hbm>>
      %dma_start3A_195 = arith.constant 64 : i32
      %dma_start3A_196 = tpu.memref_slice %arg5[%add3A_50, %dma_start3A_195] : memref<76800x128xf32, #tpu.memory_space<hbm>> -> memref<200x64xf32, #tpu.memory_space<hbm>>
      tpu.enqueue_dma source(%arg11 : memref<200x64xf32, #tpu.memory_space<vmem>>) target(%dma_start3A_196 : memref<200x64xf32, #tpu.memory_space<hbm>>) target_semaphore(%run_scoped3A : memref<!tpu.dma_semaphore, #tpu.memory_space<semaphore_mem>>)
      %dma_wait3A_197 = arith.constant 64 : i32
      %dma_wait3A_198 = tpu.memref_slice %arg5[%add3A_50, %dma_wait3A_197] : memref<76800x128xf32, #tpu.memory_space<hbm>> -> memref<200x64xf32, #tpu.memory_space<hbm>>
      %dma_wait3A_199 = arith.constant 64 : i32
      %dma_wait3A_200 = tpu.memref_slice %arg5[%add3A_50, %dma_wait3A_199] : memref<76800x128xf32, #tpu.memory_space<hbm>> -> memref<200x64xf32, #tpu.memory_space<hbm>>
      tpu.wait_dma2 semaphore(%run_scoped3A : memref<!tpu.dma_semaphore, #tpu.memory_space<semaphore_mem>>) src(%arg11 : memref<200x64xf32, #tpu.memory_space<vmem>>) dst(%dma_wait3A_200 : memref<200x64xf32, #tpu.memory_space<hbm>>)
      tpu.yield
    }) : () -> ()
    %add3A_57 = arith.constant 800 : i32
    %add3A_58 = arith.addi %mul3A_2, %add3A_57 : i32
    "tpu.region"() ({
      %run_scoped3A = tpu.sem_alloc : memref<!tpu.dma_semaphore, #tpu.memory_space<semaphore_mem>>
      %dma_start3A_193 = tpu.memref_slice %arg3[%add3A_58] : memref<76800xi32, #tpu.memory_space<hbm>> -> memref<200xi32, #tpu.memory_space<hbm>>
      %dma_start3A_194 = tpu.memref_slice %arg3[%add3A_58] : memref<76800xi32, #tpu.memory_space<hbm>> -> memref<200xi32, #tpu.memory_space<hbm>>
      tpu.enqueue_dma source(%dma_start3A_194 : memref<200xi32, #tpu.memory_space<hbm>>) target(%arg6 : memref<200xi32, #tpu.memory_space<vmem>>) target_semaphore(%run_scoped3A : memref<!tpu.dma_semaphore, #tpu.memory_space<semaphore_mem>>)
      %dma_wait3A_195 = tpu.memref_slice %arg3[%add3A_58] : memref<76800xi32, #tpu.memory_space<hbm>> -> memref<200xi32, #tpu.memory_space<hbm>>
      %dma_wait3A_196 = tpu.memref_slice %arg3[%add3A_58] : memref<76800xi32, #tpu.memory_space<hbm>> -> memref<200xi32, #tpu.memory_space<hbm>>
      tpu.wait_dma2 semaphore(%run_scoped3A : memref<!tpu.dma_semaphore, #tpu.memory_space<semaphore_mem>>) src(%dma_wait3A_196 : memref<200xi32, #tpu.memory_space<hbm>>) dst(%arg6 : memref<200xi32, #tpu.memory_space<vmem>>)
      tpu.yield
    }) : () -> ()
    "tpu.region"() ({
      %run_scoped3A = tpu.sem_alloc : memref<!tpu.dma_semaphore, #tpu.memory_space<semaphore_mem>>
      %dma_start3A_193 = tpu.memref_slice %arg4[%add3A_58] : memref<76800xi32, #tpu.memory_space<hbm>> -> memref<200xi32, #tpu.memory_space<hbm>>
      %dma_start3A_194 = tpu.memref_slice %arg4[%add3A_58] : memref<76800xi32, #tpu.memory_space<hbm>> -> memref<200xi32, #tpu.memory_space<hbm>>
      tpu.enqueue_dma source(%dma_start3A_194 : memref<200xi32, #tpu.memory_space<hbm>>) target(%arg7 : memref<200xi32, #tpu.memory_space<vmem>>) target_semaphore(%run_scoped3A : memref<!tpu.dma_semaphore, #tpu.memory_space<semaphore_mem>>)
      %dma_wait3A_195 = tpu.memref_slice %arg4[%add3A_58] : memref<76800xi32, #tpu.memory_space<hbm>> -> memref<200xi32, #tpu.memory_space<hbm>>
      %dma_wait3A_196 = tpu.memref_slice %arg4[%add3A_58] : memref<76800xi32, #tpu.memory_space<hbm>> -> memref<200xi32, #tpu.memory_space<hbm>>
      tpu.wait_dma2 semaphore(%run_scoped3A : memref<!tpu.dma_semaphore, #tpu.memory_space<semaphore_mem>>) src(%dma_wait3A_196 : memref<200xi32, #tpu.memory_space<hbm>>) dst(%arg7 : memref<200xi32, #tpu.memory_space<vmem>>)
      tpu.yield
    }) : () -> ()
    %dma_start3A_59 = arith.constant 0 : i32
    %dma_start3A_60 = arith.constant 0 : i32
    %dma_start3A_61 = tpu.memref_slice %arg2[%dma_start3A_59, %dma_start3A_60] : memref<10000x64xf32, #tpu.memory_space<hbm>> -> memref<10000x64xf32, #tpu.memory_space<hbm>>
    tpu.enqueue_indirect_dma source(%dma_start3A_61 : memref<10000x64xf32, #tpu.memory_space<hbm>>) target(%arg10 : memref<200x64xf32, #tpu.memory_space<vmem>>) offsets(%arg6 : memref<200xi32, #tpu.memory_space<vmem>>) semaphore(%arg14 : memref<!tpu.dma_semaphore, #tpu.memory_space<semaphore_mem>>)
    %dma_start3A_62 = arith.constant 0 : i32
    %dma_start3A_63 = arith.constant 0 : i32
    %dma_start3A_64 = tpu.memref_slice %arg2[%dma_start3A_62, %dma_start3A_63] : memref<10000x64xf32, #tpu.memory_space<hbm>> -> memref<10000x64xf32, #tpu.memory_space<hbm>>
    tpu.enqueue_indirect_dma source(%dma_start3A_64 : memref<10000x64xf32, #tpu.memory_space<hbm>>) target(%arg11 : memref<200x64xf32, #tpu.memory_space<vmem>>) offsets(%arg7 : memref<200xi32, #tpu.memory_space<vmem>>) semaphore(%arg14 : memref<!tpu.dma_semaphore, #tpu.memory_space<semaphore_mem>>)
    %add3A_65 = arith.constant 600 : i32
    %add3A_66 = arith.addi %mul3A_2, %add3A_65 : i32
    %dma_wait3A_67 = arith.constant 0 : i32
    %dma_wait3A_68 = arith.constant 0 : i32
    %dma_wait3A_69 = tpu.memref_slice %arg2[%dma_wait3A_67, %dma_wait3A_68] : memref<10000x64xf32, #tpu.memory_space<hbm>> -> memref<10000x64xf32, #tpu.memory_space<hbm>>
    tpu.wait_indirect_dma semaphore(%arg15 : memref<!tpu.dma_semaphore, #tpu.memory_space<semaphore_mem>>) src(%dma_wait3A_69 : memref<10000x64xf32, #tpu.memory_space<hbm>>) dst(%arg12 : memref<200x64xf32, #tpu.memory_space<vmem>>)
    %dma_wait3A_70 = arith.constant 0 : i32
    %dma_wait3A_71 = arith.constant 0 : i32
    %dma_wait3A_72 = tpu.memref_slice %arg2[%dma_wait3A_70, %dma_wait3A_71] : memref<10000x64xf32, #tpu.memory_space<hbm>> -> memref<10000x64xf32, #tpu.memory_space<hbm>>
    tpu.wait_indirect_dma semaphore(%arg15 : memref<!tpu.dma_semaphore, #tpu.memory_space<semaphore_mem>>) src(%dma_wait3A_72 : memref<10000x64xf32, #tpu.memory_space<hbm>>) dst(%arg13 : memref<200x64xf32, #tpu.memory_space<vmem>>)
    "tpu.region"() ({
      %run_scoped3A = tpu.sem_alloc : memref<!tpu.dma_semaphore, #tpu.memory_space<semaphore_mem>>
      %dma_start3A_193 = arith.constant 0 : i32
      %dma_start3A_194 = tpu.memref_slice %arg5[%add3A_66, %dma_start3A_193] : memref<76800x128xf32, #tpu.memory_space<hbm>> -> memref<200x64xf32, #tpu.memory_space<hbm>>
      %dma_start3A_195 = arith.constant 0 : i32
      %dma_start3A_196 = tpu.memref_slice %arg5[%add3A_66, %dma_start3A_195] : memref<76800x128xf32, #tpu.memory_space<hbm>> -> memref<200x64xf32, #tpu.memory_space<hbm>>
      tpu.enqueue_dma source(%arg12 : memref<200x64xf32, #tpu.memory_space<vmem>>) target(%dma_start3A_196 : memref<200x64xf32, #tpu.memory_space<hbm>>) target_semaphore(%run_scoped3A : memref<!tpu.dma_semaphore, #tpu.memory_space<semaphore_mem>>)
      %dma_wait3A_197 = arith.constant 0 : i32
      %dma_wait3A_198 = tpu.memref_slice %arg5[%add3A_66, %dma_wait3A_197] : memref<76800x128xf32, #tpu.memory_space<hbm>> -> memref<200x64xf32, #tpu.memory_space<hbm>>
      %dma_wait3A_199 = arith.constant 0 : i32
      %dma_wait3A_200 = tpu.memref_slice %arg5[%add3A_66, %dma_wait3A_199] : memref<76800x128xf32, #tpu.memory_space<hbm>> -> memref<200x64xf32, #tpu.memory_space<hbm>>
      tpu.wait_dma2 semaphore(%run_scoped3A : memref<!tpu.dma_semaphore, #tpu.memory_space<semaphore_mem>>) src(%arg12 : memref<200x64xf32, #tpu.memory_space<vmem>>) dst(%dma_wait3A_200 : memref<200x64xf32, #tpu.memory_space<hbm>>)
      tpu.yield
    }) : () -> ()
    "tpu.region"() ({
      %run_scoped3A = tpu.sem_alloc : memref<!tpu.dma_semaphore, #tpu.memory_space<semaphore_mem>>
      %dma_start3A_193 = arith.constant 64 : i32
      %dma_start3A_194 = tpu.memref_slice %arg5[%add3A_66, %dma_start3A_193] : memref<76800x128xf32, #tpu.memory_space<hbm>> -> memref<200x64xf32, #tpu.memory_space<hbm>>
      %dma_start3A_195 = arith.constant 64 : i32
      %dma_start3A_196 = tpu.memref_slice %arg5[%add3A_66, %dma_start3A_195] : memref<76800x128xf32, #tpu.memory_space<hbm>> -> memref<200x64xf32, #tpu.memory_space<hbm>>
      tpu.enqueue_dma source(%arg13 : memref<200x64xf32, #tpu.memory_space<vmem>>) target(%dma_start3A_196 : memref<200x64xf32, #tpu.memory_space<hbm>>) target_semaphore(%run_scoped3A : memref<!tpu.dma_semaphore, #tpu.memory_space<semaphore_mem>>)
      %dma_wait3A_197 = arith.constant 64 : i32
      %dma_wait3A_198 = tpu.memref_slice %arg5[%add3A_66, %dma_wait3A_197] : memref<76800x128xf32, #tpu.memory_space<hbm>> -> memref<200x64xf32, #tpu.memory_space<hbm>>
      %dma_wait3A_199 = arith.constant 64 : i32
      %dma_wait3A_200 = tpu.memref_slice %arg5[%add3A_66, %dma_wait3A_199] : memref<76800x128xf32, #tpu.memory_space<hbm>> -> memref<200x64xf32, #tpu.memory_space<hbm>>
      tpu.wait_dma2 semaphore(%run_scoped3A : memref<!tpu.dma_semaphore, #tpu.memory_space<semaphore_mem>>) src(%arg13 : memref<200x64xf32, #tpu.memory_space<vmem>>) dst(%dma_wait3A_200 : memref<200x64xf32, #tpu.memory_space<hbm>>)
      tpu.yield
    }) : () -> ()
    %add3A_73 = arith.constant 1000 : i32
    %add3A_74 = arith.addi %mul3A_2, %add3A_73 : i32
    "tpu.region"() ({
      %run_scoped3A = tpu.sem_alloc : memref<!tpu.dma_semaphore, #tpu.memory_space<semaphore_mem>>
      %dma_start3A_193 = tpu.memref_slice %arg3[%add3A_74] : memref<76800xi32, #tpu.memory_space<hbm>> -> memref<200xi32, #tpu.memory_space<hbm>>
      %dma_start3A_194 = tpu.memref_slice %arg3[%add3A_74] : memref<76800xi32, #tpu.memory_space<hbm>> -> memref<200xi32, #tpu.memory_space<hbm>>
      tpu.enqueue_dma source(%dma_start3A_194 : memref<200xi32, #tpu.memory_space<hbm>>) target(%arg8 : memref<200xi32, #tpu.memory_space<vmem>>) target_semaphore(%run_scoped3A : memref<!tpu.dma_semaphore, #tpu.memory_space<semaphore_mem>>)
      %dma_wait3A_195 = tpu.memref_slice %arg3[%add3A_74] : memref<76800xi32, #tpu.memory_space<hbm>> -> memref<200xi32, #tpu.memory_space<hbm>>
      %dma_wait3A_196 = tpu.memref_slice %arg3[%add3A_74] : memref<76800xi32, #tpu.memory_space<hbm>> -> memref<200xi32, #tpu.memory_space<hbm>>
      tpu.wait_dma2 semaphore(%run_scoped3A : memref<!tpu.dma_semaphore, #tpu.memory_space<semaphore_mem>>) src(%dma_wait3A_196 : memref<200xi32, #tpu.memory_space<hbm>>) dst(%arg8 : memref<200xi32, #tpu.memory_space<vmem>>)
      tpu.yield
    }) : () -> ()
    "tpu.region"() ({
      %run_scoped3A = tpu.sem_alloc : memref<!tpu.dma_semaphore, #tpu.memory_space<semaphore_mem>>
      %dma_start3A_193 = tpu.memref_slice %arg4[%add3A_74] : memref<76800xi32, #tpu.memory_space<hbm>> -> memref<200xi32, #tpu.memory_space<hbm>>
      %dma_start3A_194 = tpu.memref_slice %arg4[%add3A_74] : memref<76800xi32, #tpu.memory_space<hbm>> -> memref<200xi32, #tpu.memory_space<hbm>>
      tpu.enqueue_dma source(%dma_start3A_194 : memref<200xi32, #tpu.memory_space<hbm>>) target(%arg9 : memref<200xi32, #tpu.memory_space<vmem>>) target_semaphore(%run_scoped3A : memref<!tpu.dma_semaphore, #tpu.memory_space<semaphore_mem>>)
      %dma_wait3A_195 = tpu.memref_slice %arg4[%add3A_74] : memref<76800xi32, #tpu.memory_space<hbm>> -> memref<200xi32, #tpu.memory_space<hbm>>
      %dma_wait3A_196 = tpu.memref_slice %arg4[%add3A_74] : memref<76800xi32, #tpu.memory_space<hbm>> -> memref<200xi32, #tpu.memory_space<hbm>>
      tpu.wait_dma2 semaphore(%run_scoped3A : memref<!tpu.dma_semaphore, #tpu.memory_space<semaphore_mem>>) src(%dma_wait3A_196 : memref<200xi32, #tpu.memory_space<hbm>>) dst(%arg9 : memref<200xi32, #tpu.memory_space<vmem>>)
      tpu.yield
    }) : () -> ()
    %dma_start3A_75 = arith.constant 0 : i32
    %dma_start3A_76 = arith.constant 0 : i32
    %dma_start3A_77 = tpu.memref_slice %arg2[%dma_start3A_75, %dma_start3A_76] : memref<10000x64xf32, #tpu.memory_space<hbm>> -> memref<10000x64xf32, #tpu.memory_space<hbm>>
    tpu.enqueue_indirect_dma source(%dma_start3A_77 : memref<10000x64xf32, #tpu.memory_space<hbm>>) target(%arg12 : memref<200x64xf32, #tpu.memory_space<vmem>>) offsets(%arg8 : memref<200xi32, #tpu.memory_space<vmem>>) semaphore(%arg15 : memref<!tpu.dma_semaphore, #tpu.memory_space<semaphore_mem>>)
    %dma_start3A_78 = arith.constant 0 : i32
    %dma_start3A_79 = arith.constant 0 : i32
    %dma_start3A_80 = tpu.memref_slice %arg2[%dma_start3A_78, %dma_start3A_79] : memref<10000x64xf32, #tpu.memory_space<hbm>> -> memref<10000x64xf32, #tpu.memory_space<hbm>>
    tpu.enqueue_indirect_dma source(%dma_start3A_80 : memref<10000x64xf32, #tpu.memory_space<hbm>>) target(%arg13 : memref<200x64xf32, #tpu.memory_space<vmem>>) offsets(%arg9 : memref<200xi32, #tpu.memory_space<vmem>>) semaphore(%arg15 : memref<!tpu.dma_semaphore, #tpu.memory_space<semaphore_mem>>)
    %add3A_81 = arith.constant 800 : i32
    %add3A_82 = arith.addi %mul3A_2, %add3A_81 : i32
    %dma_wait3A_83 = arith.constant 0 : i32
    %dma_wait3A_84 = arith.constant 0 : i32
    %dma_wait3A_85 = tpu.memref_slice %arg2[%dma_wait3A_83, %dma_wait3A_84] : memref<10000x64xf32, #tpu.memory_space<hbm>> -> memref<10000x64xf32, #tpu.memory_space<hbm>>
    tpu.wait_indirect_dma semaphore(%arg14 : memref<!tpu.dma_semaphore, #tpu.memory_space<semaphore_mem>>) src(%dma_wait3A_85 : memref<10000x64xf32, #tpu.memory_space<hbm>>) dst(%arg10 : memref<200x64xf32, #tpu.memory_space<vmem>>)
    %dma_wait3A_86 = arith.constant 0 : i32
    %dma_wait3A_87 = arith.constant 0 : i32
    %dma_wait3A_88 = tpu.memref_slice %arg2[%dma_wait3A_86, %dma_wait3A_87] : memref<10000x64xf32, #tpu.memory_space<hbm>> -> memref<10000x64xf32, #tpu.memory_space<hbm>>
    tpu.wait_indirect_dma semaphore(%arg14 : memref<!tpu.dma_semaphore, #tpu.memory_space<semaphore_mem>>) src(%dma_wait3A_88 : memref<10000x64xf32, #tpu.memory_space<hbm>>) dst(%arg11 : memref<200x64xf32, #tpu.memory_space<vmem>>)
    "tpu.region"() ({
      %run_scoped3A = tpu.sem_alloc : memref<!tpu.dma_semaphore, #tpu.memory_space<semaphore_mem>>
      %dma_start3A_193 = arith.constant 0 : i32
      %dma_start3A_194 = tpu.memref_slice %arg5[%add3A_82, %dma_start3A_193] : memref<76800x128xf32, #tpu.memory_space<hbm>> -> memref<200x64xf32, #tpu.memory_space<hbm>>
      %dma_start3A_195 = arith.constant 0 : i32
      %dma_start3A_196 = tpu.memref_slice %arg5[%add3A_82, %dma_start3A_195] : memref<76800x128xf32, #tpu.memory_space<hbm>> -> memref<200x64xf32, #tpu.memory_space<hbm>>
      tpu.enqueue_dma source(%arg10 : memref<200x64xf32, #tpu.memory_space<vmem>>) target(%dma_start3A_196 : memref<200x64xf32, #tpu.memory_space<hbm>>) target_semaphore(%run_scoped3A : memref<!tpu.dma_semaphore, #tpu.memory_space<semaphore_mem>>)
      %dma_wait3A_197 = arith.constant 0 : i32
      %dma_wait3A_198 = tpu.memref_slice %arg5[%add3A_82, %dma_wait3A_197] : memref<76800x128xf32, #tpu.memory_space<hbm>> -> memref<200x64xf32, #tpu.memory_space<hbm>>
      %dma_wait3A_199 = arith.constant 0 : i32
      %dma_wait3A_200 = tpu.memref_slice %arg5[%add3A_82, %dma_wait3A_199] : memref<76800x128xf32, #tpu.memory_space<hbm>> -> memref<200x64xf32, #tpu.memory_space<hbm>>
      tpu.wait_dma2 semaphore(%run_scoped3A : memref<!tpu.dma_semaphore, #tpu.memory_space<semaphore_mem>>) src(%arg10 : memref<200x64xf32, #tpu.memory_space<vmem>>) dst(%dma_wait3A_200 : memref<200x64xf32, #tpu.memory_space<hbm>>)
      tpu.yield
    }) : () -> ()
    "tpu.region"() ({
      %run_scoped3A = tpu.sem_alloc : memref<!tpu.dma_semaphore, #tpu.memory_space<semaphore_mem>>
      %dma_start3A_193 = arith.constant 64 : i32
      %dma_start3A_194 = tpu.memref_slice %arg5[%add3A_82, %dma_start3A_193] : memref<76800x128xf32, #tpu.memory_space<hbm>> -> memref<200x64xf32, #tpu.memory_space<hbm>>
      %dma_start3A_195 = arith.constant 64 : i32
      %dma_start3A_196 = tpu.memref_slice %arg5[%add3A_82, %dma_start3A_195] : memref<76800x128xf32, #tpu.memory_space<hbm>> -> memref<200x64xf32, #tpu.memory_space<hbm>>
      tpu.enqueue_dma source(%arg11 : memref<200x64xf32, #tpu.memory_space<vmem>>) target(%dma_start3A_196 : memref<200x64xf32, #tpu.memory_space<hbm>>) target_semaphore(%run_scoped3A : memref<!tpu.dma_semaphore, #tpu.memory_space<semaphore_mem>>)
      %dma_wait3A_197 = arith.constant 64 : i32
      %dma_wait3A_198 = tpu.memref_slice %arg5[%add3A_82, %dma_wait3A_197] : memref<76800x128xf32, #tpu.memory_space<hbm>> -> memref<200x64xf32, #tpu.memory_space<hbm>>
      %dma_wait3A_199 = arith.constant 64 : i32
      %dma_wait3A_200 = tpu.memref_slice %arg5[%add3A_82, %dma_wait3A_199] : memref<76800x128xf32, #tpu.memory_space<hbm>> -> memref<200x64xf32, #tpu.memory_space<hbm>>
      tpu.wait_dma2 semaphore(%run_scoped3A : memref<!tpu.dma_semaphore, #tpu.memory_space<semaphore_mem>>) src(%arg11 : memref<200x64xf32, #tpu.memory_space<vmem>>) dst(%dma_wait3A_200 : memref<200x64xf32, #tpu.memory_space<hbm>>)
      tpu.yield
    }) : () -> ()
    %add3A_89 = arith.constant 1200 : i32
    %add3A_90 = arith.addi %mul3A_2, %add3A_89 : i32
    "tpu.region"() ({
      %run_scoped3A = tpu.sem_alloc : memref<!tpu.dma_semaphore, #tpu.memory_space<semaphore_mem>>
      %dma_start3A_193 = tpu.memref_slice %arg3[%add3A_90] : memref<76800xi32, #tpu.memory_space<hbm>> -> memref<200xi32, #tpu.memory_space<hbm>>
      %dma_start3A_194 = tpu.memref_slice %arg3[%add3A_90] : memref<76800xi32, #tpu.memory_space<hbm>> -> memref<200xi32, #tpu.memory_space<hbm>>
      tpu.enqueue_dma source(%dma_start3A_194 : memref<200xi32, #tpu.memory_space<hbm>>) target(%arg6 : memref<200xi32, #tpu.memory_space<vmem>>) target_semaphore(%run_scoped3A : memref<!tpu.dma_semaphore, #tpu.memory_space<semaphore_mem>>)
      %dma_wait3A_195 = tpu.memref_slice %arg3[%add3A_90] : memref<76800xi32, #tpu.memory_space<hbm>> -> memref<200xi32, #tpu.memory_space<hbm>>
      %dma_wait3A_196 = tpu.memref_slice %arg3[%add3A_90] : memref<76800xi32, #tpu.memory_space<hbm>> -> memref<200xi32, #tpu.memory_space<hbm>>
      tpu.wait_dma2 semaphore(%run_scoped3A : memref<!tpu.dma_semaphore, #tpu.memory_space<semaphore_mem>>) src(%dma_wait3A_196 : memref<200xi32, #tpu.memory_space<hbm>>) dst(%arg6 : memref<200xi32, #tpu.memory_space<vmem>>)
      tpu.yield
    }) : () -> ()
    "tpu.region"() ({
      %run_scoped3A = tpu.sem_alloc : memref<!tpu.dma_semaphore, #tpu.memory_space<semaphore_mem>>
      %dma_start3A_193 = tpu.memref_slice %arg4[%add3A_90] : memref<76800xi32, #tpu.memory_space<hbm>> -> memref<200xi32, #tpu.memory_space<hbm>>
      %dma_start3A_194 = tpu.memref_slice %arg4[%add3A_90] : memref<76800xi32, #tpu.memory_space<hbm>> -> memref<200xi32, #tpu.memory_space<hbm>>
      tpu.enqueue_dma source(%dma_start3A_194 : memref<200xi32, #tpu.memory_space<hbm>>) target(%arg7 : memref<200xi32, #tpu.memory_space<vmem>>) target_semaphore(%run_scoped3A : memref<!tpu.dma_semaphore, #tpu.memory_space<semaphore_mem>>)
      %dma_wait3A_195 = tpu.memref_slice %arg4[%add3A_90] : memref<76800xi32, #tpu.memory_space<hbm>> -> memref<200xi32, #tpu.memory_space<hbm>>
      %dma_wait3A_196 = tpu.memref_slice %arg4[%add3A_90] : memref<76800xi32, #tpu.memory_space<hbm>> -> memref<200xi32, #tpu.memory_space<hbm>>
      tpu.wait_dma2 semaphore(%run_scoped3A : memref<!tpu.dma_semaphore, #tpu.memory_space<semaphore_mem>>) src(%dma_wait3A_196 : memref<200xi32, #tpu.memory_space<hbm>>) dst(%arg7 : memref<200xi32, #tpu.memory_space<vmem>>)
      tpu.yield
    }) : () -> ()
    %dma_start3A_91 = arith.constant 0 : i32
    %dma_start3A_92 = arith.constant 0 : i32
    %dma_start3A_93 = tpu.memref_slice %arg2[%dma_start3A_91, %dma_start3A_92] : memref<10000x64xf32, #tpu.memory_space<hbm>> -> memref<10000x64xf32, #tpu.memory_space<hbm>>
    tpu.enqueue_indirect_dma source(%dma_start3A_93 : memref<10000x64xf32, #tpu.memory_space<hbm>>) target(%arg10 : memref<200x64xf32, #tpu.memory_space<vmem>>) offsets(%arg6 : memref<200xi32, #tpu.memory_space<vmem>>) semaphore(%arg14 : memref<!tpu.dma_semaphore, #tpu.memory_space<semaphore_mem>>)
    %dma_start3A_94 = arith.constant 0 : i32
    %dma_start3A_95 = arith.constant 0 : i32
    %dma_start3A_96 = tpu.memref_slice %arg2[%dma_start3A_94, %dma_start3A_95] : memref<10000x64xf32, #tpu.memory_space<hbm>> -> memref<10000x64xf32, #tpu.memory_space<hbm>>
    tpu.enqueue_indirect_dma source(%dma_start3A_96 : memref<10000x64xf32, #tpu.memory_space<hbm>>) target(%arg11 : memref<200x64xf32, #tpu.memory_space<vmem>>) offsets(%arg7 : memref<200xi32, #tpu.memory_space<vmem>>) semaphore(%arg14 : memref<!tpu.dma_semaphore, #tpu.memory_space<semaphore_mem>>)
    %add3A_97 = arith.constant 1000 : i32
    %add3A_98 = arith.addi %mul3A_2, %add3A_97 : i32
    %dma_wait3A_99 = arith.constant 0 : i32
    %dma_wait3A_100 = arith.constant 0 : i32
    %dma_wait3A_101 = tpu.memref_slice %arg2[%dma_wait3A_99, %dma_wait3A_100] : memref<10000x64xf32, #tpu.memory_space<hbm>> -> memref<10000x64xf32, #tpu.memory_space<hbm>>
    tpu.wait_indirect_dma semaphore(%arg15 : memref<!tpu.dma_semaphore, #tpu.memory_space<semaphore_mem>>) src(%dma_wait3A_101 : memref<10000x64xf32, #tpu.memory_space<hbm>>) dst(%arg12 : memref<200x64xf32, #tpu.memory_space<vmem>>)
    %dma_wait3A_102 = arith.constant 0 : i32
    %dma_wait3A_103 = arith.constant 0 : i32
    %dma_wait3A_104 = tpu.memref_slice %arg2[%dma_wait3A_102, %dma_wait3A_103] : memref<10000x64xf32, #tpu.memory_space<hbm>> -> memref<10000x64xf32, #tpu.memory_space<hbm>>
    tpu.wait_indirect_dma semaphore(%arg15 : memref<!tpu.dma_semaphore, #tpu.memory_space<semaphore_mem>>) src(%dma_wait3A_104 : memref<10000x64xf32, #tpu.memory_space<hbm>>) dst(%arg13 : memref<200x64xf32, #tpu.memory_space<vmem>>)
    "tpu.region"() ({
      %run_scoped3A = tpu.sem_alloc : memref<!tpu.dma_semaphore, #tpu.memory_space<semaphore_mem>>
      %dma_start3A_193 = arith.constant 0 : i32
      %dma_start3A_194 = tpu.memref_slice %arg5[%add3A_98, %dma_start3A_193] : memref<76800x128xf32, #tpu.memory_space<hbm>> -> memref<200x64xf32, #tpu.memory_space<hbm>>
      %dma_start3A_195 = arith.constant 0 : i32
      %dma_start3A_196 = tpu.memref_slice %arg5[%add3A_98, %dma_start3A_195] : memref<76800x128xf32, #tpu.memory_space<hbm>> -> memref<200x64xf32, #tpu.memory_space<hbm>>
      tpu.enqueue_dma source(%arg12 : memref<200x64xf32, #tpu.memory_space<vmem>>) target(%dma_start3A_196 : memref<200x64xf32, #tpu.memory_space<hbm>>) target_semaphore(%run_scoped3A : memref<!tpu.dma_semaphore, #tpu.memory_space<semaphore_mem>>)
      %dma_wait3A_197 = arith.constant 0 : i32
      %dma_wait3A_198 = tpu.memref_slice %arg5[%add3A_98, %dma_wait3A_197] : memref<76800x128xf32, #tpu.memory_space<hbm>> -> memref<200x64xf32, #tpu.memory_space<hbm>>
      %dma_wait3A_199 = arith.constant 0 : i32
      %dma_wait3A_200 = tpu.memref_slice %arg5[%add3A_98, %dma_wait3A_199] : memref<76800x128xf32, #tpu.memory_space<hbm>> -> memref<200x64xf32, #tpu.memory_space<hbm>>
      tpu.wait_dma2 semaphore(%run_scoped3A : memref<!tpu.dma_semaphore, #tpu.memory_space<semaphore_mem>>) src(%arg12 : memref<200x64xf32, #tpu.memory_space<vmem>>) dst(%dma_wait3A_200 : memref<200x64xf32, #tpu.memory_space<hbm>>)
      tpu.yield
    }) : () -> ()
    "tpu.region"() ({
      %run_scoped3A = tpu.sem_alloc : memref<!tpu.dma_semaphore, #tpu.memory_space<semaphore_mem>>
      %dma_start3A_193 = arith.constant 64 : i32
      %dma_start3A_194 = tpu.memref_slice %arg5[%add3A_98, %dma_start3A_193] : memref<76800x128xf32, #tpu.memory_space<hbm>> -> memref<200x64xf32, #tpu.memory_space<hbm>>
      %dma_start3A_195 = arith.constant 64 : i32
      %dma_start3A_196 = tpu.memref_slice %arg5[%add3A_98, %dma_start3A_195] : memref<76800x128xf32, #tpu.memory_space<hbm>> -> memref<200x64xf32, #tpu.memory_space<hbm>>
      tpu.enqueue_dma source(%arg13 : memref<200x64xf32, #tpu.memory_space<vmem>>) target(%dma_start3A_196 : memref<200x64xf32, #tpu.memory_space<hbm>>) target_semaphore(%run_scoped3A : memref<!tpu.dma_semaphore, #tpu.memory_space<semaphore_mem>>)
      %dma_wait3A_197 = arith.constant 64 : i32
      %dma_wait3A_198 = tpu.memref_slice %arg5[%add3A_98, %dma_wait3A_197] : memref<76800x128xf32, #tpu.memory_space<hbm>> -> memref<200x64xf32, #tpu.memory_space<hbm>>
      %dma_wait3A_199 = arith.constant 64 : i32
      %dma_wait3A_200 = tpu.memref_slice %arg5[%add3A_98, %dma_wait3A_199] : memref<76800x128xf32, #tpu.memory_space<hbm>> -> memref<200x64xf32, #tpu.memory_space<hbm>>
      tpu.wait_dma2 semaphore(%run_scoped3A : memref<!tpu.dma_semaphore, #tpu.memory_space<semaphore_mem>>) src(%arg13 : memref<200x64xf32, #tpu.memory_space<vmem>>) dst(%dma_wait3A_200 : memref<200x64xf32, #tpu.memory_space<hbm>>)
      tpu.yield
    }) : () -> ()
    %add3A_105 = arith.constant 1400 : i32
    %add3A_106 = arith.addi %mul3A_2, %add3A_105 : i32
    "tpu.region"() ({
      %run_scoped3A = tpu.sem_alloc : memref<!tpu.dma_semaphore, #tpu.memory_space<semaphore_mem>>
      %dma_start3A_193 = tpu.memref_slice %arg3[%add3A_106] : memref<76800xi32, #tpu.memory_space<hbm>> -> memref<200xi32, #tpu.memory_space<hbm>>
      %dma_start3A_194 = tpu.memref_slice %arg3[%add3A_106] : memref<76800xi32, #tpu.memory_space<hbm>> -> memref<200xi32, #tpu.memory_space<hbm>>
      tpu.enqueue_dma source(%dma_start3A_194 : memref<200xi32, #tpu.memory_space<hbm>>) target(%arg8 : memref<200xi32, #tpu.memory_space<vmem>>) target_semaphore(%run_scoped3A : memref<!tpu.dma_semaphore, #tpu.memory_space<semaphore_mem>>)
      %dma_wait3A_195 = tpu.memref_slice %arg3[%add3A_106] : memref<76800xi32, #tpu.memory_space<hbm>> -> memref<200xi32, #tpu.memory_space<hbm>>
      %dma_wait3A_196 = tpu.memref_slice %arg3[%add3A_106] : memref<76800xi32, #tpu.memory_space<hbm>> -> memref<200xi32, #tpu.memory_space<hbm>>
      tpu.wait_dma2 semaphore(%run_scoped3A : memref<!tpu.dma_semaphore, #tpu.memory_space<semaphore_mem>>) src(%dma_wait3A_196 : memref<200xi32, #tpu.memory_space<hbm>>) dst(%arg8 : memref<200xi32, #tpu.memory_space<vmem>>)
      tpu.yield
    }) : () -> ()
    "tpu.region"() ({
      %run_scoped3A = tpu.sem_alloc : memref<!tpu.dma_semaphore, #tpu.memory_space<semaphore_mem>>
      %dma_start3A_193 = tpu.memref_slice %arg4[%add3A_106] : memref<76800xi32, #tpu.memory_space<hbm>> -> memref<200xi32, #tpu.memory_space<hbm>>
      %dma_start3A_194 = tpu.memref_slice %arg4[%add3A_106] : memref<76800xi32, #tpu.memory_space<hbm>> -> memref<200xi32, #tpu.memory_space<hbm>>
      tpu.enqueue_dma source(%dma_start3A_194 : memref<200xi32, #tpu.memory_space<hbm>>) target(%arg9 : memref<200xi32, #tpu.memory_space<vmem>>) target_semaphore(%run_scoped3A : memref<!tpu.dma_semaphore, #tpu.memory_space<semaphore_mem>>)
      %dma_wait3A_195 = tpu.memref_slice %arg4[%add3A_106] : memref<76800xi32, #tpu.memory_space<hbm>> -> memref<200xi32, #tpu.memory_space<hbm>>
      %dma_wait3A_196 = tpu.memref_slice %arg4[%add3A_106] : memref<76800xi32, #tpu.memory_space<hbm>> -> memref<200xi32, #tpu.memory_space<hbm>>
      tpu.wait_dma2 semaphore(%run_scoped3A : memref<!tpu.dma_semaphore, #tpu.memory_space<semaphore_mem>>) src(%dma_wait3A_196 : memref<200xi32, #tpu.memory_space<hbm>>) dst(%arg9 : memref<200xi32, #tpu.memory_space<vmem>>)
      tpu.yield
    }) : () -> ()
    %dma_start3A_107 = arith.constant 0 : i32
    %dma_start3A_108 = arith.constant 0 : i32
    %dma_start3A_109 = tpu.memref_slice %arg2[%dma_start3A_107, %dma_start3A_108] : memref<10000x64xf32, #tpu.memory_space<hbm>> -> memref<10000x64xf32, #tpu.memory_space<hbm>>
    tpu.enqueue_indirect_dma source(%dma_start3A_109 : memref<10000x64xf32, #tpu.memory_space<hbm>>) target(%arg12 : memref<200x64xf32, #tpu.memory_space<vmem>>) offsets(%arg8 : memref<200xi32, #tpu.memory_space<vmem>>) semaphore(%arg15 : memref<!tpu.dma_semaphore, #tpu.memory_space<semaphore_mem>>)
    %dma_start3A_110 = arith.constant 0 : i32
    %dma_start3A_111 = arith.constant 0 : i32
    %dma_start3A_112 = tpu.memref_slice %arg2[%dma_start3A_110, %dma_start3A_111] : memref<10000x64xf32, #tpu.memory_space<hbm>> -> memref<10000x64xf32, #tpu.memory_space<hbm>>
    tpu.enqueue_indirect_dma source(%dma_start3A_112 : memref<10000x64xf32, #tpu.memory_space<hbm>>) target(%arg13 : memref<200x64xf32, #tpu.memory_space<vmem>>) offsets(%arg9 : memref<200xi32, #tpu.memory_space<vmem>>) semaphore(%arg15 : memref<!tpu.dma_semaphore, #tpu.memory_space<semaphore_mem>>)
    %add3A_113 = arith.constant 1200 : i32
    %add3A_114 = arith.addi %mul3A_2, %add3A_113 : i32
    %dma_wait3A_115 = arith.constant 0 : i32
    %dma_wait3A_116 = arith.constant 0 : i32
    %dma_wait3A_117 = tpu.memref_slice %arg2[%dma_wait3A_115, %dma_wait3A_116] : memref<10000x64xf32, #tpu.memory_space<hbm>> -> memref<10000x64xf32, #tpu.memory_space<hbm>>
    tpu.wait_indirect_dma semaphore(%arg14 : memref<!tpu.dma_semaphore, #tpu.memory_space<semaphore_mem>>) src(%dma_wait3A_117 : memref<10000x64xf32, #tpu.memory_space<hbm>>) dst(%arg10 : memref<200x64xf32, #tpu.memory_space<vmem>>)
    %dma_wait3A_118 = arith.constant 0 : i32
    %dma_wait3A_119 = arith.constant 0 : i32
    %dma_wait3A_120 = tpu.memref_slice %arg2[%dma_wait3A_118, %dma_wait3A_119] : memref<10000x64xf32, #tpu.memory_space<hbm>> -> memref<10000x64xf32, #tpu.memory_space<hbm>>
    tpu.wait_indirect_dma semaphore(%arg14 : memref<!tpu.dma_semaphore, #tpu.memory_space<semaphore_mem>>) src(%dma_wait3A_120 : memref<10000x64xf32, #tpu.memory_space<hbm>>) dst(%arg11 : memref<200x64xf32, #tpu.memory_space<vmem>>)
    "tpu.region"() ({
      %run_scoped3A = tpu.sem_alloc : memref<!tpu.dma_semaphore, #tpu.memory_space<semaphore_mem>>
      %dma_start3A_193 = arith.constant 0 : i32
      %dma_start3A_194 = tpu.memref_slice %arg5[%add3A_114, %dma_start3A_193] : memref<76800x128xf32, #tpu.memory_space<hbm>> -> memref<200x64xf32, #tpu.memory_space<hbm>>
      %dma_start3A_195 = arith.constant 0 : i32
      %dma_start3A_196 = tpu.memref_slice %arg5[%add3A_114, %dma_start3A_195] : memref<76800x128xf32, #tpu.memory_space<hbm>> -> memref<200x64xf32, #tpu.memory_space<hbm>>
      tpu.enqueue_dma source(%arg10 : memref<200x64xf32, #tpu.memory_space<vmem>>) target(%dma_start3A_196 : memref<200x64xf32, #tpu.memory_space<hbm>>) target_semaphore(%run_scoped3A : memref<!tpu.dma_semaphore, #tpu.memory_space<semaphore_mem>>)
      %dma_wait3A_197 = arith.constant 0 : i32
      %dma_wait3A_198 = tpu.memref_slice %arg5[%add3A_114, %dma_wait3A_197] : memref<76800x128xf32, #tpu.memory_space<hbm>> -> memref<200x64xf32, #tpu.memory_space<hbm>>
      %dma_wait3A_199 = arith.constant 0 : i32
      %dma_wait3A_200 = tpu.memref_slice %arg5[%add3A_114, %dma_wait3A_199] : memref<76800x128xf32, #tpu.memory_space<hbm>> -> memref<200x64xf32, #tpu.memory_space<hbm>>
      tpu.wait_dma2 semaphore(%run_scoped3A : memref<!tpu.dma_semaphore, #tpu.memory_space<semaphore_mem>>) src(%arg10 : memref<200x64xf32, #tpu.memory_space<vmem>>) dst(%dma_wait3A_200 : memref<200x64xf32, #tpu.memory_space<hbm>>)
      tpu.yield
    }) : () -> ()
    "tpu.region"() ({
      %run_scoped3A = tpu.sem_alloc : memref<!tpu.dma_semaphore, #tpu.memory_space<semaphore_mem>>
      %dma_start3A_193 = arith.constant 64 : i32
      %dma_start3A_194 = tpu.memref_slice %arg5[%add3A_114, %dma_start3A_193] : memref<76800x128xf32, #tpu.memory_space<hbm>> -> memref<200x64xf32, #tpu.memory_space<hbm>>
      %dma_start3A_195 = arith.constant 64 : i32
      %dma_start3A_196 = tpu.memref_slice %arg5[%add3A_114, %dma_start3A_195] : memref<76800x128xf32, #tpu.memory_space<hbm>> -> memref<200x64xf32, #tpu.memory_space<hbm>>
      tpu.enqueue_dma source(%arg11 : memref<200x64xf32, #tpu.memory_space<vmem>>) target(%dma_start3A_196 : memref<200x64xf32, #tpu.memory_space<hbm>>) target_semaphore(%run_scoped3A : memref<!tpu.dma_semaphore, #tpu.memory_space<semaphore_mem>>)
      %dma_wait3A_197 = arith.constant 64 : i32
      %dma_wait3A_198 = tpu.memref_slice %arg5[%add3A_114, %dma_wait3A_197] : memref<76800x128xf32, #tpu.memory_space<hbm>> -> memref<200x64xf32, #tpu.memory_space<hbm>>
      %dma_wait3A_199 = arith.constant 64 : i32
      %dma_wait3A_200 = tpu.memref_slice %arg5[%add3A_114, %dma_wait3A_199] : memref<76800x128xf32, #tpu.memory_space<hbm>> -> memref<200x64xf32, #tpu.memory_space<hbm>>
      tpu.wait_dma2 semaphore(%run_scoped3A : memref<!tpu.dma_semaphore, #tpu.memory_space<semaphore_mem>>) src(%arg11 : memref<200x64xf32, #tpu.memory_space<vmem>>) dst(%dma_wait3A_200 : memref<200x64xf32, #tpu.memory_space<hbm>>)
      tpu.yield
    }) : () -> ()
    %add3A_121 = arith.constant 1600 : i32
    %add3A_122 = arith.addi %mul3A_2, %add3A_121 : i32
    "tpu.region"() ({
      %run_scoped3A = tpu.sem_alloc : memref<!tpu.dma_semaphore, #tpu.memory_space<semaphore_mem>>
      %dma_start3A_193 = tpu.memref_slice %arg3[%add3A_122] : memref<76800xi32, #tpu.memory_space<hbm>> -> memref<200xi32, #tpu.memory_space<hbm>>
      %dma_start3A_194 = tpu.memref_slice %arg3[%add3A_122] : memref<76800xi32, #tpu.memory_space<hbm>> -> memref<200xi32, #tpu.memory_space<hbm>>
      tpu.enqueue_dma source(%dma_start3A_194 : memref<200xi32, #tpu.memory_space<hbm>>) target(%arg6 : memref<200xi32, #tpu.memory_space<vmem>>) target_semaphore(%run_scoped3A : memref<!tpu.dma_semaphore, #tpu.memory_space<semaphore_mem>>)
      %dma_wait3A_195 = tpu.memref_slice %arg3[%add3A_122] : memref<76800xi32, #tpu.memory_space<hbm>> -> memref<200xi32, #tpu.memory_space<hbm>>
      %dma_wait3A_196 = tpu.memref_slice %arg3[%add3A_122] : memref<76800xi32, #tpu.memory_space<hbm>> -> memref<200xi32, #tpu.memory_space<hbm>>
      tpu.wait_dma2 semaphore(%run_scoped3A : memref<!tpu.dma_semaphore, #tpu.memory_space<semaphore_mem>>) src(%dma_wait3A_196 : memref<200xi32, #tpu.memory_space<hbm>>) dst(%arg6 : memref<200xi32, #tpu.memory_space<vmem>>)
      tpu.yield
    }) : () -> ()
    "tpu.region"() ({
      %run_scoped3A = tpu.sem_alloc : memref<!tpu.dma_semaphore, #tpu.memory_space<semaphore_mem>>
      %dma_start3A_193 = tpu.memref_slice %arg4[%add3A_122] : memref<76800xi32, #tpu.memory_space<hbm>> -> memref<200xi32, #tpu.memory_space<hbm>>
      %dma_start3A_194 = tpu.memref_slice %arg4[%add3A_122] : memref<76800xi32, #tpu.memory_space<hbm>> -> memref<200xi32, #tpu.memory_space<hbm>>
      tpu.enqueue_dma source(%dma_start3A_194 : memref<200xi32, #tpu.memory_space<hbm>>) target(%arg7 : memref<200xi32, #tpu.memory_space<vmem>>) target_semaphore(%run_scoped3A : memref<!tpu.dma_semaphore, #tpu.memory_space<semaphore_mem>>)
      %dma_wait3A_195 = tpu.memref_slice %arg4[%add3A_122] : memref<76800xi32, #tpu.memory_space<hbm>> -> memref<200xi32, #tpu.memory_space<hbm>>
      %dma_wait3A_196 = tpu.memref_slice %arg4[%add3A_122] : memref<76800xi32, #tpu.memory_space<hbm>> -> memref<200xi32, #tpu.memory_space<hbm>>
      tpu.wait_dma2 semaphore(%run_scoped3A : memref<!tpu.dma_semaphore, #tpu.memory_space<semaphore_mem>>) src(%dma_wait3A_196 : memref<200xi32, #tpu.memory_space<hbm>>) dst(%arg7 : memref<200xi32, #tpu.memory_space<vmem>>)
      tpu.yield
    }) : () -> ()
    %dma_start3A_123 = arith.constant 0 : i32
    %dma_start3A_124 = arith.constant 0 : i32
    %dma_start3A_125 = tpu.memref_slice %arg2[%dma_start3A_123, %dma_start3A_124] : memref<10000x64xf32, #tpu.memory_space<hbm>> -> memref<10000x64xf32, #tpu.memory_space<hbm>>
    tpu.enqueue_indirect_dma source(%dma_start3A_125 : memref<10000x64xf32, #tpu.memory_space<hbm>>) target(%arg10 : memref<200x64xf32, #tpu.memory_space<vmem>>) offsets(%arg6 : memref<200xi32, #tpu.memory_space<vmem>>) semaphore(%arg14 : memref<!tpu.dma_semaphore, #tpu.memory_space<semaphore_mem>>)
    %dma_start3A_126 = arith.constant 0 : i32
    %dma_start3A_127 = arith.constant 0 : i32
    %dma_start3A_128 = tpu.memref_slice %arg2[%dma_start3A_126, %dma_start3A_127] : memref<10000x64xf32, #tpu.memory_space<hbm>> -> memref<10000x64xf32, #tpu.memory_space<hbm>>
    tpu.enqueue_indirect_dma source(%dma_start3A_128 : memref<10000x64xf32, #tpu.memory_space<hbm>>) target(%arg11 : memref<200x64xf32, #tpu.memory_space<vmem>>) offsets(%arg7 : memref<200xi32, #tpu.memory_space<vmem>>) semaphore(%arg14 : memref<!tpu.dma_semaphore, #tpu.memory_space<semaphore_mem>>)
    %add3A_129 = arith.constant 1400 : i32
    %add3A_130 = arith.addi %mul3A_2, %add3A_129 : i32
    %dma_wait3A_131 = arith.constant 0 : i32
    %dma_wait3A_132 = arith.constant 0 : i32
    %dma_wait3A_133 = tpu.memref_slice %arg2[%dma_wait3A_131, %dma_wait3A_132] : memref<10000x64xf32, #tpu.memory_space<hbm>> -> memref<10000x64xf32, #tpu.memory_space<hbm>>
    tpu.wait_indirect_dma semaphore(%arg15 : memref<!tpu.dma_semaphore, #tpu.memory_space<semaphore_mem>>) src(%dma_wait3A_133 : memref<10000x64xf32, #tpu.memory_space<hbm>>) dst(%arg12 : memref<200x64xf32, #tpu.memory_space<vmem>>)
    %dma_wait3A_134 = arith.constant 0 : i32
    %dma_wait3A_135 = arith.constant 0 : i32
    %dma_wait3A_136 = tpu.memref_slice %arg2[%dma_wait3A_134, %dma_wait3A_135] : memref<10000x64xf32, #tpu.memory_space<hbm>> -> memref<10000x64xf32, #tpu.memory_space<hbm>>
    tpu.wait_indirect_dma semaphore(%arg15 : memref<!tpu.dma_semaphore, #tpu.memory_space<semaphore_mem>>) src(%dma_wait3A_136 : memref<10000x64xf32, #tpu.memory_space<hbm>>) dst(%arg13 : memref<200x64xf32, #tpu.memory_space<vmem>>)
    "tpu.region"() ({
      %run_scoped3A = tpu.sem_alloc : memref<!tpu.dma_semaphore, #tpu.memory_space<semaphore_mem>>
      %dma_start3A_193 = arith.constant 0 : i32
      %dma_start3A_194 = tpu.memref_slice %arg5[%add3A_130, %dma_start3A_193] : memref<76800x128xf32, #tpu.memory_space<hbm>> -> memref<200x64xf32, #tpu.memory_space<hbm>>
      %dma_start3A_195 = arith.constant 0 : i32
      %dma_start3A_196 = tpu.memref_slice %arg5[%add3A_130, %dma_start3A_195] : memref<76800x128xf32, #tpu.memory_space<hbm>> -> memref<200x64xf32, #tpu.memory_space<hbm>>
      tpu.enqueue_dma source(%arg12 : memref<200x64xf32, #tpu.memory_space<vmem>>) target(%dma_start3A_196 : memref<200x64xf32, #tpu.memory_space<hbm>>) target_semaphore(%run_scoped3A : memref<!tpu.dma_semaphore, #tpu.memory_space<semaphore_mem>>)
      %dma_wait3A_197 = arith.constant 0 : i32
      %dma_wait3A_198 = tpu.memref_slice %arg5[%add3A_130, %dma_wait3A_197] : memref<76800x128xf32, #tpu.memory_space<hbm>> -> memref<200x64xf32, #tpu.memory_space<hbm>>
      %dma_wait3A_199 = arith.constant 0 : i32
      %dma_wait3A_200 = tpu.memref_slice %arg5[%add3A_130, %dma_wait3A_199] : memref<76800x128xf32, #tpu.memory_space<hbm>> -> memref<200x64xf32, #tpu.memory_space<hbm>>
      tpu.wait_dma2 semaphore(%run_scoped3A : memref<!tpu.dma_semaphore, #tpu.memory_space<semaphore_mem>>) src(%arg12 : memref<200x64xf32, #tpu.memory_space<vmem>>) dst(%dma_wait3A_200 : memref<200x64xf32, #tpu.memory_space<hbm>>)
      tpu.yield
    }) : () -> ()
    "tpu.region"() ({
      %run_scoped3A = tpu.sem_alloc : memref<!tpu.dma_semaphore, #tpu.memory_space<semaphore_mem>>
      %dma_start3A_193 = arith.constant 64 : i32
      %dma_start3A_194 = tpu.memref_slice %arg5[%add3A_130, %dma_start3A_193] : memref<76800x128xf32, #tpu.memory_space<hbm>> -> memref<200x64xf32, #tpu.memory_space<hbm>>
      %dma_start3A_195 = arith.constant 64 : i32
      %dma_start3A_196 = tpu.memref_slice %arg5[%add3A_130, %dma_start3A_195] : memref<76800x128xf32, #tpu.memory_space<hbm>> -> memref<200x64xf32, #tpu.memory_space<hbm>>
      tpu.enqueue_dma source(%arg13 : memref<200x64xf32, #tpu.memory_space<vmem>>) target(%dma_start3A_196 : memref<200x64xf32, #tpu.memory_space<hbm>>) target_semaphore(%run_scoped3A : memref<!tpu.dma_semaphore, #tpu.memory_space<semaphore_mem>>)
      %dma_wait3A_197 = arith.constant 64 : i32
      %dma_wait3A_198 = tpu.memref_slice %arg5[%add3A_130, %dma_wait3A_197] : memref<76800x128xf32, #tpu.memory_space<hbm>> -> memref<200x64xf32, #tpu.memory_space<hbm>>
      %dma_wait3A_199 = arith.constant 64 : i32
      %dma_wait3A_200 = tpu.memref_slice %arg5[%add3A_130, %dma_wait3A_199] : memref<76800x128xf32, #tpu.memory_space<hbm>> -> memref<200x64xf32, #tpu.memory_space<hbm>>
      tpu.wait_dma2 semaphore(%run_scoped3A : memref<!tpu.dma_semaphore, #tpu.memory_space<semaphore_mem>>) src(%arg13 : memref<200x64xf32, #tpu.memory_space<vmem>>) dst(%dma_wait3A_200 : memref<200x64xf32, #tpu.memory_space<hbm>>)
      tpu.yield
    }) : () -> ()
    %add3A_137 = arith.constant 1800 : i32
    %add3A_138 = arith.addi %mul3A_2, %add3A_137 : i32
    "tpu.region"() ({
      %run_scoped3A = tpu.sem_alloc : memref<!tpu.dma_semaphore, #tpu.memory_space<semaphore_mem>>
      %dma_start3A_193 = tpu.memref_slice %arg3[%add3A_138] : memref<76800xi32, #tpu.memory_space<hbm>> -> memref<200xi32, #tpu.memory_space<hbm>>
      %dma_start3A_194 = tpu.memref_slice %arg3[%add3A_138] : memref<76800xi32, #tpu.memory_space<hbm>> -> memref<200xi32, #tpu.memory_space<hbm>>
      tpu.enqueue_dma source(%dma_start3A_194 : memref<200xi32, #tpu.memory_space<hbm>>) target(%arg8 : memref<200xi32, #tpu.memory_space<vmem>>) target_semaphore(%run_scoped3A : memref<!tpu.dma_semaphore, #tpu.memory_space<semaphore_mem>>)
      %dma_wait3A_195 = tpu.memref_slice %arg3[%add3A_138] : memref<76800xi32, #tpu.memory_space<hbm>> -> memref<200xi32, #tpu.memory_space<hbm>>
      %dma_wait3A_196 = tpu.memref_slice %arg3[%add3A_138] : memref<76800xi32, #tpu.memory_space<hbm>> -> memref<200xi32, #tpu.memory_space<hbm>>
      tpu.wait_dma2 semaphore(%run_scoped3A : memref<!tpu.dma_semaphore, #tpu.memory_space<semaphore_mem>>) src(%dma_wait3A_196 : memref<200xi32, #tpu.memory_space<hbm>>) dst(%arg8 : memref<200xi32, #tpu.memory_space<vmem>>)
      tpu.yield
    }) : () -> ()
    "tpu.region"() ({
      %run_scoped3A = tpu.sem_alloc : memref<!tpu.dma_semaphore, #tpu.memory_space<semaphore_mem>>
      %dma_start3A_193 = tpu.memref_slice %arg4[%add3A_138] : memref<76800xi32, #tpu.memory_space<hbm>> -> memref<200xi32, #tpu.memory_space<hbm>>
      %dma_start3A_194 = tpu.memref_slice %arg4[%add3A_138] : memref<76800xi32, #tpu.memory_space<hbm>> -> memref<200xi32, #tpu.memory_space<hbm>>
      tpu.enqueue_dma source(%dma_start3A_194 : memref<200xi32, #tpu.memory_space<hbm>>) target(%arg9 : memref<200xi32, #tpu.memory_space<vmem>>) target_semaphore(%run_scoped3A : memref<!tpu.dma_semaphore, #tpu.memory_space<semaphore_mem>>)
      %dma_wait3A_195 = tpu.memref_slice %arg4[%add3A_138] : memref<76800xi32, #tpu.memory_space<hbm>> -> memref<200xi32, #tpu.memory_space<hbm>>
      %dma_wait3A_196 = tpu.memref_slice %arg4[%add3A_138] : memref<76800xi32, #tpu.memory_space<hbm>> -> memref<200xi32, #tpu.memory_space<hbm>>
      tpu.wait_dma2 semaphore(%run_scoped3A : memref<!tpu.dma_semaphore, #tpu.memory_space<semaphore_mem>>) src(%dma_wait3A_196 : memref<200xi32, #tpu.memory_space<hbm>>) dst(%arg9 : memref<200xi32, #tpu.memory_space<vmem>>)
      tpu.yield
    }) : () -> ()
    %dma_start3A_139 = arith.constant 0 : i32
    %dma_start3A_140 = arith.constant 0 : i32
    %dma_start3A_141 = tpu.memref_slice %arg2[%dma_start3A_139, %dma_start3A_140] : memref<10000x64xf32, #tpu.memory_space<hbm>> -> memref<10000x64xf32, #tpu.memory_space<hbm>>
    tpu.enqueue_indirect_dma source(%dma_start3A_141 : memref<10000x64xf32, #tpu.memory_space<hbm>>) target(%arg12 : memref<200x64xf32, #tpu.memory_space<vmem>>) offsets(%arg8 : memref<200xi32, #tpu.memory_space<vmem>>) semaphore(%arg15 : memref<!tpu.dma_semaphore, #tpu.memory_space<semaphore_mem>>)
    %dma_start3A_142 = arith.constant 0 : i32
    %dma_start3A_143 = arith.constant 0 : i32
    %dma_start3A_144 = tpu.memref_slice %arg2[%dma_start3A_142, %dma_start3A_143] : memref<10000x64xf32, #tpu.memory_space<hbm>> -> memref<10000x64xf32, #tpu.memory_space<hbm>>
    tpu.enqueue_indirect_dma source(%dma_start3A_144 : memref<10000x64xf32, #tpu.memory_space<hbm>>) target(%arg13 : memref<200x64xf32, #tpu.memory_space<vmem>>) offsets(%arg9 : memref<200xi32, #tpu.memory_space<vmem>>) semaphore(%arg15 : memref<!tpu.dma_semaphore, #tpu.memory_space<semaphore_mem>>)
    %add3A_145 = arith.constant 1600 : i32
    %add3A_146 = arith.addi %mul3A_2, %add3A_145 : i32
    %dma_wait3A_147 = arith.constant 0 : i32
    %dma_wait3A_148 = arith.constant 0 : i32
    %dma_wait3A_149 = tpu.memref_slice %arg2[%dma_wait3A_147, %dma_wait3A_148] : memref<10000x64xf32, #tpu.memory_space<hbm>> -> memref<10000x64xf32, #tpu.memory_space<hbm>>
    tpu.wait_indirect_dma semaphore(%arg14 : memref<!tpu.dma_semaphore, #tpu.memory_space<semaphore_mem>>) src(%dma_wait3A_149 : memref<10000x64xf32, #tpu.memory_space<hbm>>) dst(%arg10 : memref<200x64xf32, #tpu.memory_space<vmem>>)
    %dma_wait3A_150 = arith.constant 0 : i32
    %dma_wait3A_151 = arith.constant 0 : i32
    %dma_wait3A_152 = tpu.memref_slice %arg2[%dma_wait3A_150, %dma_wait3A_151] : memref<10000x64xf32, #tpu.memory_space<hbm>> -> memref<10000x64xf32, #tpu.memory_space<hbm>>
    tpu.wait_indirect_dma semaphore(%arg14 : memref<!tpu.dma_semaphore, #tpu.memory_space<semaphore_mem>>) src(%dma_wait3A_152 : memref<10000x64xf32, #tpu.memory_space<hbm>>) dst(%arg11 : memref<200x64xf32, #tpu.memory_space<vmem>>)
    "tpu.region"() ({
      %run_scoped3A = tpu.sem_alloc : memref<!tpu.dma_semaphore, #tpu.memory_space<semaphore_mem>>
      %dma_start3A_193 = arith.constant 0 : i32
      %dma_start3A_194 = tpu.memref_slice %arg5[%add3A_146, %dma_start3A_193] : memref<76800x128xf32, #tpu.memory_space<hbm>> -> memref<200x64xf32, #tpu.memory_space<hbm>>
      %dma_start3A_195 = arith.constant 0 : i32
      %dma_start3A_196 = tpu.memref_slice %arg5[%add3A_146, %dma_start3A_195] : memref<76800x128xf32, #tpu.memory_space<hbm>> -> memref<200x64xf32, #tpu.memory_space<hbm>>
      tpu.enqueue_dma source(%arg10 : memref<200x64xf32, #tpu.memory_space<vmem>>) target(%dma_start3A_196 : memref<200x64xf32, #tpu.memory_space<hbm>>) target_semaphore(%run_scoped3A : memref<!tpu.dma_semaphore, #tpu.memory_space<semaphore_mem>>)
      %dma_wait3A_197 = arith.constant 0 : i32
      %dma_wait3A_198 = tpu.memref_slice %arg5[%add3A_146, %dma_wait3A_197] : memref<76800x128xf32, #tpu.memory_space<hbm>> -> memref<200x64xf32, #tpu.memory_space<hbm>>
      %dma_wait3A_199 = arith.constant 0 : i32
      %dma_wait3A_200 = tpu.memref_slice %arg5[%add3A_146, %dma_wait3A_199] : memref<76800x128xf32, #tpu.memory_space<hbm>> -> memref<200x64xf32, #tpu.memory_space<hbm>>
      tpu.wait_dma2 semaphore(%run_scoped3A : memref<!tpu.dma_semaphore, #tpu.memory_space<semaphore_mem>>) src(%arg10 : memref<200x64xf32, #tpu.memory_space<vmem>>) dst(%dma_wait3A_200 : memref<200x64xf32, #tpu.memory_space<hbm>>)
      tpu.yield
    }) : () -> ()
    "tpu.region"() ({
      %run_scoped3A = tpu.sem_alloc : memref<!tpu.dma_semaphore, #tpu.memory_space<semaphore_mem>>
      %dma_start3A_193 = arith.constant 64 : i32
      %dma_start3A_194 = tpu.memref_slice %arg5[%add3A_146, %dma_start3A_193] : memref<76800x128xf32, #tpu.memory_space<hbm>> -> memref<200x64xf32, #tpu.memory_space<hbm>>
      %dma_start3A_195 = arith.constant 64 : i32
      %dma_start3A_196 = tpu.memref_slice %arg5[%add3A_146, %dma_start3A_195] : memref<76800x128xf32, #tpu.memory_space<hbm>> -> memref<200x64xf32, #tpu.memory_space<hbm>>
      tpu.enqueue_dma source(%arg11 : memref<200x64xf32, #tpu.memory_space<vmem>>) target(%dma_start3A_196 : memref<200x64xf32, #tpu.memory_space<hbm>>) target_semaphore(%run_scoped3A : memref<!tpu.dma_semaphore, #tpu.memory_space<semaphore_mem>>)
      %dma_wait3A_197 = arith.constant 64 : i32
      %dma_wait3A_198 = tpu.memref_slice %arg5[%add3A_146, %dma_wait3A_197] : memref<76800x128xf32, #tpu.memory_space<hbm>> -> memref<200x64xf32, #tpu.memory_space<hbm>>
      %dma_wait3A_199 = arith.constant 64 : i32
      %dma_wait3A_200 = tpu.memref_slice %arg5[%add3A_146, %dma_wait3A_199] : memref<76800x128xf32, #tpu.memory_space<hbm>> -> memref<200x64xf32, #tpu.memory_space<hbm>>
      tpu.wait_dma2 semaphore(%run_scoped3A : memref<!tpu.dma_semaphore, #tpu.memory_space<semaphore_mem>>) src(%arg11 : memref<200x64xf32, #tpu.memory_space<vmem>>) dst(%dma_wait3A_200 : memref<200x64xf32, #tpu.memory_space<hbm>>)
      tpu.yield
    }) : () -> ()
    %add3A_153 = arith.constant 2000 : i32
    %add3A_154 = arith.addi %mul3A_2, %add3A_153 : i32
    "tpu.region"() ({
      %run_scoped3A = tpu.sem_alloc : memref<!tpu.dma_semaphore, #tpu.memory_space<semaphore_mem>>
      %dma_start3A_193 = tpu.memref_slice %arg3[%add3A_154] : memref<76800xi32, #tpu.memory_space<hbm>> -> memref<200xi32, #tpu.memory_space<hbm>>
      %dma_start3A_194 = tpu.memref_slice %arg3[%add3A_154] : memref<76800xi32, #tpu.memory_space<hbm>> -> memref<200xi32, #tpu.memory_space<hbm>>
      tpu.enqueue_dma source(%dma_start3A_194 : memref<200xi32, #tpu.memory_space<hbm>>) target(%arg6 : memref<200xi32, #tpu.memory_space<vmem>>) target_semaphore(%run_scoped3A : memref<!tpu.dma_semaphore, #tpu.memory_space<semaphore_mem>>)
      %dma_wait3A_195 = tpu.memref_slice %arg3[%add3A_154] : memref<76800xi32, #tpu.memory_space<hbm>> -> memref<200xi32, #tpu.memory_space<hbm>>
      %dma_wait3A_196 = tpu.memref_slice %arg3[%add3A_154] : memref<76800xi32, #tpu.memory_space<hbm>> -> memref<200xi32, #tpu.memory_space<hbm>>
      tpu.wait_dma2 semaphore(%run_scoped3A : memref<!tpu.dma_semaphore, #tpu.memory_space<semaphore_mem>>) src(%dma_wait3A_196 : memref<200xi32, #tpu.memory_space<hbm>>) dst(%arg6 : memref<200xi32, #tpu.memory_space<vmem>>)
      tpu.yield
    }) : () -> ()
    "tpu.region"() ({
      %run_scoped3A = tpu.sem_alloc : memref<!tpu.dma_semaphore, #tpu.memory_space<semaphore_mem>>
      %dma_start3A_193 = tpu.memref_slice %arg4[%add3A_154] : memref<76800xi32, #tpu.memory_space<hbm>> -> memref<200xi32, #tpu.memory_space<hbm>>
      %dma_start3A_194 = tpu.memref_slice %arg4[%add3A_154] : memref<76800xi32, #tpu.memory_space<hbm>> -> memref<200xi32, #tpu.memory_space<hbm>>
      tpu.enqueue_dma source(%dma_start3A_194 : memref<200xi32, #tpu.memory_space<hbm>>) target(%arg7 : memref<200xi32, #tpu.memory_space<vmem>>) target_semaphore(%run_scoped3A : memref<!tpu.dma_semaphore, #tpu.memory_space<semaphore_mem>>)
      %dma_wait3A_195 = tpu.memref_slice %arg4[%add3A_154] : memref<76800xi32, #tpu.memory_space<hbm>> -> memref<200xi32, #tpu.memory_space<hbm>>
      %dma_wait3A_196 = tpu.memref_slice %arg4[%add3A_154] : memref<76800xi32, #tpu.memory_space<hbm>> -> memref<200xi32, #tpu.memory_space<hbm>>
      tpu.wait_dma2 semaphore(%run_scoped3A : memref<!tpu.dma_semaphore, #tpu.memory_space<semaphore_mem>>) src(%dma_wait3A_196 : memref<200xi32, #tpu.memory_space<hbm>>) dst(%arg7 : memref<200xi32, #tpu.memory_space<vmem>>)
      tpu.yield
    }) : () -> ()
    %dma_start3A_155 = arith.constant 0 : i32
    %dma_start3A_156 = arith.constant 0 : i32
    %dma_start3A_157 = tpu.memref_slice %arg2[%dma_start3A_155, %dma_start3A_156] : memref<10000x64xf32, #tpu.memory_space<hbm>> -> memref<10000x64xf32, #tpu.memory_space<hbm>>
    tpu.enqueue_indirect_dma source(%dma_start3A_157 : memref<10000x64xf32, #tpu.memory_space<hbm>>) target(%arg10 : memref<200x64xf32, #tpu.memory_space<vmem>>) offsets(%arg6 : memref<200xi32, #tpu.memory_space<vmem>>) semaphore(%arg14 : memref<!tpu.dma_semaphore, #tpu.memory_space<semaphore_mem>>)
    %dma_start3A_158 = arith.constant 0 : i32
    %dma_start3A_159 = arith.constant 0 : i32
    %dma_start3A_160 = tpu.memref_slice %arg2[%dma_start3A_158, %dma_start3A_159] : memref<10000x64xf32, #tpu.memory_space<hbm>> -> memref<10000x64xf32, #tpu.memory_space<hbm>>
    tpu.enqueue_indirect_dma source(%dma_start3A_160 : memref<10000x64xf32, #tpu.memory_space<hbm>>) target(%arg11 : memref<200x64xf32, #tpu.memory_space<vmem>>) offsets(%arg7 : memref<200xi32, #tpu.memory_space<vmem>>) semaphore(%arg14 : memref<!tpu.dma_semaphore, #tpu.memory_space<semaphore_mem>>)
    %add3A_161 = arith.constant 1800 : i32
    %add3A_162 = arith.addi %mul3A_2, %add3A_161 : i32
    %dma_wait3A_163 = arith.constant 0 : i32
    %dma_wait3A_164 = arith.constant 0 : i32
    %dma_wait3A_165 = tpu.memref_slice %arg2[%dma_wait3A_163, %dma_wait3A_164] : memref<10000x64xf32, #tpu.memory_space<hbm>> -> memref<10000x64xf32, #tpu.memory_space<hbm>>
    tpu.wait_indirect_dma semaphore(%arg15 : memref<!tpu.dma_semaphore, #tpu.memory_space<semaphore_mem>>) src(%dma_wait3A_165 : memref<10000x64xf32, #tpu.memory_space<hbm>>) dst(%arg12 : memref<200x64xf32, #tpu.memory_space<vmem>>)
    %dma_wait3A_166 = arith.constant 0 : i32
    %dma_wait3A_167 = arith.constant 0 : i32
    %dma_wait3A_168 = tpu.memref_slice %arg2[%dma_wait3A_166, %dma_wait3A_167] : memref<10000x64xf32, #tpu.memory_space<hbm>> -> memref<10000x64xf32, #tpu.memory_space<hbm>>
    tpu.wait_indirect_dma semaphore(%arg15 : memref<!tpu.dma_semaphore, #tpu.memory_space<semaphore_mem>>) src(%dma_wait3A_168 : memref<10000x64xf32, #tpu.memory_space<hbm>>) dst(%arg13 : memref<200x64xf32, #tpu.memory_space<vmem>>)
    "tpu.region"() ({
      %run_scoped3A = tpu.sem_alloc : memref<!tpu.dma_semaphore, #tpu.memory_space<semaphore_mem>>
      %dma_start3A_193 = arith.constant 0 : i32
      %dma_start3A_194 = tpu.memref_slice %arg5[%add3A_162, %dma_start3A_193] : memref<76800x128xf32, #tpu.memory_space<hbm>> -> memref<200x64xf32, #tpu.memory_space<hbm>>
      %dma_start3A_195 = arith.constant 0 : i32
      %dma_start3A_196 = tpu.memref_slice %arg5[%add3A_162, %dma_start3A_195] : memref<76800x128xf32, #tpu.memory_space<hbm>> -> memref<200x64xf32, #tpu.memory_space<hbm>>
      tpu.enqueue_dma source(%arg12 : memref<200x64xf32, #tpu.memory_space<vmem>>) target(%dma_start3A_196 : memref<200x64xf32, #tpu.memory_space<hbm>>) target_semaphore(%run_scoped3A : memref<!tpu.dma_semaphore, #tpu.memory_space<semaphore_mem>>)
      %dma_wait3A_197 = arith.constant 0 : i32
      %dma_wait3A_198 = tpu.memref_slice %arg5[%add3A_162, %dma_wait3A_197] : memref<76800x128xf32, #tpu.memory_space<hbm>> -> memref<200x64xf32, #tpu.memory_space<hbm>>
      %dma_wait3A_199 = arith.constant 0 : i32
      %dma_wait3A_200 = tpu.memref_slice %arg5[%add3A_162, %dma_wait3A_199] : memref<76800x128xf32, #tpu.memory_space<hbm>> -> memref<200x64xf32, #tpu.memory_space<hbm>>
      tpu.wait_dma2 semaphore(%run_scoped3A : memref<!tpu.dma_semaphore, #tpu.memory_space<semaphore_mem>>) src(%arg12 : memref<200x64xf32, #tpu.memory_space<vmem>>) dst(%dma_wait3A_200 : memref<200x64xf32, #tpu.memory_space<hbm>>)
      tpu.yield
    }) : () -> ()
    "tpu.region"() ({
      %run_scoped3A = tpu.sem_alloc : memref<!tpu.dma_semaphore, #tpu.memory_space<semaphore_mem>>
      %dma_start3A_193 = arith.constant 64 : i32
      %dma_start3A_194 = tpu.memref_slice %arg5[%add3A_162, %dma_start3A_193] : memref<76800x128xf32, #tpu.memory_space<hbm>> -> memref<200x64xf32, #tpu.memory_space<hbm>>
      %dma_start3A_195 = arith.constant 64 : i32
      %dma_start3A_196 = tpu.memref_slice %arg5[%add3A_162, %dma_start3A_195] : memref<76800x128xf32, #tpu.memory_space<hbm>> -> memref<200x64xf32, #tpu.memory_space<hbm>>
      tpu.enqueue_dma source(%arg13 : memref<200x64xf32, #tpu.memory_space<vmem>>) target(%dma_start3A_196 : memref<200x64xf32, #tpu.memory_space<hbm>>) target_semaphore(%run_scoped3A : memref<!tpu.dma_semaphore, #tpu.memory_space<semaphore_mem>>)
      %dma_wait3A_197 = arith.constant 64 : i32
      %dma_wait3A_198 = tpu.memref_slice %arg5[%add3A_162, %dma_wait3A_197] : memref<76800x128xf32, #tpu.memory_space<hbm>> -> memref<200x64xf32, #tpu.memory_space<hbm>>
      %dma_wait3A_199 = arith.constant 64 : i32
      %dma_wait3A_200 = tpu.memref_slice %arg5[%add3A_162, %dma_wait3A_199] : memref<76800x128xf32, #tpu.memory_space<hbm>> -> memref<200x64xf32, #tpu.memory_space<hbm>>
      tpu.wait_dma2 semaphore(%run_scoped3A : memref<!tpu.dma_semaphore, #tpu.memory_space<semaphore_mem>>) src(%arg13 : memref<200x64xf32, #tpu.memory_space<vmem>>) dst(%dma_wait3A_200 : memref<200x64xf32, #tpu.memory_space<hbm>>)
      tpu.yield
    }) : () -> ()
    %add3A_169 = arith.constant 2200 : i32
    %add3A_170 = arith.addi %mul3A_2, %add3A_169 : i32
    "tpu.region"() ({
      %run_scoped3A = tpu.sem_alloc : memref<!tpu.dma_semaphore, #tpu.memory_space<semaphore_mem>>
      %dma_start3A_193 = tpu.memref_slice %arg3[%add3A_170] : memref<76800xi32, #tpu.memory_space<hbm>> -> memref<200xi32, #tpu.memory_space<hbm>>
      %dma_start3A_194 = tpu.memref_slice %arg3[%add3A_170] : memref<76800xi32, #tpu.memory_space<hbm>> -> memref<200xi32, #tpu.memory_space<hbm>>
      tpu.enqueue_dma source(%dma_start3A_194 : memref<200xi32, #tpu.memory_space<hbm>>) target(%arg8 : memref<200xi32, #tpu.memory_space<vmem>>) target_semaphore(%run_scoped3A : memref<!tpu.dma_semaphore, #tpu.memory_space<semaphore_mem>>)
      %dma_wait3A_195 = tpu.memref_slice %arg3[%add3A_170] : memref<76800xi32, #tpu.memory_space<hbm>> -> memref<200xi32, #tpu.memory_space<hbm>>
      %dma_wait3A_196 = tpu.memref_slice %arg3[%add3A_170] : memref<76800xi32, #tpu.memory_space<hbm>> -> memref<200xi32, #tpu.memory_space<hbm>>
      tpu.wait_dma2 semaphore(%run_scoped3A : memref<!tpu.dma_semaphore, #tpu.memory_space<semaphore_mem>>) src(%dma_wait3A_196 : memref<200xi32, #tpu.memory_space<hbm>>) dst(%arg8 : memref<200xi32, #tpu.memory_space<vmem>>)
      tpu.yield
    }) : () -> ()
    "tpu.region"() ({
      %run_scoped3A = tpu.sem_alloc : memref<!tpu.dma_semaphore, #tpu.memory_space<semaphore_mem>>
      %dma_start3A_193 = tpu.memref_slice %arg4[%add3A_170] : memref<76800xi32, #tpu.memory_space<hbm>> -> memref<200xi32, #tpu.memory_space<hbm>>
      %dma_start3A_194 = tpu.memref_slice %arg4[%add3A_170] : memref<76800xi32, #tpu.memory_space<hbm>> -> memref<200xi32, #tpu.memory_space<hbm>>
      tpu.enqueue_dma source(%dma_start3A_194 : memref<200xi32, #tpu.memory_space<hbm>>) target(%arg9 : memref<200xi32, #tpu.memory_space<vmem>>) target_semaphore(%run_scoped3A : memref<!tpu.dma_semaphore, #tpu.memory_space<semaphore_mem>>)
      %dma_wait3A_195 = tpu.memref_slice %arg4[%add3A_170] : memref<76800xi32, #tpu.memory_space<hbm>> -> memref<200xi32, #tpu.memory_space<hbm>>
      %dma_wait3A_196 = tpu.memref_slice %arg4[%add3A_170] : memref<76800xi32, #tpu.memory_space<hbm>> -> memref<200xi32, #tpu.memory_space<hbm>>
      tpu.wait_dma2 semaphore(%run_scoped3A : memref<!tpu.dma_semaphore, #tpu.memory_space<semaphore_mem>>) src(%dma_wait3A_196 : memref<200xi32, #tpu.memory_space<hbm>>) dst(%arg9 : memref<200xi32, #tpu.memory_space<vmem>>)
      tpu.yield
    }) : () -> ()
    %dma_start3A_171 = arith.constant 0 : i32
    %dma_start3A_172 = arith.constant 0 : i32
    %dma_start3A_173 = tpu.memref_slice %arg2[%dma_start3A_171, %dma_start3A_172] : memref<10000x64xf32, #tpu.memory_space<hbm>> -> memref<10000x64xf32, #tpu.memory_space<hbm>>
    tpu.enqueue_indirect_dma source(%dma_start3A_173 : memref<10000x64xf32, #tpu.memory_space<hbm>>) target(%arg12 : memref<200x64xf32, #tpu.memory_space<vmem>>) offsets(%arg8 : memref<200xi32, #tpu.memory_space<vmem>>) semaphore(%arg15 : memref<!tpu.dma_semaphore, #tpu.memory_space<semaphore_mem>>)
    %dma_start3A_174 = arith.constant 0 : i32
    %dma_start3A_175 = arith.constant 0 : i32
    %dma_start3A_176 = tpu.memref_slice %arg2[%dma_start3A_174, %dma_start3A_175] : memref<10000x64xf32, #tpu.memory_space<hbm>> -> memref<10000x64xf32, #tpu.memory_space<hbm>>
    tpu.enqueue_indirect_dma source(%dma_start3A_176 : memref<10000x64xf32, #tpu.memory_space<hbm>>) target(%arg13 : memref<200x64xf32, #tpu.memory_space<vmem>>) offsets(%arg9 : memref<200xi32, #tpu.memory_space<vmem>>) semaphore(%arg15 : memref<!tpu.dma_semaphore, #tpu.memory_space<semaphore_mem>>)
    %add3A_177 = arith.constant 2000 : i32
    %add3A_178 = arith.addi %mul3A_2, %add3A_177 : i32
    %dma_wait3A_179 = arith.constant 0 : i32
    %dma_wait3A_180 = arith.constant 0 : i32
    %dma_wait3A_181 = tpu.memref_slice %arg2[%dma_wait3A_179, %dma_wait3A_180] : memref<10000x64xf32, #tpu.memory_space<hbm>> -> memref<10000x64xf32, #tpu.memory_space<hbm>>
    tpu.wait_indirect_dma semaphore(%arg14 : memref<!tpu.dma_semaphore, #tpu.memory_space<semaphore_mem>>) src(%dma_wait3A_181 : memref<10000x64xf32, #tpu.memory_space<hbm>>) dst(%arg10 : memref<200x64xf32, #tpu.memory_space<vmem>>)
    %dma_wait3A_182 = arith.constant 0 : i32
    %dma_wait3A_183 = arith.constant 0 : i32
    %dma_wait3A_184 = tpu.memref_slice %arg2[%dma_wait3A_182, %dma_wait3A_183] : memref<10000x64xf32, #tpu.memory_space<hbm>> -> memref<10000x64xf32, #tpu.memory_space<hbm>>
    tpu.wait_indirect_dma semaphore(%arg14 : memref<!tpu.dma_semaphore, #tpu.memory_space<semaphore_mem>>) src(%dma_wait3A_184 : memref<10000x64xf32, #tpu.memory_space<hbm>>) dst(%arg11 : memref<200x64xf32, #tpu.memory_space<vmem>>)
    "tpu.region"() ({
      %run_scoped3A = tpu.sem_alloc : memref<!tpu.dma_semaphore, #tpu.memory_space<semaphore_mem>>
      %dma_start3A_193 = arith.constant 0 : i32
      %dma_start3A_194 = tpu.memref_slice %arg5[%add3A_178, %dma_start3A_193] : memref<76800x128xf32, #tpu.memory_space<hbm>> -> memref<200x64xf32, #tpu.memory_space<hbm>>
      %dma_start3A_195 = arith.constant 0 : i32
      %dma_start3A_196 = tpu.memref_slice %arg5[%add3A_178, %dma_start3A_195] : memref<76800x128xf32, #tpu.memory_space<hbm>> -> memref<200x64xf32, #tpu.memory_space<hbm>>
      tpu.enqueue_dma source(%arg10 : memref<200x64xf32, #tpu.memory_space<vmem>>) target(%dma_start3A_196 : memref<200x64xf32, #tpu.memory_space<hbm>>) target_semaphore(%run_scoped3A : memref<!tpu.dma_semaphore, #tpu.memory_space<semaphore_mem>>)
      %dma_wait3A_197 = arith.constant 0 : i32
      %dma_wait3A_198 = tpu.memref_slice %arg5[%add3A_178, %dma_wait3A_197] : memref<76800x128xf32, #tpu.memory_space<hbm>> -> memref<200x64xf32, #tpu.memory_space<hbm>>
      %dma_wait3A_199 = arith.constant 0 : i32
      %dma_wait3A_200 = tpu.memref_slice %arg5[%add3A_178, %dma_wait3A_199] : memref<76800x128xf32, #tpu.memory_space<hbm>> -> memref<200x64xf32, #tpu.memory_space<hbm>>
      tpu.wait_dma2 semaphore(%run_scoped3A : memref<!tpu.dma_semaphore, #tpu.memory_space<semaphore_mem>>) src(%arg10 : memref<200x64xf32, #tpu.memory_space<vmem>>) dst(%dma_wait3A_200 : memref<200x64xf32, #tpu.memory_space<hbm>>)
      tpu.yield
    }) : () -> ()
    "tpu.region"() ({
      %run_scoped3A = tpu.sem_alloc : memref<!tpu.dma_semaphore, #tpu.memory_space<semaphore_mem>>
      %dma_start3A_193 = arith.constant 64 : i32
      %dma_start3A_194 = tpu.memref_slice %arg5[%add3A_178, %dma_start3A_193] : memref<76800x128xf32, #tpu.memory_space<hbm>> -> memref<200x64xf32, #tpu.memory_space<hbm>>
      %dma_start3A_195 = arith.constant 64 : i32
      %dma_start3A_196 = tpu.memref_slice %arg5[%add3A_178, %dma_start3A_195] : memref<76800x128xf32, #tpu.memory_space<hbm>> -> memref<200x64xf32, #tpu.memory_space<hbm>>
      tpu.enqueue_dma source(%arg11 : memref<200x64xf32, #tpu.memory_space<vmem>>) target(%dma_start3A_196 : memref<200x64xf32, #tpu.memory_space<hbm>>) target_semaphore(%run_scoped3A : memref<!tpu.dma_semaphore, #tpu.memory_space<semaphore_mem>>)
      %dma_wait3A_197 = arith.constant 64 : i32
      %dma_wait3A_198 = tpu.memref_slice %arg5[%add3A_178, %dma_wait3A_197] : memref<76800x128xf32, #tpu.memory_space<hbm>> -> memref<200x64xf32, #tpu.memory_space<hbm>>
      %dma_wait3A_199 = arith.constant 64 : i32
      %dma_wait3A_200 = tpu.memref_slice %arg5[%add3A_178, %dma_wait3A_199] : memref<76800x128xf32, #tpu.memory_space<hbm>> -> memref<200x64xf32, #tpu.memory_space<hbm>>
      tpu.wait_dma2 semaphore(%run_scoped3A : memref<!tpu.dma_semaphore, #tpu.memory_space<semaphore_mem>>) src(%arg11 : memref<200x64xf32, #tpu.memory_space<vmem>>) dst(%dma_wait3A_200 : memref<200x64xf32, #tpu.memory_space<hbm>>)
      tpu.yield
    }) : () -> ()
    %add3A_185 = arith.constant 2200 : i32
    %add3A_186 = arith.addi %mul3A_2, %add3A_185 : i32
    %dma_wait3A_187 = arith.constant 0 : i32
    %dma_wait3A_188 = arith.constant 0 : i32
    %dma_wait3A_189 = tpu.memref_slice %arg2[%dma_wait3A_187, %dma_wait3A_188] : memref<10000x64xf32, #tpu.memory_space<hbm>> -> memref<10000x64xf32, #tpu.memory_space<hbm>>
    tpu.wait_indirect_dma semaphore(%arg15 : memref<!tpu.dma_semaphore, #tpu.memory_space<semaphore_mem>>) src(%dma_wait3A_189 : memref<10000x64xf32, #tpu.memory_space<hbm>>) dst(%arg12 : memref<200x64xf32, #tpu.memory_space<vmem>>)
    %dma_wait3A_190 = arith.constant 0 : i32
    %dma_wait3A_191 = arith.constant 0 : i32
    %dma_wait3A_192 = tpu.memref_slice %arg2[%dma_wait3A_190, %dma_wait3A_191] : memref<10000x64xf32, #tpu.memory_space<hbm>> -> memref<10000x64xf32, #tpu.memory_space<hbm>>
    tpu.wait_indirect_dma semaphore(%arg15 : memref<!tpu.dma_semaphore, #tpu.memory_space<semaphore_mem>>) src(%dma_wait3A_192 : memref<10000x64xf32, #tpu.memory_space<hbm>>) dst(%arg13 : memref<200x64xf32, #tpu.memory_space<vmem>>)
    "tpu.region"() ({
      %run_scoped3A = tpu.sem_alloc : memref<!tpu.dma_semaphore, #tpu.memory_space<semaphore_mem>>
      %dma_start3A_193 = arith.constant 0 : i32
      %dma_start3A_194 = tpu.memref_slice %arg5[%add3A_186, %dma_start3A_193] : memref<76800x128xf32, #tpu.memory_space<hbm>> -> memref<200x64xf32, #tpu.memory_space<hbm>>
      %dma_start3A_195 = arith.constant 0 : i32
      %dma_start3A_196 = tpu.memref_slice %arg5[%add3A_186, %dma_start3A_195] : memref<76800x128xf32, #tpu.memory_space<hbm>> -> memref<200x64xf32, #tpu.memory_space<hbm>>
      tpu.enqueue_dma source(%arg12 : memref<200x64xf32, #tpu.memory_space<vmem>>) target(%dma_start3A_196 : memref<200x64xf32, #tpu.memory_space<hbm>>) target_semaphore(%run_scoped3A : memref<!tpu.dma_semaphore, #tpu.memory_space<semaphore_mem>>)
      %dma_wait3A_197 = arith.constant 0 : i32
      %dma_wait3A_198 = tpu.memref_slice %arg5[%add3A_186, %dma_wait3A_197] : memref<76800x128xf32, #tpu.memory_space<hbm>> -> memref<200x64xf32, #tpu.memory_space<hbm>>
      %dma_wait3A_199 = arith.constant 0 : i32
      %dma_wait3A_200 = tpu.memref_slice %arg5[%add3A_186, %dma_wait3A_199] : memref<76800x128xf32, #tpu.memory_space<hbm>> -> memref<200x64xf32, #tpu.memory_space<hbm>>
      tpu.wait_dma2 semaphore(%run_scoped3A : memref<!tpu.dma_semaphore, #tpu.memory_space<semaphore_mem>>) src(%arg12 : memref<200x64xf32, #tpu.memory_space<vmem>>) dst(%dma_wait3A_200 : memref<200x64xf32, #tpu.memory_space<hbm>>)
      tpu.yield
    }) : () -> ()
    "tpu.region"() ({
      %run_scoped3A = tpu.sem_alloc : memref<!tpu.dma_semaphore, #tpu.memory_space<semaphore_mem>>
      %dma_start3A_193 = arith.constant 64 : i32
      %dma_start3A_194 = tpu.memref_slice %arg5[%add3A_186, %dma_start3A_193] : memref<76800x128xf32, #tpu.memory_space<hbm>> -> memref<200x64xf32, #tpu.memory_space<hbm>>
      %dma_start3A_195 = arith.constant 64 : i32
      %dma_start3A_196 = tpu.memref_slice %arg5[%add3A_186, %dma_start3A_195] : memref<76800x128xf32, #tpu.memory_space<hbm>> -> memref<200x64xf32, #tpu.memory_space<hbm>>
      tpu.enqueue_dma source(%arg13 : memref<200x64xf32, #tpu.memory_space<vmem>>) target(%dma_start3A_196 : memref<200x64xf32, #tpu.memory_space<hbm>>) target_semaphore(%run_scoped3A : memref<!tpu.dma_semaphore, #tpu.memory_space<semaphore_mem>>)
      %dma_wait3A_197 = arith.constant 64 : i32
      %dma_wait3A_198 = tpu.memref_slice %arg5[%add3A_186, %dma_wait3A_197] : memref<76800x128xf32, #tpu.memory_space<hbm>> -> memref<200x64xf32, #tpu.memory_space<hbm>>
      %dma_wait3A_199 = arith.constant 64 : i32
      %dma_wait3A_200 = tpu.memref_slice %arg5[%add3A_186, %dma_wait3A_199] : memref<76800x128xf32, #tpu.memory_space<hbm>> -> memref<200x64xf32, #tpu.memory_space<hbm>>
      tpu.wait_dma2 semaphore(%run_scoped3A : memref<!tpu.dma_semaphore, #tpu.memory_space<semaphore_mem>>) src(%arg13 : memref<200x64xf32, #tpu.memory_space<vmem>>) dst(%dma_wait3A_200 : memref<200x64xf32, #tpu.memory_space<hbm>>)
      tpu.yield
    }) : () -> ()
    return
  }
}

module attributes {stable_mosaic.version = 14 : i64} {
  func.func @_qkv_body(%arg0: i32, %arg1: memref<2000x128xf32, #tpu.memory_space<vmem>>, %arg2: memref<128x32xf32, #tpu.memory_space<vmem>>, %arg3: memref<1x32xf32, #tpu.memory_space<vmem>>, %arg4: memref<128x64xf32, #tpu.memory_space<vmem>>, %arg5: memref<1x64xf32, #tpu.memory_space<vmem>>, %arg6: memref<2000x32xf32, #tpu.memory_space<vmem>>, %arg7: memref<2000x64xf32, #tpu.memory_space<vmem>>) attributes {dimension_semantics = [#tpu.dimension_semantics<arbitrary>], iteration_bounds = array<i64: 5>, scalar_prefetch = 0 : i64, scratch_operands = 0 : i64, tpu.core_type = #tpu.core_type<tc>, window_params = [{transform_indices = @transform_0, window_bounds = array<i64: 2000, 128>}, {pipeline_mode = #tpu.pipeline_mode<synchronous>, transform_indices = @transform_1, window_bounds = array<i64: 128, 32>}, {pipeline_mode = #tpu.pipeline_mode<synchronous>, transform_indices = @transform_2, window_bounds = array<i64: 1, 32>}, {pipeline_mode = #tpu.pipeline_mode<synchronous>, transform_indices = @transform_3, window_bounds = array<i64: 128, 64>}, {pipeline_mode = #tpu.pipeline_mode<synchronous>, transform_indices = @transform_4, window_bounds = array<i64: 1, 64>}, {transform_indices = @transform_5, window_bounds = array<i64: 2000, 32>}, {transform_indices = @transform_6, window_bounds = array<i64: 2000, 64>}]} {
    %get3A = arith.constant 0 : index
    %get3A_0 = arith.constant 0 : index
    %get3A_1 = vector.load %arg1[%get3A, %get3A_0] : memref<2000x128xf32, #tpu.memory_space<vmem>>, vector<2000x128xf32>
    %reduce_sum3A = arith.constant dense<0.000000e+00> : vector<2000xf32>
    %reduce_sum3A_2 = vector.multi_reduction <add>, %get3A_1, %reduce_sum3A [1] : vector<2000x128xf32> to vector<2000xf32>
    %broadcast_in_dim3A = vector.shape_cast %reduce_sum3A_2 : vector<2000xf32> to vector<2000x1xf32>
    %div3A = arith.constant 1.280000e+02 : f32
    %div3A_3 = vector.broadcast %div3A : f32 to vector<2000x1xf32>
    %div3A_4 = arith.divf %broadcast_in_dim3A, %div3A_3 : vector<2000x1xf32>
    %sub3A = vector.broadcast %div3A_4 : vector<2000x1xf32> to vector<2000x128xf32>
    %sub3A_5 = arith.subf %get3A_1, %sub3A : vector<2000x128xf32>
    %mul3A = arith.mulf %sub3A_5, %sub3A_5 : vector<2000x128xf32>
    %reduce_sum3A_6 = arith.constant dense<0.000000e+00> : vector<2000xf32>
    %reduce_sum3A_7 = vector.multi_reduction <add>, %mul3A, %reduce_sum3A_6 [1] : vector<2000x128xf32> to vector<2000xf32>
    %broadcast_in_dim3A_8 = vector.shape_cast %reduce_sum3A_7 : vector<2000xf32> to vector<2000x1xf32>
    %div3A_9 = arith.constant 1.280000e+02 : f32
    %div3A_10 = vector.broadcast %div3A_9 : f32 to vector<2000x1xf32>
    %div3A_11 = arith.divf %broadcast_in_dim3A_8, %div3A_10 : vector<2000x1xf32>
    %add3A = arith.constant 9.99999974E-6 : f32
    %add3A_12 = vector.broadcast %add3A : f32 to vector<2000x1xf32>
    %add3A_13 = arith.addf %div3A_11, %add3A_12 : vector<2000x1xf32>
    %rsqrt3A = math.rsqrt %add3A_13 : vector<2000x1xf32>
    %mul3A_14 = vector.broadcast %rsqrt3A : vector<2000x1xf32> to vector<2000x128xf32>
    %mul3A_15 = arith.mulf %sub3A_5, %mul3A_14 : vector<2000x128xf32>
    %get3A_16 = arith.constant 0 : index
    %get3A_17 = arith.constant 0 : index
    %get3A_18 = vector.load %arg2[%get3A_16, %get3A_17] : memref<128x32xf32, #tpu.memory_space<vmem>>, vector<128x32xf32>
    %dot_general3A = arith.constant dense<0.000000e+00> : vector<2000x32xf32>
    %dot_general3A_19 = tpu.matmul %mul3A_15, %get3A_18, %dot_general3A {dimension_numbers = #tpu.dot_dimension_numbers<[1], [0], [0], [1], [0, 0, 1, 1], [], []>, transpose_lhs_hint = false} : vector<2000x128xf32>, vector<128x32xf32>, vector<2000x32xf32> -> vector<2000x32xf32>
    %get3A_20 = arith.constant 0 : index
    %get3A_21 = arith.constant 0 : index
    %get3A_22 = vector.load %arg3[%get3A_20, %get3A_21] : memref<1x32xf32, #tpu.memory_space<vmem>>, vector<1x32xf32>
    %add3A_23 = vector.broadcast %get3A_22 : vector<1x32xf32> to vector<2000x32xf32>
    %add3A_24 = arith.addf %dot_general3A_19, %add3A_23 : vector<2000x32xf32>
    %swap3A = arith.constant 0 : index
    %swap3A_25 = arith.constant 0 : index
    %swap3A_26 = vector.load %arg6[%swap3A, %swap3A_25] : memref<2000x32xf32, #tpu.memory_space<vmem>>, vector<2000x32xf32>
    tpu.vector_store %arg6[%swap3A, %swap3A_25], %add3A_24 {strides = array<i32>} : memref<2000x32xf32, #tpu.memory_space<vmem>>, vector<2000x32xf32>,
    %get3A_27 = arith.constant 0 : index
    %get3A_28 = arith.constant 0 : index
    %get3A_29 = vector.load %arg4[%get3A_27, %get3A_28] : memref<128x64xf32, #tpu.memory_space<vmem>>, vector<128x64xf32>
    %dot_general3A_30 = arith.constant dense<0.000000e+00> : vector<2000x64xf32>
    %dot_general3A_31 = tpu.matmul %mul3A_15, %get3A_29, %dot_general3A_30 {dimension_numbers = #tpu.dot_dimension_numbers<[1], [0], [0], [1], [0, 0, 1, 1], [], []>, transpose_lhs_hint = false} : vector<2000x128xf32>, vector<128x64xf32>, vector<2000x64xf32> -> vector<2000x64xf32>
    %get3A_32 = arith.constant 0 : index
    %get3A_33 = arith.constant 0 : index
    %get3A_34 = vector.load %arg5[%get3A_32, %get3A_33] : memref<1x64xf32, #tpu.memory_space<vmem>>, vector<1x64xf32>
    %add3A_35 = vector.broadcast %get3A_34 : vector<1x64xf32> to vector<2000x64xf32>
    %add3A_36 = arith.addf %dot_general3A_31, %add3A_35 : vector<2000x64xf32>
    %swap3A_37 = arith.constant 0 : index
    %swap3A_38 = arith.constant 0 : index
    %swap3A_39 = vector.load %arg7[%swap3A_37, %swap3A_38] : memref<2000x64xf32, #tpu.memory_space<vmem>>, vector<2000x64xf32>
    tpu.vector_store %arg7[%swap3A_37, %swap3A_38], %add3A_36 {strides = array<i32>} : memref<2000x64xf32, #tpu.memory_space<vmem>>, vector<2000x64xf32>,
    return
  }
  func.func @transform_0(%arg0: i32) -> (i32, i32) {
    %c0_i32 = arith.constant 0 : i32
    %c0_i32_0 = arith.constant 0 : i32
    return %arg0, %c0_i32 : i32, i32
  }
  func.func @transform_1(%arg0: i32) -> (i32, i32) {
    %c0_i32 = arith.constant 0 : i32
    %c0_i32_0 = arith.constant 0 : i32
    %c0_i32_1 = arith.constant 0 : i32
    return %c0_i32, %c0_i32_0 : i32, i32
  }
  func.func @transform_2(%arg0: i32) -> (i32, i32) {
    %c0_i32 = arith.constant 0 : i32
    %c0_i32_0 = arith.constant 0 : i32
    %c0_i32_1 = arith.constant 0 : i32
    return %c0_i32, %c0_i32_0 : i32, i32
  }
  func.func @transform_3(%arg0: i32) -> (i32, i32) {
    %c0_i32 = arith.constant 0 : i32
    %c0_i32_0 = arith.constant 0 : i32
    %c0_i32_1 = arith.constant 0 : i32
    return %c0_i32, %c0_i32_0 : i32, i32
  }
  func.func @transform_4(%arg0: i32) -> (i32, i32) {
    %c0_i32 = arith.constant 0 : i32
    %c0_i32_0 = arith.constant 0 : i32
    %c0_i32_1 = arith.constant 0 : i32
    return %c0_i32, %c0_i32_0 : i32, i32
  }
  func.func @transform_5(%arg0: i32) -> (i32, i32) {
    %c0_i32 = arith.constant 0 : i32
    %c0_i32_0 = arith.constant 0 : i32
    return %arg0, %c0_i32 : i32, i32
  }
  func.func @transform_6(%arg0: i32) -> (i32, i32) {
    %c0_i32 = arith.constant 0 : i32
    %c0_i32_0 = arith.constant 0 : i32
    return %arg0, %c0_i32 : i32, i32
  }
}

module attributes {stable_mosaic.version = 14 : i64} {
  func.func @_block_body(%arg0: i32, %arg1: memref<400x128xf32, #tpu.memory_space<vmem>>, %arg2: memref<400x32xf32, #tpu.memory_space<vmem>>, %arg3: memref<16x400x128xf32, #tpu.memory_space<vmem>>, %arg4: memref<1x16x6x400xf32, #tpu.memory_space<vmem>>, %arg5: memref<6x128xf32, #tpu.memory_space<vmem>>, %arg6: memref<1x128xf32, #tpu.memory_space<vmem>>, %arg7: memref<128x128xf32, #tpu.memory_space<vmem>>, %arg8: memref<1x128xf32, #tpu.memory_space<vmem>>, %arg9: memref<32x128xf32, #tpu.memory_space<vmem>>, %arg10: memref<128x128xf32, #tpu.memory_space<vmem>>, %arg11: memref<1x128xf32, #tpu.memory_space<vmem>>, %arg12: memref<128x128xf32, #tpu.memory_space<vmem>>, %arg13: memref<1x128xf32, #tpu.memory_space<vmem>>, %arg14: memref<1x128xf32, #tpu.memory_space<vmem>>, %arg15: memref<128x128xf32, #tpu.memory_space<vmem>>, %arg16: memref<1x128xf32, #tpu.memory_space<vmem>>, %arg17: memref<1x128xf32, #tpu.memory_space<vmem>>, %arg18: memref<1x128xf32, #tpu.memory_space<vmem>>, %arg19: memref<128x256xf32, #tpu.memory_space<vmem>>, %arg20: memref<1x256xf32, #tpu.memory_space<vmem>>, %arg21: memref<256x128xf32, #tpu.memory_space<vmem>>, %arg22: memref<1x128xf32, #tpu.memory_space<vmem>>, %arg23: memref<400x128xf32, #tpu.memory_space<vmem>>) attributes {dimension_semantics = [#tpu.dimension_semantics<arbitrary>], iteration_bounds = array<i64: 12>, scalar_prefetch = 0 : i64, scratch_operands = 0 : i64, tpu.core_type = #tpu.core_type<tc>, window_params = [{transform_indices = @transform_0, window_bounds = array<i64: 400, 128>}, {transform_indices = @transform_1, window_bounds = array<i64: 400, 32>}, {transform_indices = @transform_2, window_bounds = array<i64: 16, 400, 128>}, {transform_indices = @transform_3, window_bounds = array<i64: 1, 16, 6, 400>}, {pipeline_mode = #tpu.pipeline_mode<synchronous>, transform_indices = @transform_4, window_bounds = array<i64: 6, 128>}, {pipeline_mode = #tpu.pipeline_mode<synchronous>, transform_indices = @transform_5, window_bounds = array<i64: 1, 128>}, {pipeline_mode = #tpu.pipeline_mode<synchronous>, transform_indices = @transform_6, window_bounds = array<i64: 128, 128>}, {pipeline_mode = #tpu.pipeline_mode<synchronous>, transform_indices = @transform_7, window_bounds = array<i64: 1, 128>}, {pipeline_mode = #tpu.pipeline_mode<synchronous>, transform_indices = @transform_8, window_bounds = array<i64: 32, 128>}, {pipeline_mode = #tpu.pipeline_mode<synchronous>, transform_indices = @transform_9, window_bounds = array<i64: 128, 128>}, {pipeline_mode = #tpu.pipeline_mode<synchronous>, transform_indices = @transform_10, window_bounds = array<i64: 1, 128>}, {pipeline_mode = #tpu.pipeline_mode<synchronous>, transform_indices = @transform_11, window_bounds = array<i64: 128, 128>}, {pipeline_mode = #tpu.pipeline_mode<synchronous>, transform_indices = @transform_12, window_bounds = array<i64: 1, 128>}, {pipeline_mode = #tpu.pipeline_mode<synchronous>, transform_indices = @transform_13, window_bounds = array<i64: 1, 128>}, {pipeline_mode = #tpu.pipeline_mode<synchronous>, transform_indices = @transform_14, window_bounds = array<i64: 128, 128>}, {pipeline_mode = #tpu.pipeline_mode<synchronous>, transform_indices = @transform_15, window_bounds = array<i64: 1, 128>}, {pipeline_mode = #tpu.pipeline_mode<synchronous>, transform_indices = @transform_16, window_bounds = array<i64: 1, 128>}, {pipeline_mode = #tpu.pipeline_mode<synchronous>, transform_indices = @transform_17, window_bounds = array<i64: 1, 128>}, {pipeline_mode = #tpu.pipeline_mode<synchronous>, transform_indices = @transform_18, window_bounds = array<i64: 128, 256>}, {pipeline_mode = #tpu.pipeline_mode<synchronous>, transform_indices = @transform_19, window_bounds = array<i64: 1, 256>}, {pipeline_mode = #tpu.pipeline_mode<synchronous>, transform_indices = @transform_20, window_bounds = array<i64: 256, 128>}, {pipeline_mode = #tpu.pipeline_mode<synchronous>, transform_indices = @transform_21, window_bounds = array<i64: 1, 128>}, {transform_indices = @transform_22, window_bounds = array<i64: 400, 128>}]} {
    %get3A = arith.constant 0 : index
    %get3A_0 = arith.constant 0 : index
    %get3A_1 = vector.load %arg5[%get3A, %get3A_0] : memref<6x128xf32, #tpu.memory_space<vmem>>, vector<6x128xf32>
    %get3A_2 = arith.constant 0 : index
    %get3A_3 = arith.constant 0 : index
    %get3A_4 = arith.constant 0 : index
    %get3A_5 = arith.constant 0 : index
    %get3A_6 = vector.load %arg4[%get3A_2, %get3A_3, %get3A_4, %get3A_5] : memref<1x16x6x400xf32, #tpu.memory_space<vmem>>, vector<1x1x6x400xf32>
    %get3A_7 = vector.shape_cast %get3A_6 : vector<1x1x6x400xf32> to vector<6x400xf32>
    %dot_general3A = arith.constant dense<0.000000e+00> : vector<400x128xf32>
    %dot_general3A_8 = tpu.matmul %get3A_7, %get3A_1, %dot_general3A {dimension_numbers = #tpu.dot_dimension_numbers<[0], [0], [1], [1], [0, 1, 1, 1], [], []>, transpose_lhs_hint = false} : vector<6x400xf32>, vector<6x128xf32>, vector<400x128xf32> -> vector<400x128xf32>
    %broadcast_in_dim3A = vector.shape_cast %dot_general3A_8 : vector<400x128xf32> to vector<1x400x128xf32>
    %get3A_9 = arith.constant 0 : index
    %get3A_10 = arith.constant 1 : index
    %get3A_11 = arith.constant 0 : index
    %get3A_12 = arith.constant 0 : index
    %get3A_13 = vector.load %arg4[%get3A_9, %get3A_10, %get3A_11, %get3A_12] : memref<1x16x6x400xf32, #tpu.memory_space<vmem>>, vector<1x1x6x400xf32>
    %get3A_14 = vector.shape_cast %get3A_13 : vector<1x1x6x400xf32> to vector<6x400xf32>
    %dot_general3A_15 = arith.constant dense<0.000000e+00> : vector<400x128xf32>
    %dot_general3A_16 = tpu.matmul %get3A_14, %get3A_1, %dot_general3A_15 {dimension_numbers = #tpu.dot_dimension_numbers<[0], [0], [1], [1], [0, 1, 1, 1], [], []>, transpose_lhs_hint = false} : vector<6x400xf32>, vector<6x128xf32>, vector<400x128xf32> -> vector<400x128xf32>
    %broadcast_in_dim3A_17 = vector.shape_cast %dot_general3A_16 : vector<400x128xf32> to vector<1x400x128xf32>
    %get3A_18 = arith.constant 0 : index
    %get3A_19 = arith.constant 2 : index
    %get3A_20 = arith.constant 0 : index
    %get3A_21 = arith.constant 0 : index
    %get3A_22 = vector.load %arg4[%get3A_18, %get3A_19, %get3A_20, %get3A_21] : memref<1x16x6x400xf32, #tpu.memory_space<vmem>>, vector<1x1x6x400xf32>
    %get3A_23 = vector.shape_cast %get3A_22 : vector<1x1x6x400xf32> to vector<6x400xf32>
    %dot_general3A_24 = arith.constant dense<0.000000e+00> : vector<400x128xf32>
    %dot_general3A_25 = tpu.matmul %get3A_23, %get3A_1, %dot_general3A_24 {dimension_numbers = #tpu.dot_dimension_numbers<[0], [0], [1], [1], [0, 1, 1, 1], [], []>, transpose_lhs_hint = false} : vector<6x400xf32>, vector<6x128xf32>, vector<400x128xf32> -> vector<400x128xf32>
    %broadcast_in_dim3A_26 = vector.shape_cast %dot_general3A_25 : vector<400x128xf32> to vector<1x400x128xf32>
    %get3A_27 = arith.constant 0 : index
    %get3A_28 = arith.constant 3 : index
    %get3A_29 = arith.constant 0 : index
    %get3A_30 = arith.constant 0 : index
    %get3A_31 = vector.load %arg4[%get3A_27, %get3A_28, %get3A_29, %get3A_30] : memref<1x16x6x400xf32, #tpu.memory_space<vmem>>, vector<1x1x6x400xf32>
    %get3A_32 = vector.shape_cast %get3A_31 : vector<1x1x6x400xf32> to vector<6x400xf32>
    %dot_general3A_33 = arith.constant dense<0.000000e+00> : vector<400x128xf32>
    %dot_general3A_34 = tpu.matmul %get3A_32, %get3A_1, %dot_general3A_33 {dimension_numbers = #tpu.dot_dimension_numbers<[0], [0], [1], [1], [0, 1, 1, 1], [], []>, transpose_lhs_hint = false} : vector<6x400xf32>, vector<6x128xf32>, vector<400x128xf32> -> vector<400x128xf32>
    %broadcast_in_dim3A_35 = vector.shape_cast %dot_general3A_34 : vector<400x128xf32> to vector<1x400x128xf32>
    %get3A_36 = arith.constant 0 : index
    %get3A_37 = arith.constant 4 : index
    %get3A_38 = arith.constant 0 : index
    %get3A_39 = arith.constant 0 : index
    %get3A_40 = vector.load %arg4[%get3A_36, %get3A_37, %get3A_38, %get3A_39] : memref<1x16x6x400xf32, #tpu.memory_space<vmem>>, vector<1x1x6x400xf32>
    %get3A_41 = vector.shape_cast %get3A_40 : vector<1x1x6x400xf32> to vector<6x400xf32>
    %dot_general3A_42 = arith.constant dense<0.000000e+00> : vector<400x128xf32>
    %dot_general3A_43 = tpu.matmul %get3A_41, %get3A_1, %dot_general3A_42 {dimension_numbers = #tpu.dot_dimension_numbers<[0], [0], [1], [1], [0, 1, 1, 1], [], []>, transpose_lhs_hint = false} : vector<6x400xf32>, vector<6x128xf32>, vector<400x128xf32> -> vector<400x128xf32>
    %broadcast_in_dim3A_44 = vector.shape_cast %dot_general3A_43 : vector<400x128xf32> to vector<1x400x128xf32>
    %get3A_45 = arith.constant 0 : index
    %get3A_46 = arith.constant 5 : index
    %get3A_47 = arith.constant 0 : index
    %get3A_48 = arith.constant 0 : index
    %get3A_49 = vector.load %arg4[%get3A_45, %get3A_46, %get3A_47, %get3A_48] : memref<1x16x6x400xf32, #tpu.memory_space<vmem>>, vector<1x1x6x400xf32>
    %get3A_50 = vector.shape_cast %get3A_49 : vector<1x1x6x400xf32> to vector<6x400xf32>
    %dot_general3A_51 = arith.constant dense<0.000000e+00> : vector<400x128xf32>
    %dot_general3A_52 = tpu.matmul %get3A_50, %get3A_1, %dot_general3A_51 {dimension_numbers = #tpu.dot_dimension_numbers<[0], [0], [1], [1], [0, 1, 1, 1], [], []>, transpose_lhs_hint = false} : vector<6x400xf32>, vector<6x128xf32>, vector<400x128xf32> -> vector<400x128xf32>
    %broadcast_in_dim3A_53 = vector.shape_cast %dot_general3A_52 : vector<400x128xf32> to vector<1x400x128xf32>
    %get3A_54 = arith.constant 0 : index
    %get3A_55 = arith.constant 6 : index
    %get3A_56 = arith.constant 0 : index
    %get3A_57 = arith.constant 0 : index
    %get3A_58 = vector.load %arg4[%get3A_54, %get3A_55, %get3A_56, %get3A_57] : memref<1x16x6x400xf32, #tpu.memory_space<vmem>>, vector<1x1x6x400xf32>
    %get3A_59 = vector.shape_cast %get3A_58 : vector<1x1x6x400xf32> to vector<6x400xf32>
    %dot_general3A_60 = arith.constant dense<0.000000e+00> : vector<400x128xf32>
    %dot_general3A_61 = tpu.matmul %get3A_59, %get3A_1, %dot_general3A_60 {dimension_numbers = #tpu.dot_dimension_numbers<[0], [0], [1], [1], [0, 1, 1, 1], [], []>, transpose_lhs_hint = false} : vector<6x400xf32>, vector<6x128xf32>, vector<400x128xf32> -> vector<400x128xf32>
    %broadcast_in_dim3A_62 = vector.shape_cast %dot_general3A_61 : vector<400x128xf32> to vector<1x400x128xf32>
    %get3A_63 = arith.constant 0 : index
    %get3A_64 = arith.constant 7 : index
    %get3A_65 = arith.constant 0 : index
    %get3A_66 = arith.constant 0 : index
    %get3A_67 = vector.load %arg4[%get3A_63, %get3A_64, %get3A_65, %get3A_66] : memref<1x16x6x400xf32, #tpu.memory_space<vmem>>, vector<1x1x6x400xf32>
    %get3A_68 = vector.shape_cast %get3A_67 : vector<1x1x6x400xf32> to vector<6x400xf32>
    %dot_general3A_69 = arith.constant dense<0.000000e+00> : vector<400x128xf32>
    %dot_general3A_70 = tpu.matmul %get3A_68, %get3A_1, %dot_general3A_69 {dimension_numbers = #tpu.dot_dimension_numbers<[0], [0], [1], [1], [0, 1, 1, 1], [], []>, transpose_lhs_hint = false} : vector<6x400xf32>, vector<6x128xf32>, vector<400x128xf32> -> vector<400x128xf32>
    %broadcast_in_dim3A_71 = vector.shape_cast %dot_general3A_70 : vector<400x128xf32> to vector<1x400x128xf32>
    %get3A_72 = arith.constant 0 : index
    %get3A_73 = arith.constant 8 : index
    %get3A_74 = arith.constant 0 : index
    %get3A_75 = arith.constant 0 : index
    %get3A_76 = vector.load %arg4[%get3A_72, %get3A_73, %get3A_74, %get3A_75] : memref<1x16x6x400xf32, #tpu.memory_space<vmem>>, vector<1x1x6x400xf32>
    %get3A_77 = vector.shape_cast %get3A_76 : vector<1x1x6x400xf32> to vector<6x400xf32>
    %dot_general3A_78 = arith.constant dense<0.000000e+00> : vector<400x128xf32>
    %dot_general3A_79 = tpu.matmul %get3A_77, %get3A_1, %dot_general3A_78 {dimension_numbers = #tpu.dot_dimension_numbers<[0], [0], [1], [1], [0, 1, 1, 1], [], []>, transpose_lhs_hint = false} : vector<6x400xf32>, vector<6x128xf32>, vector<400x128xf32> -> vector<400x128xf32>
    %broadcast_in_dim3A_80 = vector.shape_cast %dot_general3A_79 : vector<400x128xf32> to vector<1x400x128xf32>
    %get3A_81 = arith.constant 0 : index
    %get3A_82 = arith.constant 9 : index
    %get3A_83 = arith.constant 0 : index
    %get3A_84 = arith.constant 0 : index
    %get3A_85 = vector.load %arg4[%get3A_81, %get3A_82, %get3A_83, %get3A_84] : memref<1x16x6x400xf32, #tpu.memory_space<vmem>>, vector<1x1x6x400xf32>
    %get3A_86 = vector.shape_cast %get3A_85 : vector<1x1x6x400xf32> to vector<6x400xf32>
    %dot_general3A_87 = arith.constant dense<0.000000e+00> : vector<400x128xf32>
    %dot_general3A_88 = tpu.matmul %get3A_86, %get3A_1, %dot_general3A_87 {dimension_numbers = #tpu.dot_dimension_numbers<[0], [0], [1], [1], [0, 1, 1, 1], [], []>, transpose_lhs_hint = false} : vector<6x400xf32>, vector<6x128xf32>, vector<400x128xf32> -> vector<400x128xf32>
    %broadcast_in_dim3A_89 = vector.shape_cast %dot_general3A_88 : vector<400x128xf32> to vector<1x400x128xf32>
    %get3A_90 = arith.constant 0 : index
    %get3A_91 = arith.constant 10 : index
    %get3A_92 = arith.constant 0 : index
    %get3A_93 = arith.constant 0 : index
    %get3A_94 = vector.load %arg4[%get3A_90, %get3A_91, %get3A_92, %get3A_93] : memref<1x16x6x400xf32, #tpu.memory_space<vmem>>, vector<1x1x6x400xf32>
    %get3A_95 = vector.shape_cast %get3A_94 : vector<1x1x6x400xf32> to vector<6x400xf32>
    %dot_general3A_96 = arith.constant dense<0.000000e+00> : vector<400x128xf32>
    %dot_general3A_97 = tpu.matmul %get3A_95, %get3A_1, %dot_general3A_96 {dimension_numbers = #tpu.dot_dimension_numbers<[0], [0], [1], [1], [0, 1, 1, 1], [], []>, transpose_lhs_hint = false} : vector<6x400xf32>, vector<6x128xf32>, vector<400x128xf32> -> vector<400x128xf32>
    %broadcast_in_dim3A_98 = vector.shape_cast %dot_general3A_97 : vector<400x128xf32> to vector<1x400x128xf32>
    %get3A_99 = arith.constant 0 : index
    %get3A_100 = arith.constant 11 : index
    %get3A_101 = arith.constant 0 : index
    %get3A_102 = arith.constant 0 : index
    %get3A_103 = vector.load %arg4[%get3A_99, %get3A_100, %get3A_101, %get3A_102] : memref<1x16x6x400xf32, #tpu.memory_space<vmem>>, vector<1x1x6x400xf32>
    %get3A_104 = vector.shape_cast %get3A_103 : vector<1x1x6x400xf32> to vector<6x400xf32>
    %dot_general3A_105 = arith.constant dense<0.000000e+00> : vector<400x128xf32>
    %dot_general3A_106 = tpu.matmul %get3A_104, %get3A_1, %dot_general3A_105 {dimension_numbers = #tpu.dot_dimension_numbers<[0], [0], [1], [1], [0, 1, 1, 1], [], []>, transpose_lhs_hint = false} : vector<6x400xf32>, vector<6x128xf32>, vector<400x128xf32> -> vector<400x128xf32>
    %broadcast_in_dim3A_107 = vector.shape_cast %dot_general3A_106 : vector<400x128xf32> to vector<1x400x128xf32>
    %get3A_108 = arith.constant 0 : index
    %get3A_109 = arith.constant 12 : index
    %get3A_110 = arith.constant 0 : index
    %get3A_111 = arith.constant 0 : index
    %get3A_112 = vector.load %arg4[%get3A_108, %get3A_109, %get3A_110, %get3A_111] : memref<1x16x6x400xf32, #tpu.memory_space<vmem>>, vector<1x1x6x400xf32>
    %get3A_113 = vector.shape_cast %get3A_112 : vector<1x1x6x400xf32> to vector<6x400xf32>
    %dot_general3A_114 = arith.constant dense<0.000000e+00> : vector<400x128xf32>
    %dot_general3A_115 = tpu.matmul %get3A_113, %get3A_1, %dot_general3A_114 {dimension_numbers = #tpu.dot_dimension_numbers<[0], [0], [1], [1], [0, 1, 1, 1], [], []>, transpose_lhs_hint = false} : vector<6x400xf32>, vector<6x128xf32>, vector<400x128xf32> -> vector<400x128xf32>
    %broadcast_in_dim3A_116 = vector.shape_cast %dot_general3A_115 : vector<400x128xf32> to vector<1x400x128xf32>
    %get3A_117 = arith.constant 0 : index
    %get3A_118 = arith.constant 13 : index
    %get3A_119 = arith.constant 0 : index
    %get3A_120 = arith.constant 0 : index
    %get3A_121 = vector.load %arg4[%get3A_117, %get3A_118, %get3A_119, %get3A_120] : memref<1x16x6x400xf32, #tpu.memory_space<vmem>>, vector<1x1x6x400xf32>
    %get3A_122 = vector.shape_cast %get3A_121 : vector<1x1x6x400xf32> to vector<6x400xf32>
    %dot_general3A_123 = arith.constant dense<0.000000e+00> : vector<400x128xf32>
    %dot_general3A_124 = tpu.matmul %get3A_122, %get3A_1, %dot_general3A_123 {dimension_numbers = #tpu.dot_dimension_numbers<[0], [0], [1], [1], [0, 1, 1, 1], [], []>, transpose_lhs_hint = false} : vector<6x400xf32>, vector<6x128xf32>, vector<400x128xf32> -> vector<400x128xf32>
    %broadcast_in_dim3A_125 = vector.shape_cast %dot_general3A_124 : vector<400x128xf32> to vector<1x400x128xf32>
    %get3A_126 = arith.constant 0 : index
    %get3A_127 = arith.constant 14 : index
    %get3A_128 = arith.constant 0 : index
    %get3A_129 = arith.constant 0 : index
    %get3A_130 = vector.load %arg4[%get3A_126, %get3A_127, %get3A_128, %get3A_129] : memref<1x16x6x400xf32, #tpu.memory_space<vmem>>, vector<1x1x6x400xf32>
    %get3A_131 = vector.shape_cast %get3A_130 : vector<1x1x6x400xf32> to vector<6x400xf32>
    %dot_general3A_132 = arith.constant dense<0.000000e+00> : vector<400x128xf32>
    %dot_general3A_133 = tpu.matmul %get3A_131, %get3A_1, %dot_general3A_132 {dimension_numbers = #tpu.dot_dimension_numbers<[0], [0], [1], [1], [0, 1, 1, 1], [], []>, transpose_lhs_hint = false} : vector<6x400xf32>, vector<6x128xf32>, vector<400x128xf32> -> vector<400x128xf32>
    %broadcast_in_dim3A_134 = vector.shape_cast %dot_general3A_133 : vector<400x128xf32> to vector<1x400x128xf32>
    %get3A_135 = arith.constant 0 : index
    %get3A_136 = arith.constant 15 : index
    %get3A_137 = arith.constant 0 : index
    %get3A_138 = arith.constant 0 : index
    %get3A_139 = vector.load %arg4[%get3A_135, %get3A_136, %get3A_137, %get3A_138] : memref<1x16x6x400xf32, #tpu.memory_space<vmem>>, vector<1x1x6x400xf32>
    %get3A_140 = vector.shape_cast %get3A_139 : vector<1x1x6x400xf32> to vector<6x400xf32>
    %dot_general3A_141 = arith.constant dense<0.000000e+00> : vector<400x128xf32>
    %dot_general3A_142 = tpu.matmul %get3A_140, %get3A_1, %dot_general3A_141 {dimension_numbers = #tpu.dot_dimension_numbers<[0], [0], [1], [1], [0, 1, 1, 1], [], []>, transpose_lhs_hint = false} : vector<6x400xf32>, vector<6x128xf32>, vector<400x128xf32> -> vector<400x128xf32>
    %broadcast_in_dim3A_143 = vector.shape_cast %dot_general3A_142 : vector<400x128xf32> to vector<1x400x128xf32>
    %concatenate3A = tpu.concatenate %broadcast_in_dim3A, %broadcast_in_dim3A_17, %broadcast_in_dim3A_26, %broadcast_in_dim3A_35, %broadcast_in_dim3A_44, %broadcast_in_dim3A_53, %broadcast_in_dim3A_62, %broadcast_in_dim3A_71, %broadcast_in_dim3A_80, %broadcast_in_dim3A_89, %broadcast_in_dim3A_98, %broadcast_in_dim3A_107, %broadcast_in_dim3A_116, %broadcast_in_dim3A_125, %broadcast_in_dim3A_134, %broadcast_in_dim3A_143 in 0 : vector<1x400x128xf32>, vector<1x400x128xf32>, vector<1x400x128xf32>, vector<1x400x128xf32>, vector<1x400x128xf32>, vector<1x400x128xf32>, vector<1x400x128xf32>, vector<1x400x128xf32>, vector<1x400x128xf32>, vector<1x400x128xf32>, vector<1x400x128xf32>, vector<1x400x128xf32>, vector<1x400x128xf32>, vector<1x400x128xf32>, vector<1x400x128xf32>, vector<1x400x128xf32> -> vector<16x400x128xf32>
    %reshape3A = vector.shape_cast %concatenate3A : vector<16x400x128xf32> to vector<6400x128xf32>
    %get3A_144 = arith.constant 0 : index
    %get3A_145 = arith.constant 0 : index
    %get3A_146 = vector.load %arg6[%get3A_144, %get3A_145] : memref<1x128xf32, #tpu.memory_space<vmem>>, vector<1x128xf32>
    %add3A = vector.broadcast %get3A_146 : vector<1x128xf32> to vector<6400x128xf32>
    %add3A_147 = arith.addf %reshape3A, %add3A : vector<6400x128xf32>
    %max3A = arith.constant 0.000000e+00 : f32
    %max3A_148 = vector.broadcast %max3A : f32 to vector<6400x128xf32>
    %max3A_149 = arith.maximumf %add3A_147, %max3A_148 : vector<6400x128xf32>
    %get3A_150 = arith.constant 0 : index
    %get3A_151 = arith.constant 0 : index
    %get3A_152 = vector.load %arg7[%get3A_150, %get3A_151] : memref<128x128xf32, #tpu.memory_space<vmem>>, vector<128x128xf32>
    %dot_general3A_153 = arith.constant dense<0.000000e+00> : vector<6400x128xf32>
    %dot_general3A_154 = tpu.matmul %max3A_149, %get3A_152, %dot_general3A_153 {dimension_numbers = #tpu.dot_dimension_numbers<[1], [0], [0], [1], [0, 0, 1, 1], [], []>, transpose_lhs_hint = false} : vector<6400x128xf32>, vector<128x128xf32>, vector<6400x128xf32> -> vector<6400x128xf32>
    %get3A_155 = arith.constant 0 : index
    %get3A_156 = arith.constant 0 : index
    %get3A_157 = vector.load %arg8[%get3A_155, %get3A_156] : memref<1x128xf32, #tpu.memory_space<vmem>>, vector<1x128xf32>
    %add3A_158 = vector.broadcast %get3A_157 : vector<1x128xf32> to vector<6400x128xf32>
    %add3A_159 = arith.addf %dot_general3A_154, %add3A_158 : vector<6400x128xf32>
    %get3A_160 = arith.constant 0 : index
    %get3A_161 = arith.constant 0 : index
    %get3A_162 = vector.load %arg2[%get3A_160, %get3A_161] : memref<400x32xf32, #tpu.memory_space<vmem>>, vector<400x32xf32>
    %get3A_163 = arith.constant 0 : index
    %get3A_164 = arith.constant 0 : index
    %get3A_165 = vector.load %arg9[%get3A_163, %get3A_164] : memref<32x128xf32, #tpu.memory_space<vmem>>, vector<32x128xf32>
    %dot_general3A_166 = arith.constant dense<0.000000e+00> : vector<400x128xf32>
    %dot_general3A_167 = tpu.matmul %get3A_162, %get3A_165, %dot_general3A_166 {dimension_numbers = #tpu.dot_dimension_numbers<[1], [0], [0], [1], [0, 0, 1, 1], [], []>, transpose_lhs_hint = false} : vector<400x32xf32>, vector<32x128xf32>, vector<400x128xf32> -> vector<400x128xf32>
    %broadcast_in_dim3A_168 = vector.shape_cast %dot_general3A_167 : vector<400x128xf32> to vector<1x400x128xf32>
    %broadcast_in_dim3A_169 = vector.shape_cast %broadcast_in_dim3A_168 : vector<1x400x128xf32> to vector<1x400x128xf32>
    %broadcast_in_dim3A_170 = vector.broadcast %broadcast_in_dim3A_169 : vector<1x400x128xf32> to vector<16x400x128xf32>
    %reshape3A_171 = vector.shape_cast %broadcast_in_dim3A_170 : vector<16x400x128xf32> to vector<6400x128xf32>
    %get3A_172 = arith.constant 0 : index
    %get3A_173 = arith.constant 0 : index
    %get3A_174 = arith.constant 0 : index
    %get3A_175 = vector.load %arg3[%get3A_172, %get3A_173, %get3A_174] : memref<16x400x128xf32, #tpu.memory_space<vmem>>, vector<16x400x128xf32>
    %reshape3A_176 = vector.shape_cast %get3A_175 : vector<16x400x128xf32> to vector<6400x128xf32>
    %sub3A = arith.subf %reshape3A_171, %reshape3A_176 : vector<6400x128xf32>
    %add3A_177 = arith.addf %sub3A, %add3A_159 : vector<6400x128xf32>
    %tanh3A = math.tanh %add3A_177 : vector<6400x128xf32>
    %get3A_178 = arith.constant 0 : index
    %get3A_179 = arith.constant 0 : index
    %get3A_180 = vector.load %arg10[%get3A_178, %get3A_179] : memref<128x128xf32, #tpu.memory_space<vmem>>, vector<128x128xf32>
    %dot_general3A_181 = arith.constant dense<0.000000e+00> : vector<6400x128xf32>
    %dot_general3A_182 = tpu.matmul %tanh3A, %get3A_180, %dot_general3A_181 {dimension_numbers = #tpu.dot_dimension_numbers<[1], [0], [0], [1], [0, 0, 1, 1], [], []>, transpose_lhs_hint = false} : vector<6400x128xf32>, vector<128x128xf32>, vector<6400x128xf32> -> vector<6400x128xf32>
    %get3A_183 = arith.constant 0 : index
    %get3A_184 = arith.constant 0 : index
    %get3A_185 = vector.load %arg11[%get3A_183, %get3A_184] : memref<1x128xf32, #tpu.memory_space<vmem>>, vector<1x128xf32>
    %add3A_186 = vector.broadcast %get3A_185 : vector<1x128xf32> to vector<6400x128xf32>
    %add3A_187 = arith.addf %dot_general3A_182, %add3A_186 : vector<6400x128xf32>
    %max3A_188 = arith.constant 0.000000e+00 : f32
    %max3A_189 = vector.broadcast %max3A_188 : f32 to vector<6400x128xf32>
    %max3A_190 = arith.maximumf %add3A_187, %max3A_189 : vector<6400x128xf32>
    %get3A_191 = arith.constant 0 : index
    %get3A_192 = arith.constant 0 : index
    %get3A_193 = vector.load %arg12[%get3A_191, %get3A_192] : memref<128x128xf32, #tpu.memory_space<vmem>>, vector<128x128xf32>
    %dot_general3A_194 = arith.constant dense<0.000000e+00> : vector<6400x128xf32>
    %dot_general3A_195 = tpu.matmul %max3A_190, %get3A_193, %dot_general3A_194 {dimension_numbers = #tpu.dot_dimension_numbers<[1], [0], [0], [1], [0, 0, 1, 1], [], []>, transpose_lhs_hint = false} : vector<6400x128xf32>, vector<128x128xf32>, vector<6400x128xf32> -> vector<6400x128xf32>
    %get3A_196 = arith.constant 0 : index
    %get3A_197 = arith.constant 0 : index
    %get3A_198 = vector.load %arg13[%get3A_196, %get3A_197] : memref<1x128xf32, #tpu.memory_space<vmem>>, vector<1x128xf32>
    %add3A_199 = vector.broadcast %get3A_198 : vector<1x128xf32> to vector<6400x128xf32>
    %add3A_200 = arith.addf %dot_general3A_195, %add3A_199 : vector<6400x128xf32>
    %reshape3A_201 = vector.shape_cast %add3A_200 : vector<6400x128xf32> to vector<16x400x128xf32>
    %get3A_202 = arith.constant 0 : index
    %get3A_203 = arith.constant 0 : index
    %get3A_204 = vector.load %arg14[%get3A_202, %get3A_203] : memref<1x128xf32, #tpu.memory_space<vmem>>, vector<1x128xf32>
    %reduce_max3A = arith.constant dense<0xFF800000> : vector<400x128xf32>
    %reduce_max3A_205 = vector.multi_reduction <maximumf>, %reshape3A_201, %reduce_max3A [0] : vector<16x400x128xf32> to vector<400x128xf32>
    %roll3A = arith.constant 64 : i32
    %roll3A_206 = tpu.dynamic_rotate %reduce_max3A_205 by %roll3A dim 1 : vector<400x128xf32>, i32 -> vector<400x128xf32>
    %max3A_207 = arith.maximumf %reduce_max3A_205, %roll3A_206 : vector<400x128xf32>
    %broadcast_in_dim3A_208 = vector.shape_cast %max3A_207 : vector<400x128xf32> to vector<1x400x128xf32>
    %sub3A_209 = vector.broadcast %broadcast_in_dim3A_208 : vector<1x400x128xf32> to vector<16x400x128xf32>
    %sub3A_210 = arith.subf %reshape3A_201, %sub3A_209 : vector<16x400x128xf32>
    %exp3A = math.exp %sub3A_210 : vector<16x400x128xf32>
    %broadcast_in_dim3A_211 = vector.shape_cast %get3A_204 : vector<1x128xf32> to vector<1x1x128xf32>
    %mul3A = vector.broadcast %broadcast_in_dim3A_211 : vector<1x1x128xf32> to vector<16x400x128xf32>
    %mul3A_212 = arith.mulf %exp3A, %mul3A : vector<16x400x128xf32>
    %reduce_sum3A = arith.constant dense<0.000000e+00> : vector<400x128xf32>
    %reduce_sum3A_213 = vector.multi_reduction <add>, %mul3A_212, %reduce_sum3A [0] : vector<16x400x128xf32> to vector<400x128xf32>
    %roll3A_214 = arith.constant 64 : i32
    %roll3A_215 = tpu.dynamic_rotate %reduce_sum3A_213 by %roll3A_214 dim 1 : vector<400x128xf32>, i32 -> vector<400x128xf32>
    %add3A_216 = arith.addf %reduce_sum3A_213, %roll3A_215 : vector<400x128xf32>
    %sub3A_217 = arith.constant 1.000000e+00 : f32
    %sub3A_218 = vector.broadcast %sub3A_217 : f32 to vector<1x128xf32>
    %sub3A_219 = arith.subf %sub3A_218, %get3A_204 : vector<1x128xf32>
    %add3A_220 = vector.broadcast %sub3A_219 : vector<1x128xf32> to vector<400x128xf32>
    %add3A_221 = arith.addf %add3A_216, %add3A_220 : vector<400x128xf32>
    %add3A_222 = arith.addf %reshape3A_176, %add3A_159 : vector<6400x128xf32>
    %reshape3A_223 = vector.shape_cast %add3A_222 : vector<6400x128xf32> to vector<16x400x128xf32>
    %mul3A_224 = arith.mulf %mul3A_212, %reshape3A_223 : vector<16x400x128xf32>
    %reduce_sum3A_225 = arith.constant dense<0.000000e+00> : vector<400x128xf32>
    %reduce_sum3A_226 = vector.multi_reduction <add>, %mul3A_224, %reduce_sum3A_225 [0] : vector<16x400x128xf32> to vector<400x128xf32>
    %div3A = arith.divf %reduce_sum3A_226, %add3A_221 : vector<400x128xf32>
    %get3A_227 = arith.constant 0 : index
    %get3A_228 = arith.constant 0 : index
    %get3A_229 = vector.load %arg1[%get3A_227, %get3A_228] : memref<400x128xf32, #tpu.memory_space<vmem>>, vector<400x128xf32>
    %get3A_230 = arith.constant 0 : index
    %get3A_231 = arith.constant 0 : index
    %get3A_232 = vector.load %arg15[%get3A_230, %get3A_231] : memref<128x128xf32, #tpu.memory_space<vmem>>, vector<128x128xf32>
    %dot_general3A_233 = arith.constant dense<0.000000e+00> : vector<400x128xf32>
    %dot_general3A_234 = tpu.matmul %div3A, %get3A_232, %dot_general3A_233 {dimension_numbers = #tpu.dot_dimension_numbers<[1], [0], [0], [1], [0, 0, 1, 1], [], []>, transpose_lhs_hint = false} : vector<400x128xf32>, vector<128x128xf32>, vector<400x128xf32> -> vector<400x128xf32>
    %add3A_235 = arith.addf %get3A_229, %dot_general3A_234 : vector<400x128xf32>
    %get3A_236 = arith.constant 0 : index
    %get3A_237 = arith.constant 0 : index
    %get3A_238 = vector.load %arg16[%get3A_236, %get3A_237] : memref<1x128xf32, #tpu.memory_space<vmem>>, vector<1x128xf32>
    %add3A_239 = vector.broadcast %get3A_238 : vector<1x128xf32> to vector<400x128xf32>
    %add3A_240 = arith.addf %add3A_235, %add3A_239 : vector<400x128xf32>
    %reduce_sum3A_241 = arith.constant dense<0.000000e+00> : vector<400xf32>
    %reduce_sum3A_242 = vector.multi_reduction <add>, %add3A_240, %reduce_sum3A_241 [1] : vector<400x128xf32> to vector<400xf32>
    %broadcast_in_dim3A_243 = vector.shape_cast %reduce_sum3A_242 : vector<400xf32> to vector<400x1xf32>
    %div3A_244 = arith.constant 1.280000e+02 : f32
    %div3A_245 = vector.broadcast %div3A_244 : f32 to vector<400x1xf32>
    %div3A_246 = arith.divf %broadcast_in_dim3A_243, %div3A_245 : vector<400x1xf32>
    %sub3A_247 = vector.broadcast %div3A_246 : vector<400x1xf32> to vector<400x128xf32>
    %sub3A_248 = arith.subf %add3A_240, %sub3A_247 : vector<400x128xf32>
    %mul3A_249 = arith.mulf %sub3A_248, %sub3A_248 : vector<400x128xf32>
    %reduce_sum3A_250 = arith.constant dense<0.000000e+00> : vector<400xf32>
    %reduce_sum3A_251 = vector.multi_reduction <add>, %mul3A_249, %reduce_sum3A_250 [1] : vector<400x128xf32> to vector<400xf32>
    %broadcast_in_dim3A_252 = vector.shape_cast %reduce_sum3A_251 : vector<400xf32> to vector<400x1xf32>
    %div3A_253 = arith.constant 1.280000e+02 : f32
    %div3A_254 = vector.broadcast %div3A_253 : f32 to vector<400x1xf32>
    %div3A_255 = arith.divf %broadcast_in_dim3A_252, %div3A_254 : vector<400x1xf32>
    %add3A_256 = arith.constant 9.99999974E-6 : f32
    %add3A_257 = vector.broadcast %add3A_256 : f32 to vector<400x1xf32>
    %add3A_258 = arith.addf %div3A_255, %add3A_257 : vector<400x1xf32>
    %rsqrt3A = math.rsqrt %add3A_258 : vector<400x1xf32>
    %mul3A_259 = vector.broadcast %rsqrt3A : vector<400x1xf32> to vector<400x128xf32>
    %mul3A_260 = arith.mulf %sub3A_248, %mul3A_259 : vector<400x128xf32>
    %get3A_261 = arith.constant 0 : index
    %get3A_262 = arith.constant 0 : index
    %get3A_263 = vector.load %arg17[%get3A_261, %get3A_262] : memref<1x128xf32, #tpu.memory_space<vmem>>, vector<1x128xf32>
    %mul3A_264 = vector.broadcast %get3A_263 : vector<1x128xf32> to vector<400x128xf32>
    %mul3A_265 = arith.mulf %mul3A_260, %mul3A_264 : vector<400x128xf32>
    %get3A_266 = arith.constant 0 : index
    %get3A_267 = arith.constant 0 : index
    %get3A_268 = vector.load %arg18[%get3A_266, %get3A_267] : memref<1x128xf32, #tpu.memory_space<vmem>>, vector<1x128xf32>
    %add3A_269 = vector.broadcast %get3A_268 : vector<1x128xf32> to vector<400x128xf32>
    %add3A_270 = arith.addf %mul3A_265, %add3A_269 : vector<400x128xf32>
    %get3A_271 = arith.constant 0 : index
    %get3A_272 = arith.constant 0 : index
    %get3A_273 = vector.load %arg19[%get3A_271, %get3A_272] : memref<128x256xf32, #tpu.memory_space<vmem>>, vector<128x256xf32>
    %dot_general3A_274 = arith.constant dense<0.000000e+00> : vector<400x256xf32>
    %dot_general3A_275 = tpu.matmul %add3A_270, %get3A_273, %dot_general3A_274 {dimension_numbers = #tpu.dot_dimension_numbers<[1], [0], [0], [1], [0, 0, 1, 1], [], []>, transpose_lhs_hint = false} : vector<400x128xf32>, vector<128x256xf32>, vector<400x256xf32> -> vector<400x256xf32>
    %get3A_276 = arith.constant 0 : index
    %get3A_277 = arith.constant 0 : index
    %get3A_278 = vector.load %arg20[%get3A_276, %get3A_277] : memref<1x256xf32, #tpu.memory_space<vmem>>, vector<1x256xf32>
    %add3A_279 = vector.broadcast %get3A_278 : vector<1x256xf32> to vector<400x256xf32>
    %add3A_280 = arith.addf %dot_general3A_275, %add3A_279 : vector<400x256xf32>
    %mul3A_281 = arith.constant 5.000000e-01 : f32
    %mul3A_282 = vector.broadcast %mul3A_281 : f32 to vector<400x256xf32>
    %mul3A_283 = arith.mulf %add3A_280, %mul3A_282 : vector<400x256xf32>
    %mul3A_284 = arith.constant 0.707106769 : f32
    %mul3A_285 = vector.broadcast %mul3A_284 : f32 to vector<400x256xf32>
    %mul3A_286 = arith.mulf %add3A_280, %mul3A_285 : vector<400x256xf32>
    %erf3A = math.erf %mul3A_286 : vector<400x256xf32>
    %add3A_287 = arith.constant 1.000000e+00 : f32
    %add3A_288 = vector.broadcast %add3A_287 : f32 to vector<400x256xf32>
    %add3A_289 = arith.addf %add3A_288, %erf3A : vector<400x256xf32>
    %mul3A_290 = arith.mulf %mul3A_283, %add3A_289 : vector<400x256xf32>
    %get3A_291 = arith.constant 0 : index
    %get3A_292 = arith.constant 0 : index
    %get3A_293 = vector.load %arg21[%get3A_291, %get3A_292] : memref<256x128xf32, #tpu.memory_space<vmem>>, vector<256x128xf32>
    %dot_general3A_294 = arith.constant dense<0.000000e+00> : vector<400x128xf32>
    %dot_general3A_295 = tpu.matmul %mul3A_290, %get3A_293, %dot_general3A_294 {dimension_numbers = #tpu.dot_dimension_numbers<[1], [0], [0], [1], [0, 0, 1, 1], [], []>, transpose_lhs_hint = false} : vector<400x256xf32>, vector<256x128xf32>, vector<400x128xf32> -> vector<400x128xf32>
    %add3A_296 = arith.addf %add3A_240, %dot_general3A_295 : vector<400x128xf32>
    %get3A_297 = arith.constant 0 : index
    %get3A_298 = arith.constant 0 : index
    %get3A_299 = vector.load %arg22[%get3A_297, %get3A_298] : memref<1x128xf32, #tpu.memory_space<vmem>>, vector<1x128xf32>
    %add3A_300 = vector.broadcast %get3A_299 : vector<1x128xf32> to vector<400x128xf32>
    %add3A_301 = arith.addf %add3A_296, %add3A_300 : vector<400x128xf32>
    %swap3A = arith.constant 0 : index
    %swap3A_302 = arith.constant 0 : index
    %swap3A_303 = vector.load %arg23[%swap3A, %swap3A_302] : memref<400x128xf32, #tpu.memory_space<vmem>>, vector<400x128xf32>
    tpu.vector_store %arg23[%swap3A, %swap3A_302], %add3A_301 {strides = array<i32>} : memref<400x128xf32, #tpu.memory_space<vmem>>, vector<400x128xf32>,
    return
  }
  func.func @transform_0(%arg0: i32) -> (i32, i32) {
    %add3A = arith.constant 13 : i32
    %add3A_0 = arith.addi %arg0, %add3A : i32
    %c0_i32 = arith.constant 0 : i32
    %c0_i32_1 = arith.constant 0 : i32
    return %add3A_0, %c0_i32 : i32, i32
  }
  func.func @transform_1(%arg0: i32) -> (i32, i32) {
    %add3A = arith.constant 13 : i32
    %add3A_0 = arith.addi %arg0, %add3A : i32
    %c0_i32 = arith.constant 0 : i32
    %c0_i32_1 = arith.constant 0 : i32
    return %add3A_0, %c0_i32 : i32, i32
  }
  func.func @transform_2(%arg0: i32) -> (i32, i32, i32) {
    %c0_i32 = arith.constant 0 : i32
    %c0_i32_0 = arith.constant 0 : i32
    %c0_i32_1 = arith.constant 0 : i32
    return %c0_i32, %arg0, %c0_i32_0 : i32, i32, i32
  }
  func.func @transform_3(%arg0: i32) -> (i32, i32, i32, i32) {
    %c0_i32 = arith.constant 0 : i32
    %c0_i32_0 = arith.constant 0 : i32
    %c0_i32_1 = arith.constant 0 : i32
    %c0_i32_2 = arith.constant 0 : i32
    return %arg0, %c0_i32, %c0_i32_0, %c0_i32_1 : i32, i32, i32, i32
  }
  func.func @transform_4(%arg0: i32) -> (i32, i32) {
    %c0_i32 = arith.constant 0 : i32
    %c0_i32_0 = arith.constant 0 : i32
    %c0_i32_1 = arith.constant 0 : i32
    return %c0_i32, %c0_i32_0 : i32, i32
  }
  func.func @transform_5(%arg0: i32) -> (i32, i32) {
    %c0_i32 = arith.constant 0 : i32
    %c0_i32_0 = arith.constant 0 : i32
    %c0_i32_1 = arith.constant 0 : i32
    return %c0_i32, %c0_i32_0 : i32, i32
  }
  func.func @transform_6(%arg0: i32) -> (i32, i32) {
    %c0_i32 = arith.constant 0 : i32
    %c0_i32_0 = arith.constant 0 : i32
    %c0_i32_1 = arith.constant 0 : i32
    return %c0_i32, %c0_i32_0 : i32, i32
  }
  func.func @transform_7(%arg0: i32) -> (i32, i32) {
    %c0_i32 = arith.constant 0 : i32
    %c0_i32_0 = arith.constant 0 : i32
    %c0_i32_1 = arith.constant 0 : i32
    return %c0_i32, %c0_i32_0 : i32, i32
  }
  func.func @transform_8(%arg0: i32) -> (i32, i32) {
    %c0_i32 = arith.constant 0 : i32
    %c0_i32_0 = arith.constant 0 : i32
    %c0_i32_1 = arith.constant 0 : i32
    return %c0_i32, %c0_i32_0 : i32, i32
  }
  func.func @transform_9(%arg0: i32) -> (i32, i32) {
    %c0_i32 = arith.constant 0 : i32
    %c0_i32_0 = arith.constant 0 : i32
    %c0_i32_1 = arith.constant 0 : i32
    return %c0_i32, %c0_i32_0 : i32, i32
  }
  func.func @transform_10(%arg0: i32) -> (i32, i32) {
    %c0_i32 = arith.constant 0 : i32
    %c0_i32_0 = arith.constant 0 : i32
    %c0_i32_1 = arith.constant 0 : i32
    return %c0_i32, %c0_i32_0 : i32, i32
  }
  func.func @transform_11(%arg0: i32) -> (i32, i32) {
    %c0_i32 = arith.constant 0 : i32
    %c0_i32_0 = arith.constant 0 : i32
    %c0_i32_1 = arith.constant 0 : i32
    return %c0_i32, %c0_i32_0 : i32, i32
  }
  func.func @transform_12(%arg0: i32) -> (i32, i32) {
    %c0_i32 = arith.constant 0 : i32
    %c0_i32_0 = arith.constant 0 : i32
    %c0_i32_1 = arith.constant 0 : i32
    return %c0_i32, %c0_i32_0 : i32, i32
  }
  func.func @transform_13(%arg0: i32) -> (i32, i32) {
    %c0_i32 = arith.constant 0 : i32
    %c0_i32_0 = arith.constant 0 : i32
    %c0_i32_1 = arith.constant 0 : i32
    return %c0_i32, %c0_i32_0 : i32, i32
  }
  func.func @transform_14(%arg0: i32) -> (i32, i32) {
    %c0_i32 = arith.constant 0 : i32
    %c0_i32_0 = arith.constant 0 : i32
    %c0_i32_1 = arith.constant 0 : i32
    return %c0_i32, %c0_i32_0 : i32, i32
  }
  func.func @transform_15(%arg0: i32) -> (i32, i32) {
    %c0_i32 = arith.constant 0 : i32
    %c0_i32_0 = arith.constant 0 : i32
    %c0_i32_1 = arith.constant 0 : i32
    return %c0_i32, %c0_i32_0 : i32, i32
  }
  func.func @transform_16(%arg0: i32) -> (i32, i32) {
    %c0_i32 = arith.constant 0 : i32
    %c0_i32_0 = arith.constant 0 : i32
    %c0_i32_1 = arith.constant 0 : i32
    return %c0_i32, %c0_i32_0 : i32, i32
  }
  func.func @transform_17(%arg0: i32) -> (i32, i32) {
    %c0_i32 = arith.constant 0 : i32
    %c0_i32_0 = arith.constant 0 : i32
    %c0_i32_1 = arith.constant 0 : i32
    return %c0_i32, %c0_i32_0 : i32, i32
  }
  func.func @transform_18(%arg0: i32) -> (i32, i32) {
    %c0_i32 = arith.constant 0 : i32
    %c0_i32_0 = arith.constant 0 : i32
    %c0_i32_1 = arith.constant 0 : i32
    return %c0_i32, %c0_i32_0 : i32, i32
  }
  func.func @transform_19(%arg0: i32) -> (i32, i32) {
    %c0_i32 = arith.constant 0 : i32
    %c0_i32_0 = arith.constant 0 : i32
    %c0_i32_1 = arith.constant 0 : i32
    return %c0_i32, %c0_i32_0 : i32, i32
  }
  func.func @transform_20(%arg0: i32) -> (i32, i32) {
    %c0_i32 = arith.constant 0 : i32
    %c0_i32_0 = arith.constant 0 : i32
    %c0_i32_1 = arith.constant 0 : i32
    return %c0_i32, %c0_i32_0 : i32, i32
  }
  func.func @transform_21(%arg0: i32) -> (i32, i32) {
    %c0_i32 = arith.constant 0 : i32
    %c0_i32_0 = arith.constant 0 : i32
    %c0_i32_1 = arith.constant 0 : i32
    return %c0_i32, %c0_i32_0 : i32, i32
  }
  func.func @transform_22(%arg0: i32) -> (i32, i32) {
    %c0_i32 = arith.constant 0 : i32
    %c0_i32_0 = arith.constant 0 : i32
    return %arg0, %c0_i32 : i32, i32
  }
}

module attributes {stable_mosaic.version = 14 : i64} {
  func.func @_block_body(%arg0: i32, %arg1: memref<400x128xf32, #tpu.memory_space<vmem>>, %arg2: memref<400x32xf32, #tpu.memory_space<vmem>>, %arg3: memref<16x400x128xf32, #tpu.memory_space<vmem>>, %arg4: memref<1x16x6x400xf32, #tpu.memory_space<vmem>>, %arg5: memref<6x128xf32, #tpu.memory_space<vmem>>, %arg6: memref<1x128xf32, #tpu.memory_space<vmem>>, %arg7: memref<128x128xf32, #tpu.memory_space<vmem>>, %arg8: memref<1x128xf32, #tpu.memory_space<vmem>>, %arg9: memref<32x128xf32, #tpu.memory_space<vmem>>, %arg10: memref<128x128xf32, #tpu.memory_space<vmem>>, %arg11: memref<1x128xf32, #tpu.memory_space<vmem>>, %arg12: memref<128x128xf32, #tpu.memory_space<vmem>>, %arg13: memref<1x128xf32, #tpu.memory_space<vmem>>, %arg14: memref<1x128xf32, #tpu.memory_space<vmem>>, %arg15: memref<128x128xf32, #tpu.memory_space<vmem>>, %arg16: memref<1x128xf32, #tpu.memory_space<vmem>>, %arg17: memref<1x128xf32, #tpu.memory_space<vmem>>, %arg18: memref<1x128xf32, #tpu.memory_space<vmem>>, %arg19: memref<128x256xf32, #tpu.memory_space<vmem>>, %arg20: memref<1x256xf32, #tpu.memory_space<vmem>>, %arg21: memref<256x128xf32, #tpu.memory_space<vmem>>, %arg22: memref<1x128xf32, #tpu.memory_space<vmem>>, %arg23: memref<400x128xf32, #tpu.memory_space<vmem>>) attributes {dimension_semantics = [#tpu.dimension_semantics<arbitrary>], iteration_bounds = array<i64: 13>, scalar_prefetch = 0 : i64, scratch_operands = 0 : i64, tpu.core_type = #tpu.core_type<tc>, window_params = [{transform_indices = @transform_0, window_bounds = array<i64: 400, 128>}, {transform_indices = @transform_1, window_bounds = array<i64: 400, 32>}, {transform_indices = @transform_2, window_bounds = array<i64: 16, 400, 128>}, {transform_indices = @transform_3, window_bounds = array<i64: 1, 16, 6, 400>}, {pipeline_mode = #tpu.pipeline_mode<synchronous>, transform_indices = @transform_4, window_bounds = array<i64: 6, 128>}, {pipeline_mode = #tpu.pipeline_mode<synchronous>, transform_indices = @transform_5, window_bounds = array<i64: 1, 128>}, {pipeline_mode = #tpu.pipeline_mode<synchronous>, transform_indices = @transform_6, window_bounds = array<i64: 128, 128>}, {pipeline_mode = #tpu.pipeline_mode<synchronous>, transform_indices = @transform_7, window_bounds = array<i64: 1, 128>}, {pipeline_mode = #tpu.pipeline_mode<synchronous>, transform_indices = @transform_8, window_bounds = array<i64: 32, 128>}, {pipeline_mode = #tpu.pipeline_mode<synchronous>, transform_indices = @transform_9, window_bounds = array<i64: 128, 128>}, {pipeline_mode = #tpu.pipeline_mode<synchronous>, transform_indices = @transform_10, window_bounds = array<i64: 1, 128>}, {pipeline_mode = #tpu.pipeline_mode<synchronous>, transform_indices = @transform_11, window_bounds = array<i64: 128, 128>}, {pipeline_mode = #tpu.pipeline_mode<synchronous>, transform_indices = @transform_12, window_bounds = array<i64: 1, 128>}, {pipeline_mode = #tpu.pipeline_mode<synchronous>, transform_indices = @transform_13, window_bounds = array<i64: 1, 128>}, {pipeline_mode = #tpu.pipeline_mode<synchronous>, transform_indices = @transform_14, window_bounds = array<i64: 128, 128>}, {pipeline_mode = #tpu.pipeline_mode<synchronous>, transform_indices = @transform_15, window_bounds = array<i64: 1, 128>}, {pipeline_mode = #tpu.pipeline_mode<synchronous>, transform_indices = @transform_16, window_bounds = array<i64: 1, 128>}, {pipeline_mode = #tpu.pipeline_mode<synchronous>, transform_indices = @transform_17, window_bounds = array<i64: 1, 128>}, {pipeline_mode = #tpu.pipeline_mode<synchronous>, transform_indices = @transform_18, window_bounds = array<i64: 128, 256>}, {pipeline_mode = #tpu.pipeline_mode<synchronous>, transform_indices = @transform_19, window_bounds = array<i64: 1, 256>}, {pipeline_mode = #tpu.pipeline_mode<synchronous>, transform_indices = @transform_20, window_bounds = array<i64: 256, 128>}, {pipeline_mode = #tpu.pipeline_mode<synchronous>, transform_indices = @transform_21, window_bounds = array<i64: 1, 128>}, {transform_indices = @transform_22, window_bounds = array<i64: 400, 128>}]} {
    %get3A = arith.constant 0 : index
    %get3A_0 = arith.constant 0 : index
    %get3A_1 = vector.load %arg5[%get3A, %get3A_0] : memref<6x128xf32, #tpu.memory_space<vmem>>, vector<6x128xf32>
    %get3A_2 = arith.constant 0 : index
    %get3A_3 = arith.constant 0 : index
    %get3A_4 = arith.constant 0 : index
    %get3A_5 = arith.constant 0 : index
    %get3A_6 = vector.load %arg4[%get3A_2, %get3A_3, %get3A_4, %get3A_5] : memref<1x16x6x400xf32, #tpu.memory_space<vmem>>, vector<1x1x6x400xf32>
    %get3A_7 = vector.shape_cast %get3A_6 : vector<1x1x6x400xf32> to vector<6x400xf32>
    %dot_general3A = arith.constant dense<0.000000e+00> : vector<400x128xf32>
    %dot_general3A_8 = tpu.matmul %get3A_7, %get3A_1, %dot_general3A {dimension_numbers = #tpu.dot_dimension_numbers<[0], [0], [1], [1], [0, 1, 1, 1], [], []>, transpose_lhs_hint = false} : vector<6x400xf32>, vector<6x128xf32>, vector<400x128xf32> -> vector<400x128xf32>
    %broadcast_in_dim3A = vector.shape_cast %dot_general3A_8 : vector<400x128xf32> to vector<1x400x128xf32>
    %get3A_9 = arith.constant 0 : index
    %get3A_10 = arith.constant 1 : index
    %get3A_11 = arith.constant 0 : index
    %get3A_12 = arith.constant 0 : index
    %get3A_13 = vector.load %arg4[%get3A_9, %get3A_10, %get3A_11, %get3A_12] : memref<1x16x6x400xf32, #tpu.memory_space<vmem>>, vector<1x1x6x400xf32>
    %get3A_14 = vector.shape_cast %get3A_13 : vector<1x1x6x400xf32> to vector<6x400xf32>
    %dot_general3A_15 = arith.constant dense<0.000000e+00> : vector<400x128xf32>
    %dot_general3A_16 = tpu.matmul %get3A_14, %get3A_1, %dot_general3A_15 {dimension_numbers = #tpu.dot_dimension_numbers<[0], [0], [1], [1], [0, 1, 1, 1], [], []>, transpose_lhs_hint = false} : vector<6x400xf32>, vector<6x128xf32>, vector<400x128xf32> -> vector<400x128xf32>
    %broadcast_in_dim3A_17 = vector.shape_cast %dot_general3A_16 : vector<400x128xf32> to vector<1x400x128xf32>
    %get3A_18 = arith.constant 0 : index
    %get3A_19 = arith.constant 2 : index
    %get3A_20 = arith.constant 0 : index
    %get3A_21 = arith.constant 0 : index
    %get3A_22 = vector.load %arg4[%get3A_18, %get3A_19, %get3A_20, %get3A_21] : memref<1x16x6x400xf32, #tpu.memory_space<vmem>>, vector<1x1x6x400xf32>
    %get3A_23 = vector.shape_cast %get3A_22 : vector<1x1x6x400xf32> to vector<6x400xf32>
    %dot_general3A_24 = arith.constant dense<0.000000e+00> : vector<400x128xf32>
    %dot_general3A_25 = tpu.matmul %get3A_23, %get3A_1, %dot_general3A_24 {dimension_numbers = #tpu.dot_dimension_numbers<[0], [0], [1], [1], [0, 1, 1, 1], [], []>, transpose_lhs_hint = false} : vector<6x400xf32>, vector<6x128xf32>, vector<400x128xf32> -> vector<400x128xf32>
    %broadcast_in_dim3A_26 = vector.shape_cast %dot_general3A_25 : vector<400x128xf32> to vector<1x400x128xf32>
    %get3A_27 = arith.constant 0 : index
    %get3A_28 = arith.constant 3 : index
    %get3A_29 = arith.constant 0 : index
    %get3A_30 = arith.constant 0 : index
    %get3A_31 = vector.load %arg4[%get3A_27, %get3A_28, %get3A_29, %get3A_30] : memref<1x16x6x400xf32, #tpu.memory_space<vmem>>, vector<1x1x6x400xf32>
    %get3A_32 = vector.shape_cast %get3A_31 : vector<1x1x6x400xf32> to vector<6x400xf32>
    %dot_general3A_33 = arith.constant dense<0.000000e+00> : vector<400x128xf32>
    %dot_general3A_34 = tpu.matmul %get3A_32, %get3A_1, %dot_general3A_33 {dimension_numbers = #tpu.dot_dimension_numbers<[0], [0], [1], [1], [0, 1, 1, 1], [], []>, transpose_lhs_hint = false} : vector<6x400xf32>, vector<6x128xf32>, vector<400x128xf32> -> vector<400x128xf32>
    %broadcast_in_dim3A_35 = vector.shape_cast %dot_general3A_34 : vector<400x128xf32> to vector<1x400x128xf32>
    %get3A_36 = arith.constant 0 : index
    %get3A_37 = arith.constant 4 : index
    %get3A_38 = arith.constant 0 : index
    %get3A_39 = arith.constant 0 : index
    %get3A_40 = vector.load %arg4[%get3A_36, %get3A_37, %get3A_38, %get3A_39] : memref<1x16x6x400xf32, #tpu.memory_space<vmem>>, vector<1x1x6x400xf32>
    %get3A_41 = vector.shape_cast %get3A_40 : vector<1x1x6x400xf32> to vector<6x400xf32>
    %dot_general3A_42 = arith.constant dense<0.000000e+00> : vector<400x128xf32>
    %dot_general3A_43 = tpu.matmul %get3A_41, %get3A_1, %dot_general3A_42 {dimension_numbers = #tpu.dot_dimension_numbers<[0], [0], [1], [1], [0, 1, 1, 1], [], []>, transpose_lhs_hint = false} : vector<6x400xf32>, vector<6x128xf32>, vector<400x128xf32> -> vector<400x128xf32>
    %broadcast_in_dim3A_44 = vector.shape_cast %dot_general3A_43 : vector<400x128xf32> to vector<1x400x128xf32>
    %get3A_45 = arith.constant 0 : index
    %get3A_46 = arith.constant 5 : index
    %get3A_47 = arith.constant 0 : index
    %get3A_48 = arith.constant 0 : index
    %get3A_49 = vector.load %arg4[%get3A_45, %get3A_46, %get3A_47, %get3A_48] : memref<1x16x6x400xf32, #tpu.memory_space<vmem>>, vector<1x1x6x400xf32>
    %get3A_50 = vector.shape_cast %get3A_49 : vector<1x1x6x400xf32> to vector<6x400xf32>
    %dot_general3A_51 = arith.constant dense<0.000000e+00> : vector<400x128xf32>
    %dot_general3A_52 = tpu.matmul %get3A_50, %get3A_1, %dot_general3A_51 {dimension_numbers = #tpu.dot_dimension_numbers<[0], [0], [1], [1], [0, 1, 1, 1], [], []>, transpose_lhs_hint = false} : vector<6x400xf32>, vector<6x128xf32>, vector<400x128xf32> -> vector<400x128xf32>
    %broadcast_in_dim3A_53 = vector.shape_cast %dot_general3A_52 : vector<400x128xf32> to vector<1x400x128xf32>
    %get3A_54 = arith.constant 0 : index
    %get3A_55 = arith.constant 6 : index
    %get3A_56 = arith.constant 0 : index
    %get3A_57 = arith.constant 0 : index
    %get3A_58 = vector.load %arg4[%get3A_54, %get3A_55, %get3A_56, %get3A_57] : memref<1x16x6x400xf32, #tpu.memory_space<vmem>>, vector<1x1x6x400xf32>
    %get3A_59 = vector.shape_cast %get3A_58 : vector<1x1x6x400xf32> to vector<6x400xf32>
    %dot_general3A_60 = arith.constant dense<0.000000e+00> : vector<400x128xf32>
    %dot_general3A_61 = tpu.matmul %get3A_59, %get3A_1, %dot_general3A_60 {dimension_numbers = #tpu.dot_dimension_numbers<[0], [0], [1], [1], [0, 1, 1, 1], [], []>, transpose_lhs_hint = false} : vector<6x400xf32>, vector<6x128xf32>, vector<400x128xf32> -> vector<400x128xf32>
    %broadcast_in_dim3A_62 = vector.shape_cast %dot_general3A_61 : vector<400x128xf32> to vector<1x400x128xf32>
    %get3A_63 = arith.constant 0 : index
    %get3A_64 = arith.constant 7 : index
    %get3A_65 = arith.constant 0 : index
    %get3A_66 = arith.constant 0 : index
    %get3A_67 = vector.load %arg4[%get3A_63, %get3A_64, %get3A_65, %get3A_66] : memref<1x16x6x400xf32, #tpu.memory_space<vmem>>, vector<1x1x6x400xf32>
    %get3A_68 = vector.shape_cast %get3A_67 : vector<1x1x6x400xf32> to vector<6x400xf32>
    %dot_general3A_69 = arith.constant dense<0.000000e+00> : vector<400x128xf32>
    %dot_general3A_70 = tpu.matmul %get3A_68, %get3A_1, %dot_general3A_69 {dimension_numbers = #tpu.dot_dimension_numbers<[0], [0], [1], [1], [0, 1, 1, 1], [], []>, transpose_lhs_hint = false} : vector<6x400xf32>, vector<6x128xf32>, vector<400x128xf32> -> vector<400x128xf32>
    %broadcast_in_dim3A_71 = vector.shape_cast %dot_general3A_70 : vector<400x128xf32> to vector<1x400x128xf32>
    %get3A_72 = arith.constant 0 : index
    %get3A_73 = arith.constant 8 : index
    %get3A_74 = arith.constant 0 : index
    %get3A_75 = arith.constant 0 : index
    %get3A_76 = vector.load %arg4[%get3A_72, %get3A_73, %get3A_74, %get3A_75] : memref<1x16x6x400xf32, #tpu.memory_space<vmem>>, vector<1x1x6x400xf32>
    %get3A_77 = vector.shape_cast %get3A_76 : vector<1x1x6x400xf32> to vector<6x400xf32>
    %dot_general3A_78 = arith.constant dense<0.000000e+00> : vector<400x128xf32>
    %dot_general3A_79 = tpu.matmul %get3A_77, %get3A_1, %dot_general3A_78 {dimension_numbers = #tpu.dot_dimension_numbers<[0], [0], [1], [1], [0, 1, 1, 1], [], []>, transpose_lhs_hint = false} : vector<6x400xf32>, vector<6x128xf32>, vector<400x128xf32> -> vector<400x128xf32>
    %broadcast_in_dim3A_80 = vector.shape_cast %dot_general3A_79 : vector<400x128xf32> to vector<1x400x128xf32>
    %get3A_81 = arith.constant 0 : index
    %get3A_82 = arith.constant 9 : index
    %get3A_83 = arith.constant 0 : index
    %get3A_84 = arith.constant 0 : index
    %get3A_85 = vector.load %arg4[%get3A_81, %get3A_82, %get3A_83, %get3A_84] : memref<1x16x6x400xf32, #tpu.memory_space<vmem>>, vector<1x1x6x400xf32>
    %get3A_86 = vector.shape_cast %get3A_85 : vector<1x1x6x400xf32> to vector<6x400xf32>
    %dot_general3A_87 = arith.constant dense<0.000000e+00> : vector<400x128xf32>
    %dot_general3A_88 = tpu.matmul %get3A_86, %get3A_1, %dot_general3A_87 {dimension_numbers = #tpu.dot_dimension_numbers<[0], [0], [1], [1], [0, 1, 1, 1], [], []>, transpose_lhs_hint = false} : vector<6x400xf32>, vector<6x128xf32>, vector<400x128xf32> -> vector<400x128xf32>
    %broadcast_in_dim3A_89 = vector.shape_cast %dot_general3A_88 : vector<400x128xf32> to vector<1x400x128xf32>
    %get3A_90 = arith.constant 0 : index
    %get3A_91 = arith.constant 10 : index
    %get3A_92 = arith.constant 0 : index
    %get3A_93 = arith.constant 0 : index
    %get3A_94 = vector.load %arg4[%get3A_90, %get3A_91, %get3A_92, %get3A_93] : memref<1x16x6x400xf32, #tpu.memory_space<vmem>>, vector<1x1x6x400xf32>
    %get3A_95 = vector.shape_cast %get3A_94 : vector<1x1x6x400xf32> to vector<6x400xf32>
    %dot_general3A_96 = arith.constant dense<0.000000e+00> : vector<400x128xf32>
    %dot_general3A_97 = tpu.matmul %get3A_95, %get3A_1, %dot_general3A_96 {dimension_numbers = #tpu.dot_dimension_numbers<[0], [0], [1], [1], [0, 1, 1, 1], [], []>, transpose_lhs_hint = false} : vector<6x400xf32>, vector<6x128xf32>, vector<400x128xf32> -> vector<400x128xf32>
    %broadcast_in_dim3A_98 = vector.shape_cast %dot_general3A_97 : vector<400x128xf32> to vector<1x400x128xf32>
    %get3A_99 = arith.constant 0 : index
    %get3A_100 = arith.constant 11 : index
    %get3A_101 = arith.constant 0 : index
    %get3A_102 = arith.constant 0 : index
    %get3A_103 = vector.load %arg4[%get3A_99, %get3A_100, %get3A_101, %get3A_102] : memref<1x16x6x400xf32, #tpu.memory_space<vmem>>, vector<1x1x6x400xf32>
    %get3A_104 = vector.shape_cast %get3A_103 : vector<1x1x6x400xf32> to vector<6x400xf32>
    %dot_general3A_105 = arith.constant dense<0.000000e+00> : vector<400x128xf32>
    %dot_general3A_106 = tpu.matmul %get3A_104, %get3A_1, %dot_general3A_105 {dimension_numbers = #tpu.dot_dimension_numbers<[0], [0], [1], [1], [0, 1, 1, 1], [], []>, transpose_lhs_hint = false} : vector<6x400xf32>, vector<6x128xf32>, vector<400x128xf32> -> vector<400x128xf32>
    %broadcast_in_dim3A_107 = vector.shape_cast %dot_general3A_106 : vector<400x128xf32> to vector<1x400x128xf32>
    %get3A_108 = arith.constant 0 : index
    %get3A_109 = arith.constant 12 : index
    %get3A_110 = arith.constant 0 : index
    %get3A_111 = arith.constant 0 : index
    %get3A_112 = vector.load %arg4[%get3A_108, %get3A_109, %get3A_110, %get3A_111] : memref<1x16x6x400xf32, #tpu.memory_space<vmem>>, vector<1x1x6x400xf32>
    %get3A_113 = vector.shape_cast %get3A_112 : vector<1x1x6x400xf32> to vector<6x400xf32>
    %dot_general3A_114 = arith.constant dense<0.000000e+00> : vector<400x128xf32>
    %dot_general3A_115 = tpu.matmul %get3A_113, %get3A_1, %dot_general3A_114 {dimension_numbers = #tpu.dot_dimension_numbers<[0], [0], [1], [1], [0, 1, 1, 1], [], []>, transpose_lhs_hint = false} : vector<6x400xf32>, vector<6x128xf32>, vector<400x128xf32> -> vector<400x128xf32>
    %broadcast_in_dim3A_116 = vector.shape_cast %dot_general3A_115 : vector<400x128xf32> to vector<1x400x128xf32>
    %get3A_117 = arith.constant 0 : index
    %get3A_118 = arith.constant 13 : index
    %get3A_119 = arith.constant 0 : index
    %get3A_120 = arith.constant 0 : index
    %get3A_121 = vector.load %arg4[%get3A_117, %get3A_118, %get3A_119, %get3A_120] : memref<1x16x6x400xf32, #tpu.memory_space<vmem>>, vector<1x1x6x400xf32>
    %get3A_122 = vector.shape_cast %get3A_121 : vector<1x1x6x400xf32> to vector<6x400xf32>
    %dot_general3A_123 = arith.constant dense<0.000000e+00> : vector<400x128xf32>
    %dot_general3A_124 = tpu.matmul %get3A_122, %get3A_1, %dot_general3A_123 {dimension_numbers = #tpu.dot_dimension_numbers<[0], [0], [1], [1], [0, 1, 1, 1], [], []>, transpose_lhs_hint = false} : vector<6x400xf32>, vector<6x128xf32>, vector<400x128xf32> -> vector<400x128xf32>
    %broadcast_in_dim3A_125 = vector.shape_cast %dot_general3A_124 : vector<400x128xf32> to vector<1x400x128xf32>
    %get3A_126 = arith.constant 0 : index
    %get3A_127 = arith.constant 14 : index
    %get3A_128 = arith.constant 0 : index
    %get3A_129 = arith.constant 0 : index
    %get3A_130 = vector.load %arg4[%get3A_126, %get3A_127, %get3A_128, %get3A_129] : memref<1x16x6x400xf32, #tpu.memory_space<vmem>>, vector<1x1x6x400xf32>
    %get3A_131 = vector.shape_cast %get3A_130 : vector<1x1x6x400xf32> to vector<6x400xf32>
    %dot_general3A_132 = arith.constant dense<0.000000e+00> : vector<400x128xf32>
    %dot_general3A_133 = tpu.matmul %get3A_131, %get3A_1, %dot_general3A_132 {dimension_numbers = #tpu.dot_dimension_numbers<[0], [0], [1], [1], [0, 1, 1, 1], [], []>, transpose_lhs_hint = false} : vector<6x400xf32>, vector<6x128xf32>, vector<400x128xf32> -> vector<400x128xf32>
    %broadcast_in_dim3A_134 = vector.shape_cast %dot_general3A_133 : vector<400x128xf32> to vector<1x400x128xf32>
    %get3A_135 = arith.constant 0 : index
    %get3A_136 = arith.constant 15 : index
    %get3A_137 = arith.constant 0 : index
    %get3A_138 = arith.constant 0 : index
    %get3A_139 = vector.load %arg4[%get3A_135, %get3A_136, %get3A_137, %get3A_138] : memref<1x16x6x400xf32, #tpu.memory_space<vmem>>, vector<1x1x6x400xf32>
    %get3A_140 = vector.shape_cast %get3A_139 : vector<1x1x6x400xf32> to vector<6x400xf32>
    %dot_general3A_141 = arith.constant dense<0.000000e+00> : vector<400x128xf32>
    %dot_general3A_142 = tpu.matmul %get3A_140, %get3A_1, %dot_general3A_141 {dimension_numbers = #tpu.dot_dimension_numbers<[0], [0], [1], [1], [0, 1, 1, 1], [], []>, transpose_lhs_hint = false} : vector<6x400xf32>, vector<6x128xf32>, vector<400x128xf32> -> vector<400x128xf32>
    %broadcast_in_dim3A_143 = vector.shape_cast %dot_general3A_142 : vector<400x128xf32> to vector<1x400x128xf32>
    %concatenate3A = tpu.concatenate %broadcast_in_dim3A, %broadcast_in_dim3A_17, %broadcast_in_dim3A_26, %broadcast_in_dim3A_35, %broadcast_in_dim3A_44, %broadcast_in_dim3A_53, %broadcast_in_dim3A_62, %broadcast_in_dim3A_71, %broadcast_in_dim3A_80, %broadcast_in_dim3A_89, %broadcast_in_dim3A_98, %broadcast_in_dim3A_107, %broadcast_in_dim3A_116, %broadcast_in_dim3A_125, %broadcast_in_dim3A_134, %broadcast_in_dim3A_143 in 0 : vector<1x400x128xf32>, vector<1x400x128xf32>, vector<1x400x128xf32>, vector<1x400x128xf32>, vector<1x400x128xf32>, vector<1x400x128xf32>, vector<1x400x128xf32>, vector<1x400x128xf32>, vector<1x400x128xf32>, vector<1x400x128xf32>, vector<1x400x128xf32>, vector<1x400x128xf32>, vector<1x400x128xf32>, vector<1x400x128xf32>, vector<1x400x128xf32>, vector<1x400x128xf32> -> vector<16x400x128xf32>
    %reshape3A = vector.shape_cast %concatenate3A : vector<16x400x128xf32> to vector<6400x128xf32>
    %get3A_144 = arith.constant 0 : index
    %get3A_145 = arith.constant 0 : index
    %get3A_146 = vector.load %arg6[%get3A_144, %get3A_145] : memref<1x128xf32, #tpu.memory_space<vmem>>, vector<1x128xf32>
    %add3A = vector.broadcast %get3A_146 : vector<1x128xf32> to vector<6400x128xf32>
    %add3A_147 = arith.addf %reshape3A, %add3A : vector<6400x128xf32>
    %max3A = arith.constant 0.000000e+00 : f32
    %max3A_148 = vector.broadcast %max3A : f32 to vector<6400x128xf32>
    %max3A_149 = arith.maximumf %add3A_147, %max3A_148 : vector<6400x128xf32>
    %get3A_150 = arith.constant 0 : index
    %get3A_151 = arith.constant 0 : index
    %get3A_152 = vector.load %arg7[%get3A_150, %get3A_151] : memref<128x128xf32, #tpu.memory_space<vmem>>, vector<128x128xf32>
    %dot_general3A_153 = arith.constant dense<0.000000e+00> : vector<6400x128xf32>
    %dot_general3A_154 = tpu.matmul %max3A_149, %get3A_152, %dot_general3A_153 {dimension_numbers = #tpu.dot_dimension_numbers<[1], [0], [0], [1], [0, 0, 1, 1], [], []>, transpose_lhs_hint = false} : vector<6400x128xf32>, vector<128x128xf32>, vector<6400x128xf32> -> vector<6400x128xf32>
    %get3A_155 = arith.constant 0 : index
    %get3A_156 = arith.constant 0 : index
    %get3A_157 = vector.load %arg8[%get3A_155, %get3A_156] : memref<1x128xf32, #tpu.memory_space<vmem>>, vector<1x128xf32>
    %add3A_158 = vector.broadcast %get3A_157 : vector<1x128xf32> to vector<6400x128xf32>
    %add3A_159 = arith.addf %dot_general3A_154, %add3A_158 : vector<6400x128xf32>
    %get3A_160 = arith.constant 0 : index
    %get3A_161 = arith.constant 0 : index
    %get3A_162 = vector.load %arg2[%get3A_160, %get3A_161] : memref<400x32xf32, #tpu.memory_space<vmem>>, vector<400x32xf32>
    %get3A_163 = arith.constant 0 : index
    %get3A_164 = arith.constant 0 : index
    %get3A_165 = vector.load %arg9[%get3A_163, %get3A_164] : memref<32x128xf32, #tpu.memory_space<vmem>>, vector<32x128xf32>
    %dot_general3A_166 = arith.constant dense<0.000000e+00> : vector<400x128xf32>
    %dot_general3A_167 = tpu.matmul %get3A_162, %get3A_165, %dot_general3A_166 {dimension_numbers = #tpu.dot_dimension_numbers<[1], [0], [0], [1], [0, 0, 1, 1], [], []>, transpose_lhs_hint = false} : vector<400x32xf32>, vector<32x128xf32>, vector<400x128xf32> -> vector<400x128xf32>
    %broadcast_in_dim3A_168 = vector.shape_cast %dot_general3A_167 : vector<400x128xf32> to vector<1x400x128xf32>
    %broadcast_in_dim3A_169 = vector.shape_cast %broadcast_in_dim3A_168 : vector<1x400x128xf32> to vector<1x400x128xf32>
    %broadcast_in_dim3A_170 = vector.broadcast %broadcast_in_dim3A_169 : vector<1x400x128xf32> to vector<16x400x128xf32>
    %reshape3A_171 = vector.shape_cast %broadcast_in_dim3A_170 : vector<16x400x128xf32> to vector<6400x128xf32>
    %get3A_172 = arith.constant 0 : index
    %get3A_173 = arith.constant 0 : index
    %get3A_174 = arith.constant 0 : index
    %get3A_175 = vector.load %arg3[%get3A_172, %get3A_173, %get3A_174] : memref<16x400x128xf32, #tpu.memory_space<vmem>>, vector<16x400x128xf32>
    %reshape3A_176 = vector.shape_cast %get3A_175 : vector<16x400x128xf32> to vector<6400x128xf32>
    %sub3A = arith.subf %reshape3A_171, %reshape3A_176 : vector<6400x128xf32>
    %add3A_177 = arith.addf %sub3A, %add3A_159 : vector<6400x128xf32>
    %tanh3A = math.tanh %add3A_177 : vector<6400x128xf32>
    %get3A_178 = arith.constant 0 : index
    %get3A_179 = arith.constant 0 : index
    %get3A_180 = vector.load %arg10[%get3A_178, %get3A_179] : memref<128x128xf32, #tpu.memory_space<vmem>>, vector<128x128xf32>
    %dot_general3A_181 = arith.constant dense<0.000000e+00> : vector<6400x128xf32>
    %dot_general3A_182 = tpu.matmul %tanh3A, %get3A_180, %dot_general3A_181 {dimension_numbers = #tpu.dot_dimension_numbers<[1], [0], [0], [1], [0, 0, 1, 1], [], []>, transpose_lhs_hint = false} : vector<6400x128xf32>, vector<128x128xf32>, vector<6400x128xf32> -> vector<6400x128xf32>
    %get3A_183 = arith.constant 0 : index
    %get3A_184 = arith.constant 0 : index
    %get3A_185 = vector.load %arg11[%get3A_183, %get3A_184] : memref<1x128xf32, #tpu.memory_space<vmem>>, vector<1x128xf32>
    %add3A_186 = vector.broadcast %get3A_185 : vector<1x128xf32> to vector<6400x128xf32>
    %add3A_187 = arith.addf %dot_general3A_182, %add3A_186 : vector<6400x128xf32>
    %max3A_188 = arith.constant 0.000000e+00 : f32
    %max3A_189 = vector.broadcast %max3A_188 : f32 to vector<6400x128xf32>
    %max3A_190 = arith.maximumf %add3A_187, %max3A_189 : vector<6400x128xf32>
    %get3A_191 = arith.constant 0 : index
    %get3A_192 = arith.constant 0 : index
    %get3A_193 = vector.load %arg12[%get3A_191, %get3A_192] : memref<128x128xf32, #tpu.memory_space<vmem>>, vector<128x128xf32>
    %dot_general3A_194 = arith.constant dense<0.000000e+00> : vector<6400x128xf32>
    %dot_general3A_195 = tpu.matmul %max3A_190, %get3A_193, %dot_general3A_194 {dimension_numbers = #tpu.dot_dimension_numbers<[1], [0], [0], [1], [0, 0, 1, 1], [], []>, transpose_lhs_hint = false} : vector<6400x128xf32>, vector<128x128xf32>, vector<6400x128xf32> -> vector<6400x128xf32>
    %get3A_196 = arith.constant 0 : index
    %get3A_197 = arith.constant 0 : index
    %get3A_198 = vector.load %arg13[%get3A_196, %get3A_197] : memref<1x128xf32, #tpu.memory_space<vmem>>, vector<1x128xf32>
    %add3A_199 = vector.broadcast %get3A_198 : vector<1x128xf32> to vector<6400x128xf32>
    %add3A_200 = arith.addf %dot_general3A_195, %add3A_199 : vector<6400x128xf32>
    %reshape3A_201 = vector.shape_cast %add3A_200 : vector<6400x128xf32> to vector<16x400x128xf32>
    %get3A_202 = arith.constant 0 : index
    %get3A_203 = arith.constant 0 : index
    %get3A_204 = vector.load %arg14[%get3A_202, %get3A_203] : memref<1x128xf32, #tpu.memory_space<vmem>>, vector<1x128xf32>
    %reduce_max3A = arith.constant dense<0xFF800000> : vector<400x128xf32>
    %reduce_max3A_205 = vector.multi_reduction <maximumf>, %reshape3A_201, %reduce_max3A [0] : vector<16x400x128xf32> to vector<400x128xf32>
    %roll3A = arith.constant 64 : i32
    %roll3A_206 = tpu.dynamic_rotate %reduce_max3A_205 by %roll3A dim 1 : vector<400x128xf32>, i32 -> vector<400x128xf32>
    %max3A_207 = arith.maximumf %reduce_max3A_205, %roll3A_206 : vector<400x128xf32>
    %broadcast_in_dim3A_208 = vector.shape_cast %max3A_207 : vector<400x128xf32> to vector<1x400x128xf32>
    %sub3A_209 = vector.broadcast %broadcast_in_dim3A_208 : vector<1x400x128xf32> to vector<16x400x128xf32>
    %sub3A_210 = arith.subf %reshape3A_201, %sub3A_209 : vector<16x400x128xf32>
    %exp3A = math.exp %sub3A_210 : vector<16x400x128xf32>
    %broadcast_in_dim3A_211 = vector.shape_cast %get3A_204 : vector<1x128xf32> to vector<1x1x128xf32>
    %mul3A = vector.broadcast %broadcast_in_dim3A_211 : vector<1x1x128xf32> to vector<16x400x128xf32>
    %mul3A_212 = arith.mulf %exp3A, %mul3A : vector<16x400x128xf32>
    %reduce_sum3A = arith.constant dense<0.000000e+00> : vector<400x128xf32>
    %reduce_sum3A_213 = vector.multi_reduction <add>, %mul3A_212, %reduce_sum3A [0] : vector<16x400x128xf32> to vector<400x128xf32>
    %roll3A_214 = arith.constant 64 : i32
    %roll3A_215 = tpu.dynamic_rotate %reduce_sum3A_213 by %roll3A_214 dim 1 : vector<400x128xf32>, i32 -> vector<400x128xf32>
    %add3A_216 = arith.addf %reduce_sum3A_213, %roll3A_215 : vector<400x128xf32>
    %sub3A_217 = arith.constant 1.000000e+00 : f32
    %sub3A_218 = vector.broadcast %sub3A_217 : f32 to vector<1x128xf32>
    %sub3A_219 = arith.subf %sub3A_218, %get3A_204 : vector<1x128xf32>
    %add3A_220 = vector.broadcast %sub3A_219 : vector<1x128xf32> to vector<400x128xf32>
    %add3A_221 = arith.addf %add3A_216, %add3A_220 : vector<400x128xf32>
    %add3A_222 = arith.addf %reshape3A_176, %add3A_159 : vector<6400x128xf32>
    %reshape3A_223 = vector.shape_cast %add3A_222 : vector<6400x128xf32> to vector<16x400x128xf32>
    %mul3A_224 = arith.mulf %mul3A_212, %reshape3A_223 : vector<16x400x128xf32>
    %reduce_sum3A_225 = arith.constant dense<0.000000e+00> : vector<400x128xf32>
    %reduce_sum3A_226 = vector.multi_reduction <add>, %mul3A_224, %reduce_sum3A_225 [0] : vector<16x400x128xf32> to vector<400x128xf32>
    %div3A = arith.divf %reduce_sum3A_226, %add3A_221 : vector<400x128xf32>
    %get3A_227 = arith.constant 0 : index
    %get3A_228 = arith.constant 0 : index
    %get3A_229 = vector.load %arg1[%get3A_227, %get3A_228] : memref<400x128xf32, #tpu.memory_space<vmem>>, vector<400x128xf32>
    %get3A_230 = arith.constant 0 : index
    %get3A_231 = arith.constant 0 : index
    %get3A_232 = vector.load %arg15[%get3A_230, %get3A_231] : memref<128x128xf32, #tpu.memory_space<vmem>>, vector<128x128xf32>
    %dot_general3A_233 = arith.constant dense<0.000000e+00> : vector<400x128xf32>
    %dot_general3A_234 = tpu.matmul %div3A, %get3A_232, %dot_general3A_233 {dimension_numbers = #tpu.dot_dimension_numbers<[1], [0], [0], [1], [0, 0, 1, 1], [], []>, transpose_lhs_hint = false} : vector<400x128xf32>, vector<128x128xf32>, vector<400x128xf32> -> vector<400x128xf32>
    %add3A_235 = arith.addf %get3A_229, %dot_general3A_234 : vector<400x128xf32>
    %get3A_236 = arith.constant 0 : index
    %get3A_237 = arith.constant 0 : index
    %get3A_238 = vector.load %arg16[%get3A_236, %get3A_237] : memref<1x128xf32, #tpu.memory_space<vmem>>, vector<1x128xf32>
    %add3A_239 = vector.broadcast %get3A_238 : vector<1x128xf32> to vector<400x128xf32>
    %add3A_240 = arith.addf %add3A_235, %add3A_239 : vector<400x128xf32>
    %reduce_sum3A_241 = arith.constant dense<0.000000e+00> : vector<400xf32>
    %reduce_sum3A_242 = vector.multi_reduction <add>, %add3A_240, %reduce_sum3A_241 [1] : vector<400x128xf32> to vector<400xf32>
    %broadcast_in_dim3A_243 = vector.shape_cast %reduce_sum3A_242 : vector<400xf32> to vector<400x1xf32>
    %div3A_244 = arith.constant 1.280000e+02 : f32
    %div3A_245 = vector.broadcast %div3A_244 : f32 to vector<400x1xf32>
    %div3A_246 = arith.divf %broadcast_in_dim3A_243, %div3A_245 : vector<400x1xf32>
    %sub3A_247 = vector.broadcast %div3A_246 : vector<400x1xf32> to vector<400x128xf32>
    %sub3A_248 = arith.subf %add3A_240, %sub3A_247 : vector<400x128xf32>
    %mul3A_249 = arith.mulf %sub3A_248, %sub3A_248 : vector<400x128xf32>
    %reduce_sum3A_250 = arith.constant dense<0.000000e+00> : vector<400xf32>
    %reduce_sum3A_251 = vector.multi_reduction <add>, %mul3A_249, %reduce_sum3A_250 [1] : vector<400x128xf32> to vector<400xf32>
    %broadcast_in_dim3A_252 = vector.shape_cast %reduce_sum3A_251 : vector<400xf32> to vector<400x1xf32>
    %div3A_253 = arith.constant 1.280000e+02 : f32
    %div3A_254 = vector.broadcast %div3A_253 : f32 to vector<400x1xf32>
    %div3A_255 = arith.divf %broadcast_in_dim3A_252, %div3A_254 : vector<400x1xf32>
    %add3A_256 = arith.constant 9.99999974E-6 : f32
    %add3A_257 = vector.broadcast %add3A_256 : f32 to vector<400x1xf32>
    %add3A_258 = arith.addf %div3A_255, %add3A_257 : vector<400x1xf32>
    %rsqrt3A = math.rsqrt %add3A_258 : vector<400x1xf32>
    %mul3A_259 = vector.broadcast %rsqrt3A : vector<400x1xf32> to vector<400x128xf32>
    %mul3A_260 = arith.mulf %sub3A_248, %mul3A_259 : vector<400x128xf32>
    %get3A_261 = arith.constant 0 : index
    %get3A_262 = arith.constant 0 : index
    %get3A_263 = vector.load %arg17[%get3A_261, %get3A_262] : memref<1x128xf32, #tpu.memory_space<vmem>>, vector<1x128xf32>
    %mul3A_264 = vector.broadcast %get3A_263 : vector<1x128xf32> to vector<400x128xf32>
    %mul3A_265 = arith.mulf %mul3A_260, %mul3A_264 : vector<400x128xf32>
    %get3A_266 = arith.constant 0 : index
    %get3A_267 = arith.constant 0 : index
    %get3A_268 = vector.load %arg18[%get3A_266, %get3A_267] : memref<1x128xf32, #tpu.memory_space<vmem>>, vector<1x128xf32>
    %add3A_269 = vector.broadcast %get3A_268 : vector<1x128xf32> to vector<400x128xf32>
    %add3A_270 = arith.addf %mul3A_265, %add3A_269 : vector<400x128xf32>
    %get3A_271 = arith.constant 0 : index
    %get3A_272 = arith.constant 0 : index
    %get3A_273 = vector.load %arg19[%get3A_271, %get3A_272] : memref<128x256xf32, #tpu.memory_space<vmem>>, vector<128x256xf32>
    %dot_general3A_274 = arith.constant dense<0.000000e+00> : vector<400x256xf32>
    %dot_general3A_275 = tpu.matmul %add3A_270, %get3A_273, %dot_general3A_274 {dimension_numbers = #tpu.dot_dimension_numbers<[1], [0], [0], [1], [0, 0, 1, 1], [], []>, transpose_lhs_hint = false} : vector<400x128xf32>, vector<128x256xf32>, vector<400x256xf32> -> vector<400x256xf32>
    %get3A_276 = arith.constant 0 : index
    %get3A_277 = arith.constant 0 : index
    %get3A_278 = vector.load %arg20[%get3A_276, %get3A_277] : memref<1x256xf32, #tpu.memory_space<vmem>>, vector<1x256xf32>
    %add3A_279 = vector.broadcast %get3A_278 : vector<1x256xf32> to vector<400x256xf32>
    %add3A_280 = arith.addf %dot_general3A_275, %add3A_279 : vector<400x256xf32>
    %mul3A_281 = arith.constant 5.000000e-01 : f32
    %mul3A_282 = vector.broadcast %mul3A_281 : f32 to vector<400x256xf32>
    %mul3A_283 = arith.mulf %add3A_280, %mul3A_282 : vector<400x256xf32>
    %mul3A_284 = arith.constant 0.707106769 : f32
    %mul3A_285 = vector.broadcast %mul3A_284 : f32 to vector<400x256xf32>
    %mul3A_286 = arith.mulf %add3A_280, %mul3A_285 : vector<400x256xf32>
    %erf3A = math.erf %mul3A_286 : vector<400x256xf32>
    %add3A_287 = arith.constant 1.000000e+00 : f32
    %add3A_288 = vector.broadcast %add3A_287 : f32 to vector<400x256xf32>
    %add3A_289 = arith.addf %add3A_288, %erf3A : vector<400x256xf32>
    %mul3A_290 = arith.mulf %mul3A_283, %add3A_289 : vector<400x256xf32>
    %get3A_291 = arith.constant 0 : index
    %get3A_292 = arith.constant 0 : index
    %get3A_293 = vector.load %arg21[%get3A_291, %get3A_292] : memref<256x128xf32, #tpu.memory_space<vmem>>, vector<256x128xf32>
    %dot_general3A_294 = arith.constant dense<0.000000e+00> : vector<400x128xf32>
    %dot_general3A_295 = tpu.matmul %mul3A_290, %get3A_293, %dot_general3A_294 {dimension_numbers = #tpu.dot_dimension_numbers<[1], [0], [0], [1], [0, 0, 1, 1], [], []>, transpose_lhs_hint = false} : vector<400x256xf32>, vector<256x128xf32>, vector<400x128xf32> -> vector<400x128xf32>
    %add3A_296 = arith.addf %add3A_240, %dot_general3A_295 : vector<400x128xf32>
    %get3A_297 = arith.constant 0 : index
    %get3A_298 = arith.constant 0 : index
    %get3A_299 = vector.load %arg22[%get3A_297, %get3A_298] : memref<1x128xf32, #tpu.memory_space<vmem>>, vector<1x128xf32>
    %add3A_300 = vector.broadcast %get3A_299 : vector<1x128xf32> to vector<400x128xf32>
    %add3A_301 = arith.addf %add3A_296, %add3A_300 : vector<400x128xf32>
    %swap3A = arith.constant 0 : index
    %swap3A_302 = arith.constant 0 : index
    %swap3A_303 = vector.load %arg23[%swap3A, %swap3A_302] : memref<400x128xf32, #tpu.memory_space<vmem>>, vector<400x128xf32>
    tpu.vector_store %arg23[%swap3A, %swap3A_302], %add3A_301 {strides = array<i32>} : memref<400x128xf32, #tpu.memory_space<vmem>>, vector<400x128xf32>,
    return
  }
  func.func @transform_0(%arg0: i32) -> (i32, i32) {
    %add3A = arith.constant 0 : i32
    %add3A_0 = arith.addi %arg0, %add3A : i32
    %c0_i32 = arith.constant 0 : i32
    %c0_i32_1 = arith.constant 0 : i32
    return %add3A_0, %c0_i32 : i32, i32
  }
  func.func @transform_1(%arg0: i32) -> (i32, i32) {
    %add3A = arith.constant 0 : i32
    %add3A_0 = arith.addi %arg0, %add3A : i32
    %c0_i32 = arith.constant 0 : i32
    %c0_i32_1 = arith.constant 0 : i32
    return %add3A_0, %c0_i32 : i32, i32
  }
  func.func @transform_2(%arg0: i32) -> (i32, i32, i32) {
    %c0_i32 = arith.constant 0 : i32
    %c0_i32_0 = arith.constant 0 : i32
    %c0_i32_1 = arith.constant 0 : i32
    return %c0_i32, %arg0, %c0_i32_0 : i32, i32, i32
  }
  func.func @transform_3(%arg0: i32) -> (i32, i32, i32, i32) {
    %c0_i32 = arith.constant 0 : i32
    %c0_i32_0 = arith.constant 0 : i32
    %c0_i32_1 = arith.constant 0 : i32
    %c0_i32_2 = arith.constant 0 : i32
    return %arg0, %c0_i32, %c0_i32_0, %c0_i32_1 : i32, i32, i32, i32
  }
  func.func @transform_4(%arg0: i32) -> (i32, i32) {
    %c0_i32 = arith.constant 0 : i32
    %c0_i32_0 = arith.constant 0 : i32
    %c0_i32_1 = arith.constant 0 : i32
    return %c0_i32, %c0_i32_0 : i32, i32
  }
  func.func @transform_5(%arg0: i32) -> (i32, i32) {
    %c0_i32 = arith.constant 0 : i32
    %c0_i32_0 = arith.constant 0 : i32
    %c0_i32_1 = arith.constant 0 : i32
    return %c0_i32, %c0_i32_0 : i32, i32
  }
  func.func @transform_6(%arg0: i32) -> (i32, i32) {
    %c0_i32 = arith.constant 0 : i32
    %c0_i32_0 = arith.constant 0 : i32
    %c0_i32_1 = arith.constant 0 : i32
    return %c0_i32, %c0_i32_0 : i32, i32
  }
  func.func @transform_7(%arg0: i32) -> (i32, i32) {
    %c0_i32 = arith.constant 0 : i32
    %c0_i32_0 = arith.constant 0 : i32
    %c0_i32_1 = arith.constant 0 : i32
    return %c0_i32, %c0_i32_0 : i32, i32
  }
  func.func @transform_8(%arg0: i32) -> (i32, i32) {
    %c0_i32 = arith.constant 0 : i32
    %c0_i32_0 = arith.constant 0 : i32
    %c0_i32_1 = arith.constant 0 : i32
    return %c0_i32, %c0_i32_0 : i32, i32
  }
  func.func @transform_9(%arg0: i32) -> (i32, i32) {
    %c0_i32 = arith.constant 0 : i32
    %c0_i32_0 = arith.constant 0 : i32
    %c0_i32_1 = arith.constant 0 : i32
    return %c0_i32, %c0_i32_0 : i32, i32
  }
  func.func @transform_10(%arg0: i32) -> (i32, i32) {
    %c0_i32 = arith.constant 0 : i32
    %c0_i32_0 = arith.constant 0 : i32
    %c0_i32_1 = arith.constant 0 : i32
    return %c0_i32, %c0_i32_0 : i32, i32
  }
  func.func @transform_11(%arg0: i32) -> (i32, i32) {
    %c0_i32 = arith.constant 0 : i32
    %c0_i32_0 = arith.constant 0 : i32
    %c0_i32_1 = arith.constant 0 : i32
    return %c0_i32, %c0_i32_0 : i32, i32
  }
  func.func @transform_12(%arg0: i32) -> (i32, i32) {
    %c0_i32 = arith.constant 0 : i32
    %c0_i32_0 = arith.constant 0 : i32
    %c0_i32_1 = arith.constant 0 : i32
    return %c0_i32, %c0_i32_0 : i32, i32
  }
  func.func @transform_13(%arg0: i32) -> (i32, i32) {
    %c0_i32 = arith.constant 0 : i32
    %c0_i32_0 = arith.constant 0 : i32
    %c0_i32_1 = arith.constant 0 : i32
    return %c0_i32, %c0_i32_0 : i32, i32
  }
  func.func @transform_14(%arg0: i32) -> (i32, i32) {
    %c0_i32 = arith.constant 0 : i32
    %c0_i32_0 = arith.constant 0 : i32
    %c0_i32_1 = arith.constant 0 : i32
    return %c0_i32, %c0_i32_0 : i32, i32
  }
  func.func @transform_15(%arg0: i32) -> (i32, i32) {
    %c0_i32 = arith.constant 0 : i32
    %c0_i32_0 = arith.constant 0 : i32
    %c0_i32_1 = arith.constant 0 : i32
    return %c0_i32, %c0_i32_0 : i32, i32
  }
  func.func @transform_16(%arg0: i32) -> (i32, i32) {
    %c0_i32 = arith.constant 0 : i32
    %c0_i32_0 = arith.constant 0 : i32
    %c0_i32_1 = arith.constant 0 : i32
    return %c0_i32, %c0_i32_0 : i32, i32
  }
  func.func @transform_17(%arg0: i32) -> (i32, i32) {
    %c0_i32 = arith.constant 0 : i32
    %c0_i32_0 = arith.constant 0 : i32
    %c0_i32_1 = arith.constant 0 : i32
    return %c0_i32, %c0_i32_0 : i32, i32
  }
  func.func @transform_18(%arg0: i32) -> (i32, i32) {
    %c0_i32 = arith.constant 0 : i32
    %c0_i32_0 = arith.constant 0 : i32
    %c0_i32_1 = arith.constant 0 : i32
    return %c0_i32, %c0_i32_0 : i32, i32
  }
  func.func @transform_19(%arg0: i32) -> (i32, i32) {
    %c0_i32 = arith.constant 0 : i32
    %c0_i32_0 = arith.constant 0 : i32
    %c0_i32_1 = arith.constant 0 : i32
    return %c0_i32, %c0_i32_0 : i32, i32
  }
  func.func @transform_20(%arg0: i32) -> (i32, i32) {
    %c0_i32 = arith.constant 0 : i32
    %c0_i32_0 = arith.constant 0 : i32
    %c0_i32_1 = arith.constant 0 : i32
    return %c0_i32, %c0_i32_0 : i32, i32
  }
  func.func @transform_21(%arg0: i32) -> (i32, i32) {
    %c0_i32 = arith.constant 0 : i32
    %c0_i32_0 = arith.constant 0 : i32
    %c0_i32_1 = arith.constant 0 : i32
    return %c0_i32, %c0_i32_0 : i32, i32
  }
  func.func @transform_22(%arg0: i32) -> (i32, i32) {
    %c0_i32 = arith.constant 0 : i32
    %c0_i32_0 = arith.constant 0 : i32
    return %arg0, %c0_i32 : i32, i32
  }
}

</mosaic_0001>

<sc_bundles>
// kernel: kernel.10.cloned.1.call-start
scs
__scs_entry_jumppad:
0x0: {  	(pc) =	sbr.rel $0x88, $3  }
0x1: {  	(tag) =	ssettag $0x0;
	lr =	simm.s32 $0x1  }
0x2: {  	[smem:$0x3F82] =	sst lr;
	_ =	strace $0xD0000000  }
0x3: {  	_ = 	snop  }
0x4: {  	_ = 	snop  }
0x5: {  	_ = 	snop  }
0x6: {  	_ = 	snop  }
0x7: {  	_ = 	snop  }
__scs_overlays_trampoline_lowered:
0x8: {  	[smem:$0x3F91] =	sst s0  }
0x9: {  	[smem:$0x3F92] =	sst s1  }
0xa: {  	[smem:$0x3F93] =	sst s2  }
0xb: {  	[smem:$0x3F94] =	sst s3  }
0xc: {  	[smem:$0x3F95] =	sst s4  }
0xd: {  	[smem:$0x3F96] =	sst s5  }
0xe: {  	[smem:$0x3F97] =	sst s6  }
0xf: {  	[smem:$0x3F98] =	sst s7  }
0x10: {  	[smem:$0x3F99] =	sst s8  }
0x11: {  	[smem:$0x3F9A] =	sst s9;
	s0 =	simm.s32 @!p0 $0x0  }
0x12: {  	s1 =	sld [smem:$0x3F80];
	s0 =	simm.s32 @p0 $0x1  }
0x13: {  	[smem:$0x3F9B] =	sst s0;
	s0 =	simm.s32 @!p1 $0x0  }
0x14: {  	s2 =	sld [smem:$0x3F7F];
	s0 =	simm.s32 @p1 $0x1  }
0x15: {  	[smem:$0x3F9C] =	sst s0;
	s0 =	simm.s32 @!p2 $0x0  }
0x16: {  	s3 =	sld [smem:$0x3FDB];
	s0 =	simm.s32 @p2 $0x1  }
0x17: {  	s4 =	simm.s32 $0x1BF5;
	[smem:$0x3F9E] =	sst s0  }
0x18: {  	s0 =	sld [smem:$0x3F81];
	_ =	swait.ge [sflag:s4], $0x0  }
0x19: {  	s7 =	sld [smem:$0x3F82]  }
0x1a: {  	s8 =	sadd.s32 $0xFFFFE003, lr  }
0x1b: {  	s9 =	sadd.s32 $0xFFFFFEF7, lr;
	s5 =	simm.s32 $0xFFFFFFFF;
	p2 =	slt.u32 s8, $0xFFFFF086  }
0x1c: {  	p1 =	slt.u32 s9, $0xF7A;
	s5 =	simm.s32 @!p2 $0x0  }
0x1d: {  	s5 =	simm.s32 @p1 $0x1;
	p0 =	seq.s32 s7, s2  }
0x1e: {  	s7 =	smul.u32 @!p0 $0xF7A, s2;
	p2 =	seq.s32 @!p0 s5, $0x0  }
0x1f: {  	s9 =	smul.u32 $0xF7A, s1;
	s8 =	simm.s32 @!p0 $0x1BF5;
	p2 =	por !p2, p0  }
0x20: {  	[sflag:s8] =	ssyncset.s32 @!p0 $0xFFFFF086;
	s6 =	sadd.s32 @!p0 s3, s7;
	s7 =	simm.s32 @!p0 $0x108  }
0x21: {  	s3 =	sadd.s32 s3, s9;
	s6 =	sadd.s32 @!p0 $0x88, s6;
	s7 =	simm.s32 @p2 $0x1082  }
0x22: {  	[simem:s7], [sflag:s8] =	dma.local @!p0 [hbm:s6], $0xF7A  }
0x23: {  	s9 =	sor.u32 $0xD0000000, s2;
	s6 =	simm.s32 $0x108;
	_ =	swait.ge @!p0 [sflag:s8], $0x0  }
0x24: {  	s3 =	sadd.s32 $0x88, s3;
	s6 =	simm.s32 @!p1 $0x1082;
	[sflag:s4] =	ssyncset.s32 $0xFFFFF086  }
0x25: {  	[simem:s6], [sflag:s4] =	dma.local [hbm:s3], $0xF7A  }
0x26: {  	[smem:$0x3F82] =	sst s1;
	(tag) =	ssettag s2;
	_ =	strace s9  }
0x27: {  	s1 =	sld [smem:$0x3F92]  }
0x28: {  	s2 =	sld [smem:$0x3F93]  }
0x29: {  	s4 =	sld [smem:$0x3F95]  }
0x2a: {  	p0 =	seq.s32 s5, $0x0;
	s5 =	sld [smem:$0x3F96]  }
0x2b: {  	s6 =	sld [smem:$0x3F97]  }
0x2c: {  	s7 =	sld [smem:$0x3F98]  }
0x2d: {  	s3 =	simm.s32 $0x108;
	s8 =	sld [smem:$0x3F99]  }
0x2e: {  	s3 =	simm.s32 @!p0 $0x1082;
	s9 =	sld [smem:$0x3F9A]  }
0x2f: {  	lr =	sadd.s32 s0, s3;
	s0 =	sld [smem:$0x3F91]  }
0x30: {  	s3 =	sld [smem:$0x3F94]  }
0x31: {  	[smem:$0x3F9D] =	sst s10  }
0x32: {  	s10 =	sld [smem:$0x3F9B];
	_ =	sdelay $0x3  }
0x33: {  	p0 =	seq.s32 s10, $0x1;
	s10 =	sld [smem:$0x3F9D];
	_ =	sdelay $0x3  }
0x34: {  	[smem:$0x3F9D] =	sst s10  }
0x35: {  	s10 =	sld [smem:$0x3F9C];
	_ =	sdelay $0x3  }
0x36: {  	p1 =	seq.s32 s10, $0x1;
	s10 =	sld [smem:$0x3F9D];
	_ =	sdelay $0x3  }
0x37: {  	[smem:$0x3F9D] =	sst s10  }
0x38: {  	s10 =	sld [smem:$0x3F9E]  }
0x39: {  	_ = 	snop;
	(pc) =	sbr.ind lr, $3  }
0x3a: {  	_ = 	snop  }
0x3b: {  	_ = 	snop  }
0x3c: {  	p2 =	seq.s32 s10, $0x1;
	s10 =	sld [smem:$0x3F9D]  }
0x3d: {  	_ =	shalt  }
0x3e: {  	_ =	shalt  }
0x3f: {  	_ =	shalt  }
0x40: {  	_ =	shalt  }
0x41: {  	_ =	shalt  }
0x42: {  	_ =	shalt  }
0x43: {  	_ =	shalt  }
0x44: {  	_ =	shalt  }
0x45: {  	_ =	shalt  }
0x46: {  	_ =	shalt  }
0x47: {  	_ =	shalt  }
0x48: {  	_ =	shalt  }
0x49: {  	_ =	shalt  }
0x4a: {  	_ =	shalt  }
0x4b: {  	_ =	shalt  }
0x4c: {  	_ =	shalt  }
0x4d: {  	_ =	shalt  }
0x4e: {  	_ =	shalt  }
0x4f: {  	_ =	shalt  }
0x50: {  	_ =	shalt  }
0x51: {  	_ =	shalt  }
0x52: {  	_ =	shalt  }
0x53: {  	_ =	shalt  }
0x54: {  	_ =	shalt  }
0x55: {  	_ =	shalt  }
0x56: {  	_ =	shalt  }
0x57: {  	_ =	shalt  }
0x58: {  	_ =	shalt  }
0x59: {  	_ =	shalt  }
0x5a: {  	_ =	shalt  }
0x5b: {  	_ =	shalt  }
0x5c: {  	_ =	shalt  }
0x5d: {  	_ =	shalt  }
0x5e: {  	_ =	shalt  }
0x5f: {  	_ =	shalt  }
0x60: {  	_ =	shalt  }
0x61: {  	_ =	shalt  }
0x62: {  	_ =	shalt  }
0x63: {  	_ =	shalt  }
0x64: {  	_ =	shalt  }
0x65: {  	_ =	shalt  }
0x66: {  	_ =	shalt  }
0x67: {  	_ =	shalt  }
0x68: {  	_ =	shalt  }
0x69: {  	_ =	shalt  }
0x6a: {  	_ =	shalt  }
0x6b: {  	_ =	shalt  }
0x6c: {  	_ =	shalt  }
0x6d: {  	_ =	shalt  }
0x6e: {  	_ =	shalt  }
0x6f: {  	_ =	shalt  }
0x70: {  	_ =	shalt  }
0x71: {  	_ =	shalt  }
0x72: {  	_ =	shalt  }
0x73: {  	_ =	shalt  }
0x74: {  	_ =	shalt  }
0x75: {  	_ =	shalt  }
0x76: {  	_ =	shalt  }
0x77: {  	_ =	shalt  }
0x78: {  	_ =	shalt  }
0x79: {  	_ =	shalt  }
0x7a: {  	_ =	shalt  }
0x7b: {  	_ =	shalt  }
0x7c: {  	_ =	shalt  }
0x7d: {  	_ =	shalt  }
0x7e: {  	_ =	shalt  }
0x7f: {  	_ =	shalt  }
0x80: {  	_ =	shalt  }
0x81: {  	_ =	shalt  }
0x82: {  	_ =	shalt  }
0x83: {  	_ =	shalt  }
0x84: {  	_ =	shalt  }
0x85: {  	_ =	shalt  }
0x86: {  	_ =	shalt  }
0x87: {  	_ =	shalt  }
.Lfunc_end0:
.L_simem_size_0:
called_computation.1_lowered:
.L_overlay_start_0:
0x88: {  	s2 =	sld [smem:$0x3FD9]  }
0x89: {  	s3 =	sld [smem:$0x3FFE];
	_ =	sdelay $0x1  }
0x8a: {  	s1 =	srdreg.scid  }
0x8b: {  	s0 =	sand.u32 $0x1, s1  }
0x8c: {  	s17 =	sshll.u32 s0, $0xA;
	s2 =	sadd.s32 s3, s2  }
0x8d: {  	s2 =	sadd.s32 s2, s17  }
0x8e: {  	[smem:$0x3FA9] =	sst s2  }
0x8f: {  	_ = 	snop  }
0x90: {  	s2 =	sld [smem:$0x3FD0];
	(tm) =	ssettm $0x1  }
0x91: {  	s18 =	sld [smem:$0x3FFB];
	_ =	sdelay $0x3  }
0x92: {  	_ =	strace s18  }
0x93: {  	s3 =	sld [smem:$0x3FFC];
	_ =	sdelay $0x3  }
0x94: {  	_ =	strace s3  }
0x95: {  	s3 =	sld [smem:$0x3FFD];
	_ =	sdelay $0x3  }
0x96: {  	_ =	strace s3  }
0x97: {  	_ =	strace $0x8FFFFFFF  }
0x98: {  	s19 =	sld [smem:$0x3FDB];
	_ =	sdelay $0x1  }
0x99: {  	s4 =	simm.s32 $_scs_section_size  }
0x9a: {  	s5 =	simm.s32 $_size__tile_overlayer_lowered;
	s6 =	simm.s32 $_tile_overlayer_lowered  }
0x9b: {  	s22 =	simm.s32 $0x1BFF;
	s21 =	sshll.u32 s6, $0x1;
	s3 =	sadd.s32 s4, s19  }
0x9c: {  	s7 =	simm.s32 $0x0;
	s20 =	sshll.u32 s5, $0x1;
	s5 =	sadd.s32 s21, s3  }
0x9d: {  	[timem:s7], [sflag:s22] =	dma.local [hbm:s5], s20  }
0x9e: {  	_ =	swait.ge [sflag:s22], s20  }
0x9f: {  	s4 =	ssub.s32 $0x0, s20;
	[sflag:s22] =	ssyncset.done $0x0  }
0xa0: {  	[sflag:s22] =	ssyncadd.s32 s4;
	_ =	sdelay $0x1  }
0xa1: {  	s23 =	simm.s32 $0x1B8B  }
0xa2: {  	_ =	swait.ge [sflag:s23], $0x1  }
0xa3: {  	[sflag:s23] =	ssyncset.done $0x0  }
0xa4: {  	s25 =	simm.s32 $0x1B8E;
	s24 =	sld [smem:$0x3FFE];
	[sflag:s23] =	ssyncadd.s32 $0xFFFFFFFF  }
0xa5: {  	s26 =	simm.s32 $execute0_lowered;
	[smem:$0x3FD2] =	sst s25  }
0xa6: {  	s5 =	sshll.u32 s26, $0x1;
	_ =	strace $0x80000046;
	[dreg:$0x1] =	wrdreg $0xFFFFFFFF  }
0xa7: {  	s28 =	simm.s32 $_size_execute0_lowered;
	s3 =	sadd.s32 s3, s5;
	[dreg:$0x0] =	wrdreg $0x0  }
0xa8: {  	s5 =	sshll.u32 s28, $0x1;
	[dreg:$0x2] =	wrdreg s3  }
0xa9: {  	[dreg:$0x3] =	wrdreg s5  }
0xaa: {  	[dreg:$0x4] =	wrdreg $0xC0  }
0xab: {  	_ =	task [dreg:s7], $0x5FFFF  }
0xac: {  	[dreg:$0x1] =	wrdreg $0xFFFFFFFF  }
0xad: {  	[dreg:$0x0] =	wrdreg $0x60  }
0xae: {  	[dreg:$0x2] =	wrdreg s2  }
0xaf: {  	[dreg:$0x3] =	wrdreg s24  }
0xb0: {  	[dreg:$0x4] =	wrdreg $0xA  }
0xb1: {  	_ =	task.clear_ibuf [dreg:s7], $0x5FFFF;
	_ =	strace $0x90000046  }
0xb2: {  	s29 =	simm.s32 $0xA;
	_ =	strace $0x80000048  }
0xb3: {  	_ =	swait.ge [sflag:s29], $0x1  }
0xb4: {  	[sflag:s29] =	ssyncadd.s32 $0xFFFFFFFF  }
0xb5: {  	_ =	strace $0x90000048  }
0xb6: {  	_ =	sfence  }
0xb7: {  	s30 =	sld [smem:$0x0];
	_ =	sdelay $0x2  }
0xb8: {  	s31 =	sshll.u32 s1, $0xD;
	s1 =	sshrl.u32 s1, $0x2  }
0xb9: {  	s3 =	sand.u32 $0x4000, s31;
	s1 =	sadd.s32 s1, s30  }
0xba: {  	s0 =	sor.u32 s3, s0;
	s1 =	sshll.u32 s1, $0x11  }
0xbb: {  	s0 =	sor.u32 s1, s0  }
0xbc: {  	s0 =	sadd.s32 $0x8F2B, s0  }
0xbd: {  	[sflag:s0] =	ssyncadd.remote.s32 $0x1  }
0xbe: {  	_ =	sfence.sel $0xFFFF  }
0xbf: {  	[dreg:$0x0] =	wrdreg $0xFFFFFFFF;
	(pc) =	sbr.abs _section_cstart, $3  }
0xc0: {  	[dreg:$0x1] =	wrdreg $0xFFFFFFFF  }
0xc1: {  	_ =	task.clear_ibuf [dreg:s7], $0x2FFFF;
	_ =	strace $0x9FFFFFFF  }
0xc2: {  	(tm) =	ssettm $0x7FFFFFFF  }
0xc3: {  	_ =	shalt  }
tec
execute0_lowered:
.L_overlay_start_1:
0x0: {  	(tag) =	ssettag $0x1  }
0x1: {  	s0 =	srdreg.scid;
	s1 =	stileid.u32  }
0x2: {  	s7 =	sand.u32 $0x1, s0;
	s23 =	sshll.u32 s1, $0x1  }
0x3: {  	s2 =	rddreg [dreg:$0x0];
	s0 =	sor.u32 s7, s23  }
0x4: {  	s8 =	rddreg [dreg:$0x1];
	s3 =	simm.s32 $0x0;
	s5 =	smul.u32 $0x960, s0  }
0x5: {  	p0 =	por $0x0, $0x0;
	[smem:$0x7FF] =	sst s3  }
0x6: {  	s1 =	sadd.s32 $0x4600, s8;
	s4 =	sadd.s32 $0x6C00, s8;
	s6 =	sshrl.u32 s5, $0x3  }
0x7: {  	_ =	strace $0x80000047;
	s10 =	sadd.s32 $0xC8, s5;
	s9 =	sadd.s32 s1, s6  }
0x8: {  	s6 =	sadd.s32 s4, s6;
	s24 =	sshrl.u32 s10, $0x3;
	[dreg:$0x3] =	wrdreg s9  }
0x9: {  	s11 =	sadd.s32 $0x190, s5;
	[dreg:$0x4] =	wrdreg s6;
	s25 =	sadd.s32 s1, s24  }
0xa: {  	s12 =	sshrl.u32 s11, $0x3;
	s9 =	sadd.s32 s4, s24;
	[dreg:$0x5] =	wrdreg s25  }
0xb: {  	s17 =	sadd.s32 $0x258, s5;
	s13 =	sadd.s32 s1, s12;
	[dreg:$0x6] =	wrdreg s9  }
0xc: {  	s19 =	sshrl.u32 s17, $0x3;
	s14 =	sadd.s32 s4, s12;
	[dreg:$0x9] =	wrdreg s13  }
0xd: {  	s0 =	smul.u32 $0x9600, s0;
	s20 =	sadd.s32 s1, s19;
	[dreg:$0xa] =	wrdreg s14  }
0xe: {  	s6 =	sadd.s32 $0x9200, s8;
	s21 =	sadd.s32 s4, s19;
	[dreg:$0xd] =	wrdreg s20  }
0xf: {  	s8 =	sadd.s32 $0x9208, s8;
	s26 =	sadd.s32 s6, s0;
	[dreg:$0xe] =	wrdreg s21  }
0x10: {  	s15 =	sshll.u32 s10, $0x4;
	s0 =	sadd.s32 s0, s8;
	[dreg:$0x7] =	wrdreg s26  }
0x11: {  	s7 =	ssub.s32 $0x2, s7;
	s16 =	sadd.s32 s6, s15;
	[dreg:$0x8] =	wrdreg s0  }
0x12: {  	s22 =	sshll.u32 s11, $0x4;
	s18 =	sadd.s32 s15, s8;
	[dreg:$0xb] =	wrdreg s16  }
0x13: {  	s10 =	sadd.s32 $0x708, s5;
	s23 =	sadd.s32 s6, s22;
	[dreg:$0xc] =	wrdreg s18  }
0x14: {  	s11 =	simm.s32 $0x6720;
	s25 =	sadd.s32 s22, s8;
	[dreg:$0xf] =	wrdreg s23  }
0x15: {  	s24 =	sadd.s32 $0x320, s5;
	s14 =	sshll.u32 s17, $0x4;
	[dreg:$0x10] =	wrdreg s25  }
0x16: {  	s21 =	sshll.u32 s24, $0x4;
	s15 =	sadd.s32 s6, s14;
	s0 =	rddreg [dreg:$0x3]  }
0x17: {  	s26 =	sshrl.u32 s24, $0x3;
	s17 =	sadd.s32 s14, s8;
	[dreg:$0x13] =	wrdreg s15  }
0x18: {  	s16 =	sadd.s32 $0x3E8, s5;
	s22 =	sadd.s32 s6, s21;
	[dreg:$0x14] =	wrdreg s17  }
0x19: {  	s23 =	sadd.s32 $0x4B0, s5;
	s24 =	sadd.s32 s21, s8;
	[dreg:$0x17] =	wrdreg s22  }
0x1a: {  	s14 =	sadd.s32 $0x578, s5;
	s12 =	sadd.s32 s1, s26;
	[dreg:$0x18] =	wrdreg s24  }
0x1b: {  	s13 =	sadd.s32 s4, s26;
	s18 =	sshrl.u32 s16, $0x3;
	[dreg:$0x11] =	wrdreg s12  }
0x1c: {  	s21 =	sadd.s32 $0x640, s5;
	[dreg:$0x12] =	wrdreg s13;
	s19 =	sadd.s32 s1, s18  }
0x1d: {  	s25 =	sshrl.u32 s23, $0x3;
	s20 =	sadd.s32 s4, s18;
	[dreg:$0x15] =	wrdreg s19  }
0x1e: {  	s26 =	sadd.s32 s1, s25;
	s9 =	sadd.s32 s4, s25;
	[dreg:$0x16] =	wrdreg s20  }
0x1f: {  	s12 =	sshll.u32 s16, $0x4;
	s16 =	sshrl.u32 s14, $0x3;
	[dreg:$0x19] =	wrdreg s26  }
0x20: {  	[dreg:$0x1a] =	wrdreg s9;
	s13 =	sadd.s32 s6, s12;
	s15 =	sadd.s32 s12, s8  }
0x21: {  	s12 =	sshrl.u32 s7, $0x1;
	s17 =	sadd.s32 s1, s16;
	[dreg:$0x1b] =	wrdreg s13  }
0x22: {  	s18 =	sadd.s32 s4, s16;
	s19 =	sshll.u32 s23, $0x4;
	[dreg:$0x1c] =	wrdreg s15  }
0x23: {  	s23 =	sshrl.u32 s21, $0x3;
	s26 =	sshll.u32 s14, $0x4;
	[dreg:$0x1d] =	wrdreg s17  }
0x24: {  	s14 =	sshll.u32 s21, $0x4;
	[dreg:$0x1e] =	wrdreg s18;
	s20 =	sadd.s32 s6, s19  }
0x25: {  	s22 =	sadd.s32 s19, s8;
	s12 =	ssub.s32 s7, s12;
	s24 =	sadd.s32 s1, s23  }
0x26: {  	s25 =	sadd.s32 s4, s23;
	s9 =	sadd.s32 s6, s26;
	[dreg:$0x1f] =	wrdreg s20  }
0x27: {  	s31 =	sadd.s32 s26, s8;
	s13 =	sshrl.u32 s10, $0x3;
	[smem:$0x7FA] =	sst s22  }
0x28: {  	s15 =	sadd.s32 $0x7D0, s5;
	s28 =	sadd.s32 s6, s14;
	[smem:$0x7FB] =	sst s24  }
0x29: {  	s26 =	sadd.s32 s14, s8;
	s5 =	sadd.s32 $0x898, s5;
	[smem:$0x7FC] =	sst s25  }
0x2a: {  	s17 =	sshll.u32 s10, $0x4;
	s14 =	simm.s32 $0x2;
	[smem:$0x7FD] =	sst s9  }
0x2b: {  	s30 =	sadd.s32 s1, s13;
	s29 =	sadd.s32 s4, s13;
	s16 =	sshrl.u32 s15, $0x3  }
0x2c: {  	s18 =	sshrl.u32 s5, $0x3;
	s23 =	sadd.s32 s6, s17;
	s19 =	sadd.s32 s17, s8  }
0x2d: {  	s20 =	sshll.u32 s15, $0x4;
	s21 =	sshll.u32 s5, $0x4;
	s22 =	smax.u32 s12, $0x1  }
0x2e: {  	s15 =	simm.s32 $0x320;
	s13 =	simm.s32 $0x3520;
	s9 =	simm.s32 $0x40  }
0x2f: {  	s12 =	simm.s32 $0x80;
	s25 =	sadd.s32 s1, s16;
	p1 =	sne.s32 s22, $0x1  }
.Ltmp0:
0x30: {  	s24 =	sadd.s32 s4, s16;
	s17 =	sadd.s32 s1, s18;
	(pc) =	sbr.rel @!p1 .LBB2_3-.Ltmp0, $4  }
0x31: {  	s16 =	sadd.s32 s4, s18;
	s10 =	sadd.s32 s6, s20;
	s7 =	sadd.s32 s20, s8  }
0x32: {  	s6 =	sadd.s32 s6, s21;
	s5 =	sadd.s32 s21, s8;
	s4 =	simm.s32 $0x3  }
0x33: {  	s18 =	simm.s32 $0xC8;
	s20 =	simm.s32 $0x190;
	s21 =	simm.s32 $0x258  }
0x34: {  	s1 =	sadd.s32 $0xFFFFFFFF, s22;
	s8 =	simm.s32 $0x9920;
	s22 =	simm.s32 $0x1  }
0x35: {  	[tilespmem:s3], [sflag:$0x3] =	stream.linear.gather [hbm4b:s0+s3], $0xC8, $0x38;
	[tilespmem:$0xCB20] =	vst v63  }
0x36: {  	_ =	swait.ge [sflag:s4], $0xC8  }
0x37: {  	[sflag:s4] =	ssyncset.done $0x0  }
0x38: {  	s0 =	rddreg [dreg:$0x4];
	[sflag:s4] =	ssyncadd.s32 $0xFFFFFF38  }
0x39: {  	[tilespmem:s18], [sflag:$0x3] =	stream.linear.gather [hbm4b:s0+s3], $0xC8, $0x38;
	[tilespmem:$0xCB20] =	vst v63  }
0x3a: {  	_ =	swait.ge [sflag:s4], $0xC8  }
0x3b: {  	[sflag:s4] =	ssyncset.done $0x0  }
0x3c: {  	[sflag:s4] =	ssyncadd.s32 $0xFFFFFF38  }
0x3d: {  	[tilespmem:s15], [sflag:$0x1] =	stream.indirect.gather [hbm4b:s2+s18], $0x40, s3, s18, $0xb8;
	[tilespmem:$0xCB20] =	vst v63  }
0x3e: {  	_ = 	snop  }
0x3f: {  	[tilespmem:s13], [sflag:$0x1] =	stream.indirect.gather [hbm4b:s2+s18], $0x40, s18, s18, $0xb8;
	[tilespmem:$0xCB20] =	vst v63  }
0x40: {  	s0 =	rddreg [dreg:$0x5]  }
0x41: {  	[tilespmem:s20], [sflag:$0x3] =	stream.linear.gather [hbm4b:s0+s3], $0xC8, $0x38;
	[tilespmem:$0xCB20] =	vst v63  }
0x42: {  	_ =	swait.ge [sflag:s4], $0xC8  }
0x43: {  	[sflag:s4] =	ssyncset.done $0x0  }
0x44: {  	s0 =	rddreg [dreg:$0x6];
	[sflag:s4] =	ssyncadd.s32 $0xFFFFFF38  }
0x45: {  	[tilespmem:s21], [sflag:$0x3] =	stream.linear.gather [hbm4b:s0+s3], $0xC8, $0x38;
	[tilespmem:$0xCB20] =	vst v63  }
0x46: {  	_ =	swait.ge [sflag:s4], $0xC8  }
0x47: {  	[sflag:s4] =	ssyncset.done $0x0  }
0x48: {  	[sflag:s4] =	ssyncadd.s32 $0xFFFFFF38  }
0x49: {  	[tilespmem:s11], [sflag:$0x2] =	stream.indirect.gather [hbm4b:s2+s18], $0x40, s20, s18, $0xb8;
	[tilespmem:$0xCB20] =	vst v63  }
0x4a: {  	_ = 	snop  }
0x4b: {  	[tilespmem:s8], [sflag:$0x2] =	stream.indirect.gather [hbm4b:s2+s18], $0x40, s21, s18, $0xb8;
	[tilespmem:$0xCB20] =	vst v63  }
0x4c: {  	_ =	swait.ge [sflag:s22], $0x3200  }
0x4d: {  	[sflag:s22] =	ssyncset.done $0x0  }
0x4e: {  	[sflag:s22] =	ssyncadd.s32 $0xFFFFCE00  }
0x4f: {  	_ =	swait.ge [sflag:s22], $0x3200  }
0x50: {  	[sflag:s22] =	ssyncset.done $0x0  }
0x51: {  	s0 =	rddreg [dreg:$0x7];
	[sflag:s22] =	ssyncadd.s32 $0xFFFFCE00  }
0x52: {  	[hbm4b:s0+s9] =	stream.strided.scatter [tilespmem:s15], [sflag:$0x3], $0x3200, s12, s9, $0x38;
	[tilespmem:$0xCB20] =	vst v63  }
0x53: {  	_ =	swait.ge [sflag:s4], $0x3200  }
0x54: {  	[sflag:s4] =	ssyncset.done $0x0  }
0x55: {  	s0 =	rddreg [dreg:$0x8];
	[sflag:s4] =	ssyncadd.s32 $0xFFFFCE00  }
0x56: {  	[hbm4b:s0+s9] =	stream.strided.scatter [tilespmem:s13], [sflag:$0x3], $0x3200, s12, s9, $0x38;
	[tilespmem:$0xCB20] =	vst v63  }
0x57: {  	_ =	swait.ge [sflag:s4], $0x3200  }
0x58: {  	[sflag:s4] =	ssyncset.done $0x0  }
0x59: {  	s0 =	rddreg [dreg:$0x9];
	[sflag:s4] =	ssyncadd.s32 $0xFFFFCE00  }
0x5a: {  	[tilespmem:s3], [sflag:$0x3] =	stream.linear.gather [hbm4b:s0+s3], $0xC8, $0x38;
	[tilespmem:$0xCB20] =	vst v63  }
0x5b: {  	_ =	swait.ge [sflag:s4], $0xC8  }
0x5c: {  	[sflag:s4] =	ssyncset.done $0x0  }
0x5d: {  	s0 =	rddreg [dreg:$0xa];
	[sflag:s4] =	ssyncadd.s32 $0xFFFFFF38  }
0x5e: {  	[tilespmem:s18], [sflag:$0x3] =	stream.linear.gather [hbm4b:s0+s3], $0xC8, $0x38;
	[tilespmem:$0xCB20] =	vst v63  }
0x5f: {  	_ =	swait.ge [sflag:s4], $0xC8  }
0x60: {  	[sflag:s4] =	ssyncset.done $0x0  }
0x61: {  	[sflag:s4] =	ssyncadd.s32 $0xFFFFFF38  }
0x62: {  	[tilespmem:s15], [sflag:$0x1] =	stream.indirect.gather [hbm4b:s2+s18], $0x40, s3, s18, $0xb8;
	[tilespmem:$0xCB20] =	vst v63  }
0x63: {  	_ = 	snop  }
0x64: {  	[tilespmem:s13], [sflag:$0x1] =	stream.indirect.gather [hbm4b:s2+s18], $0x40, s18, s18, $0xb8;
	[tilespmem:$0xCB20] =	vst v63  }
0x65: {  	_ =	swait.ge [sflag:s14], $0x3200  }
0x66: {  	[sflag:s14] =	ssyncset.done $0x0  }
0x67: {  	[sflag:s14] =	ssyncadd.s32 $0xFFFFCE00  }
0x68: {  	_ =	swait.ge [sflag:s14], $0x3200  }
0x69: {  	[sflag:s14] =	ssyncset.done $0x0  }
0x6a: {  	s0 =	rddreg [dreg:$0xb];
	[sflag:s14] =	ssyncadd.s32 $0xFFFFCE00  }
0x6b: {  	[hbm4b:s0+s9] =	stream.strided.scatter [tilespmem:s11], [sflag:$0x3], $0x3200, s12, s9, $0x38;
	[tilespmem:$0xCB20] =	vst v63  }
0x6c: {  	_ =	swait.ge [sflag:s4], $0x3200  }
0x6d: {  	[sflag:s4] =	ssyncset.done $0x0  }
0x6e: {  	s0 =	rddreg [dreg:$0xc];
	[sflag:s4] =	ssyncadd.s32 $0xFFFFCE00  }
0x6f: {  	[hbm4b:s0+s9] =	stream.strided.scatter [tilespmem:s8], [sflag:$0x3], $0x3200, s12, s9, $0x38;
	[tilespmem:$0xCB20] =	vst v63  }
0x70: {  	_ =	swait.ge [sflag:s4], $0x3200  }
0x71: {  	[sflag:s4] =	ssyncset.done $0x0  }
0x72: {  	s0 =	rddreg [dreg:$0xd];
	[sflag:s4] =	ssyncadd.s32 $0xFFFFCE00  }
0x73: {  	[tilespmem:s20], [sflag:$0x3] =	stream.linear.gather [hbm4b:s0+s3], $0xC8, $0x38;
	[tilespmem:$0xCB20] =	vst v63  }
0x74: {  	_ =	swait.ge [sflag:s4], $0xC8  }
0x75: {  	[sflag:s4] =	ssyncset.done $0x0  }
0x76: {  	s0 =	rddreg [dreg:$0xe];
	[sflag:s4] =	ssyncadd.s32 $0xFFFFFF38  }
0x77: {  	[tilespmem:s21], [sflag:$0x3] =	stream.linear.gather [hbm4b:s0+s3], $0xC8, $0x38;
	[tilespmem:$0xCB20] =	vst v63  }
0x78: {  	_ =	swait.ge [sflag:s4], $0xC8  }
0x79: {  	[sflag:s4] =	ssyncset.done $0x0  }
0x7a: {  	[sflag:s4] =	ssyncadd.s32 $0xFFFFFF38  }
0x7b: {  	[tilespmem:s11], [sflag:$0x2] =	stream.indirect.gather [hbm4b:s2+s18], $0x40, s20, s18, $0xb8;
	[tilespmem:$0xCB20] =	vst v63  }
0x7c: {  	_ = 	snop  }
0x7d: {  	[tilespmem:s8], [sflag:$0x2] =	stream.indirect.gather [hbm4b:s2+s18], $0x40, s21, s18, $0xb8;
	[tilespmem:$0xCB20] =	vst v63  }
0x7e: {  	_ =	swait.ge [sflag:s22], $0x3200  }
0x7f: {  	[sflag:s22] =	ssyncset.done $0x0  }
0x80: {  	[sflag:s22] =	ssyncadd.s32 $0xFFFFCE00  }
0x81: {  	_ =	swait.ge [sflag:s22], $0x3200  }
0x82: {  	[sflag:s22] =	ssyncset.done $0x0  }
0x83: {  	s0 =	rddreg [dreg:$0xf];
	[sflag:s22] =	ssyncadd.s32 $0xFFFFCE00  }
0x84: {  	[hbm4b:s0+s9] =	stream.strided.scatter [tilespmem:s15], [sflag:$0x3], $0x3200, s12, s9, $0x38;
	[tilespmem:$0xCB20] =	vst v63  }
0x85: {  	_ =	swait.ge [sflag:s4], $0x3200  }
0x86: {  	[sflag:s4] =	ssyncset.done $0x0  }
0x87: {  	s0 =	rddreg [dreg:$0x10];
	[sflag:s4] =	ssyncadd.s32 $0xFFFFCE00  }
0x88: {  	[hbm4b:s0+s9] =	stream.strided.scatter [tilespmem:s13], [sflag:$0x3], $0x3200, s12, s9, $0x38;
	[tilespmem:$0xCB20] =	vst v63  }
0x89: {  	_ =	swait.ge [sflag:s4], $0x3200  }
0x8a: {  	[sflag:s4] =	ssyncset.done $0x0  }
0x8b: {  	s0 =	rddreg [dreg:$0x11];
	[sflag:s4] =	ssyncadd.s32 $0xFFFFCE00  }
0x8c: {  	[tilespmem:s3], [sflag:$0x3] =	stream.linear.gather [hbm4b:s0+s3], $0xC8, $0x38;
	[tilespmem:$0xCB20] =	vst v63  }
0x8d: {  	_ =	swait.ge [sflag:s4], $0xC8  }
0x8e: {  	[sflag:s4] =	ssyncset.done $0x0  }
0x8f: {  	s0 =	rddreg [dreg:$0x12];
	[sflag:s4] =	ssyncadd.s32 $0xFFFFFF38  }
0x90: {  	[tilespmem:s18], [sflag:$0x3] =	stream.linear.gather [hbm4b:s0+s3], $0xC8, $0x38;
	[tilespmem:$0xCB20] =	vst v63  }
0x91: {  	_ =	swait.ge [sflag:s4], $0xC8  }
0x92: {  	[sflag:s4] =	ssyncset.done $0x0  }
0x93: {  	[sflag:s4] =	ssyncadd.s32 $0xFFFFFF38  }
0x94: {  	[tilespmem:s15], [sflag:$0x1] =	stream.indirect.gather [hbm4b:s2+s18], $0x40, s3, s18, $0xb8;
	[tilespmem:$0xCB20] =	vst v63  }
0x95: {  	_ = 	snop  }
0x96: {  	[tilespmem:s13], [sflag:$0x1] =	stream.indirect.gather [hbm4b:s2+s18], $0x40, s18, s18, $0xb8;
	[tilespmem:$0xCB20] =	vst v63  }
0x97: {  	_ =	swait.ge [sflag:s14], $0x3200  }
0x98: {  	[sflag:s14] =	ssyncset.done $0x0  }
0x99: {  	[sflag:s14] =	ssyncadd.s32 $0xFFFFCE00  }
0x9a: {  	_ =	swait.ge [sflag:s14], $0x3200  }
0x9b: {  	[sflag:s14] =	ssyncset.done $0x0  }
0x9c: {  	s0 =	rddreg [dreg:$0x13];
	[sflag:s14] =	ssyncadd.s32 $0xFFFFCE00  }
0x9d: {  	[hbm4b:s0+s9] =	stream.strided.scatter [tilespmem:s11], [sflag:$0x3], $0x3200, s12, s9, $0x38;
	[tilespmem:$0xCB20] =	vst v63  }
0x9e: {  	_ =	swait.ge [sflag:s4], $0x3200  }
0x9f: {  	[sflag:s4] =	ssyncset.done $0x0  }
0xa0: {  	s0 =	rddreg [dreg:$0x14];
	[sflag:s4] =	ssyncadd.s32 $0xFFFFCE00  }
0xa1: {  	[hbm4b:s0+s9] =	stream.strided.scatter [tilespmem:s8], [sflag:$0x3], $0x3200, s12, s9, $0x38;
	[tilespmem:$0xCB20] =	vst v63  }
0xa2: {  	_ =	swait.ge [sflag:s4], $0x3200  }
0xa3: {  	[sflag:s4] =	ssyncset.done $0x0  }
0xa4: {  	s0 =	rddreg [dreg:$0x15];
	[sflag:s4] =	ssyncadd.s32 $0xFFFFCE00  }
0xa5: {  	[tilespmem:s20], [sflag:$0x3] =	stream.linear.gather [hbm4b:s0+s3], $0xC8, $0x38;
	[tilespmem:$0xCB20] =	vst v63  }
0xa6: {  	_ =	swait.ge [sflag:s4], $0xC8  }
0xa7: {  	[sflag:s4] =	ssyncset.done $0x0  }
0xa8: {  	s0 =	rddreg [dreg:$0x16];
	[sflag:s4] =	ssyncadd.s32 $0xFFFFFF38  }
0xa9: {  	[tilespmem:s21], [sflag:$0x3] =	stream.linear.gather [hbm4b:s0+s3], $0xC8, $0x38;
	[tilespmem:$0xCB20] =	vst v63  }
0xaa: {  	_ =	swait.ge [sflag:s4], $0xC8  }
0xab: {  	[sflag:s4] =	ssyncset.done $0x0  }
0xac: {  	[sflag:s4] =	ssyncadd.s32 $0xFFFFFF38  }
0xad: {  	[tilespmem:s11], [sflag:$0x2] =	stream.indirect.gather [hbm4b:s2+s18], $0x40, s20, s18, $0xb8;
	[tilespmem:$0xCB20] =	vst v63  }
0xae: {  	_ = 	snop  }
0xaf: {  	[tilespmem:s8], [sflag:$0x2] =	stream.indirect.gather [hbm4b:s2+s18], $0x40, s21, s18, $0xb8;
	[tilespmem:$0xCB20] =	vst v63  }
0xb0: {  	_ =	swait.ge [sflag:s22], $0x3200  }
0xb1: {  	[sflag:s22] =	ssyncset.done $0x0  }
0xb2: {  	[sflag:s22] =	ssyncadd.s32 $0xFFFFCE00  }
0xb3: {  	_ =	swait.ge [sflag:s22], $0x3200  }
0xb4: {  	[sflag:s22] =	ssyncset.done $0x0  }
0xb5: {  	s0 =	rddreg [dreg:$0x17];
	[sflag:s22] =	ssyncadd.s32 $0xFFFFCE00  }
0xb6: {  	[hbm4b:s0+s9] =	stream.strided.scatter [tilespmem:s15], [sflag:$0x3], $0x3200, s12, s9, $0x38;
	[tilespmem:$0xCB20] =	vst v63  }
0xb7: {  	_ =	swait.ge [sflag:s4], $0x3200  }
0xb8: {  	[sflag:s4] =	ssyncset.done $0x0  }
0xb9: {  	s0 =	rddreg [dreg:$0x18];
	[sflag:s4] =	ssyncadd.s32 $0xFFFFCE00  }
0xba: {  	[hbm4b:s0+s9] =	stream.strided.scatter [tilespmem:s13], [sflag:$0x3], $0x3200, s12, s9, $0x38;
	[tilespmem:$0xCB20] =	vst v63  }
0xbb: {  	_ =	swait.ge [sflag:s4], $0x3200  }
0xbc: {  	[sflag:s4] =	ssyncset.done $0x0  }
0xbd: {  	s0 =	rddreg [dreg:$0x19];
	[sflag:s4] =	ssyncadd.s32 $0xFFFFCE00  }
0xbe: {  	[tilespmem:s3], [sflag:$0x3] =	stream.linear.gather [hbm4b:s0+s3], $0xC8, $0x38;
	[tilespmem:$0xCB20] =	vst v63  }
0xbf: {  	_ =	swait.ge [sflag:s4], $0xC8  }
0xc0: {  	[sflag:s4] =	ssyncset.done $0x0  }
0xc1: {  	s0 =	rddreg [dreg:$0x1a];
	[sflag:s4] =	ssyncadd.s32 $0xFFFFFF38  }
0xc2: {  	[tilespmem:s18], [sflag:$0x3] =	stream.linear.gather [hbm4b:s0+s3], $0xC8, $0x38;
	[tilespmem:$0xCB20] =	vst v63  }
0xc3: {  	_ =	swait.ge [sflag:s4], $0xC8  }
0xc4: {  	[sflag:s4] =	ssyncset.done $0x0  }
0xc5: {  	[sflag:s4] =	ssyncadd.s32 $0xFFFFFF38  }
0xc6: {  	[tilespmem:s15], [sflag:$0x1] =	stream.indirect.gather [hbm4b:s2+s18], $0x40, s3, s18, $0xb8;
	[tilespmem:$0xCB20] =	vst v63  }
0xc7: {  	_ = 	snop  }
0xc8: {  	[tilespmem:s13], [sflag:$0x1] =	stream.indirect.gather [hbm4b:s2+s18], $0x40, s18, s18, $0xb8;
	[tilespmem:$0xCB20] =	vst v63  }
0xc9: {  	_ =	swait.ge [sflag:s14], $0x3200  }
0xca: {  	[sflag:s14] =	ssyncset.done $0x0  }
0xcb: {  	[sflag:s14] =	ssyncadd.s32 $0xFFFFCE00  }
0xcc: {  	_ =	swait.ge [sflag:s14], $0x3200  }
0xcd: {  	[sflag:s14] =	ssyncset.done $0x0  }
0xce: {  	s0 =	rddreg [dreg:$0x1b];
	[sflag:s14] =	ssyncadd.s32 $0xFFFFCE00  }
0xcf: {  	[hbm4b:s0+s9] =	stream.strided.scatter [tilespmem:s11], [sflag:$0x3], $0x3200, s12, s9, $0x38;
	[tilespmem:$0xCB20] =	vst v63  }
0xd0: {  	_ =	swait.ge [sflag:s4], $0x3200  }
0xd1: {  	[sflag:s4] =	ssyncset.done $0x0  }
0xd2: {  	s0 =	rddreg [dreg:$0x1c];
	[sflag:s4] =	ssyncadd.s32 $0xFFFFCE00  }
0xd3: {  	[hbm4b:s0+s9] =	stream.strided.scatter [tilespmem:s8], [sflag:$0x3], $0x3200, s12, s9, $0x38;
	[tilespmem:$0xCB20] =	vst v63  }
0xd4: {  	_ =	swait.ge [sflag:s4], $0x3200  }
0xd5: {  	[sflag:s4] =	ssyncset.done $0x0  }
0xd6: {  	s0 =	rddreg [dreg:$0x1d];
	[sflag:s4] =	ssyncadd.s32 $0xFFFFCE00  }
0xd7: {  	[tilespmem:s20], [sflag:$0x3] =	stream.linear.gather [hbm4b:s0+s3], $0xC8, $0x38;
	[tilespmem:$0xCB20] =	vst v63  }
0xd8: {  	_ =	swait.ge [sflag:s4], $0xC8  }
0xd9: {  	[sflag:s4] =	ssyncset.done $0x0  }
0xda: {  	s0 =	rddreg [dreg:$0x1e];
	[sflag:s4] =	ssyncadd.s32 $0xFFFFFF38  }
0xdb: {  	[tilespmem:s21], [sflag:$0x3] =	stream.linear.gather [hbm4b:s0+s3], $0xC8, $0x38;
	[tilespmem:$0xCB20] =	vst v63  }
0xdc: {  	_ =	swait.ge [sflag:s4], $0xC8  }
0xdd: {  	[sflag:s4] =	ssyncset.done $0x0  }
0xde: {  	[sflag:s4] =	ssyncadd.s32 $0xFFFFFF38  }
0xdf: {  	[tilespmem:s11], [sflag:$0x2] =	stream.indirect.gather [hbm4b:s2+s18], $0x40, s20, s18, $0xb8;
	[tilespmem:$0xCB20] =	vst v63  }
0xe0: {  	_ = 	snop  }
0xe1: {  	[tilespmem:s8], [sflag:$0x2] =	stream.indirect.gather [hbm4b:s2+s18], $0x40, s21, s18, $0xb8;
	[tilespmem:$0xCB20] =	vst v63  }
0xe2: {  	_ =	swait.ge [sflag:s22], $0x3200  }
0xe3: {  	[sflag:s22] =	ssyncset.done $0x0  }
0xe4: {  	[sflag:s22] =	ssyncadd.s32 $0xFFFFCE00  }
0xe5: {  	_ =	swait.ge [sflag:s22], $0x3200  }
0xe6: {  	[sflag:s22] =	ssyncset.done $0x0  }
0xe7: {  	s0 =	rddreg [dreg:$0x1f];
	[sflag:s22] =	ssyncadd.s32 $0xFFFFCE00  }
0xe8: {  	[hbm4b:s0+s9] =	stream.strided.scatter [tilespmem:s15], [sflag:$0x3], $0x3200, s12, s9, $0x38;
	[tilespmem:$0xCB20] =	vst v63  }
0xe9: {  	_ =	swait.ge [sflag:s4], $0x3200  }
0xea: {  	s0 =	sld [smem:$0x7FA]  }
0xeb: {  	[sflag:s4] =	ssyncset.done $0x0  }
0xec: {  	[sflag:s4] =	ssyncadd.s32 $0xFFFFCE00  }
0xed: {  	[hbm4b:s0+s9] =	stream.strided.scatter [tilespmem:s13], [sflag:$0x3], $0x3200, s12, s9, $0x38;
	[tilespmem:$0xCB20] =	vst v63  }
0xee: {  	_ =	swait.ge [sflag:s4], $0x3200  }
0xef: {  	s0 =	sld [smem:$0x7FB]  }
0xf0: {  	[sflag:s4] =	ssyncset.done $0x0  }
0xf1: {  	[sflag:s4] =	ssyncadd.s32 $0xFFFFCE00  }
0xf2: {  	[tilespmem:s3], [sflag:$0x3] =	stream.linear.gather [hbm4b:s0+s3], $0xC8, $0x38;
	[tilespmem:$0xCB20] =	vst v63  }
0xf3: {  	_ =	swait.ge [sflag:s4], $0xC8  }
0xf4: {  	s0 =	sld [smem:$0x7FC]  }
0xf5: {  	[sflag:s4] =	ssyncset.done $0x0  }
0xf6: {  	[sflag:s4] =	ssyncadd.s32 $0xFFFFFF38  }
0xf7: {  	[tilespmem:s18], [sflag:$0x3] =	stream.linear.gather [hbm4b:s0+s3], $0xC8, $0x38;
	[tilespmem:$0xCB20] =	vst v63  }
0xf8: {  	_ =	swait.ge [sflag:s4], $0xC8  }
0xf9: {  	[sflag:s4] =	ssyncset.done $0x0  }
0xfa: {  	[sflag:s4] =	ssyncadd.s32 $0xFFFFFF38  }
0xfb: {  	[tilespmem:s15], [sflag:$0x1] =	stream.indirect.gather [hbm4b:s2+s18], $0x40, s3, s18, $0xb8;
	[tilespmem:$0xCB20] =	vst v63  }
0xfc: {  	_ = 	snop  }
0xfd: {  	[tilespmem:s13], [sflag:$0x1] =	stream.indirect.gather [hbm4b:s2+s18], $0x40, s18, s18, $0xb8;
	[tilespmem:$0xCB20] =	vst v63  }
0xfe: {  	_ =	swait.ge [sflag:s14], $0x3200  }
0xff: {  	[sflag:s14] =	ssyncset.done $0x0  }
0x100: {  	[sflag:s14] =	ssyncadd.s32 $0xFFFFCE00  }
0x101: {  	_ =	swait.ge [sflag:s14], $0x3200  }
0x102: {  	s0 =	sld [smem:$0x7FD]  }
0x103: {  	[sflag:s14] =	ssyncset.done $0x0  }
0x104: {  	[sflag:s14] =	ssyncadd.s32 $0xFFFFCE00  }
0x105: {  	[hbm4b:s0+s9] =	stream.strided.scatter [tilespmem:s11], [sflag:$0x3], $0x3200, s12, s9, $0x38;
	[tilespmem:$0xCB20] =	vst v63  }
0x106: {  	_ =	swait.ge [sflag:s4], $0x3200  }
0x107: {  	[sflag:s4] =	ssyncset.done $0x0  }
0x108: {  	[sflag:s4] =	ssyncadd.s32 $0xFFFFCE00  }
0x109: {  	[hbm4b:s31+s9] =	stream.strided.scatter [tilespmem:s8], [sflag:$0x3], $0x3200, s12, s9, $0x38;
	[tilespmem:$0xCB20] =	vst v63  }
0x10a: {  	_ =	swait.ge [sflag:s4], $0x3200  }
0x10b: {  	[sflag:s4] =	ssyncset.done $0x0  }
0x10c: {  	[sflag:s4] =	ssyncadd.s32 $0xFFFFCE00  }
0x10d: {  	[tilespmem:s20], [sflag:$0x3] =	stream.linear.gather [hbm4b:s30+s3], $0xC8, $0x38;
	[tilespmem:$0xCB20] =	vst v63  }
0x10e: {  	_ =	swait.ge [sflag:s4], $0xC8  }
0x10f: {  	[sflag:s4] =	ssyncset.done $0x0  }
0x110: {  	[sflag:s4] =	ssyncadd.s32 $0xFFFFFF38  }
0x111: {  	[tilespmem:s21], [sflag:$0x3] =	stream.linear.gather [hbm4b:s29+s3], $0xC8, $0x38;
	[tilespmem:$0xCB20] =	vst v63  }
0x112: {  	_ =	swait.ge [sflag:s4], $0xC8  }
0x113: {  	[sflag:s4] =	ssyncset.done $0x0  }
0x114: {  	[sflag:s4] =	ssyncadd.s32 $0xFFFFFF38  }
0x115: {  	[tilespmem:s11], [sflag:$0x2] =	stream.indirect.gather [hbm4b:s2+s18], $0x40, s20, s18, $0xb8;
	[tilespmem:$0xCB20] =	vst v63  }
0x116: {  	_ = 	snop  }
0x117: {  	[tilespmem:s8], [sflag:$0x2] =	stream.indirect.gather [hbm4b:s2+s18], $0x40, s21, s18, $0xb8;
	[tilespmem:$0xCB20] =	vst v63  }
0x118: {  	_ =	swait.ge [sflag:s22], $0x3200  }
0x119: {  	[sflag:s22] =	ssyncset.done $0x0  }
0x11a: {  	[sflag:s22] =	ssyncadd.s32 $0xFFFFCE00  }
0x11b: {  	_ =	swait.ge [sflag:s22], $0x3200  }
0x11c: {  	[sflag:s22] =	ssyncset.done $0x0  }
0x11d: {  	[sflag:s22] =	ssyncadd.s32 $0xFFFFCE00  }
0x11e: {  	[hbm4b:s28+s9] =	stream.strided.scatter [tilespmem:s15], [sflag:$0x3], $0x3200, s12, s9, $0x38;
	[tilespmem:$0xCB20] =	vst v63  }
0x11f: {  	_ =	swait.ge [sflag:s4], $0x3200  }
0x120: {  	[sflag:s4] =	ssyncset.done $0x0  }
0x121: {  	[sflag:s4] =	ssyncadd.s32 $0xFFFFCE00  }
0x122: {  	[hbm4b:s26+s9] =	stream.strided.scatter [tilespmem:s13], [sflag:$0x3], $0x3200, s12, s9, $0x38;
	[tilespmem:$0xCB20] =	vst v63  }
0x123: {  	_ =	swait.ge [sflag:s4], $0x3200  }
0x124: {  	[sflag:s4] =	ssyncset.done $0x0  }
0x125: {  	[sflag:s4] =	ssyncadd.s32 $0xFFFFCE00  }
0x126: {  	[tilespmem:s3], [sflag:$0x3] =	stream.linear.gather [hbm4b:s25+s3], $0xC8, $0x38;
	[tilespmem:$0xCB20] =	vst v63  }
0x127: {  	_ =	swait.ge [sflag:s4], $0xC8  }
0x128: {  	[sflag:s4] =	ssyncset.done $0x0  }
0x129: {  	[sflag:s4] =	ssyncadd.s32 $0xFFFFFF38  }
0x12a: {  	[tilespmem:s18], [sflag:$0x3] =	stream.linear.gather [hbm4b:s24+s3], $0xC8, $0x38;
	[tilespmem:$0xCB20] =	vst v63  }
0x12b: {  	_ =	swait.ge [sflag:s4], $0xC8  }
0x12c: {  	[sflag:s4] =	ssyncset.done $0x0  }
0x12d: {  	[sflag:s4] =	ssyncadd.s32 $0xFFFFFF38  }
0x12e: {  	[tilespmem:s15], [sflag:$0x1] =	stream.indirect.gather [hbm4b:s2+s18], $0x40, s3, s18, $0xb8;
	[tilespmem:$0xCB20] =	vst v63  }
0x12f: {  	_ = 	snop  }
0x130: {  	[tilespmem:s13], [sflag:$0x1] =	stream.indirect.gather [hbm4b:s2+s18], $0x40, s18, s18, $0xb8;
	[tilespmem:$0xCB20] =	vst v63  }
0x131: {  	_ =	swait.ge [sflag:s14], $0x3200  }
0x132: {  	[sflag:s14] =	ssyncset.done $0x0  }
0x133: {  	[sflag:s14] =	ssyncadd.s32 $0xFFFFCE00  }
0x134: {  	_ =	swait.ge [sflag:s14], $0x3200  }
0x135: {  	[sflag:s14] =	ssyncset.done $0x0  }
0x136: {  	[sflag:s14] =	ssyncadd.s32 $0xFFFFCE00  }
0x137: {  	[hbm4b:s23+s9] =	stream.strided.scatter [tilespmem:s11], [sflag:$0x3], $0x3200, s12, s9, $0x38;
	[tilespmem:$0xCB20] =	vst v63  }
0x138: {  	_ =	swait.ge [sflag:s4], $0x3200  }
0x139: {  	[sflag:s4] =	ssyncset.done $0x0  }
0x13a: {  	[sflag:s4] =	ssyncadd.s32 $0xFFFFCE00  }
0x13b: {  	[hbm4b:s19+s9] =	stream.strided.scatter [tilespmem:s8], [sflag:$0x3], $0x3200, s12, s9, $0x38;
	[tilespmem:$0xCB20] =	vst v63  }
0x13c: {  	_ =	swait.ge [sflag:s4], $0x3200  }
0x13d: {  	[sflag:s4] =	ssyncset.done $0x0  }
0x13e: {  	[sflag:s4] =	ssyncadd.s32 $0xFFFFCE00  }
0x13f: {  	[tilespmem:s20], [sflag:$0x3] =	stream.linear.gather [hbm4b:s17+s3], $0xC8, $0x38;
	[tilespmem:$0xCB20] =	vst v63  }
0x140: {  	_ =	swait.ge [sflag:s4], $0xC8  }
0x141: {  	[sflag:s4] =	ssyncset.done $0x0  }
0x142: {  	[sflag:s4] =	ssyncadd.s32 $0xFFFFFF38  }
0x143: {  	[tilespmem:s21], [sflag:$0x3] =	stream.linear.gather [hbm4b:s16+s3], $0xC8, $0x38;
	[tilespmem:$0xCB20] =	vst v63  }
0x144: {  	_ =	swait.ge [sflag:s4], $0xC8  }
0x145: {  	[sflag:s4] =	ssyncset.done $0x0  }
0x146: {  	[sflag:s4] =	ssyncadd.s32 $0xFFFFFF38  }
0x147: {  	[tilespmem:s11], [sflag:$0x2] =	stream.indirect.gather [hbm4b:s2+s18], $0x40, s20, s18, $0xb8;
	[tilespmem:$0xCB20] =	vst v63  }
0x148: {  	_ = 	snop  }
0x149: {  	[tilespmem:s8], [sflag:$0x2] =	stream.indirect.gather [hbm4b:s2+s18], $0x40, s21, s18, $0xb8;
	[tilespmem:$0xCB20] =	vst v63  }
0x14a: {  	_ =	swait.ge [sflag:s22], $0x3200  }
0x14b: {  	[sflag:s22] =	ssyncset.done $0x0  }
0x14c: {  	[sflag:s22] =	ssyncadd.s32 $0xFFFFCE00  }
0x14d: {  	_ =	swait.ge [sflag:s22], $0x3200  }
0x14e: {  	[sflag:s22] =	ssyncset.done $0x0  }
0x14f: {  	[sflag:s22] =	ssyncadd.s32 $0xFFFFCE00  }
0x150: {  	[hbm4b:s10+s9] =	stream.strided.scatter [tilespmem:s15], [sflag:$0x3], $0x3200, s12, s9, $0x38;
	[tilespmem:$0xCB20] =	vst v63  }
0x151: {  	_ =	swait.ge [sflag:s4], $0x3200  }
0x152: {  	[sflag:s4] =	ssyncset.done $0x0  }
0x153: {  	[sflag:s4] =	ssyncadd.s32 $0xFFFFCE00  }
0x154: {  	[hbm4b:s7+s9] =	stream.strided.scatter [tilespmem:s13], [sflag:$0x3], $0x3200, s12, s9, $0x38;
	[tilespmem:$0xCB20] =	vst v63  }
0x155: {  	_ =	swait.ge [sflag:s4], $0x3200  }
0x156: {  	[sflag:s4] =	ssyncset.done $0x0  }
0x157: {  	[sflag:s4] =	ssyncadd.s32 $0xFFFFCE00  }
0x158: {  	_ =	swait.ge [sflag:s14], $0x3200  }
0x159: {  	[sflag:s14] =	ssyncset.done $0x0  }
0x15a: {  	[sflag:s14] =	ssyncadd.s32 $0xFFFFCE00  }
0x15b: {  	_ =	swait.ge [sflag:s14], $0x3200  }
0x15c: {  	[sflag:s14] =	ssyncset.done $0x0  }
0x15d: {  	[sflag:s14] =	ssyncadd.s32 $0xFFFFCE00  }
0x15e: {  	[hbm4b:s6+s9] =	stream.strided.scatter [tilespmem:s11], [sflag:$0x3], $0x3200, s12, s9, $0x38;
	[tilespmem:$0xCB20] =	vst v63  }
0x15f: {  	p1 =	sne.s32 s1, $0x1;
	_ =	swait.ge [sflag:s4], $0x3200  }
.Ltmp1:
0x160: {  	[sflag:s4] =	ssyncset.done $0x0;
	(pc) =	sbr.rel @!p1 .LBB2_3-.Ltmp1, $4  }
0x161: {  	[sflag:s4] =	ssyncadd.s32 $0xFFFFCE00  }
0x162: {  	[hbm4b:s5+s9] =	stream.strided.scatter [tilespmem:s8], [sflag:$0x3], $0x3200, s12, s9, $0x38;
	[tilespmem:$0xCB20] =	vst v63  }
0x163: {  	s1 =	sadd.s32 $0xFFFFFFFF, s1;
	_ =	swait.ge [sflag:s4], $0x3200  }
0x164: {  	p0 =	por $0x1, $0x1;
	s0 =	rddreg [dreg:$0x3];
	[sflag:s4] =	ssyncset.done $0x0  }
.LBB2_2:
0x165: {  	[sflag:s4] =	ssyncadd.s32 $0xFFFFCE00  }
0x166: {  	[tilespmem:s3], [sflag:$0x3] =	stream.linear.gather [hbm4b:s0+s3], $0xC8, $0x38;
	[tilespmem:$0xCB20] =	vst v63  }
0x167: {  	_ =	swait.ge [sflag:s4], $0xC8  }
0x168: {  	[sflag:s4] =	ssyncset.done $0x0  }
0x169: {  	s0 =	rddreg [dreg:$0x4];
	[sflag:s4] =	ssyncadd.s32 $0xFFFFFF38  }
0x16a: {  	[tilespmem:s18], [sflag:$0x3] =	stream.linear.gather [hbm4b:s0+s3], $0xC8, $0x38;
	[tilespmem:$0xCB20] =	vst v63  }
0x16b: {  	_ =	swait.ge [sflag:s4], $0xC8  }
0x16c: {  	[sflag:s4] =	ssyncset.done $0x0  }
0x16d: {  	[sflag:s4] =	ssyncadd.s32 $0xFFFFFF38  }
0x16e: {  	[tilespmem:s15], [sflag:$0x1] =	stream.indirect.gather [hbm4b:s2+s18], $0x40, s3, s18, $0xb8;
	[tilespmem:$0xCB20] =	vst v63  }
0x16f: {  	_ = 	snop  }
0x170: {  	[tilespmem:s13], [sflag:$0x1] =	stream.indirect.gather [hbm4b:s2+s18], $0x40, s18, s18, $0xb8;
	[tilespmem:$0xCB20] =	vst v63  }
0x171: {  	s0 =	rddreg [dreg:$0x5]  }
0x172: {  	[tilespmem:s20], [sflag:$0x3] =	stream.linear.gather [hbm4b:s0+s3], $0xC8, $0x38;
	[tilespmem:$0xCB20] =	vst v63  }
0x173: {  	_ =	swait.ge [sflag:s4], $0xC8  }
0x174: {  	[sflag:s4] =	ssyncset.done $0x0  }
0x175: {  	s0 =	rddreg [dreg:$0x6];
	[sflag:s4] =	ssyncadd.s32 $0xFFFFFF38  }
0x176: {  	[tilespmem:s21], [sflag:$0x3] =	stream.linear.gather [hbm4b:s0+s3], $0xC8, $0x38;
	[tilespmem:$0xCB20] =	vst v63  }
0x177: {  	_ =	swait.ge [sflag:s4], $0xC8  }
0x178: {  	[sflag:s4] =	ssyncset.done $0x0  }
0x179: {  	[sflag:s4] =	ssyncadd.s32 $0xFFFFFF38  }
0x17a: {  	[tilespmem:s11], [sflag:$0x2] =	stream.indirect.gather [hbm4b:s2+s18], $0x40, s20, s18, $0xb8;
	[tilespmem:$0xCB20] =	vst v63  }
0x17b: {  	_ = 	snop  }
0x17c: {  	[tilespmem:s8], [sflag:$0x2] =	stream.indirect.gather [hbm4b:s2+s18], $0x40, s21, s18, $0xb8;
	[tilespmem:$0xCB20] =	vst v63  }
0x17d: {  	_ =	swait.ge [sflag:s22], $0x3200  }
0x17e: {  	[sflag:s22] =	ssyncset.done $0x0  }
0x17f: {  	[sflag:s22] =	ssyncadd.s32 $0xFFFFCE00  }
0x180: {  	_ =	swait.ge [sflag:s22], $0x3200  }
0x181: {  	[sflag:s22] =	ssyncset.done $0x0  }
0x182: {  	s0 =	rddreg [dreg:$0x7];
	[sflag:s22] =	ssyncadd.s32 $0xFFFFCE00  }
0x183: {  	[hbm4b:s0+s9] =	stream.strided.scatter [tilespmem:s15], [sflag:$0x3], $0x3200, s12, s9, $0x38;
	[tilespmem:$0xCB20] =	vst v63  }
0x184: {  	_ =	swait.ge [sflag:s4], $0x3200  }
0x185: {  	[sflag:s4] =	ssyncset.done $0x0  }
0x186: {  	s0 =	rddreg [dreg:$0x8];
	[sflag:s4] =	ssyncadd.s32 $0xFFFFCE00  }
0x187: {  	[hbm4b:s0+s9] =	stream.strided.scatter [tilespmem:s13], [sflag:$0x3], $0x3200, s12, s9, $0x38;
	[tilespmem:$0xCB20] =	vst v63  }
0x188: {  	_ =	swait.ge [sflag:s4], $0x3200  }
0x189: {  	[sflag:s4] =	ssyncset.done $0x0  }
0x18a: {  	s0 =	rddreg [dreg:$0x9];
	[sflag:s4] =	ssyncadd.s32 $0xFFFFCE00  }
0x18b: {  	[tilespmem:s3], [sflag:$0x3] =	stream.linear.gather [hbm4b:s0+s3], $0xC8, $0x38;
	[tilespmem:$0xCB20] =	vst v63  }
0x18c: {  	_ =	swait.ge [sflag:s4], $0xC8  }
0x18d: {  	[sflag:s4] =	ssyncset.done $0x0  }
0x18e: {  	s0 =	rddreg [dreg:$0xa];
	[sflag:s4] =	ssyncadd.s32 $0xFFFFFF38  }
0x18f: {  	[tilespmem:s18], [sflag:$0x3] =	stream.linear.gather [hbm4b:s0+s3], $0xC8, $0x38;
	[tilespmem:$0xCB20] =	vst v63  }
0x190: {  	_ =	swait.ge [sflag:s4], $0xC8  }
0x191: {  	[sflag:s4] =	ssyncset.done $0x0  }
0x192: {  	[sflag:s4] =	ssyncadd.s32 $0xFFFFFF38  }
0x193: {  	[tilespmem:s15], [sflag:$0x1] =	stream.indirect.gather [hbm4b:s2+s18], $0x40, s3, s18, $0xb8;
	[tilespmem:$0xCB20] =	vst v63  }
0x194: {  	_ = 	snop  }
0x195: {  	[tilespmem:s13], [sflag:$0x1] =	stream.indirect.gather [hbm4b:s2+s18], $0x40, s18, s18, $0xb8;
	[tilespmem:$0xCB20] =	vst v63  }
0x196: {  	_ =	swait.ge [sflag:s14], $0x3200  }
0x197: {  	[sflag:s14] =	ssyncset.done $0x0  }
0x198: {  	[sflag:s14] =	ssyncadd.s32 $0xFFFFCE00  }
0x199: {  	_ =	swait.ge [sflag:s14], $0x3200  }
0x19a: {  	[sflag:s14] =	ssyncset.done $0x0  }
0x19b: {  	s0 =	rddreg [dreg:$0xb];
	[sflag:s14] =	ssyncadd.s32 $0xFFFFCE00  }
0x19c: {  	[hbm4b:s0+s9] =	stream.strided.scatter [tilespmem:s11], [sflag:$0x3], $0x3200, s12, s9, $0x38;
	[tilespmem:$0xCB20] =	vst v63  }
0x19d: {  	_ =	swait.ge [sflag:s4], $0x3200  }
0x19e: {  	[sflag:s4] =	ssyncset.done $0x0  }
0x19f: {  	s0 =	rddreg [dreg:$0xc];
	[sflag:s4] =	ssyncadd.s32 $0xFFFFCE00  }
0x1a0: {  	[hbm4b:s0+s9] =	stream.strided.scatter [tilespmem:s8], [sflag:$0x3], $0x3200, s12, s9, $0x38;
	[tilespmem:$0xCB20] =	vst v63  }
0x1a1: {  	_ =	swait.ge [sflag:s4], $0x3200  }
0x1a2: {  	[sflag:s4] =	ssyncset.done $0x0  }
0x1a3: {  	s0 =	rddreg [dreg:$0xd];
	[sflag:s4] =	ssyncadd.s32 $0xFFFFCE00  }
0x1a4: {  	[tilespmem:s20], [sflag:$0x3] =	stream.linear.gather [hbm4b:s0+s3], $0xC8, $0x38;
	[tilespmem:$0xCB20] =	vst v63  }
0x1a5: {  	_ =	swait.ge [sflag:s4], $0xC8  }
0x1a6: {  	[sflag:s4] =	ssyncset.done $0x0  }
0x1a7: {  	s0 =	rddreg [dreg:$0xe];
	[sflag:s4] =	ssyncadd.s32 $0xFFFFFF38  }
0x1a8: {  	[tilespmem:s21], [sflag:$0x3] =	stream.linear.gather [hbm4b:s0+s3], $0xC8, $0x38;
	[tilespmem:$0xCB20] =	vst v63  }
0x1a9: {  	_ =	swait.ge [sflag:s4], $0xC8  }
0x1aa: {  	[sflag:s4] =	ssyncset.done $0x0  }
0x1ab: {  	[sflag:s4] =	ssyncadd.s32 $0xFFFFFF38  }
0x1ac: {  	[tilespmem:s11], [sflag:$0x2] =	stream.indirect.gather [hbm4b:s2+s18], $0x40, s20, s18, $0xb8;
	[tilespmem:$0xCB20] =	vst v63  }
0x1ad: {  	_ = 	snop  }
0x1ae: {  	[tilespmem:s8], [sflag:$0x2] =	stream.indirect.gather [hbm4b:s2+s18], $0x40, s21, s18, $0xb8;
	[tilespmem:$0xCB20] =	vst v63  }
0x1af: {  	_ =	swait.ge [sflag:s22], $0x3200  }
0x1b0: {  	[sflag:s22] =	ssyncset.done $0x0  }
0x1b1: {  	[sflag:s22] =	ssyncadd.s32 $0xFFFFCE00  }
0x1b2: {  	_ =	swait.ge [sflag:s22], $0x3200  }
0x1b3: {  	[sflag:s22] =	ssyncset.done $0x0  }
0x1b4: {  	s0 =	rddreg [dreg:$0xf];
	[sflag:s22] =	ssyncadd.s32 $0xFFFFCE00  }
0x1b5: {  	[hbm4b:s0+s9] =	stream.strided.scatter [tilespmem:s15], [sflag:$0x3], $0x3200, s12, s9, $0x38;
	[tilespmem:$0xCB20] =	vst v63  }
0x1b6: {  	_ =	swait.ge [sflag:s4], $0x3200  }
0x1b7: {  	[sflag:s4] =	ssyncset.done $0x0  }
0x1b8: {  	s0 =	rddreg [dreg:$0x10];
	[sflag:s4] =	ssyncadd.s32 $0xFFFFCE00  }
0x1b9: {  	[hbm4b:s0+s9] =	stream.strided.scatter [tilespmem:s13], [sflag:$0x3], $0x3200, s12, s9, $0x38;
	[tilespmem:$0xCB20] =	vst v63  }
0x1ba: {  	_ =	swait.ge [sflag:s4], $0x3200  }
0x1bb: {  	[sflag:s4] =	ssyncset.done $0x0  }
0x1bc: {  	s0 =	rddreg [dreg:$0x11];
	[sflag:s4] =	ssyncadd.s32 $0xFFFFCE00  }
0x1bd: {  	[tilespmem:s3], [sflag:$0x3] =	stream.linear.gather [hbm4b:s0+s3], $0xC8, $0x38;
	[tilespmem:$0xCB20] =	vst v63  }
0x1be: {  	_ =	swait.ge [sflag:s4], $0xC8  }
0x1bf: {  	[sflag:s4] =	ssyncset.done $0x0  }
0x1c0: {  	s0 =	rddreg [dreg:$0x12];
	[sflag:s4] =	ssyncadd.s32 $0xFFFFFF38  }
0x1c1: {  	[tilespmem:s18], [sflag:$0x3] =	stream.linear.gather [hbm4b:s0+s3], $0xC8, $0x38;
	[tilespmem:$0xCB20] =	vst v63  }
0x1c2: {  	_ =	swait.ge [sflag:s4], $0xC8  }
0x1c3: {  	[sflag:s4] =	ssyncset.done $0x0  }
0x1c4: {  	[sflag:s4] =	ssyncadd.s32 $0xFFFFFF38  }
0x1c5: {  	[tilespmem:s15], [sflag:$0x1] =	stream.indirect.gather [hbm4b:s2+s18], $0x40, s3, s18, $0xb8;
	[tilespmem:$0xCB20] =	vst v63  }
0x1c6: {  	_ = 	snop  }
0x1c7: {  	[tilespmem:s13], [sflag:$0x1] =	stream.indirect.gather [hbm4b:s2+s18], $0x40, s18, s18, $0xb8;
	[tilespmem:$0xCB20] =	vst v63  }
0x1c8: {  	_ =	swait.ge [sflag:s14], $0x3200  }
0x1c9: {  	[sflag:s14] =	ssyncset.done $0x0  }
0x1ca: {  	[sflag:s14] =	ssyncadd.s32 $0xFFFFCE00  }
0x1cb: {  	_ =	swait.ge [sflag:s14], $0x3200  }
0x1cc: {  	[sflag:s14] =	ssyncset.done $0x0  }
0x1cd: {  	s0 =	rddreg [dreg:$0x13];
	[sflag:s14] =	ssyncadd.s32 $0xFFFFCE00  }
0x1ce: {  	[hbm4b:s0+s9] =	stream.strided.scatter [tilespmem:s11], [sflag:$0x3], $0x3200, s12, s9, $0x38;
	[tilespmem:$0xCB20] =	vst v63  }
0x1cf: {  	_ =	swait.ge [sflag:s4], $0x3200  }
0x1d0: {  	[sflag:s4] =	ssyncset.done $0x0  }
0x1d1: {  	s0 =	rddreg [dreg:$0x14];
	[sflag:s4] =	ssyncadd.s32 $0xFFFFCE00  }
0x1d2: {  	[hbm4b:s0+s9] =	stream.strided.scatter [tilespmem:s8], [sflag:$0x3], $0x3200, s12, s9, $0x38;
	[tilespmem:$0xCB20] =	vst v63  }
0x1d3: {  	_ =	swait.ge [sflag:s4], $0x3200  }
0x1d4: {  	[sflag:s4] =	ssyncset.done $0x0  }
0x1d5: {  	s0 =	rddreg [dreg:$0x15];
	[sflag:s4] =	ssyncadd.s32 $0xFFFFCE00  }
0x1d6: {  	[tilespmem:s20], [sflag:$0x3] =	stream.linear.gather [hbm4b:s0+s3], $0xC8, $0x38;
	[tilespmem:$0xCB20] =	vst v63  }
0x1d7: {  	_ =	swait.ge [sflag:s4], $0xC8  }
0x1d8: {  	[sflag:s4] =	ssyncset.done $0x0  }
0x1d9: {  	s0 =	rddreg [dreg:$0x16];
	[sflag:s4] =	ssyncadd.s32 $0xFFFFFF38  }
0x1da: {  	[tilespmem:s21], [sflag:$0x3] =	stream.linear.gather [hbm4b:s0+s3], $0xC8, $0x38;
	[tilespmem:$0xCB20] =	vst v63  }
0x1db: {  	_ =	swait.ge [sflag:s4], $0xC8  }
0x1dc: {  	[sflag:s4] =	ssyncset.done $0x0  }
0x1dd: {  	[sflag:s4] =	ssyncadd.s32 $0xFFFFFF38  }
0x1de: {  	[tilespmem:s11], [sflag:$0x2] =	stream.indirect.gather [hbm4b:s2+s18], $0x40, s20, s18, $0xb8;
	[tilespmem:$0xCB20] =	vst v63  }
0x1df: {  	_ = 	snop  }
0x1e0: {  	[tilespmem:s8], [sflag:$0x2] =	stream.indirect.gather [hbm4b:s2+s18], $0x40, s21, s18, $0xb8;
	[tilespmem:$0xCB20] =	vst v63  }
0x1e1: {  	_ =	swait.ge [sflag:s22], $0x3200  }
0x1e2: {  	[sflag:s22] =	ssyncset.done $0x0  }
0x1e3: {  	[sflag:s22] =	ssyncadd.s32 $0xFFFFCE00  }
0x1e4: {  	_ =	swait.ge [sflag:s22], $0x3200  }
0x1e5: {  	[sflag:s22] =	ssyncset.done $0x0  }
0x1e6: {  	s0 =	rddreg [dreg:$0x17];
	[sflag:s22] =	ssyncadd.s32 $0xFFFFCE00  }
0x1e7: {  	[hbm4b:s0+s9] =	stream.strided.scatter [tilespmem:s15], [sflag:$0x3], $0x3200, s12, s9, $0x38;
	[tilespmem:$0xCB20] =	vst v63  }
0x1e8: {  	_ =	swait.ge [sflag:s4], $0x3200  }
0x1e9: {  	[sflag:s4] =	ssyncset.done $0x0  }
0x1ea: {  	s0 =	rddreg [dreg:$0x18];
	[sflag:s4] =	ssyncadd.s32 $0xFFFFCE00  }
0x1eb: {  	[hbm4b:s0+s9] =	stream.strided.scatter [tilespmem:s13], [sflag:$0x3], $0x3200, s12, s9, $0x38;
	[tilespmem:$0xCB20] =	vst v63  }
0x1ec: {  	_ =	swait.ge [sflag:s4], $0x3200  }
0x1ed: {  	[sflag:s4] =	ssyncset.done $0x0  }
0x1ee: {  	s0 =	rddreg [dreg:$0x19];
	[sflag:s4] =	ssyncadd.s32 $0xFFFFCE00  }
0x1ef: {  	[tilespmem:s3], [sflag:$0x3] =	stream.linear.gather [hbm4b:s0+s3], $0xC8, $0x38;
	[tilespmem:$0xCB20] =	vst v63  }
0x1f0: {  	_ =	swait.ge [sflag:s4], $0xC8  }
0x1f1: {  	[sflag:s4] =	ssyncset.done $0x0  }
0x1f2: {  	s0 =	rddreg [dreg:$0x1a];
	[sflag:s4] =	ssyncadd.s32 $0xFFFFFF38  }
0x1f3: {  	[tilespmem:s18], [sflag:$0x3] =	stream.linear.gather [hbm4b:s0+s3], $0xC8, $0x38;
	[tilespmem:$0xCB20] =	vst v63  }
0x1f4: {  	_ =	swait.ge [sflag:s4], $0xC8  }
0x1f5: {  	[sflag:s4] =	ssyncset.done $0x0  }
0x1f6: {  	[sflag:s4] =	ssyncadd.s32 $0xFFFFFF38  }
0x1f7: {  	[tilespmem:s15], [sflag:$0x1] =	stream.indirect.gather [hbm4b:s2+s18], $0x40, s3, s18, $0xb8;
	[tilespmem:$0xCB20] =	vst v63  }
0x1f8: {  	_ = 	snop  }
0x1f9: {  	[tilespmem:s13], [sflag:$0x1] =	stream.indirect.gather [hbm4b:s2+s18], $0x40, s18, s18, $0xb8;
	[tilespmem:$0xCB20] =	vst v63  }
0x1fa: {  	_ =	swait.ge [sflag:s14], $0x3200  }
0x1fb: {  	[sflag:s14] =	ssyncset.done $0x0  }
0x1fc: {  	[sflag:s14] =	ssyncadd.s32 $0xFFFFCE00  }
0x1fd: {  	_ =	swait.ge [sflag:s14], $0x3200  }
0x1fe: {  	[sflag:s14] =	ssyncset.done $0x0  }
0x1ff: {  	s0 =	rddreg [dreg:$0x1b];
	[sflag:s14] =	ssyncadd.s32 $0xFFFFCE00  }
0x200: {  	[hbm4b:s0+s9] =	stream.strided.scatter [tilespmem:s11], [sflag:$0x3], $0x3200, s12, s9, $0x38;
	[tilespmem:$0xCB20] =	vst v63  }
0x201: {  	_ =	swait.ge [sflag:s4], $0x3200  }
0x202: {  	[sflag:s4] =	ssyncset.done $0x0  }
0x203: {  	s0 =	rddreg [dreg:$0x1c];
	[sflag:s4] =	ssyncadd.s32 $0xFFFFCE00  }
0x204: {  	[hbm4b:s0+s9] =	stream.strided.scatter [tilespmem:s8], [sflag:$0x3], $0x3200, s12, s9, $0x38;
	[tilespmem:$0xCB20] =	vst v63  }
0x205: {  	_ =	swait.ge [sflag:s4], $0x3200  }
0x206: {  	[sflag:s4] =	ssyncset.done $0x0  }
0x207: {  	s0 =	rddreg [dreg:$0x1d];
	[sflag:s4] =	ssyncadd.s32 $0xFFFFCE00  }
0x208: {  	[tilespmem:s20], [sflag:$0x3] =	stream.linear.gather [hbm4b:s0+s3], $0xC8, $0x38;
	[tilespmem:$0xCB20] =	vst v63  }
0x209: {  	_ =	swait.ge [sflag:s4], $0xC8  }
0x20a: {  	[sflag:s4] =	ssyncset.done $0x0  }
0x20b: {  	s0 =	rddreg [dreg:$0x1e];
	[sflag:s4] =	ssyncadd.s32 $0xFFFFFF38  }
0x20c: {  	[tilespmem:s21], [sflag:$0x3] =	stream.linear.gather [hbm4b:s0+s3], $0xC8, $0x38;
	[tilespmem:$0xCB20] =	vst v63  }
0x20d: {  	_ =	swait.ge [sflag:s4], $0xC8  }
0x20e: {  	[sflag:s4] =	ssyncset.done $0x0  }
0x20f: {  	[sflag:s4] =	ssyncadd.s32 $0xFFFFFF38  }
0x210: {  	[tilespmem:s11], [sflag:$0x2] =	stream.indirect.gather [hbm4b:s2+s18], $0x40, s20, s18, $0xb8;
	[tilespmem:$0xCB20] =	vst v63  }
0x211: {  	_ = 	snop  }
0x212: {  	[tilespmem:s8], [sflag:$0x2] =	stream.indirect.gather [hbm4b:s2+s18], $0x40, s21, s18, $0xb8;
	[tilespmem:$0xCB20] =	vst v63  }
0x213: {  	_ =	swait.ge [sflag:s22], $0x3200  }
0x214: {  	[sflag:s22] =	ssyncset.done $0x0  }
0x215: {  	[sflag:s22] =	ssyncadd.s32 $0xFFFFCE00  }
0x216: {  	_ =	swait.ge [sflag:s22], $0x3200  }
0x217: {  	[sflag:s22] =	ssyncset.done $0x0  }
0x218: {  	s0 =	rddreg [dreg:$0x1f];
	[sflag:s22] =	ssyncadd.s32 $0xFFFFCE00  }
0x219: {  	[hbm4b:s0+s9] =	stream.strided.scatter [tilespmem:s15], [sflag:$0x3], $0x3200, s12, s9, $0x38;
	[tilespmem:$0xCB20] =	vst v63  }
0x21a: {  	_ =	swait.ge [sflag:s4], $0x3200  }
0x21b: {  	s0 =	sld [smem:$0x7FA]  }
0x21c: {  	[sflag:s4] =	ssyncset.done $0x0  }
0x21d: {  	[sflag:s4] =	ssyncadd.s32 $0xFFFFCE00  }
0x21e: {  	[hbm4b:s0+s9] =	stream.strided.scatter [tilespmem:s13], [sflag:$0x3], $0x3200, s12, s9, $0x38;
	[tilespmem:$0xCB20] =	vst v63  }
0x21f: {  	_ =	swait.ge [sflag:s4], $0x3200  }
0x220: {  	s0 =	sld [smem:$0x7FB]  }
0x221: {  	[sflag:s4] =	ssyncset.done $0x0  }
0x222: {  	[sflag:s4] =	ssyncadd.s32 $0xFFFFCE00  }
0x223: {  	[tilespmem:s3], [sflag:$0x3] =	stream.linear.gather [hbm4b:s0+s3], $0xC8, $0x38;
	[tilespmem:$0xCB20] =	vst v63  }
0x224: {  	_ =	swait.ge [sflag:s4], $0xC8  }
0x225: {  	s0 =	sld [smem:$0x7FC]  }
0x226: {  	[sflag:s4] =	ssyncset.done $0x0  }
0x227: {  	[sflag:s4] =	ssyncadd.s32 $0xFFFFFF38  }
0x228: {  	[tilespmem:s18], [sflag:$0x3] =	stream.linear.gather [hbm4b:s0+s3], $0xC8, $0x38;
	[tilespmem:$0xCB20] =	vst v63  }
0x229: {  	_ =	swait.ge [sflag:s4], $0xC8  }
0x22a: {  	[sflag:s4] =	ssyncset.done $0x0  }
0x22b: {  	[sflag:s4] =	ssyncadd.s32 $0xFFFFFF38  }
0x22c: {  	[tilespmem:s15], [sflag:$0x1] =	stream.indirect.gather [hbm4b:s2+s18], $0x40, s3, s18, $0xb8;
	[tilespmem:$0xCB20] =	vst v63  }
0x22d: {  	_ = 	snop  }
0x22e: {  	[tilespmem:s13], [sflag:$0x1] =	stream.indirect.gather [hbm4b:s2+s18], $0x40, s18, s18, $0xb8;
	[tilespmem:$0xCB20] =	vst v63  }
0x22f: {  	_ =	swait.ge [sflag:s14], $0x3200  }
0x230: {  	[sflag:s14] =	ssyncset.done $0x0  }
0x231: {  	[sflag:s14] =	ssyncadd.s32 $0xFFFFCE00  }
0x232: {  	_ =	swait.ge [sflag:s14], $0x3200  }
0x233: {  	s0 =	sld [smem:$0x7FD]  }
0x234: {  	[sflag:s14] =	ssyncset.done $0x0  }
0x235: {  	[sflag:s14] =	ssyncadd.s32 $0xFFFFCE00  }
0x236: {  	[hbm4b:s0+s9] =	stream.strided.scatter [tilespmem:s11], [sflag:$0x3], $0x3200, s12, s9, $0x38;
	[tilespmem:$0xCB20] =	vst v63  }
0x237: {  	_ =	swait.ge [sflag:s4], $0x3200  }
0x238: {  	[sflag:s4] =	ssyncset.done $0x0  }
0x239: {  	[sflag:s4] =	ssyncadd.s32 $0xFFFFCE00  }
0x23a: {  	[hbm4b:s31+s9] =	stream.strided.scatter [tilespmem:s8], [sflag:$0x3], $0x3200, s12, s9, $0x38;
	[tilespmem:$0xCB20] =	vst v63  }
0x23b: {  	_ =	swait.ge [sflag:s4], $0x3200  }
0x23c: {  	[sflag:s4] =	ssyncset.done $0x0  }
0x23d: {  	[sflag:s4] =	ssyncadd.s32 $0xFFFFCE00  }
0x23e: {  	[tilespmem:s20], [sflag:$0x3] =	stream.linear.gather [hbm4b:s30+s3], $0xC8, $0x38;
	[tilespmem:$0xCB20] =	vst v63  }
0x23f: {  	_ =	swait.ge [sflag:s4], $0xC8  }
0x240: {  	[sflag:s4] =	ssyncset.done $0x0  }
0x241: {  	[sflag:s4] =	ssyncadd.s32 $0xFFFFFF38  }
0x242: {  	[tilespmem:s21], [sflag:$0x3] =	stream.linear.gather [hbm4b:s29+s3], $0xC8, $0x38;
	[tilespmem:$0xCB20] =	vst v63  }
0x243: {  	_ =	swait.ge [sflag:s4], $0xC8  }
0x244: {  	[sflag:s4] =	ssyncset.done $0x0  }
0x245: {  	[sflag:s4] =	ssyncadd.s32 $0xFFFFFF38  }
0x246: {  	[tilespmem:s11], [sflag:$0x2] =	stream.indirect.gather [hbm4b:s2+s18], $0x40, s20, s18, $0xb8;
	[tilespmem:$0xCB20] =	vst v63  }
0x247: {  	_ = 	snop  }
0x248: {  	[tilespmem:s8], [sflag:$0x2] =	stream.indirect.gather [hbm4b:s2+s18], $0x40, s21, s18, $0xb8;
	[tilespmem:$0xCB20] =	vst v63  }
0x249: {  	_ =	swait.ge [sflag:s22], $0x3200  }
0x24a: {  	[sflag:s22] =	ssyncset.done $0x0  }
0x24b: {  	[sflag:s22] =	ssyncadd.s32 $0xFFFFCE00  }
0x24c: {  	_ =	swait.ge [sflag:s22], $0x3200  }
0x24d: {  	[sflag:s22] =	ssyncset.done $0x0  }
0x24e: {  	[sflag:s22] =	ssyncadd.s32 $0xFFFFCE00  }
0x24f: {  	[hbm4b:s28+s9] =	stream.strided.scatter [tilespmem:s15], [sflag:$0x3], $0x3200, s12, s9, $0x38;
	[tilespmem:$0xCB20] =	vst v63  }
0x250: {  	_ =	swait.ge [sflag:s4], $0x3200  }
0x251: {  	[sflag:s4] =	ssyncset.done $0x0  }
0x252: {  	[sflag:s4] =	ssyncadd.s32 $0xFFFFCE00  }
0x253: {  	[hbm4b:s26+s9] =	stream.strided.scatter [tilespmem:s13], [sflag:$0x3], $0x3200, s12, s9, $0x38;
	[tilespmem:$0xCB20] =	vst v63  }
0x254: {  	_ =	swait.ge [sflag:s4], $0x3200  }
0x255: {  	[sflag:s4] =	ssyncset.done $0x0  }
0x256: {  	[sflag:s4] =	ssyncadd.s32 $0xFFFFCE00  }
0x257: {  	[tilespmem:s3], [sflag:$0x3] =	stream.linear.gather [hbm4b:s25+s3], $0xC8, $0x38;
	[tilespmem:$0xCB20] =	vst v63  }
0x258: {  	_ =	swait.ge [sflag:s4], $0xC8  }
0x259: {  	[sflag:s4] =	ssyncset.done $0x0  }
0x25a: {  	[sflag:s4] =	ssyncadd.s32 $0xFFFFFF38  }
0x25b: {  	[tilespmem:s18], [sflag:$0x3] =	stream.linear.gather [hbm4b:s24+s3], $0xC8, $0x38;
	[tilespmem:$0xCB20] =	vst v63  }
0x25c: {  	_ =	swait.ge [sflag:s4], $0xC8  }
0x25d: {  	[sflag:s4] =	ssyncset.done $0x0  }
0x25e: {  	[sflag:s4] =	ssyncadd.s32 $0xFFFFFF38  }
0x25f: {  	[tilespmem:s15], [sflag:$0x1] =	stream.indirect.gather [hbm4b:s2+s18], $0x40, s3, s18, $0xb8;
	[tilespmem:$0xCB20] =	vst v63  }
0x260: {  	_ = 	snop  }
0x261: {  	[tilespmem:s13], [sflag:$0x1] =	stream.indirect.gather [hbm4b:s2+s18], $0x40, s18, s18, $0xb8;
	[tilespmem:$0xCB20] =	vst v63  }
0x262: {  	_ =	swait.ge [sflag:s14], $0x3200  }
0x263: {  	[sflag:s14] =	ssyncset.done $0x0  }
0x264: {  	[sflag:s14] =	ssyncadd.s32 $0xFFFFCE00  }
0x265: {  	_ =	swait.ge [sflag:s14], $0x3200  }
0x266: {  	[sflag:s14] =	ssyncset.done $0x0  }
0x267: {  	[sflag:s14] =	ssyncadd.s32 $0xFFFFCE00  }
0x268: {  	[hbm4b:s23+s9] =	stream.strided.scatter [tilespmem:s11], [sflag:$0x3], $0x3200, s12, s9, $0x38;
	[tilespmem:$0xCB20] =	vst v63  }
0x269: {  	_ =	swait.ge [sflag:s4], $0x3200  }
0x26a: {  	[sflag:s4] =	ssyncset.done $0x0  }
0x26b: {  	[sflag:s4] =	ssyncadd.s32 $0xFFFFCE00  }
0x26c: {  	[hbm4b:s19+s9] =	stream.strided.scatter [tilespmem:s8], [sflag:$0x3], $0x3200, s12, s9, $0x38;
	[tilespmem:$0xCB20] =	vst v63  }
0x26d: {  	_ =	swait.ge [sflag:s4], $0x3200  }
0x26e: {  	[sflag:s4] =	ssyncset.done $0x0  }
0x26f: {  	[sflag:s4] =	ssyncadd.s32 $0xFFFFCE00  }
0x270: {  	[tilespmem:s20], [sflag:$0x3] =	stream.linear.gather [hbm4b:s17+s3], $0xC8, $0x38;
	[tilespmem:$0xCB20] =	vst v63  }
0x271: {  	_ =	swait.ge [sflag:s4], $0xC8  }
0x272: {  	[sflag:s4] =	ssyncset.done $0x0  }
0x273: {  	[sflag:s4] =	ssyncadd.s32 $0xFFFFFF38  }
0x274: {  	[tilespmem:s21], [sflag:$0x3] =	stream.linear.gather [hbm4b:s16+s3], $0xC8, $0x38;
	[tilespmem:$0xCB20] =	vst v63  }
0x275: {  	_ =	swait.ge [sflag:s4], $0xC8  }
0x276: {  	[sflag:s4] =	ssyncset.done $0x0  }
0x277: {  	[sflag:s4] =	ssyncadd.s32 $0xFFFFFF38  }
0x278: {  	[tilespmem:s11], [sflag:$0x2] =	stream.indirect.gather [hbm4b:s2+s18], $0x40, s20, s18, $0xb8;
	[tilespmem:$0xCB20] =	vst v63  }
0x279: {  	_ = 	snop  }
0x27a: {  	[tilespmem:s8], [sflag:$0x2] =	stream.indirect.gather [hbm4b:s2+s18], $0x40, s21, s18, $0xb8;
	[tilespmem:$0xCB20] =	vst v63  }
0x27b: {  	_ =	swait.ge [sflag:s22], $0x3200  }
0x27c: {  	[sflag:s22] =	ssyncset.done $0x0  }
0x27d: {  	[sflag:s22] =	ssyncadd.s32 $0xFFFFCE00  }
0x27e: {  	_ =	swait.ge [sflag:s22], $0x3200  }
0x27f: {  	[sflag:s22] =	ssyncset.done $0x0  }
0x280: {  	[sflag:s22] =	ssyncadd.s32 $0xFFFFCE00  }
0x281: {  	[hbm4b:s10+s9] =	stream.strided.scatter [tilespmem:s15], [sflag:$0x3], $0x3200, s12, s9, $0x38;
	[tilespmem:$0xCB20] =	vst v63  }
0x282: {  	_ =	swait.ge [sflag:s4], $0x3200  }
0x283: {  	[sflag:s4] =	ssyncset.done $0x0  }
0x284: {  	[sflag:s4] =	ssyncadd.s32 $0xFFFFCE00  }
0x285: {  	[hbm4b:s7+s9] =	stream.strided.scatter [tilespmem:s13], [sflag:$0x3], $0x3200, s12, s9, $0x38;
	[tilespmem:$0xCB20] =	vst v63  }
0x286: {  	_ =	swait.ge [sflag:s4], $0x3200  }
0x287: {  	[sflag:s4] =	ssyncset.done $0x0  }
0x288: {  	[sflag:s4] =	ssyncadd.s32 $0xFFFFCE00  }
0x289: {  	_ =	swait.ge [sflag:s14], $0x3200  }
0x28a: {  	[sflag:s14] =	ssyncset.done $0x0  }
0x28b: {  	[sflag:s14] =	ssyncadd.s32 $0xFFFFCE00  }
0x28c: {  	_ =	swait.ge [sflag:s14], $0x3200  }
0x28d: {  	[sflag:s14] =	ssyncset.done $0x0  }
0x28e: {  	[sflag:s14] =	ssyncadd.s32 $0xFFFFCE00  }
0x28f: {  	[hbm4b:s6+s9] =	stream.strided.scatter [tilespmem:s11], [sflag:$0x3], $0x3200, s12, s9, $0x38;
	[tilespmem:$0xCB20] =	vst v63  }
0x290: {  	p1 =	sne.s32 s1, $0x1;
	_ =	swait.ge [sflag:s4], $0x3200  }
.Ltmp2:
0x291: {  	[sflag:s4] =	ssyncset.done $0x0;
	(pc) =	sbr.rel @p1 .LBB2_2-.Ltmp2, $4  }
0x292: {  	[sflag:s4] =	ssyncadd.s32 $0xFFFFCE00  }
0x293: {  	[hbm4b:s5+s9] =	stream.strided.scatter [tilespmem:s8], [sflag:$0x3], $0x3200, s12, s9, $0x38;
	[tilespmem:$0xCB20] =	vst v63  }
0x294: {  	_ =	swait.ge [sflag:s4], $0x3200  }
0x295: {  	s1 =	sadd.s32 $0xFFFFFFFF, s1;
	s0 =	rddreg [dreg:$0x3];
	[sflag:s4] =	ssyncset.done $0x0  }
.LBB2_3:
0x296: {  	[sflag:s4] =	ssyncadd.s32 @p0 $0xFFFFCE00  }
0x297: {  	[tilespmem:s3], [sflag:$0x3] =	stream.linear.gather [hbm4b:s0+s3], $0xC8, $0x38;
	[tilespmem:$0xCB20] =	vst v63  }
0x298: {  	_ =	swait.ge [sflag:s4], $0xC8  }
0x299: {  	[sflag:s4] =	ssyncset.done $0x0  }
0x29a: {  	s1 =	rddreg [dreg:$0x4];
	[sflag:s4] =	ssyncadd.s32 $0xFFFFFF38  }
0x29b: {  	[tilespmem:s18], [sflag:$0x3] =	stream.linear.gather [hbm4b:s1+s3], $0xC8, $0x38;
	[tilespmem:$0xCB20] =	vst v63  }
0x29c: {  	_ =	swait.ge [sflag:s4], $0xC8  }
0x29d: {  	[sflag:s4] =	ssyncset.done $0x0  }
0x29e: {  	[sflag:s4] =	ssyncadd.s32 $0xFFFFFF38  }
0x29f: {  	[tilespmem:s15], [sflag:$0x1] =	stream.indirect.gather [hbm4b:s2+s18], $0x40, s3, s18, $0xb8;
	[tilespmem:$0xCB20] =	vst v63  }
0x2a0: {  	_ = 	snop  }
0x2a1: {  	[tilespmem:s13], [sflag:$0x1] =	stream.indirect.gather [hbm4b:s2+s18], $0x40, s18, s18, $0xb8;
	[tilespmem:$0xCB20] =	vst v63  }
0x2a2: {  	s1 =	rddreg [dreg:$0x5]  }
0x2a3: {  	[tilespmem:s20], [sflag:$0x3] =	stream.linear.gather [hbm4b:s1+s3], $0xC8, $0x38;
	[tilespmem:$0xCB20] =	vst v63  }
0x2a4: {  	_ =	swait.ge [sflag:s4], $0xC8  }
0x2a5: {  	[sflag:s4] =	ssyncset.done $0x0  }
0x2a6: {  	s1 =	rddreg [dreg:$0x6];
	[sflag:s4] =	ssyncadd.s32 $0xFFFFFF38  }
0x2a7: {  	[tilespmem:s21], [sflag:$0x3] =	stream.linear.gather [hbm4b:s1+s3], $0xC8, $0x38;
	[tilespmem:$0xCB20] =	vst v63  }
0x2a8: {  	_ =	swait.ge [sflag:s4], $0xC8  }
0x2a9: {  	[sflag:s4] =	ssyncset.done $0x0  }
0x2aa: {  	[sflag:s4] =	ssyncadd.s32 $0xFFFFFF38  }
0x2ab: {  	[tilespmem:s11], [sflag:$0x2] =	stream.indirect.gather [hbm4b:s2+s18], $0x40, s20, s18, $0xb8;
	[tilespmem:$0xCB20] =	vst v63  }
0x2ac: {  	_ = 	snop  }
0x2ad: {  	[tilespmem:s8], [sflag:$0x2] =	stream.indirect.gather [hbm4b:s2+s18], $0x40, s21, s18, $0xb8;
	[tilespmem:$0xCB20] =	vst v63  }
0x2ae: {  	_ =	swait.ge [sflag:s22], $0x3200  }
0x2af: {  	[sflag:s22] =	ssyncset.done $0x0  }
0x2b0: {  	[sflag:s22] =	ssyncadd.s32 $0xFFFFCE00  }
0x2b1: {  	_ =	swait.ge [sflag:s22], $0x3200  }
0x2b2: {  	[sflag:s22] =	ssyncset.done $0x0  }
0x2b3: {  	s1 =	rddreg [dreg:$0x7];
	[sflag:s22] =	ssyncadd.s32 $0xFFFFCE00  }
0x2b4: {  	[hbm4b:s1+s9] =	stream.strided.scatter [tilespmem:s15], [sflag:$0x3], $0x3200, s12, s9, $0x38;
	[tilespmem:$0xCB20] =	vst v63  }
0x2b5: {  	_ =	swait.ge [sflag:s4], $0x3200  }
0x2b6: {  	[sflag:s4] =	ssyncset.done $0x0  }
0x2b7: {  	s1 =	rddreg [dreg:$0x8];
	[sflag:s4] =	ssyncadd.s32 $0xFFFFCE00  }
0x2b8: {  	[hbm4b:s1+s9] =	stream.strided.scatter [tilespmem:s13], [sflag:$0x3], $0x3200, s12, s9, $0x38;
	[tilespmem:$0xCB20] =	vst v63  }
0x2b9: {  	_ =	swait.ge [sflag:s4], $0x3200  }
0x2ba: {  	[sflag:s4] =	ssyncset.done $0x0  }
0x2bb: {  	s1 =	rddreg [dreg:$0x9];
	[sflag:s4] =	ssyncadd.s32 $0xFFFFCE00  }
0x2bc: {  	[tilespmem:s3], [sflag:$0x3] =	stream.linear.gather [hbm4b:s1+s3], $0xC8, $0x38;
	[tilespmem:$0xCB20] =	vst v63  }
0x2bd: {  	_ =	swait.ge [sflag:s4], $0xC8  }
0x2be: {  	[sflag:s4] =	ssyncset.done $0x0  }
0x2bf: {  	s1 =	rddreg [dreg:$0xa];
	[sflag:s4] =	ssyncadd.s32 $0xFFFFFF38  }
0x2c0: {  	[tilespmem:s18], [sflag:$0x3] =	stream.linear.gather [hbm4b:s1+s3], $0xC8, $0x38;
	[tilespmem:$0xCB20] =	vst v63  }
0x2c1: {  	_ =	swait.ge [sflag:s4], $0xC8  }
0x2c2: {  	[sflag:s4] =	ssyncset.done $0x0  }
0x2c3: {  	[sflag:s4] =	ssyncadd.s32 $0xFFFFFF38  }
0x2c4: {  	[tilespmem:s15], [sflag:$0x1] =	stream.indirect.gather [hbm4b:s2+s18], $0x40, s3, s18, $0xb8;
	[tilespmem:$0xCB20] =	vst v63  }
0x2c5: {  	_ = 	snop  }
0x2c6: {  	[tilespmem:s13], [sflag:$0x1] =	stream.indirect.gather [hbm4b:s2+s18], $0x40, s18, s18, $0xb8;
	[tilespmem:$0xCB20] =	vst v63  }
0x2c7: {  	_ =	swait.ge [sflag:s14], $0x3200  }
0x2c8: {  	[sflag:s14] =	ssyncset.done $0x0  }
0x2c9: {  	[sflag:s14] =	ssyncadd.s32 $0xFFFFCE00  }
0x2ca: {  	_ =	swait.ge [sflag:s14], $0x3200  }
0x2cb: {  	[sflag:s14] =	ssyncset.done $0x0  }
0x2cc: {  	s1 =	rddreg [dreg:$0xb];
	[sflag:s14] =	ssyncadd.s32 $0xFFFFCE00  }
0x2cd: {  	[hbm4b:s1+s9] =	stream.strided.scatter [tilespmem:s11], [sflag:$0x3], $0x3200, s12, s9, $0x38;
	[tilespmem:$0xCB20] =	vst v63  }
0x2ce: {  	_ =	swait.ge [sflag:s4], $0x3200  }
0x2cf: {  	[sflag:s4] =	ssyncset.done $0x0  }
0x2d0: {  	s1 =	rddreg [dreg:$0xc];
	[sflag:s4] =	ssyncadd.s32 $0xFFFFCE00  }
0x2d1: {  	[hbm4b:s1+s9] =	stream.strided.scatter [tilespmem:s8], [sflag:$0x3], $0x3200, s12, s9, $0x38;
	[tilespmem:$0xCB20] =	vst v63  }
0x2d2: {  	_ =	swait.ge [sflag:s4], $0x3200  }
0x2d3: {  	[sflag:s4] =	ssyncset.done $0x0  }
0x2d4: {  	s1 =	rddreg [dreg:$0xd];
	[sflag:s4] =	ssyncadd.s32 $0xFFFFCE00  }
0x2d5: {  	[tilespmem:s20], [sflag:$0x3] =	stream.linear.gather [hbm4b:s1+s3], $0xC8, $0x38;
	[tilespmem:$0xCB20] =	vst v63  }
0x2d6: {  	_ =	swait.ge [sflag:s4], $0xC8  }
0x2d7: {  	[sflag:s4] =	ssyncset.done $0x0  }
0x2d8: {  	s1 =	rddreg [dreg:$0xe];
	[sflag:s4] =	ssyncadd.s32 $0xFFFFFF38  }
0x2d9: {  	[tilespmem:s21], [sflag:$0x3] =	stream.linear.gather [hbm4b:s1+s3], $0xC8, $0x38;
	[tilespmem:$0xCB20] =	vst v63  }
0x2da: {  	_ =	swait.ge [sflag:s4], $0xC8  }
0x2db: {  	[sflag:s4] =	ssyncset.done $0x0  }
0x2dc: {  	[sflag:s4] =	ssyncadd.s32 $0xFFFFFF38  }
0x2dd: {  	[tilespmem:s11], [sflag:$0x2] =	stream.indirect.gather [hbm4b:s2+s18], $0x40, s20, s18, $0xb8;
	[tilespmem:$0xCB20] =	vst v63  }
0x2de: {  	_ = 	snop  }
0x2df: {  	[tilespmem:s8], [sflag:$0x2] =	stream.indirect.gather [hbm4b:s2+s18], $0x40, s21, s18, $0xb8;
	[tilespmem:$0xCB20] =	vst v63  }
0x2e0: {  	_ =	swait.ge [sflag:s22], $0x3200  }
0x2e1: {  	[sflag:s22] =	ssyncset.done $0x0  }
0x2e2: {  	[sflag:s22] =	ssyncadd.s32 $0xFFFFCE00  }
0x2e3: {  	_ =	swait.ge [sflag:s22], $0x3200  }
0x2e4: {  	[sflag:s22] =	ssyncset.done $0x0  }
0x2e5: {  	s1 =	rddreg [dreg:$0xf];
	[sflag:s22] =	ssyncadd.s32 $0xFFFFCE00  }
0x2e6: {  	[hbm4b:s1+s9] =	stream.strided.scatter [tilespmem:s15], [sflag:$0x3], $0x3200, s12, s9, $0x38;
	[tilespmem:$0xCB20] =	vst v63  }
0x2e7: {  	_ =	swait.ge [sflag:s4], $0x3200  }
0x2e8: {  	[sflag:s4] =	ssyncset.done $0x0  }
0x2e9: {  	s1 =	rddreg [dreg:$0x10];
	[sflag:s4] =	ssyncadd.s32 $0xFFFFCE00  }
0x2ea: {  	[hbm4b:s1+s9] =	stream.strided.scatter [tilespmem:s13], [sflag:$0x3], $0x3200, s12, s9, $0x38;
	[tilespmem:$0xCB20] =	vst v63  }
0x2eb: {  	_ =	swait.ge [sflag:s4], $0x3200  }
0x2ec: {  	[sflag:s4] =	ssyncset.done $0x0  }
0x2ed: {  	s1 =	rddreg [dreg:$0x11];
	[sflag:s4] =	ssyncadd.s32 $0xFFFFCE00  }
0x2ee: {  	[tilespmem:s3], [sflag:$0x3] =	stream.linear.gather [hbm4b:s1+s3], $0xC8, $0x38;
	[tilespmem:$0xCB20] =	vst v63  }
0x2ef: {  	_ =	swait.ge [sflag:s4], $0xC8  }
0x2f0: {  	[sflag:s4] =	ssyncset.done $0x0  }
0x2f1: {  	s1 =	rddreg [dreg:$0x12];
	[sflag:s4] =	ssyncadd.s32 $0xFFFFFF38  }
0x2f2: {  	[tilespmem:s18], [sflag:$0x3] =	stream.linear.gather [hbm4b:s1+s3], $0xC8, $0x38;
	[tilespmem:$0xCB20] =	vst v63  }
0x2f3: {  	_ =	swait.ge [sflag:s4], $0xC8  }
0x2f4: {  	[sflag:s4] =	ssyncset.done $0x0  }
0x2f5: {  	[sflag:s4] =	ssyncadd.s32 $0xFFFFFF38  }
0x2f6: {  	[tilespmem:s15], [sflag:$0x1] =	stream.indirect.gather [hbm4b:s2+s18], $0x40, s3, s18, $0xb8;
	[tilespmem:$0xCB20] =	vst v63  }
0x2f7: {  	_ = 	snop  }
0x2f8: {  	[tilespmem:s13], [sflag:$0x1] =	stream.indirect.gather [hbm4b:s2+s18], $0x40, s18, s18, $0xb8;
	[tilespmem:$0xCB20] =	vst v63  }
0x2f9: {  	_ =	swait.ge [sflag:s14], $0x3200  }
0x2fa: {  	[sflag:s14] =	ssyncset.done $0x0  }
0x2fb: {  	[sflag:s14] =	ssyncadd.s32 $0xFFFFCE00  }
0x2fc: {  	_ =	swait.ge [sflag:s14], $0x3200  }
0x2fd: {  	[sflag:s14] =	ssyncset.done $0x0  }
0x2fe: {  	s1 =	rddreg [dreg:$0x13];
	[sflag:s14] =	ssyncadd.s32 $0xFFFFCE00  }
0x2ff: {  	[hbm4b:s1+s9] =	stream.strided.scatter [tilespmem:s11], [sflag:$0x3], $0x3200, s12, s9, $0x38;
	[tilespmem:$0xCB20] =	vst v63  }
0x300: {  	_ =	swait.ge [sflag:s4], $0x3200  }
0x301: {  	[sflag:s4] =	ssyncset.done $0x0  }
0x302: {  	s1 =	rddreg [dreg:$0x14];
	[sflag:s4] =	ssyncadd.s32 $0xFFFFCE00  }
0x303: {  	[hbm4b:s1+s9] =	stream.strided.scatter [tilespmem:s8], [sflag:$0x3], $0x3200, s12, s9, $0x38;
	[tilespmem:$0xCB20] =	vst v63  }
0x304: {  	_ =	swait.ge [sflag:s4], $0x3200  }
0x305: {  	[sflag:s4] =	ssyncset.done $0x0  }
0x306: {  	s1 =	rddreg [dreg:$0x15];
	[sflag:s4] =	ssyncadd.s32 $0xFFFFCE00  }
0x307: {  	[tilespmem:s20], [sflag:$0x3] =	stream.linear.gather [hbm4b:s1+s3], $0xC8, $0x38;
	[tilespmem:$0xCB20] =	vst v63  }
0x308: {  	_ =	swait.ge [sflag:s4], $0xC8  }
0x309: {  	[sflag:s4] =	ssyncset.done $0x0  }
0x30a: {  	s1 =	rddreg [dreg:$0x16];
	[sflag:s4] =	ssyncadd.s32 $0xFFFFFF38  }
0x30b: {  	[tilespmem:s21], [sflag:$0x3] =	stream.linear.gather [hbm4b:s1+s3], $0xC8, $0x38;
	[tilespmem:$0xCB20] =	vst v63  }
0x30c: {  	_ =	swait.ge [sflag:s4], $0xC8  }
0x30d: {  	[sflag:s4] =	ssyncset.done $0x0  }
0x30e: {  	[sflag:s4] =	ssyncadd.s32 $0xFFFFFF38  }
0x30f: {  	[tilespmem:s11], [sflag:$0x2] =	stream.indirect.gather [hbm4b:s2+s18], $0x40, s20, s18, $0xb8;
	[tilespmem:$0xCB20] =	vst v63  }
0x310: {  	_ = 	snop  }
0x311: {  	[tilespmem:s8], [sflag:$0x2] =	stream.indirect.gather [hbm4b:s2+s18], $0x40, s21, s18, $0xb8;
	[tilespmem:$0xCB20] =	vst v63  }
0x312: {  	_ =	swait.ge [sflag:s22], $0x3200  }
0x313: {  	[sflag:s22] =	ssyncset.done $0x0  }
0x314: {  	[sflag:s22] =	ssyncadd.s32 $0xFFFFCE00  }
0x315: {  	_ =	swait.ge [sflag:s22], $0x3200  }
0x316: {  	[sflag:s22] =	ssyncset.done $0x0  }
0x317: {  	s1 =	rddreg [dreg:$0x17];
	[sflag:s22] =	ssyncadd.s32 $0xFFFFCE00  }
0x318: {  	[hbm4b:s1+s9] =	stream.strided.scatter [tilespmem:s15], [sflag:$0x3], $0x3200, s12, s9, $0x38;
	[tilespmem:$0xCB20] =	vst v63  }
0x319: {  	_ =	swait.ge [sflag:s4], $0x3200  }
0x31a: {  	[sflag:s4] =	ssyncset.done $0x0  }
0x31b: {  	s1 =	rddreg [dreg:$0x18];
	[sflag:s4] =	ssyncadd.s32 $0xFFFFCE00  }
0x31c: {  	[hbm4b:s1+s9] =	stream.strided.scatter [tilespmem:s13], [sflag:$0x3], $0x3200, s12, s9, $0x38;
	[tilespmem:$0xCB20] =	vst v63  }
0x31d: {  	_ =	swait.ge [sflag:s4], $0x3200  }
0x31e: {  	[sflag:s4] =	ssyncset.done $0x0  }
0x31f: {  	s1 =	rddreg [dreg:$0x19];
	[sflag:s4] =	ssyncadd.s32 $0xFFFFCE00  }
0x320: {  	[tilespmem:s3], [sflag:$0x3] =	stream.linear.gather [hbm4b:s1+s3], $0xC8, $0x38;
	[tilespmem:$0xCB20] =	vst v63  }
0x321: {  	_ =	swait.ge [sflag:s4], $0xC8  }
0x322: {  	[sflag:s4] =	ssyncset.done $0x0  }
0x323: {  	s1 =	rddreg [dreg:$0x1a];
	[sflag:s4] =	ssyncadd.s32 $0xFFFFFF38  }
0x324: {  	[tilespmem:s18], [sflag:$0x3] =	stream.linear.gather [hbm4b:s1+s3], $0xC8, $0x38;
	[tilespmem:$0xCB20] =	vst v63  }
0x325: {  	_ =	swait.ge [sflag:s4], $0xC8  }
0x326: {  	[sflag:s4] =	ssyncset.done $0x0  }
0x327: {  	[sflag:s4] =	ssyncadd.s32 $0xFFFFFF38  }
0x328: {  	[tilespmem:s15], [sflag:$0x1] =	stream.indirect.gather [hbm4b:s2+s18], $0x40, s3, s18, $0xb8;
	[tilespmem:$0xCB20] =	vst v63  }
0x329: {  	_ = 	snop  }
0x32a: {  	[tilespmem:s13], [sflag:$0x1] =	stream.indirect.gather [hbm4b:s2+s18], $0x40, s18, s18, $0xb8;
	[tilespmem:$0xCB20] =	vst v63  }
0x32b: {  	_ =	swait.ge [sflag:s14], $0x3200  }
0x32c: {  	[sflag:s14] =	ssyncset.done $0x0  }
0x32d: {  	[sflag:s14] =	ssyncadd.s32 $0xFFFFCE00  }
0x32e: {  	_ =	swait.ge [sflag:s14], $0x3200  }
0x32f: {  	[sflag:s14] =	ssyncset.done $0x0  }
0x330: {  	s1 =	rddreg [dreg:$0x1b];
	[sflag:s14] =	ssyncadd.s32 $0xFFFFCE00  }
0x331: {  	[hbm4b:s1+s9] =	stream.strided.scatter [tilespmem:s11], [sflag:$0x3], $0x3200, s12, s9, $0x38;
	[tilespmem:$0xCB20] =	vst v63  }
0x332: {  	_ =	swait.ge [sflag:s4], $0x3200  }
0x333: {  	[sflag:s4] =	ssyncset.done $0x0  }
0x334: {  	s1 =	rddreg [dreg:$0x1c];
	[sflag:s4] =	ssyncadd.s32 $0xFFFFCE00  }
0x335: {  	[hbm4b:s1+s9] =	stream.strided.scatter [tilespmem:s8], [sflag:$0x3], $0x3200, s12, s9, $0x38;
	[tilespmem:$0xCB20] =	vst v63  }
0x336: {  	_ =	swait.ge [sflag:s4], $0x3200  }
0x337: {  	[sflag:s4] =	ssyncset.done $0x0  }
0x338: {  	s1 =	rddreg [dreg:$0x1d];
	[sflag:s4] =	ssyncadd.s32 $0xFFFFCE00  }
0x339: {  	[tilespmem:s20], [sflag:$0x3] =	stream.linear.gather [hbm4b:s1+s3], $0xC8, $0x38;
	[tilespmem:$0xCB20] =	vst v63  }
0x33a: {  	_ =	swait.ge [sflag:s4], $0xC8  }
0x33b: {  	[sflag:s4] =	ssyncset.done $0x0  }
0x33c: {  	s1 =	rddreg [dreg:$0x1e];
	[sflag:s4] =	ssyncadd.s32 $0xFFFFFF38  }
0x33d: {  	[tilespmem:s21], [sflag:$0x3] =	stream.linear.gather [hbm4b:s1+s3], $0xC8, $0x38;
	[tilespmem:$0xCB20] =	vst v63  }
0x33e: {  	_ =	swait.ge [sflag:s4], $0xC8  }
0x33f: {  	[sflag:s4] =	ssyncset.done $0x0  }
0x340: {  	[sflag:s4] =	ssyncadd.s32 $0xFFFFFF38  }
0x341: {  	[tilespmem:s11], [sflag:$0x2] =	stream.indirect.gather [hbm4b:s2+s18], $0x40, s20, s18, $0xb8;
	[tilespmem:$0xCB20] =	vst v63  }
0x342: {  	_ = 	snop  }
0x343: {  	[tilespmem:s8], [sflag:$0x2] =	stream.indirect.gather [hbm4b:s2+s18], $0x40, s21, s18, $0xb8;
	[tilespmem:$0xCB20] =	vst v63  }
0x344: {  	_ =	swait.ge [sflag:s22], $0x3200  }
0x345: {  	[sflag:s22] =	ssyncset.done $0x0  }
0x346: {  	[sflag:s22] =	ssyncadd.s32 $0xFFFFCE00  }
0x347: {  	_ =	swait.ge [sflag:s22], $0x3200  }
0x348: {  	[sflag:s22] =	ssyncset.done $0x0  }
0x349: {  	s1 =	rddreg [dreg:$0x1f];
	[sflag:s22] =	ssyncadd.s32 $0xFFFFCE00  }
0x34a: {  	[hbm4b:s1+s9] =	stream.strided.scatter [tilespmem:s15], [sflag:$0x3], $0x3200, s12, s9, $0x38;
	[tilespmem:$0xCB20] =	vst v63  }
0x34b: {  	_ =	swait.ge [sflag:s4], $0x3200  }
0x34c: {  	s1 =	sld [smem:$0x7FA]  }
0x34d: {  	[sflag:s4] =	ssyncset.done $0x0  }
0x34e: {  	[sflag:s4] =	ssyncadd.s32 $0xFFFFCE00  }
0x34f: {  	[hbm4b:s1+s9] =	stream.strided.scatter [tilespmem:s13], [sflag:$0x3], $0x3200, s12, s9, $0x38;
	[tilespmem:$0xCB20] =	vst v63  }
0x350: {  	_ =	swait.ge [sflag:s4], $0x3200  }
0x351: {  	s1 =	sld [smem:$0x7FB]  }
0x352: {  	[sflag:s4] =	ssyncset.done $0x0  }
0x353: {  	[sflag:s4] =	ssyncadd.s32 $0xFFFFCE00  }
0x354: {  	[tilespmem:s3], [sflag:$0x3] =	stream.linear.gather [hbm4b:s1+s3], $0xC8, $0x38;
	[tilespmem:$0xCB20] =	vst v63  }
0x355: {  	_ =	swait.ge [sflag:s4], $0xC8  }
0x356: {  	s1 =	sld [smem:$0x7FC]  }
0x357: {  	[sflag:s4] =	ssyncset.done $0x0  }
0x358: {  	[sflag:s4] =	ssyncadd.s32 $0xFFFFFF38  }
0x359: {  	[tilespmem:s18], [sflag:$0x3] =	stream.linear.gather [hbm4b:s1+s3], $0xC8, $0x38;
	[tilespmem:$0xCB20] =	vst v63  }
0x35a: {  	_ =	swait.ge [sflag:s4], $0xC8  }
0x35b: {  	[sflag:s4] =	ssyncset.done $0x0  }
0x35c: {  	[sflag:s4] =	ssyncadd.s32 $0xFFFFFF38  }
0x35d: {  	[tilespmem:s15], [sflag:$0x1] =	stream.indirect.gather [hbm4b:s2+s18], $0x40, s3, s18, $0xb8;
	[tilespmem:$0xCB20] =	vst v63  }
0x35e: {  	_ = 	snop  }
0x35f: {  	[tilespmem:s13], [sflag:$0x1] =	stream.indirect.gather [hbm4b:s2+s18], $0x40, s18, s18, $0xb8;
	[tilespmem:$0xCB20] =	vst v63  }
0x360: {  	_ =	swait.ge [sflag:s14], $0x3200  }
0x361: {  	[sflag:s14] =	ssyncset.done $0x0  }
0x362: {  	[sflag:s14] =	ssyncadd.s32 $0xFFFFCE00  }
0x363: {  	_ =	swait.ge [sflag:s14], $0x3200  }
0x364: {  	s1 =	sld [smem:$0x7FD]  }
0x365: {  	[sflag:s14] =	ssyncset.done $0x0  }
0x366: {  	[sflag:s14] =	ssyncadd.s32 $0xFFFFCE00  }
0x367: {  	[hbm4b:s1+s9] =	stream.strided.scatter [tilespmem:s11], [sflag:$0x3], $0x3200, s12, s9, $0x38;
	[tilespmem:$0xCB20] =	vst v63  }
0x368: {  	_ =	swait.ge [sflag:s4], $0x3200  }
0x369: {  	[sflag:s4] =	ssyncset.done $0x0  }
0x36a: {  	[sflag:s4] =	ssyncadd.s32 $0xFFFFCE00  }
0x36b: {  	[hbm4b:s31+s9] =	stream.strided.scatter [tilespmem:s8], [sflag:$0x3], $0x3200, s12, s9, $0x38;
	[tilespmem:$0xCB20] =	vst v63  }
0x36c: {  	_ =	swait.ge [sflag:s4], $0x3200  }
0x36d: {  	[sflag:s4] =	ssyncset.done $0x0  }
0x36e: {  	[sflag:s4] =	ssyncadd.s32 $0xFFFFCE00  }
0x36f: {  	[tilespmem:s20], [sflag:$0x3] =	stream.linear.gather [hbm4b:s30+s3], $0xC8, $0x38;
	[tilespmem:$0xCB20] =	vst v63  }
0x370: {  	_ =	swait.ge [sflag:s4], $0xC8  }
0x371: {  	[sflag:s4] =	ssyncset.done $0x0  }
0x372: {  	[sflag:s4] =	ssyncadd.s32 $0xFFFFFF38  }
0x373: {  	[tilespmem:s21], [sflag:$0x3] =	stream.linear.gather [hbm4b:s29+s3], $0xC8, $0x38;
	[tilespmem:$0xCB20] =	vst v63  }
0x374: {  	_ =	swait.ge [sflag:s4], $0xC8  }
0x375: {  	[sflag:s4] =	ssyncset.done $0x0  }
0x376: {  	[sflag:s4] =	ssyncadd.s32 $0xFFFFFF38  }
0x377: {  	[tilespmem:s11], [sflag:$0x2] =	stream.indirect.gather [hbm4b:s2+s18], $0x40, s20, s18, $0xb8;
	[tilespmem:$0xCB20] =	vst v63  }
0x378: {  	_ = 	snop  }
0x379: {  	[tilespmem:s8], [sflag:$0x2] =	stream.indirect.gather [hbm4b:s2+s18], $0x40, s21, s18, $0xb8;
	[tilespmem:$0xCB20] =	vst v63  }
0x37a: {  	_ =	swait.ge [sflag:s22], $0x3200  }
0x37b: {  	[sflag:s22] =	ssyncset.done $0x0  }
0x37c: {  	[sflag:s22] =	ssyncadd.s32 $0xFFFFCE00  }
0x37d: {  	_ =	swait.ge [sflag:s22], $0x3200  }
0x37e: {  	[sflag:s22] =	ssyncset.done $0x0  }
0x37f: {  	[sflag:s22] =	ssyncadd.s32 $0xFFFFCE00  }
0x380: {  	[hbm4b:s28+s9] =	stream.strided.scatter [tilespmem:s15], [sflag:$0x3], $0x3200, s12, s9, $0x38;
	[tilespmem:$0xCB20] =	vst v63  }
0x381: {  	_ =	swait.ge [sflag:s4], $0x3200  }
0x382: {  	[sflag:s4] =	ssyncset.done $0x0  }
0x383: {  	[sflag:s4] =	ssyncadd.s32 $0xFFFFCE00  }
0x384: {  	[hbm4b:s26+s9] =	stream.strided.scatter [tilespmem:s13], [sflag:$0x3], $0x3200, s12, s9, $0x38;
	[tilespmem:$0xCB20] =	vst v63  }
0x385: {  	_ =	swait.ge [sflag:s4], $0x3200  }
0x386: {  	[sflag:s4] =	ssyncset.done $0x0  }
0x387: {  	[sflag:s4] =	ssyncadd.s32 $0xFFFFCE00  }
0x388: {  	[tilespmem:s3], [sflag:$0x3] =	stream.linear.gather [hbm4b:s25+s3], $0xC8, $0x38;
	[tilespmem:$0xCB20] =	vst v63  }
0x389: {  	_ =	swait.ge [sflag:s4], $0xC8  }
0x38a: {  	[sflag:s4] =	ssyncset.done $0x0  }
0x38b: {  	[sflag:s4] =	ssyncadd.s32 $0xFFFFFF38  }
0x38c: {  	[tilespmem:s18], [sflag:$0x3] =	stream.linear.gather [hbm4b:s24+s3], $0xC8, $0x38;
	[tilespmem:$0xCB20] =	vst v63  }
0x38d: {  	_ =	swait.ge [sflag:s4], $0xC8  }
0x38e: {  	[sflag:s4] =	ssyncset.done $0x0  }
0x38f: {  	[sflag:s4] =	ssyncadd.s32 $0xFFFFFF38  }
0x390: {  	[tilespmem:s15], [sflag:$0x1] =	stream.indirect.gather [hbm4b:s2+s18], $0x40, s3, s18, $0xb8;
	[tilespmem:$0xCB20] =	vst v63  }
0x391: {  	_ = 	snop  }
0x392: {  	[tilespmem:s13], [sflag:$0x1] =	stream.indirect.gather [hbm4b:s2+s18], $0x40, s18, s18, $0xb8;
	[tilespmem:$0xCB20] =	vst v63  }
0x393: {  	_ =	swait.ge [sflag:s14], $0x3200  }
0x394: {  	[sflag:s14] =	ssyncset.done $0x0  }
0x395: {  	[sflag:s14] =	ssyncadd.s32 $0xFFFFCE00  }
0x396: {  	_ =	swait.ge [sflag:s14], $0x3200  }
0x397: {  	[sflag:s14] =	ssyncset.done $0x0  }
0x398: {  	[sflag:s14] =	ssyncadd.s32 $0xFFFFCE00  }
0x399: {  	[hbm4b:s23+s9] =	stream.strided.scatter [tilespmem:s11], [sflag:$0x3], $0x3200, s12, s9, $0x38;
	[tilespmem:$0xCB20] =	vst v63  }
0x39a: {  	_ =	swait.ge [sflag:s4], $0x3200  }
0x39b: {  	[sflag:s4] =	ssyncset.done $0x0  }
0x39c: {  	[sflag:s4] =	ssyncadd.s32 $0xFFFFCE00  }
0x39d: {  	[hbm4b:s19+s9] =	stream.strided.scatter [tilespmem:s8], [sflag:$0x3], $0x3200, s12, s9, $0x38;
	[tilespmem:$0xCB20] =	vst v63  }
0x39e: {  	_ =	swait.ge [sflag:s4], $0x3200  }
0x39f: {  	[sflag:s4] =	ssyncset.done $0x0  }
0x3a0: {  	[sflag:s4] =	ssyncadd.s32 $0xFFFFCE00  }
0x3a1: {  	[tilespmem:s20], [sflag:$0x3] =	stream.linear.gather [hbm4b:s17+s3], $0xC8, $0x38;
	[tilespmem:$0xCB20] =	vst v63  }
0x3a2: {  	_ =	swait.ge [sflag:s4], $0xC8  }
0x3a3: {  	[sflag:s4] =	ssyncset.done $0x0  }
0x3a4: {  	[sflag:s4] =	ssyncadd.s32 $0xFFFFFF38  }
0x3a5: {  	[tilespmem:s21], [sflag:$0x3] =	stream.linear.gather [hbm4b:s16+s3], $0xC8, $0x38;
	[tilespmem:$0xCB20] =	vst v63  }
0x3a6: {  	_ =	swait.ge [sflag:s4], $0xC8  }
0x3a7: {  	[sflag:s4] =	ssyncset.done $0x0  }
0x3a8: {  	[sflag:s4] =	ssyncadd.s32 $0xFFFFFF38  }
0x3a9: {  	[tilespmem:s11], [sflag:$0x2] =	stream.indirect.gather [hbm4b:s2+s18], $0x40, s20, s18, $0xb8;
	[tilespmem:$0xCB20] =	vst v63  }
0x3aa: {  	_ = 	snop  }
0x3ab: {  	[tilespmem:s8], [sflag:$0x2] =	stream.indirect.gather [hbm4b:s2+s18], $0x40, s21, s18, $0xb8;
	[tilespmem:$0xCB20] =	vst v63  }
0x3ac: {  	_ =	swait.ge [sflag:s22], $0x3200  }
0x3ad: {  	[sflag:s22] =	ssyncset.done $0x0  }
0x3ae: {  	[sflag:s22] =	ssyncadd.s32 $0xFFFFCE00  }
0x3af: {  	_ =	swait.ge [sflag:s22], $0x3200  }
0x3b0: {  	[sflag:s22] =	ssyncset.done $0x0  }
0x3b1: {  	[sflag:s22] =	ssyncadd.s32 $0xFFFFCE00  }
0x3b2: {  	[hbm4b:s10+s9] =	stream.strided.scatter [tilespmem:s15], [sflag:$0x3], $0x3200, s12, s9, $0x38;
	[tilespmem:$0xCB20] =	vst v63  }
0x3b3: {  	_ =	swait.ge [sflag:s4], $0x3200  }
0x3b4: {  	[sflag:s4] =	ssyncset.done $0x0  }
0x3b5: {  	[sflag:s4] =	ssyncadd.s32 $0xFFFFCE00  }
0x3b6: {  	[hbm4b:s7+s9] =	stream.strided.scatter [tilespmem:s13], [sflag:$0x3], $0x3200, s12, s9, $0x38;
	[tilespmem:$0xCB20] =	vst v63  }
0x3b7: {  	_ =	swait.ge [sflag:s4], $0x3200  }
0x3b8: {  	[sflag:s4] =	ssyncset.done $0x0  }
0x3b9: {  	[sflag:s4] =	ssyncadd.s32 $0xFFFFCE00  }
0x3ba: {  	_ =	swait.ge [sflag:s14], $0x3200  }
0x3bb: {  	[sflag:s14] =	ssyncset.done $0x0  }
0x3bc: {  	[sflag:s14] =	ssyncadd.s32 $0xFFFFCE00  }
0x3bd: {  	_ =	swait.ge [sflag:s14], $0x3200  }
0x3be: {  	[sflag:s14] =	ssyncset.done $0x0  }
0x3bf: {  	[sflag:s14] =	ssyncadd.s32 $0xFFFFCE00  }
0x3c0: {  	[hbm4b:s6+s9] =	stream.strided.scatter [tilespmem:s11], [sflag:$0x3], $0x3200, s12, s9, $0x38;
	[tilespmem:$0xCB20] =	vst v63  }
0x3c1: {  	_ =	swait.ge [sflag:s4], $0x3200  }
0x3c2: {  	[sflag:s4] =	ssyncset.done $0x0  }
0x3c3: {  	[sflag:s4] =	ssyncadd.s32 $0xFFFFCE00  }
0x3c4: {  	[hbm4b:s5+s9] =	stream.strided.scatter [tilespmem:s8], [sflag:$0x3], $0x3200, s12, s9, $0x38;
	[tilespmem:$0xCB20] =	vst v63  }
0x3c5: {  	_ =	swait.ge [sflag:s4], $0x3200  }
0x3c6: {  	[sflag:s4] =	ssyncset.done $0x0  }
0x3c7: {  	[sflag:s4] =	ssyncadd.s32 $0xFFFFCE00  }
0x3c8: {  	_ =	sfence.sel $0x180000  }
0x3c9: {  	[bflag:$0x0] =	sbarrier.arrive $0xFFFF  }
0x3ca: {  	_ =	strace $0x90000047  }
0x3cb: {  	s31 =	stileid.u32;
	[bflag:$0x2] =	sbarrier.arrive $0xFFFF  }
0x3cc: {  	p0 =	sne.s32 s31, $0x0;
	s0 =	rddreg [dreg:$0x2]  }
0x3cd: {  	s0 =	sadd.s32 @!p0 $0x100000, s0  }
0x3ce: {  	[sflag:s0] =	ssyncadd.tile.s32 @!p0 $0x1;
	_ =	shalt  }
.Lfunc_end2:
_tile_overlayer_lowered:
.L_overlay_start_2:
0x3cf: {  	(tag) =	ssettag $0x2  }
0x3d0: {  	s0 =	rddreg [dreg:$0x0];
	s2 =	stileid.u32  }
0x3d1: {  	s1 =	rddreg [dreg:$0x1];
	p0 =	sne.s32 s2, $0x0  }
0x3d2: {  	s3 =	rddreg [dreg:$0x2];
	[bflag:$0x3] =	sbarrier.arrive $0xFFFF;
	s2 =	simm.s32 @!p0 $0x1C03  }
0x3d3: {  	[timem:s3], [sflag:s2] =	dma.local @!p0 [hbm:s0], s1  }
0x3d4: {  	s0 =	simm.s32 @!p0 $0x3  }
0x3d5: {  	_ =	swait.ge @!p0 [sflag:s0], s1  }
0x3d6: {  	s1 =	ssub.s32 @!p0 $0x0, s1;
	[sflag:s0] =	ssyncset.done @!p0 $0x0  }
0x3d7: {  	[sflag:s0] =	ssyncadd.s32 @!p0 s1  }
0x3d8: {  	[bflag:$0x3] =	sbarrier.arrive $0xFFFF  }
0x3d9: {  	_ =	shalt  }

// kernel: kernel.7.cloned.1.call-start
scs
__scs_entry_jumppad:
0x0: {  	(pc) =	sbr.rel $0x88, $3  }
0x1: {  	(tag) =	ssettag $0x0;
	lr =	simm.s32 $0x1  }
0x2: {  	[smem:$0x3F82] =	sst lr;
	_ =	strace $0xD0000000  }
0x3: {  	_ = 	snop  }
0x4: {  	_ = 	snop  }
0x5: {  	_ = 	snop  }
0x6: {  	_ = 	snop  }
0x7: {  	_ = 	snop  }
__scs_overlays_trampoline_lowered:
0x8: {  	[smem:$0x3F91] =	sst s0  }
0x9: {  	[smem:$0x3F92] =	sst s1  }
0xa: {  	[smem:$0x3F93] =	sst s2  }
0xb: {  	[smem:$0x3F94] =	sst s3  }
0xc: {  	[smem:$0x3F95] =	sst s4  }
0xd: {  	[smem:$0x3F96] =	sst s5  }
0xe: {  	[smem:$0x3F97] =	sst s6  }
0xf: {  	[smem:$0x3F98] =	sst s7  }
0x10: {  	[smem:$0x3F99] =	sst s8  }
0x11: {  	[smem:$0x3F9A] =	sst s9;
	s0 =	simm.s32 @!p0 $0x0  }
0x12: {  	s1 =	sld [smem:$0x3F80];
	s0 =	simm.s32 @p0 $0x1  }
0x13: {  	[smem:$0x3F9B] =	sst s0;
	s0 =	simm.s32 @!p1 $0x0  }
0x14: {  	s2 =	sld [smem:$0x3F7F];
	s0 =	simm.s32 @p1 $0x1  }
0x15: {  	[smem:$0x3F9C] =	sst s0;
	s0 =	simm.s32 @!p2 $0x0  }
0x16: {  	s3 =	sld [smem:$0x3FDB];
	s0 =	simm.s32 @p2 $0x1  }
0x17: {  	s4 =	simm.s32 $0x1BF5;
	[smem:$0x3F9E] =	sst s0  }
0x18: {  	s0 =	sld [smem:$0x3F81];
	_ =	swait.ge [sflag:s4], $0x0  }
0x19: {  	s7 =	sld [smem:$0x3F82]  }
0x1a: {  	s8 =	sadd.s32 $0xFFFFE003, lr  }
0x1b: {  	s9 =	sadd.s32 $0xFFFFFEF7, lr;
	s5 =	simm.s32 $0xFFFFFFFF;
	p2 =	slt.u32 s8, $0xFFFFF086  }
0x1c: {  	p1 =	slt.u32 s9, $0xF7A;
	s5 =	simm.s32 @!p2 $0x0  }
0x1d: {  	s5 =	simm.s32 @p1 $0x1;
	p0 =	seq.s32 s7, s2  }
0x1e: {  	s7 =	smul.u32 @!p0 $0xF7A, s2;
	p2 =	seq.s32 @!p0 s5, $0x0  }
0x1f: {  	s9 =	smul.u32 $0xF7A, s1;
	s8 =	simm.s32 @!p0 $0x1BF5;
	p2 =	por !p2, p0  }
0x20: {  	[sflag:s8] =	ssyncset.s32 @!p0 $0xFFFFF086;
	s6 =	sadd.s32 @!p0 s3, s7;
	s7 =	simm.s32 @!p0 $0x108  }
0x21: {  	s3 =	sadd.s32 s3, s9;
	s6 =	sadd.s32 @!p0 $0x88, s6;
	s7 =	simm.s32 @p2 $0x1082  }
0x22: {  	[simem:s7], [sflag:s8] =	dma.local @!p0 [hbm:s6], $0xF7A  }
0x23: {  	s9 =	sor.u32 $0xD0000000, s2;
	s6 =	simm.s32 $0x108;
	_ =	swait.ge @!p0 [sflag:s8], $0x0  }
0x24: {  	s3 =	sadd.s32 $0x88, s3;
	s6 =	simm.s32 @!p1 $0x1082;
	[sflag:s4] =	ssyncset.s32 $0xFFFFF086  }
0x25: {  	[simem:s6], [sflag:s4] =	dma.local [hbm:s3], $0xF7A  }
0x26: {  	[smem:$0x3F82] =	sst s1;
	(tag) =	ssettag s2;
	_ =	strace s9  }
0x27: {  	s1 =	sld [smem:$0x3F92]  }
0x28: {  	s2 =	sld [smem:$0x3F93]  }
0x29: {  	s4 =	sld [smem:$0x3F95]  }
0x2a: {  	p0 =	seq.s32 s5, $0x0;
	s5 =	sld [smem:$0x3F96]  }
0x2b: {  	s6 =	sld [smem:$0x3F97]  }
0x2c: {  	s7 =	sld [smem:$0x3F98]  }
0x2d: {  	s3 =	simm.s32 $0x108;
	s8 =	sld [smem:$0x3F99]  }
0x2e: {  	s3 =	simm.s32 @!p0 $0x1082;
	s9 =	sld [smem:$0x3F9A]  }
0x2f: {  	lr =	sadd.s32 s0, s3;
	s0 =	sld [smem:$0x3F91]  }
0x30: {  	s3 =	sld [smem:$0x3F94]  }
0x31: {  	[smem:$0x3F9D] =	sst s10  }
0x32: {  	s10 =	sld [smem:$0x3F9B];
	_ =	sdelay $0x3  }
0x33: {  	p0 =	seq.s32 s10, $0x1;
	s10 =	sld [smem:$0x3F9D];
	_ =	sdelay $0x3  }
0x34: {  	[smem:$0x3F9D] =	sst s10  }
0x35: {  	s10 =	sld [smem:$0x3F9C];
	_ =	sdelay $0x3  }
0x36: {  	p1 =	seq.s32 s10, $0x1;
	s10 =	sld [smem:$0x3F9D];
	_ =	sdelay $0x3  }
0x37: {  	[smem:$0x3F9D] =	sst s10  }
0x38: {  	s10 =	sld [smem:$0x3F9E]  }
0x39: {  	_ = 	snop;
	(pc) =	sbr.ind lr, $3  }
0x3a: {  	_ = 	snop  }
0x3b: {  	_ = 	snop  }
0x3c: {  	p2 =	seq.s32 s10, $0x1;
	s10 =	sld [smem:$0x3F9D]  }
0x3d: {  	_ =	shalt  }
0x3e: {  	_ =	shalt  }
0x3f: {  	_ =	shalt  }
0x40: {  	_ =	shalt  }
0x41: {  	_ =	shalt  }
0x42: {  	_ =	shalt  }
0x43: {  	_ =	shalt  }
0x44: {  	_ =	shalt  }
0x45: {  	_ =	shalt  }
0x46: {  	_ =	shalt  }
0x47: {  	_ =	shalt  }
0x48: {  	_ =	shalt  }
0x49: {  	_ =	shalt  }
0x4a: {  	_ =	shalt  }
0x4b: {  	_ =	shalt  }
0x4c: {  	_ =	shalt  }
0x4d: {  	_ =	shalt  }
0x4e: {  	_ =	shalt  }
0x4f: {  	_ =	shalt  }
0x50: {  	_ =	shalt  }
0x51: {  	_ =	shalt  }
0x52: {  	_ =	shalt  }
0x53: {  	_ =	shalt  }
0x54: {  	_ =	shalt  }
0x55: {  	_ =	shalt  }
0x56: {  	_ =	shalt  }
0x57: {  	_ =	shalt  }
0x58: {  	_ =	shalt  }
0x59: {  	_ =	shalt  }
0x5a: {  	_ =	shalt  }
0x5b: {  	_ =	shalt  }
0x5c: {  	_ =	shalt  }
0x5d: {  	_ =	shalt  }
0x5e: {  	_ =	shalt  }
0x5f: {  	_ =	shalt  }
0x60: {  	_ =	shalt  }
0x61: {  	_ =	shalt  }
0x62: {  	_ =	shalt  }
0x63: {  	_ =	shalt  }
0x64: {  	_ =	shalt  }
0x65: {  	_ =	shalt  }
0x66: {  	_ =	shalt  }
0x67: {  	_ =	shalt  }
0x68: {  	_ =	shalt  }
0x69: {  	_ =	shalt  }
0x6a: {  	_ =	shalt  }
0x6b: {  	_ =	shalt  }
0x6c: {  	_ =	shalt  }
0x6d: {  	_ =	shalt  }
0x6e: {  	_ =	shalt  }
0x6f: {  	_ =	shalt  }
0x70: {  	_ =	shalt  }
0x71: {  	_ =	shalt  }
0x72: {  	_ =	shalt  }
0x73: {  	_ =	shalt  }
0x74: {  	_ =	shalt  }
0x75: {  	_ =	shalt  }
0x76: {  	_ =	shalt  }
0x77: {  	_ =	shalt  }
0x78: {  	_ =	shalt  }
0x79: {  	_ =	shalt  }
0x7a: {  	_ =	shalt  }
0x7b: {  	_ =	shalt  }
0x7c: {  	_ =	shalt  }
0x7d: {  	_ =	shalt  }
0x7e: {  	_ =	shalt  }
0x7f: {  	_ =	shalt  }
0x80: {  	_ =	shalt  }
0x81: {  	_ =	shalt  }
0x82: {  	_ =	shalt  }
0x83: {  	_ =	shalt  }
0x84: {  	_ =	shalt  }
0x85: {  	_ =	shalt  }
0x86: {  	_ =	shalt  }
0x87: {  	_ =	shalt  }
.Lfunc_end0:
.L_simem_size_0:
called_computation_lowered:
.L_overlay_start_0:
0x88: {  	s2 =	sld [smem:$0x3FD9]  }
0x89: {  	s3 =	sld [smem:$0x3FFE];
	_ =	sdelay $0x1  }
0x8a: {  	s1 =	srdreg.scid  }
0x8b: {  	s0 =	sand.u32 $0x1, s1  }
0x8c: {  	s17 =	sshll.u32 s0, $0xA;
	s2 =	sadd.s32 s3, s2  }
0x8d: {  	s2 =	sadd.s32 s2, s17  }
0x8e: {  	[smem:$0x3FA9] =	sst s2  }
0x8f: {  	_ = 	snop  }
0x90: {  	s18 =	sld [smem:$0x3FD0];
	(tm) =	ssettm $0x1  }
0x91: {  	s19 =	sld [smem:$0x3FFB];
	_ =	sdelay $0x3  }
0x92: {  	_ =	strace s19  }
0x93: {  	s2 =	sld [smem:$0x3FFC];
	_ =	sdelay $0x3  }
0x94: {  	_ =	strace s2  }
0x95: {  	s2 =	sld [smem:$0x3FFD];
	_ =	sdelay $0x3  }
0x96: {  	_ =	strace s2  }
0x97: {  	_ =	strace $0x8FFFFFFF  }
0x98: {  	s20 =	sld [smem:$0x3FDB];
	_ =	sdelay $0x1  }
0x99: {  	s4 =	simm.s32 $_scs_section_size  }
0x9a: {  	s5 =	simm.s32 $_size__tile_overlayer_lowered;
	s6 =	simm.s32 $_tile_overlayer_lowered  }
0x9b: {  	s7 =	simm.s32 $0x1BFF;
	s21 =	sshll.u32 s6, $0x1;
	s4 =	sadd.s32 s4, s20  }
0x9c: {  	s22 =	simm.s32 $0x0;
	s5 =	sshll.u32 s5, $0x1;
	s6 =	sadd.s32 s21, s4  }
0x9d: {  	[timem:s22], [sflag:s7] =	dma.local [hbm:s6], s5  }
0x9e: {  	_ =	swait.ge [sflag:s7], s5  }
0x9f: {  	s5 =	ssub.s32 $0x0, s5;
	[sflag:s7] =	ssyncset.done $0x0  }
0xa0: {  	[sflag:s7] =	ssyncadd.s32 s5;
	_ =	sdelay $0x1  }
0xa1: {  	s23 =	simm.s32 $0x1B8B  }
0xa2: {  	_ =	swait.ge [sflag:s23], $0x1  }
0xa3: {  	[sflag:s23] =	ssyncset.done $0x0  }
0xa4: {  	[sflag:s23] =	ssyncadd.s32 $0xFFFFFFFF  }
0xa5: {  	s5 =	sld [smem:$0x0]  }
0xa6: {  	s6 =	sand.u32 $0xFFFFFFFE, s1  }
0xa7: {  	p0 =	sne.s32 s1, s6  }
0xa8: {  	s6 =	sshll.u32 @p0 s6, $0xE  }
0xa9: {  	s6 =	sadd.s32 @p0 $0x11B8D, s6;
	s7 =	sshll.u32 @p0 s5, $0x11  }
0xaa: {  	s6 =	sor.u32 @p0 s7, s6  }
0xab: {  	[sflag:s6] =	ssyncadd.remote.s32 @p0 $0x1;
	_ =	sdelay $0x1  }
0xac: {  	s6 =	simm.s32 @p0 $0x1B8D  }
0xad: {  	_ =	swait.eq @p0 [sflag:s6], $0x1  }
0xae: {  	[sflag:s6] =	ssyncadd.s32 @p0 $0xFFFFFFFF  }
0xaf: {  	s7 =	sshll.u32 @!p0 s1, $0xE  }
0xb0: {  	s7 =	sor.u32 @!p0 $0x4000, s7;
	s6 =	simm.s32 @!p0 $0x1B8D  }
0xb1: {  	s5 =	sshll.u32 @!p0 s5, $0x11;
	s7 =	sadd.s32 @!p0 $0x11B8D, s7;
	_ =	swait.eq @!p0 [sflag:s6], $0x1  }
0xb2: {  	s5 =	sor.u32 @!p0 s5, s7;
	[sflag:s6] =	ssyncadd.s32 @!p0 $0xFFFFFFFF  }
0xb3: {  	s25 =	simm.s32 $0x1B8E;
	s24 =	sld [smem:$0x3FFE];
	[sflag:s5] =	ssyncadd.remote.s32 @!p0 $0x1  }
0xb4: {  	s26 =	simm.s32 $execute0_lowered;
	[smem:$0x3FD2] =	sst s25  }
0xb5: {  	s6 =	sshll.u32 s26, $0x1;
	_ =	strace $0x80000049;
	[dreg:$0x1] =	wrdreg $0xFFFFFFFF  }
0xb6: {  	s28 =	simm.s32 $_size_execute0_lowered;
	s4 =	sadd.s32 s4, s6;
	[dreg:$0x0] =	wrdreg $0x0  }
0xb7: {  	s6 =	sshll.u32 s28, $0x1;
	[dreg:$0x2] =	wrdreg s4  }
0xb8: {  	[dreg:$0x3] =	wrdreg s6  }
0xb9: {  	[dreg:$0x4] =	wrdreg $0xC0  }
0xba: {  	_ =	task [dreg:s22], $0x5FFFF  }
0xbb: {  	[dreg:$0x1] =	wrdreg $0xFFFFFFFF  }
0xbc: {  	[dreg:$0x0] =	wrdreg $0x60  }
0xbd: {  	[dreg:$0x2] =	wrdreg s18  }
0xbe: {  	[dreg:$0x3] =	wrdreg s24  }
0xbf: {  	[dreg:$0x4] =	wrdreg $0x9  }
0xc0: {  	_ =	task.clear_ibuf [dreg:s22], $0x5FFFF;
	_ =	strace $0x90000049  }
0xc1: {  	s29 =	simm.s32 $0x9;
	_ =	strace $0x8000004B  }
0xc2: {  	_ =	swait.ge [sflag:s29], $0x1  }
0xc3: {  	[sflag:s29] =	ssyncadd.s32 $0xFFFFFFFF  }
0xc4: {  	_ =	strace $0x9000004B  }
0xc5: {  	_ =	sfence  }
0xc6: {  	s30 =	sld [smem:$0x0];
	_ =	sdelay $0x2  }
0xc7: {  	s31 =	sshll.u32 s1, $0xD;
	s1 =	sshrl.u32 s1, $0x2  }
0xc8: {  	s4 =	sand.u32 $0x4000, s31;
	s1 =	sadd.s32 s1, s30  }
0xc9: {  	s0 =	sor.u32 s4, s0;
	s1 =	sshll.u32 s1, $0x11  }
0xca: {  	s0 =	sor.u32 s1, s0  }
0xcb: {  	s0 =	sadd.s32 $0x8F2B, s0  }
0xcc: {  	[sflag:s0] =	ssyncadd.remote.s32 $0x1  }
0xcd: {  	_ =	sfence.sel $0xFFFF  }
0xce: {  	[dreg:$0x0] =	wrdreg $0xFFFFFFFF;
	(pc) =	sbr.abs _section_cstart, $3  }
0xcf: {  	[dreg:$0x1] =	wrdreg $0xFFFFFFFF  }
0xd0: {  	_ =	task.clear_ibuf [dreg:s22], $0x2FFFF;
	_ =	strace $0x9FFFFFFF  }
0xd1: {  	(tm) =	ssettm $0x7FFFFFFF  }
tec
execute0_lowered:
.L_overlay_start_1:
0x0: {  	(tag) =	ssettag $0x1  }
0x1: {  	s0 =	srdreg.scid;
	s1 =	stileid.u32  }
0x2: {  	s8 =	sand.u32 $0x1, s0;
	s14 =	sshll.u32 s1, $0x1  }
0x3: {  	s2 =	rddreg [dreg:$0x0];
	s0 =	sor.u32 s8, s14  }
0x4: {  	s7 =	rddreg [dreg:$0x1];
	s3 =	simm.s32 $0x0;
	s5 =	smul.u32 $0xA28, s0  }
0x5: {  	[smem:$0x7FF] =	sst s3;
	s1 =	sadd.s32 $0x135200, s7  }
0x6: {  	s4 =	sadd.s32 $0x137C00, s7;
	_ =	strace $0x8000004A;
	s6 =	sshrl.u32 s5, $0x3  }
0x7: {  	s0 =	smul.u32 $0xA280, s0;
	s10 =	sadd.s32 $0xC8, s5;
	s9 =	sadd.s32 s1, s6  }
0x8: {  	s6 =	sadd.s32 s4, s6;
	s15 =	sshrl.u32 s10, $0x3;
	[dreg:$0x3] =	wrdreg s9  }
0x9: {  	s11 =	sadd.s32 $0x190, s5;
	[dreg:$0x4] =	wrdreg s6;
	s16 =	sadd.s32 s1, s15  }
0xa: {  	s18 =	sshrl.u32 s11, $0x3;
	s9 =	sadd.s32 s4, s15;
	[dreg:$0x5] =	wrdreg s16  }
0xb: {  	s23 =	sadd.s32 $0x258, s5;
	s19 =	sadd.s32 s1, s18;
	[dreg:$0x6] =	wrdreg s9  }
0xc: {  	s25 =	sshrl.u32 s23, $0x3;
	s20 =	sadd.s32 s4, s18;
	[dreg:$0x9] =	wrdreg s19  }
0xd: {  	s6 =	sadd.s32 $0x13A600, s7;
	s26 =	sadd.s32 s1, s25;
	[dreg:$0xa] =	wrdreg s20  }
0xe: {  	s7 =	sadd.s32 $0x13A608, s7;
	s17 =	sadd.s32 s6, s0;
	[dreg:$0xd] =	wrdreg s26  }
0xf: {  	s21 =	sshll.u32 s10, $0x4;
	s0 =	sadd.s32 s0, s7;
	[dreg:$0x7] =	wrdreg s17  }
0x10: {  	s22 =	sadd.s32 s6, s21;
	[dreg:$0x8] =	wrdreg s0  }
0x11: {  	s28 =	simm.s32 $0x258;
	s24 =	sadd.s32 s21, s7;
	[dreg:$0xb] =	wrdreg s22  }
0x12: {  	s12 =	sshll.u32 s11, $0x4;
	s9 =	sadd.s32 s4, s25;
	[dreg:$0xc] =	wrdreg s24  }
0x13: {  	p0 =	por $0x0, $0x0;
	s13 =	sadd.s32 s6, s12;
	[dreg:$0xe] =	wrdreg s9  }
0x14: {  	s14 =	sadd.s32 $0x320, s5;
	s15 =	sadd.s32 s12, s7;
	[dreg:$0xf] =	wrdreg s13  }
0x15: {  	s8 =	ssub.s32 $0x2, s8;
	s16 =	sshrl.u32 s14, $0x3;
	[dreg:$0x10] =	wrdreg s15  }
0x16: {  	s19 =	sshll.u32 s23, $0x4;
	s17 =	sadd.s32 s1, s16;
	s0 =	rddreg [dreg:$0x3]  }
0x17: {  	s21 =	sadd.s32 $0x3E8, s5;
	s18 =	sadd.s32 s4, s16;
	[dreg:$0x11] =	wrdreg s17  }
0x18: {  	s26 =	sshll.u32 s14, $0x4;
	s20 =	sadd.s32 s6, s19;
	[dreg:$0x12] =	wrdreg s18  }
0x19: {  	s12 =	sadd.s32 $0x4B0, s5;
	s22 =	sadd.s32 s19, s7;
	[dreg:$0x13] =	wrdreg s20  }
0x1a: {  	s23 =	sshrl.u32 s21, $0x3;
	s11 =	sadd.s32 s6, s26;
	[dreg:$0x14] =	wrdreg s22  }
0x1b: {  	s13 =	sadd.s32 s26, s7;
	s14 =	sshrl.u32 s12, $0x3;
	[dreg:$0x17] =	wrdreg s11  }
0x1c: {  	s19 =	sadd.s32 $0x578, s5;
	s24 =	sadd.s32 s1, s23;
	[dreg:$0x18] =	wrdreg s13  }
0x1d: {  	s26 =	sadd.s32 $0x640, s5;
	s25 =	sadd.s32 s4, s23;
	[dreg:$0x15] =	wrdreg s24  }
0x1e: {  	s15 =	sadd.s32 s1, s14;
	s16 =	sadd.s32 s4, s14;
	[dreg:$0x16] =	wrdreg s25  }
0x1f: {  	s17 =	sshll.u32 s21, $0x4;
	s21 =	sshrl.u32 s19, $0x3;
	[dreg:$0x19] =	wrdreg s15  }
0x20: {  	s14 =	sshrl.u32 s26, $0x3;
	[dreg:$0x1a] =	wrdreg s16;
	s18 =	sadd.s32 s6, s17  }
0x21: {  	s20 =	sadd.s32 s17, s7;
	s22 =	sadd.s32 s1, s21;
	[dreg:$0x1b] =	wrdreg s18  }
0x22: {  	s23 =	sadd.s32 s4, s21;
	s24 =	sshll.u32 s12, $0x4;
	[dreg:$0x1c] =	wrdreg s20  }
0x23: {  	s12 =	sshrl.u32 s8, $0x1;
	s15 =	sadd.s32 s1, s14;
	[dreg:$0x1d] =	wrdreg s22  }
0x24: {  	s16 =	sadd.s32 s4, s14;
	s17 =	sshll.u32 s19, $0x4;
	[dreg:$0x1e] =	wrdreg s23  }
0x25: {  	s19 =	sadd.s32 $0x708, s5;
	s25 =	sadd.s32 s6, s24;
	[smem:$0x7F7] =	sst s15  }
0x26: {  	s13 =	sadd.s32 s24, s7;
	[smem:$0x7F8] =	sst s16;
	s18 =	sadd.s32 s6, s17  }
0x27: {  	s20 =	sadd.s32 s17, s7;
	s21 =	sshrl.u32 s19, $0x3;
	[dreg:$0x1f] =	wrdreg s25  }
0x28: {  	s8 =	ssub.s32 s8, s12;
	s24 =	sshll.u32 s26, $0x4;
	[smem:$0x7F6] =	sst s13  }
0x29: {  	s26 =	sadd.s32 $0x7D0, s5;
	s10 =	sshll.u32 s19, $0x4;
	[smem:$0x7F9] =	sst s18  }
0x2a: {  	s12 =	sadd.s32 $0x898, s5;
	s5 =	sadd.s32 $0x960, s5;
	[smem:$0x7FA] =	sst s20  }
0x2b: {  	s22 =	sadd.s32 s1, s21;
	s23 =	sadd.s32 s4, s21;
	s25 =	sadd.s32 s6, s24  }
0x2c: {  	s31 =	sadd.s32 s24, s7;
	s9 =	sshrl.u32 s26, $0x3;
	s13 =	sshrl.u32 s12, $0x3  }
0x2d: {  	s24 =	sadd.s32 s10, s7;
	s14 =	sshll.u32 s26, $0x4;
	s15 =	sshrl.u32 s5, $0x3  }
0x2e: {  	s17 =	sshll.u32 s12, $0x4;
	s18 =	sshll.u32 s5, $0x4;
	[smem:$0x7FB] =	sst s22  }
0x2f: {  	s21 =	smax.u32 s8, $0x1;
	s8 =	simm.s32 $0x320;
	[smem:$0x7FC] =	sst s23  }
0x30: {  	s26 =	simm.s32 $0x190;
	s12 =	simm.s32 $0x80;
	[smem:$0x7FD] =	sst s25  }
0x31: {  	s30 =	sadd.s32 s1, s9;
	s29 =	sadd.s32 s4, s9;
	s25 =	sadd.s32 s6, s10  }
0x32: {  	s23 =	sadd.s32 s1, s13;
	s22 =	sadd.s32 s4, s13;
	s20 =	sadd.s32 s6, s14  }
0x33: {  	s19 =	sadd.s32 s14, s7;
	s16 =	sadd.s32 s1, s15;
	p1 =	sne.s32 s21, $0x1  }
.Ltmp0:
0x34: {  	s14 =	sadd.s32 s4, s15;
	s11 =	sadd.s32 s6, s17;
	(pc) =	sbr.rel @!p1 .LBB2_3-.Ltmp0, $4  }
0x35: {  	s9 =	sadd.s32 s17, s7;
	s6 =	sadd.s32 s6, s18;
	s5 =	sadd.s32 s18, s7  }
0x36: {  	s4 =	simm.s32 $0x3;
	s17 =	simm.s32 $0xC8;
	s7 =	simm.s32 $0x3520  }
0x37: {  	s1 =	sadd.s32 $0xFFFFFFFF, s21;
	s18 =	simm.s32 $0x6720;
	s15 =	simm.s32 $0x9920  }
0x38: {  	s13 =	simm.s32 $0x1;
	s10 =	simm.s32 $0x40;
	s21 =	simm.s32 $0x2  }
0x39: {  	[tilespmem:s3], [sflag:$0x3] =	stream.linear.gather [hbm4b:s0+s3], $0xC8, $0x38;
	[tilespmem:$0xCB20] =	vst v63  }
0x3a: {  	_ =	swait.ge [sflag:s4], $0xC8  }
0x3b: {  	[sflag:s4] =	ssyncset.done $0x0  }
0x3c: {  	s0 =	rddreg [dreg:$0x4];
	[sflag:s4] =	ssyncadd.s32 $0xFFFFFF38  }
0x3d: {  	[tilespmem:s17], [sflag:$0x3] =	stream.linear.gather [hbm4b:s0+s3], $0xC8, $0x38;
	[tilespmem:$0xCB20] =	vst v63  }
0x3e: {  	_ =	swait.ge [sflag:s4], $0xC8  }
0x3f: {  	[sflag:s4] =	ssyncset.done $0x0  }
0x40: {  	[sflag:s4] =	ssyncadd.s32 $0xFFFFFF38  }
0x41: {  	[tilespmem:s8], [sflag:$0x1] =	stream.indirect.gather [hbm4b:s2+s17], $0x40, s3, s17, $0xb8;
	[tilespmem:$0xCB20] =	vst v63  }
0x42: {  	_ = 	snop  }
0x43: {  	[tilespmem:s7], [sflag:$0x1] =	stream.indirect.gather [hbm4b:s2+s17], $0x40, s17, s17, $0xb8;
	[tilespmem:$0xCB20] =	vst v63  }
0x44: {  	s0 =	rddreg [dreg:$0x5]  }
0x45: {  	[tilespmem:s26], [sflag:$0x3] =	stream.linear.gather [hbm4b:s0+s3], $0xC8, $0x38;
	[tilespmem:$0xCB20] =	vst v63  }
0x46: {  	_ =	swait.ge [sflag:s4], $0xC8  }
0x47: {  	[sflag:s4] =	ssyncset.done $0x0  }
0x48: {  	s0 =	rddreg [dreg:$0x6];
	[sflag:s4] =	ssyncadd.s32 $0xFFFFFF38  }
0x49: {  	[tilespmem:s28], [sflag:$0x3] =	stream.linear.gather [hbm4b:s0+s3], $0xC8, $0x38;
	[tilespmem:$0xCB20] =	vst v63  }
0x4a: {  	_ =	swait.ge [sflag:s4], $0xC8  }
0x4b: {  	[sflag:s4] =	ssyncset.done $0x0  }
0x4c: {  	[sflag:s4] =	ssyncadd.s32 $0xFFFFFF38  }
0x4d: {  	[tilespmem:s18], [sflag:$0x2] =	stream.indirect.gather [hbm4b:s2+s17], $0x40, s26, s17, $0xb8;
	[tilespmem:$0xCB20] =	vst v63  }
0x4e: {  	_ = 	snop  }
0x4f: {  	[tilespmem:s15], [sflag:$0x2] =	stream.indirect.gather [hbm4b:s2+s17], $0x40, s28, s17, $0xb8;
	[tilespmem:$0xCB20] =	vst v63  }
0x50: {  	_ =	swait.ge [sflag:s13], $0x3200  }
0x51: {  	[sflag:s13] =	ssyncset.done $0x0  }
0x52: {  	[sflag:s13] =	ssyncadd.s32 $0xFFFFCE00  }
0x53: {  	_ =	swait.ge [sflag:s13], $0x3200  }
0x54: {  	[sflag:s13] =	ssyncset.done $0x0  }
0x55: {  	s0 =	rddreg [dreg:$0x7];
	[sflag:s13] =	ssyncadd.s32 $0xFFFFCE00  }
0x56: {  	[hbm4b:s0+s10] =	stream.strided.scatter [tilespmem:s8], [sflag:$0x3], $0x3200, s12, s10, $0x38;
	[tilespmem:$0xCB20] =	vst v63  }
0x57: {  	_ =	swait.ge [sflag:s4], $0x3200  }
0x58: {  	[sflag:s4] =	ssyncset.done $0x0  }
0x59: {  	s0 =	rddreg [dreg:$0x8];
	[sflag:s4] =	ssyncadd.s32 $0xFFFFCE00  }
0x5a: {  	[hbm4b:s0+s10] =	stream.strided.scatter [tilespmem:s7], [sflag:$0x3], $0x3200, s12, s10, $0x38;
	[tilespmem:$0xCB20] =	vst v63  }
0x5b: {  	_ =	swait.ge [sflag:s4], $0x3200  }
0x5c: {  	[sflag:s4] =	ssyncset.done $0x0  }
0x5d: {  	s0 =	rddreg [dreg:$0x9];
	[sflag:s4] =	ssyncadd.s32 $0xFFFFCE00  }
0x5e: {  	[tilespmem:s3], [sflag:$0x3] =	stream.linear.gather [hbm4b:s0+s3], $0xC8, $0x38;
	[tilespmem:$0xCB20] =	vst v63  }
0x5f: {  	_ =	swait.ge [sflag:s4], $0xC8  }
0x60: {  	[sflag:s4] =	ssyncset.done $0x0  }
0x61: {  	s0 =	rddreg [dreg:$0xa];
	[sflag:s4] =	ssyncadd.s32 $0xFFFFFF38  }
0x62: {  	[tilespmem:s17], [sflag:$0x3] =	stream.linear.gather [hbm4b:s0+s3], $0xC8, $0x38;
	[tilespmem:$0xCB20] =	vst v63  }
0x63: {  	_ =	swait.ge [sflag:s4], $0xC8  }
0x64: {  	[sflag:s4] =	ssyncset.done $0x0  }
0x65: {  	[sflag:s4] =	ssyncadd.s32 $0xFFFFFF38  }
0x66: {  	[tilespmem:s8], [sflag:$0x1] =	stream.indirect.gather [hbm4b:s2+s17], $0x40, s3, s17, $0xb8;
	[tilespmem:$0xCB20] =	vst v63  }
0x67: {  	_ = 	snop  }
0x68: {  	[tilespmem:s7], [sflag:$0x1] =	stream.indirect.gather [hbm4b:s2+s17], $0x40, s17, s17, $0xb8;
	[tilespmem:$0xCB20] =	vst v63  }
0x69: {  	_ =	swait.ge [sflag:s21], $0x3200  }
0x6a: {  	[sflag:s21] =	ssyncset.done $0x0  }
0x6b: {  	[sflag:s21] =	ssyncadd.s32 $0xFFFFCE00  }
0x6c: {  	_ =	swait.ge [sflag:s21], $0x3200  }
0x6d: {  	[sflag:s21] =	ssyncset.done $0x0  }
0x6e: {  	s0 =	rddreg [dreg:$0xb];
	[sflag:s21] =	ssyncadd.s32 $0xFFFFCE00  }
0x6f: {  	[hbm4b:s0+s10] =	stream.strided.scatter [tilespmem:s18], [sflag:$0x3], $0x3200, s12, s10, $0x38;
	[tilespmem:$0xCB20] =	vst v63  }
0x70: {  	_ =	swait.ge [sflag:s4], $0x3200  }
0x71: {  	[sflag:s4] =	ssyncset.done $0x0  }
0x72: {  	s0 =	rddreg [dreg:$0xc];
	[sflag:s4] =	ssyncadd.s32 $0xFFFFCE00  }
0x73: {  	[hbm4b:s0+s10] =	stream.strided.scatter [tilespmem:s15], [sflag:$0x3], $0x3200, s12, s10, $0x38;
	[tilespmem:$0xCB20] =	vst v63  }
0x74: {  	_ =	swait.ge [sflag:s4], $0x3200  }
0x75: {  	[sflag:s4] =	ssyncset.done $0x0  }
0x76: {  	s0 =	rddreg [dreg:$0xd];
	[sflag:s4] =	ssyncadd.s32 $0xFFFFCE00  }
0x77: {  	[tilespmem:s26], [sflag:$0x3] =	stream.linear.gather [hbm4b:s0+s3], $0xC8, $0x38;
	[tilespmem:$0xCB20] =	vst v63  }
0x78: {  	_ =	swait.ge [sflag:s4], $0xC8  }
0x79: {  	[sflag:s4] =	ssyncset.done $0x0  }
0x7a: {  	s0 =	rddreg [dreg:$0xe];
	[sflag:s4] =	ssyncadd.s32 $0xFFFFFF38  }
0x7b: {  	[tilespmem:s28], [sflag:$0x3] =	stream.linear.gather [hbm4b:s0+s3], $0xC8, $0x38;
	[tilespmem:$0xCB20] =	vst v63  }
0x7c: {  	_ =	swait.ge [sflag:s4], $0xC8  }
0x7d: {  	[sflag:s4] =	ssyncset.done $0x0  }
0x7e: {  	[sflag:s4] =	ssyncadd.s32 $0xFFFFFF38  }
0x7f: {  	[tilespmem:s18], [sflag:$0x2] =	stream.indirect.gather [hbm4b:s2+s17], $0x40, s26, s17, $0xb8;
	[tilespmem:$0xCB20] =	vst v63  }
0x80: {  	_ = 	snop  }
0x81: {  	[tilespmem:s15], [sflag:$0x2] =	stream.indirect.gather [hbm4b:s2+s17], $0x40, s28, s17, $0xb8;
	[tilespmem:$0xCB20] =	vst v63  }
0x82: {  	_ =	swait.ge [sflag:s13], $0x3200  }
0x83: {  	[sflag:s13] =	ssyncset.done $0x0  }
0x84: {  	[sflag:s13] =	ssyncadd.s32 $0xFFFFCE00  }
0x85: {  	_ =	swait.ge [sflag:s13], $0x3200  }
0x86: {  	[sflag:s13] =	ssyncset.done $0x0  }
0x87: {  	s0 =	rddreg [dreg:$0xf];
	[sflag:s13] =	ssyncadd.s32 $0xFFFFCE00  }
0x88: {  	[hbm4b:s0+s10] =	stream.strided.scatter [tilespmem:s8], [sflag:$0x3], $0x3200, s12, s10, $0x38;
	[tilespmem:$0xCB20] =	vst v63  }
0x89: {  	_ =	swait.ge [sflag:s4], $0x3200  }
0x8a: {  	[sflag:s4] =	ssyncset.done $0x0  }
0x8b: {  	s0 =	rddreg [dreg:$0x10];
	[sflag:s4] =	ssyncadd.s32 $0xFFFFCE00  }
0x8c: {  	[hbm4b:s0+s10] =	stream.strided.scatter [tilespmem:s7], [sflag:$0x3], $0x3200, s12, s10, $0x38;
	[tilespmem:$0xCB20] =	vst v63  }
0x8d: {  	_ =	swait.ge [sflag:s4], $0x3200  }
0x8e: {  	[sflag:s4] =	ssyncset.done $0x0  }
0x8f: {  	s0 =	rddreg [dreg:$0x11];
	[sflag:s4] =	ssyncadd.s32 $0xFFFFCE00  }
0x90: {  	[tilespmem:s3], [sflag:$0x3] =	stream.linear.gather [hbm4b:s0+s3], $0xC8, $0x38;
	[tilespmem:$0xCB20] =	vst v63  }
0x91: {  	_ =	swait.ge [sflag:s4], $0xC8  }
0x92: {  	[sflag:s4] =	ssyncset.done $0x0  }
0x93: {  	s0 =	rddreg [dreg:$0x12];
	[sflag:s4] =	ssyncadd.s32 $0xFFFFFF38  }
0x94: {  	[tilespmem:s17], [sflag:$0x3] =	stream.linear.gather [hbm4b:s0+s3], $0xC8, $0x38;
	[tilespmem:$0xCB20] =	vst v63  }
0x95: {  	_ =	swait.ge [sflag:s4], $0xC8  }
0x96: {  	[sflag:s4] =	ssyncset.done $0x0  }
0x97: {  	[sflag:s4] =	ssyncadd.s32 $0xFFFFFF38  }
0x98: {  	[tilespmem:s8], [sflag:$0x1] =	stream.indirect.gather [hbm4b:s2+s17], $0x40, s3, s17, $0xb8;
	[tilespmem:$0xCB20] =	vst v63  }
0x99: {  	_ = 	snop  }
0x9a: {  	[tilespmem:s7], [sflag:$0x1] =	stream.indirect.gather [hbm4b:s2+s17], $0x40, s17, s17, $0xb8;
	[tilespmem:$0xCB20] =	vst v63  }
0x9b: {  	_ =	swait.ge [sflag:s21], $0x3200  }
0x9c: {  	[sflag:s21] =	ssyncset.done $0x0  }
0x9d: {  	[sflag:s21] =	ssyncadd.s32 $0xFFFFCE00  }
0x9e: {  	_ =	swait.ge [sflag:s21], $0x3200  }
0x9f: {  	[sflag:s21] =	ssyncset.done $0x0  }
0xa0: {  	s0 =	rddreg [dreg:$0x13];
	[sflag:s21] =	ssyncadd.s32 $0xFFFFCE00  }
0xa1: {  	[hbm4b:s0+s10] =	stream.strided.scatter [tilespmem:s18], [sflag:$0x3], $0x3200, s12, s10, $0x38;
	[tilespmem:$0xCB20] =	vst v63  }
0xa2: {  	_ =	swait.ge [sflag:s4], $0x3200  }
0xa3: {  	[sflag:s4] =	ssyncset.done $0x0  }
0xa4: {  	s0 =	rddreg [dreg:$0x14];
	[sflag:s4] =	ssyncadd.s32 $0xFFFFCE00  }
0xa5: {  	[hbm4b:s0+s10] =	stream.strided.scatter [tilespmem:s15], [sflag:$0x3], $0x3200, s12, s10, $0x38;
	[tilespmem:$0xCB20] =	vst v63  }
0xa6: {  	_ =	swait.ge [sflag:s4], $0x3200  }
0xa7: {  	[sflag:s4] =	ssyncset.done $0x0  }
0xa8: {  	s0 =	rddreg [dreg:$0x15];
	[sflag:s4] =	ssyncadd.s32 $0xFFFFCE00  }
0xa9: {  	[tilespmem:s26], [sflag:$0x3] =	stream.linear.gather [hbm4b:s0+s3], $0xC8, $0x38;
	[tilespmem:$0xCB20] =	vst v63  }
0xaa: {  	_ =	swait.ge [sflag:s4], $0xC8  }
0xab: {  	[sflag:s4] =	ssyncset.done $0x0  }
0xac: {  	s0 =	rddreg [dreg:$0x16];
	[sflag:s4] =	ssyncadd.s32 $0xFFFFFF38  }
0xad: {  	[tilespmem:s28], [sflag:$0x3] =	stream.linear.gather [hbm4b:s0+s3], $0xC8, $0x38;
	[tilespmem:$0xCB20] =	vst v63  }
0xae: {  	_ =	swait.ge [sflag:s4], $0xC8  }
0xaf: {  	[sflag:s4] =	ssyncset.done $0x0  }
0xb0: {  	[sflag:s4] =	ssyncadd.s32 $0xFFFFFF38  }
0xb1: {  	[tilespmem:s18], [sflag:$0x2] =	stream.indirect.gather [hbm4b:s2+s17], $0x40, s26, s17, $0xb8;
	[tilespmem:$0xCB20] =	vst v63  }
0xb2: {  	_ = 	snop  }
0xb3: {  	[tilespmem:s15], [sflag:$0x2] =	stream.indirect.gather [hbm4b:s2+s17], $0x40, s28, s17, $0xb8;
	[tilespmem:$0xCB20] =	vst v63  }
0xb4: {  	_ =	swait.ge [sflag:s13], $0x3200  }
0xb5: {  	[sflag:s13] =	ssyncset.done $0x0  }
0xb6: {  	[sflag:s13] =	ssyncadd.s32 $0xFFFFCE00  }
0xb7: {  	_ =	swait.ge [sflag:s13], $0x3200  }
0xb8: {  	[sflag:s13] =	ssyncset.done $0x0  }
0xb9: {  	s0 =	rddreg [dreg:$0x17];
	[sflag:s13] =	ssyncadd.s32 $0xFFFFCE00  }
0xba: {  	[hbm4b:s0+s10] =	stream.strided.scatter [tilespmem:s8], [sflag:$0x3], $0x3200, s12, s10, $0x38;
	[tilespmem:$0xCB20] =	vst v63  }
0xbb: {  	_ =	swait.ge [sflag:s4], $0x3200  }
0xbc: {  	[sflag:s4] =	ssyncset.done $0x0  }
0xbd: {  	s0 =	rddreg [dreg:$0x18];
	[sflag:s4] =	ssyncadd.s32 $0xFFFFCE00  }
0xbe: {  	[hbm4b:s0+s10] =	stream.strided.scatter [tilespmem:s7], [sflag:$0x3], $0x3200, s12, s10, $0x38;
	[tilespmem:$0xCB20] =	vst v63  }
0xbf: {  	_ =	swait.ge [sflag:s4], $0x3200  }
0xc0: {  	[sflag:s4] =	ssyncset.done $0x0  }
0xc1: {  	s0 =	rddreg [dreg:$0x19];
	[sflag:s4] =	ssyncadd.s32 $0xFFFFCE00  }
0xc2: {  	[tilespmem:s3], [sflag:$0x3] =	stream.linear.gather [hbm4b:s0+s3], $0xC8, $0x38;
	[tilespmem:$0xCB20] =	vst v63  }
0xc3: {  	_ =	swait.ge [sflag:s4], $0xC8  }
0xc4: {  	[sflag:s4] =	ssyncset.done $0x0  }
0xc5: {  	s0 =	rddreg [dreg:$0x1a];
	[sflag:s4] =	ssyncadd.s32 $0xFFFFFF38  }
0xc6: {  	[tilespmem:s17], [sflag:$0x3] =	stream.linear.gather [hbm4b:s0+s3], $0xC8, $0x38;
	[tilespmem:$0xCB20] =	vst v63  }
0xc7: {  	_ =	swait.ge [sflag:s4], $0xC8  }
0xc8: {  	[sflag:s4] =	ssyncset.done $0x0  }
0xc9: {  	[sflag:s4] =	ssyncadd.s32 $0xFFFFFF38  }
0xca: {  	[tilespmem:s8], [sflag:$0x1] =	stream.indirect.gather [hbm4b:s2+s17], $0x40, s3, s17, $0xb8;
	[tilespmem:$0xCB20] =	vst v63  }
0xcb: {  	_ = 	snop  }
0xcc: {  	[tilespmem:s7], [sflag:$0x1] =	stream.indirect.gather [hbm4b:s2+s17], $0x40, s17, s17, $0xb8;
	[tilespmem:$0xCB20] =	vst v63  }
0xcd: {  	_ =	swait.ge [sflag:s21], $0x3200  }
0xce: {  	[sflag:s21] =	ssyncset.done $0x0  }
0xcf: {  	[sflag:s21] =	ssyncadd.s32 $0xFFFFCE00  }
0xd0: {  	_ =	swait.ge [sflag:s21], $0x3200  }
0xd1: {  	[sflag:s21] =	ssyncset.done $0x0  }
0xd2: {  	s0 =	rddreg [dreg:$0x1b];
	[sflag:s21] =	ssyncadd.s32 $0xFFFFCE00  }
0xd3: {  	[hbm4b:s0+s10] =	stream.strided.scatter [tilespmem:s18], [sflag:$0x3], $0x3200, s12, s10, $0x38;
	[tilespmem:$0xCB20] =	vst v63  }
0xd4: {  	_ =	swait.ge [sflag:s4], $0x3200  }
0xd5: {  	[sflag:s4] =	ssyncset.done $0x0  }
0xd6: {  	s0 =	rddreg [dreg:$0x1c];
	[sflag:s4] =	ssyncadd.s32 $0xFFFFCE00  }
0xd7: {  	[hbm4b:s0+s10] =	stream.strided.scatter [tilespmem:s15], [sflag:$0x3], $0x3200, s12, s10, $0x38;
	[tilespmem:$0xCB20] =	vst v63  }
0xd8: {  	_ =	swait.ge [sflag:s4], $0x3200  }
0xd9: {  	[sflag:s4] =	ssyncset.done $0x0  }
0xda: {  	s0 =	rddreg [dreg:$0x1d];
	[sflag:s4] =	ssyncadd.s32 $0xFFFFCE00  }
0xdb: {  	[tilespmem:s26], [sflag:$0x3] =	stream.linear.gather [hbm4b:s0+s3], $0xC8, $0x38;
	[tilespmem:$0xCB20] =	vst v63  }
0xdc: {  	_ =	swait.ge [sflag:s4], $0xC8  }
0xdd: {  	[sflag:s4] =	ssyncset.done $0x0  }
0xde: {  	s0 =	rddreg [dreg:$0x1e];
	[sflag:s4] =	ssyncadd.s32 $0xFFFFFF38  }
0xdf: {  	[tilespmem:s28], [sflag:$0x3] =	stream.linear.gather [hbm4b:s0+s3], $0xC8, $0x38;
	[tilespmem:$0xCB20] =	vst v63  }
0xe0: {  	_ =	swait.ge [sflag:s4], $0xC8  }
0xe1: {  	[sflag:s4] =	ssyncset.done $0x0  }
0xe2: {  	[sflag:s4] =	ssyncadd.s32 $0xFFFFFF38  }
0xe3: {  	[tilespmem:s18], [sflag:$0x2] =	stream.indirect.gather [hbm4b:s2+s17], $0x40, s26, s17, $0xb8;
	[tilespmem:$0xCB20] =	vst v63  }
0xe4: {  	_ = 	snop  }
0xe5: {  	[tilespmem:s15], [sflag:$0x2] =	stream.indirect.gather [hbm4b:s2+s17], $0x40, s28, s17, $0xb8;
	[tilespmem:$0xCB20] =	vst v63  }
0xe6: {  	_ =	swait.ge [sflag:s13], $0x3200  }
0xe7: {  	[sflag:s13] =	ssyncset.done $0x0  }
0xe8: {  	[sflag:s13] =	ssyncadd.s32 $0xFFFFCE00  }
0xe9: {  	_ =	swait.ge [sflag:s13], $0x3200  }
0xea: {  	[sflag:s13] =	ssyncset.done $0x0  }
0xeb: {  	s0 =	rddreg [dreg:$0x1f];
	[sflag:s13] =	ssyncadd.s32 $0xFFFFCE00  }
0xec: {  	[hbm4b:s0+s10] =	stream.strided.scatter [tilespmem:s8], [sflag:$0x3], $0x3200, s12, s10, $0x38;
	[tilespmem:$0xCB20] =	vst v63  }
0xed: {  	_ =	swait.ge [sflag:s4], $0x3200  }
0xee: {  	s0 =	sld [smem:$0x7F6]  }
0xef: {  	[sflag:s4] =	ssyncset.done $0x0  }
0xf0: {  	[sflag:s4] =	ssyncadd.s32 $0xFFFFCE00  }
0xf1: {  	[hbm4b:s0+s10] =	stream.strided.scatter [tilespmem:s7], [sflag:$0x3], $0x3200, s12, s10, $0x38;
	[tilespmem:$0xCB20] =	vst v63  }
0xf2: {  	_ =	swait.ge [sflag:s4], $0x3200  }
0xf3: {  	s0 =	sld [smem:$0x7F7]  }
0xf4: {  	[sflag:s4] =	ssyncset.done $0x0  }
0xf5: {  	[sflag:s4] =	ssyncadd.s32 $0xFFFFCE00  }
0xf6: {  	[tilespmem:s3], [sflag:$0x3] =	stream.linear.gather [hbm4b:s0+s3], $0xC8, $0x38;
	[tilespmem:$0xCB20] =	vst v63  }
0xf7: {  	_ =	swait.ge [sflag:s4], $0xC8  }
0xf8: {  	s0 =	sld [smem:$0x7F8]  }
0xf9: {  	[sflag:s4] =	ssyncset.done $0x0  }
0xfa: {  	[sflag:s4] =	ssyncadd.s32 $0xFFFFFF38  }
0xfb: {  	[tilespmem:s17], [sflag:$0x3] =	stream.linear.gather [hbm4b:s0+s3], $0xC8, $0x38;
	[tilespmem:$0xCB20] =	vst v63  }
0xfc: {  	_ =	swait.ge [sflag:s4], $0xC8  }
0xfd: {  	[sflag:s4] =	ssyncset.done $0x0  }
0xfe: {  	[sflag:s4] =	ssyncadd.s32 $0xFFFFFF38  }
0xff: {  	[tilespmem:s8], [sflag:$0x1] =	stream.indirect.gather [hbm4b:s2+s17], $0x40, s3, s17, $0xb8;
	[tilespmem:$0xCB20] =	vst v63  }
0x100: {  	_ = 	snop  }
0x101: {  	[tilespmem:s7], [sflag:$0x1] =	stream.indirect.gather [hbm4b:s2+s17], $0x40, s17, s17, $0xb8;
	[tilespmem:$0xCB20] =	vst v63  }
0x102: {  	_ =	swait.ge [sflag:s21], $0x3200  }
0x103: {  	[sflag:s21] =	ssyncset.done $0x0  }
0x104: {  	[sflag:s21] =	ssyncadd.s32 $0xFFFFCE00  }
0x105: {  	_ =	swait.ge [sflag:s21], $0x3200  }
0x106: {  	s0 =	sld [smem:$0x7F9]  }
0x107: {  	[sflag:s21] =	ssyncset.done $0x0  }
0x108: {  	[sflag:s21] =	ssyncadd.s32 $0xFFFFCE00  }
0x109: {  	[hbm4b:s0+s10] =	stream.strided.scatter [tilespmem:s18], [sflag:$0x3], $0x3200, s12, s10, $0x38;
	[tilespmem:$0xCB20] =	vst v63  }
0x10a: {  	_ =	swait.ge [sflag:s4], $0x3200  }
0x10b: {  	s0 =	sld [smem:$0x7FA]  }
0x10c: {  	[sflag:s4] =	ssyncset.done $0x0  }
0x10d: {  	[sflag:s4] =	ssyncadd.s32 $0xFFFFCE00  }
0x10e: {  	[hbm4b:s0+s10] =	stream.strided.scatter [tilespmem:s15], [sflag:$0x3], $0x3200, s12, s10, $0x38;
	[tilespmem:$0xCB20] =	vst v63  }
0x10f: {  	_ =	swait.ge [sflag:s4], $0x3200  }
0x110: {  	s0 =	sld [smem:$0x7FB]  }
0x111: {  	[sflag:s4] =	ssyncset.done $0x0  }
0x112: {  	[sflag:s4] =	ssyncadd.s32 $0xFFFFCE00  }
0x113: {  	[tilespmem:s26], [sflag:$0x3] =	stream.linear.gather [hbm4b:s0+s3], $0xC8, $0x38;
	[tilespmem:$0xCB20] =	vst v63  }
0x114: {  	_ =	swait.ge [sflag:s4], $0xC8  }
0x115: {  	s0 =	sld [smem:$0x7FC]  }
0x116: {  	[sflag:s4] =	ssyncset.done $0x0  }
0x117: {  	[sflag:s4] =	ssyncadd.s32 $0xFFFFFF38  }
0x118: {  	[tilespmem:s28], [sflag:$0x3] =	stream.linear.gather [hbm4b:s0+s3], $0xC8, $0x38;
	[tilespmem:$0xCB20] =	vst v63  }
0x119: {  	_ =	swait.ge [sflag:s4], $0xC8  }
0x11a: {  	[sflag:s4] =	ssyncset.done $0x0  }
0x11b: {  	[sflag:s4] =	ssyncadd.s32 $0xFFFFFF38  }
0x11c: {  	[tilespmem:s18], [sflag:$0x2] =	stream.indirect.gather [hbm4b:s2+s17], $0x40, s26, s17, $0xb8;
	[tilespmem:$0xCB20] =	vst v63  }
0x11d: {  	_ = 	snop  }
0x11e: {  	[tilespmem:s15], [sflag:$0x2] =	stream.indirect.gather [hbm4b:s2+s17], $0x40, s28, s17, $0xb8;
	[tilespmem:$0xCB20] =	vst v63  }
0x11f: {  	_ =	swait.ge [sflag:s13], $0x3200  }
0x120: {  	[sflag:s13] =	ssyncset.done $0x0  }
0x121: {  	[sflag:s13] =	ssyncadd.s32 $0xFFFFCE00  }
0x122: {  	_ =	swait.ge [sflag:s13], $0x3200  }
0x123: {  	s0 =	sld [smem:$0x7FD]  }
0x124: {  	[sflag:s13] =	ssyncset.done $0x0  }
0x125: {  	[sflag:s13] =	ssyncadd.s32 $0xFFFFCE00  }
0x126: {  	[hbm4b:s0+s10] =	stream.strided.scatter [tilespmem:s8], [sflag:$0x3], $0x3200, s12, s10, $0x38;
	[tilespmem:$0xCB20] =	vst v63  }
0x127: {  	_ =	swait.ge [sflag:s4], $0x3200  }
0x128: {  	[sflag:s4] =	ssyncset.done $0x0  }
0x129: {  	[sflag:s4] =	ssyncadd.s32 $0xFFFFCE00  }
0x12a: {  	[hbm4b:s31+s10] =	stream.strided.scatter [tilespmem:s7], [sflag:$0x3], $0x3200, s12, s10, $0x38;
	[tilespmem:$0xCB20] =	vst v63  }
0x12b: {  	_ =	swait.ge [sflag:s4], $0x3200  }
0x12c: {  	[sflag:s4] =	ssyncset.done $0x0  }
0x12d: {  	[sflag:s4] =	ssyncadd.s32 $0xFFFFCE00  }
0x12e: {  	[tilespmem:s3], [sflag:$0x3] =	stream.linear.gather [hbm4b:s30+s3], $0xC8, $0x38;
	[tilespmem:$0xCB20] =	vst v63  }
0x12f: {  	_ =	swait.ge [sflag:s4], $0xC8  }
0x130: {  	[sflag:s4] =	ssyncset.done $0x0  }
0x131: {  	[sflag:s4] =	ssyncadd.s32 $0xFFFFFF38  }
0x132: {  	[tilespmem:s17], [sflag:$0x3] =	stream.linear.gather [hbm4b:s29+s3], $0xC8, $0x38;
	[tilespmem:$0xCB20] =	vst v63  }
0x133: {  	_ =	swait.ge [sflag:s4], $0xC8  }
0x134: {  	[sflag:s4] =	ssyncset.done $0x0  }
0x135: {  	[sflag:s4] =	ssyncadd.s32 $0xFFFFFF38  }
0x136: {  	[tilespmem:s8], [sflag:$0x1] =	stream.indirect.gather [hbm4b:s2+s17], $0x40, s3, s17, $0xb8;
	[tilespmem:$0xCB20] =	vst v63  }
0x137: {  	_ = 	snop  }
0x138: {  	[tilespmem:s7], [sflag:$0x1] =	stream.indirect.gather [hbm4b:s2+s17], $0x40, s17, s17, $0xb8;
	[tilespmem:$0xCB20] =	vst v63  }
0x139: {  	_ =	swait.ge [sflag:s21], $0x3200  }
0x13a: {  	[sflag:s21] =	ssyncset.done $0x0  }
0x13b: {  	[sflag:s21] =	ssyncadd.s32 $0xFFFFCE00  }
0x13c: {  	_ =	swait.ge [sflag:s21], $0x3200  }
0x13d: {  	[sflag:s21] =	ssyncset.done $0x0  }
0x13e: {  	[sflag:s21] =	ssyncadd.s32 $0xFFFFCE00  }
0x13f: {  	[hbm4b:s25+s10] =	stream.strided.scatter [tilespmem:s18], [sflag:$0x3], $0x3200, s12, s10, $0x38;
	[tilespmem:$0xCB20] =	vst v63  }
0x140: {  	_ =	swait.ge [sflag:s4], $0x3200  }
0x141: {  	[sflag:s4] =	ssyncset.done $0x0  }
0x142: {  	[sflag:s4] =	ssyncadd.s32 $0xFFFFCE00  }
0x143: {  	[hbm4b:s24+s10] =	stream.strided.scatter [tilespmem:s15], [sflag:$0x3], $0x3200, s12, s10, $0x38;
	[tilespmem:$0xCB20] =	vst v63  }
0x144: {  	_ =	swait.ge [sflag:s4], $0x3200  }
0x145: {  	[sflag:s4] =	ssyncset.done $0x0  }
0x146: {  	[sflag:s4] =	ssyncadd.s32 $0xFFFFCE00  }
0x147: {  	[tilespmem:s26], [sflag:$0x3] =	stream.linear.gather [hbm4b:s23+s3], $0xC8, $0x38;
	[tilespmem:$0xCB20] =	vst v63  }
0x148: {  	_ =	swait.ge [sflag:s4], $0xC8  }
0x149: {  	[sflag:s4] =	ssyncset.done $0x0  }
0x14a: {  	[sflag:s4] =	ssyncadd.s32 $0xFFFFFF38  }
0x14b: {  	[tilespmem:s28], [sflag:$0x3] =	stream.linear.gather [hbm4b:s22+s3], $0xC8, $0x38;
	[tilespmem:$0xCB20] =	vst v63  }
0x14c: {  	_ =	swait.ge [sflag:s4], $0xC8  }
0x14d: {  	[sflag:s4] =	ssyncset.done $0x0  }
0x14e: {  	[sflag:s4] =	ssyncadd.s32 $0xFFFFFF38  }
0x14f: {  	[tilespmem:s18], [sflag:$0x2] =	stream.indirect.gather [hbm4b:s2+s17], $0x40, s26, s17, $0xb8;
	[tilespmem:$0xCB20] =	vst v63  }
0x150: {  	_ = 	snop  }
0x151: {  	[tilespmem:s15], [sflag:$0x2] =	stream.indirect.gather [hbm4b:s2+s17], $0x40, s28, s17, $0xb8;
	[tilespmem:$0xCB20] =	vst v63  }
0x152: {  	_ =	swait.ge [sflag:s13], $0x3200  }
0x153: {  	[sflag:s13] =	ssyncset.done $0x0  }
0x154: {  	[sflag:s13] =	ssyncadd.s32 $0xFFFFCE00  }
0x155: {  	_ =	swait.ge [sflag:s13], $0x3200  }
0x156: {  	[sflag:s13] =	ssyncset.done $0x0  }
0x157: {  	[sflag:s13] =	ssyncadd.s32 $0xFFFFCE00  }
0x158: {  	[hbm4b:s20+s10] =	stream.strided.scatter [tilespmem:s8], [sflag:$0x3], $0x3200, s12, s10, $0x38;
	[tilespmem:$0xCB20] =	vst v63  }
0x159: {  	_ =	swait.ge [sflag:s4], $0x3200  }
0x15a: {  	[sflag:s4] =	ssyncset.done $0x0  }
0x15b: {  	[sflag:s4] =	ssyncadd.s32 $0xFFFFCE00  }
0x15c: {  	[hbm4b:s19+s10] =	stream.strided.scatter [tilespmem:s7], [sflag:$0x3], $0x3200, s12, s10, $0x38;
	[tilespmem:$0xCB20] =	vst v63  }
0x15d: {  	_ =	swait.ge [sflag:s4], $0x3200  }
0x15e: {  	[sflag:s4] =	ssyncset.done $0x0  }
0x15f: {  	[sflag:s4] =	ssyncadd.s32 $0xFFFFCE00  }
0x160: {  	[tilespmem:s3], [sflag:$0x3] =	stream.linear.gather [hbm4b:s16+s3], $0xC8, $0x38;
	[tilespmem:$0xCB20] =	vst v63  }
0x161: {  	_ =	swait.ge [sflag:s4], $0xC8  }
0x162: {  	[sflag:s4] =	ssyncset.done $0x0  }
0x163: {  	[sflag:s4] =	ssyncadd.s32 $0xFFFFFF38  }
0x164: {  	[tilespmem:s17], [sflag:$0x3] =	stream.linear.gather [hbm4b:s14+s3], $0xC8, $0x38;
	[tilespmem:$0xCB20] =	vst v63  }
0x165: {  	_ =	swait.ge [sflag:s4], $0xC8  }
0x166: {  	[sflag:s4] =	ssyncset.done $0x0  }
0x167: {  	[sflag:s4] =	ssyncadd.s32 $0xFFFFFF38  }
0x168: {  	[tilespmem:s8], [sflag:$0x1] =	stream.indirect.gather [hbm4b:s2+s17], $0x40, s3, s17, $0xb8;
	[tilespmem:$0xCB20] =	vst v63  }
0x169: {  	_ = 	snop  }
0x16a: {  	[tilespmem:s7], [sflag:$0x1] =	stream.indirect.gather [hbm4b:s2+s17], $0x40, s17, s17, $0xb8;
	[tilespmem:$0xCB20] =	vst v63  }
0x16b: {  	_ =	swait.ge [sflag:s21], $0x3200  }
0x16c: {  	[sflag:s21] =	ssyncset.done $0x0  }
0x16d: {  	[sflag:s21] =	ssyncadd.s32 $0xFFFFCE00  }
0x16e: {  	_ =	swait.ge [sflag:s21], $0x3200  }
0x16f: {  	[sflag:s21] =	ssyncset.done $0x0  }
0x170: {  	[sflag:s21] =	ssyncadd.s32 $0xFFFFCE00  }
0x171: {  	[hbm4b:s11+s10] =	stream.strided.scatter [tilespmem:s18], [sflag:$0x3], $0x3200, s12, s10, $0x38;
	[tilespmem:$0xCB20] =	vst v63  }
0x172: {  	_ =	swait.ge [sflag:s4], $0x3200  }
0x173: {  	[sflag:s4] =	ssyncset.done $0x0  }
0x174: {  	[sflag:s4] =	ssyncadd.s32 $0xFFFFCE00  }
0x175: {  	[hbm4b:s9+s10] =	stream.strided.scatter [tilespmem:s15], [sflag:$0x3], $0x3200, s12, s10, $0x38;
	[tilespmem:$0xCB20] =	vst v63  }
0x176: {  	_ =	swait.ge [sflag:s4], $0x3200  }
0x177: {  	[sflag:s4] =	ssyncset.done $0x0  }
0x178: {  	[sflag:s4] =	ssyncadd.s32 $0xFFFFCE00  }
0x179: {  	_ =	swait.ge [sflag:s13], $0x3200  }
0x17a: {  	[sflag:s13] =	ssyncset.done $0x0  }
0x17b: {  	[sflag:s13] =	ssyncadd.s32 $0xFFFFCE00  }
0x17c: {  	_ =	swait.ge [sflag:s13], $0x3200  }
0x17d: {  	[sflag:s13] =	ssyncset.done $0x0  }
0x17e: {  	[sflag:s13] =	ssyncadd.s32 $0xFFFFCE00  }
0x17f: {  	[hbm4b:s6+s10] =	stream.strided.scatter [tilespmem:s8], [sflag:$0x3], $0x3200, s12, s10, $0x38;
	[tilespmem:$0xCB20] =	vst v63  }
0x180: {  	p1 =	sne.s32 s1, $0x1;
	_ =	swait.ge [sflag:s4], $0x3200  }
.Ltmp1:
0x181: {  	[sflag:s4] =	ssyncset.done $0x0;
	(pc) =	sbr.rel @!p1 .LBB2_3-.Ltmp1, $4  }
0x182: {  	[sflag:s4] =	ssyncadd.s32 $0xFFFFCE00  }
0x183: {  	[hbm4b:s5+s10] =	stream.strided.scatter [tilespmem:s7], [sflag:$0x3], $0x3200, s12, s10, $0x38;
	[tilespmem:$0xCB20] =	vst v63  }
0x184: {  	s1 =	sadd.s32 $0xFFFFFFFF, s1;
	_ =	swait.ge [sflag:s4], $0x3200  }
0x185: {  	p0 =	por $0x1, $0x1;
	s0 =	rddreg [dreg:$0x3];
	[sflag:s4] =	ssyncset.done $0x0  }
.LBB2_2:
0x186: {  	[sflag:s4] =	ssyncadd.s32 $0xFFFFCE00  }
0x187: {  	[tilespmem:s3], [sflag:$0x3] =	stream.linear.gather [hbm4b:s0+s3], $0xC8, $0x38;
	[tilespmem:$0xCB20] =	vst v63  }
0x188: {  	_ =	swait.ge [sflag:s4], $0xC8  }
0x189: {  	[sflag:s4] =	ssyncset.done $0x0  }
0x18a: {  	s0 =	rddreg [dreg:$0x4];
	[sflag:s4] =	ssyncadd.s32 $0xFFFFFF38  }
0x18b: {  	[tilespmem:s17], [sflag:$0x3] =	stream.linear.gather [hbm4b:s0+s3], $0xC8, $0x38;
	[tilespmem:$0xCB20] =	vst v63  }
0x18c: {  	_ =	swait.ge [sflag:s4], $0xC8  }
0x18d: {  	[sflag:s4] =	ssyncset.done $0x0  }
0x18e: {  	[sflag:s4] =	ssyncadd.s32 $0xFFFFFF38  }
0x18f: {  	[tilespmem:s8], [sflag:$0x1] =	stream.indirect.gather [hbm4b:s2+s17], $0x40, s3, s17, $0xb8;
	[tilespmem:$0xCB20] =	vst v63  }
0x190: {  	_ = 	snop  }
0x191: {  	[tilespmem:s7], [sflag:$0x1] =	stream.indirect.gather [hbm4b:s2+s17], $0x40, s17, s17, $0xb8;
	[tilespmem:$0xCB20] =	vst v63  }
0x192: {  	s0 =	rddreg [dreg:$0x5]  }
0x193: {  	[tilespmem:s26], [sflag:$0x3] =	stream.linear.gather [hbm4b:s0+s3], $0xC8, $0x38;
	[tilespmem:$0xCB20] =	vst v63  }
0x194: {  	_ =	swait.ge [sflag:s4], $0xC8  }
0x195: {  	[sflag:s4] =	ssyncset.done $0x0  }
0x196: {  	s0 =	rddreg [dreg:$0x6];
	[sflag:s4] =	ssyncadd.s32 $0xFFFFFF38  }
0x197: {  	[tilespmem:s28], [sflag:$0x3] =	stream.linear.gather [hbm4b:s0+s3], $0xC8, $0x38;
	[tilespmem:$0xCB20] =	vst v63  }
0x198: {  	_ =	swait.ge [sflag:s4], $0xC8  }
0x199: {  	[sflag:s4] =	ssyncset.done $0x0  }
0x19a: {  	[sflag:s4] =	ssyncadd.s32 $0xFFFFFF38  }
0x19b: {  	[tilespmem:s18], [sflag:$0x2] =	stream.indirect.gather [hbm4b:s2+s17], $0x40, s26, s17, $0xb8;
	[tilespmem:$0xCB20] =	vst v63  }
0x19c: {  	_ = 	snop  }
0x19d: {  	[tilespmem:s15], [sflag:$0x2] =	stream.indirect.gather [hbm4b:s2+s17], $0x40, s28, s17, $0xb8;
	[tilespmem:$0xCB20] =	vst v63  }
0x19e: {  	_ =	swait.ge [sflag:s13], $0x3200  }
0x19f: {  	[sflag:s13] =	ssyncset.done $0x0  }
0x1a0: {  	[sflag:s13] =	ssyncadd.s32 $0xFFFFCE00  }
0x1a1: {  	_ =	swait.ge [sflag:s13], $0x3200  }
0x1a2: {  	[sflag:s13] =	ssyncset.done $0x0  }
0x1a3: {  	s0 =	rddreg [dreg:$0x7];
	[sflag:s13] =	ssyncadd.s32 $0xFFFFCE00  }
0x1a4: {  	[hbm4b:s0+s10] =	stream.strided.scatter [tilespmem:s8], [sflag:$0x3], $0x3200, s12, s10, $0x38;
	[tilespmem:$0xCB20] =	vst v63  }
0x1a5: {  	_ =	swait.ge [sflag:s4], $0x3200  }
0x1a6: {  	[sflag:s4] =	ssyncset.done $0x0  }
0x1a7: {  	s0 =	rddreg [dreg:$0x8];
	[sflag:s4] =	ssyncadd.s32 $0xFFFFCE00  }
0x1a8: {  	[hbm4b:s0+s10] =	stream.strided.scatter [tilespmem:s7], [sflag:$0x3], $0x3200, s12, s10, $0x38;
	[tilespmem:$0xCB20] =	vst v63  }
0x1a9: {  	_ =	swait.ge [sflag:s4], $0x3200  }
0x1aa: {  	[sflag:s4] =	ssyncset.done $0x0  }
0x1ab: {  	s0 =	rddreg [dreg:$0x9];
	[sflag:s4] =	ssyncadd.s32 $0xFFFFCE00  }
0x1ac: {  	[tilespmem:s3], [sflag:$0x3] =	stream.linear.gather [hbm4b:s0+s3], $0xC8, $0x38;
	[tilespmem:$0xCB20] =	vst v63  }
0x1ad: {  	_ =	swait.ge [sflag:s4], $0xC8  }
0x1ae: {  	[sflag:s4] =	ssyncset.done $0x0  }
0x1af: {  	s0 =	rddreg [dreg:$0xa];
	[sflag:s4] =	ssyncadd.s32 $0xFFFFFF38  }
0x1b0: {  	[tilespmem:s17], [sflag:$0x3] =	stream.linear.gather [hbm4b:s0+s3], $0xC8, $0x38;
	[tilespmem:$0xCB20] =	vst v63  }
0x1b1: {  	_ =	swait.ge [sflag:s4], $0xC8  }
0x1b2: {  	[sflag:s4] =	ssyncset.done $0x0  }
0x1b3: {  	[sflag:s4] =	ssyncadd.s32 $0xFFFFFF38  }
0x1b4: {  	[tilespmem:s8], [sflag:$0x1] =	stream.indirect.gather [hbm4b:s2+s17], $0x40, s3, s17, $0xb8;
	[tilespmem:$0xCB20] =	vst v63  }
0x1b5: {  	_ = 	snop  }
0x1b6: {  	[tilespmem:s7], [sflag:$0x1] =	stream.indirect.gather [hbm4b:s2+s17], $0x40, s17, s17, $0xb8;
	[tilespmem:$0xCB20] =	vst v63  }
0x1b7: {  	_ =	swait.ge [sflag:s21], $0x3200  }
0x1b8: {  	[sflag:s21] =	ssyncset.done $0x0  }
0x1b9: {  	[sflag:s21] =	ssyncadd.s32 $0xFFFFCE00  }
0x1ba: {  	_ =	swait.ge [sflag:s21], $0x3200  }
0x1bb: {  	[sflag:s21] =	ssyncset.done $0x0  }
0x1bc: {  	s0 =	rddreg [dreg:$0xb];
	[sflag:s21] =	ssyncadd.s32 $0xFFFFCE00  }
0x1bd: {  	[hbm4b:s0+s10] =	stream.strided.scatter [tilespmem:s18], [sflag:$0x3], $0x3200, s12, s10, $0x38;
	[tilespmem:$0xCB20] =	vst v63  }
0x1be: {  	_ =	swait.ge [sflag:s4], $0x3200  }
0x1bf: {  	[sflag:s4] =	ssyncset.done $0x0  }
0x1c0: {  	s0 =	rddreg [dreg:$0xc];
	[sflag:s4] =	ssyncadd.s32 $0xFFFFCE00  }
0x1c1: {  	[hbm4b:s0+s10] =	stream.strided.scatter [tilespmem:s15], [sflag:$0x3], $0x3200, s12, s10, $0x38;
	[tilespmem:$0xCB20] =	vst v63  }
0x1c2: {  	_ =	swait.ge [sflag:s4], $0x3200  }
0x1c3: {  	[sflag:s4] =	ssyncset.done $0x0  }
0x1c4: {  	s0 =	rddreg [dreg:$0xd];
	[sflag:s4] =	ssyncadd.s32 $0xFFFFCE00  }
0x1c5: {  	[tilespmem:s26], [sflag:$0x3] =	stream.linear.gather [hbm4b:s0+s3], $0xC8, $0x38;
	[tilespmem:$0xCB20] =	vst v63  }
0x1c6: {  	_ =	swait.ge [sflag:s4], $0xC8  }
0x1c7: {  	[sflag:s4] =	ssyncset.done $0x0  }
0x1c8: {  	s0 =	rddreg [dreg:$0xe];
	[sflag:s4] =	ssyncadd.s32 $0xFFFFFF38  }
0x1c9: {  	[tilespmem:s28], [sflag:$0x3] =	stream.linear.gather [hbm4b:s0+s3], $0xC8, $0x38;
	[tilespmem:$0xCB20] =	vst v63  }
0x1ca: {  	_ =	swait.ge [sflag:s4], $0xC8  }
0x1cb: {  	[sflag:s4] =	ssyncset.done $0x0  }
0x1cc: {  	[sflag:s4] =	ssyncadd.s32 $0xFFFFFF38  }
0x1cd: {  	[tilespmem:s18], [sflag:$0x2] =	stream.indirect.gather [hbm4b:s2+s17], $0x40, s26, s17, $0xb8;
	[tilespmem:$0xCB20] =	vst v63  }
0x1ce: {  	_ = 	snop  }
0x1cf: {  	[tilespmem:s15], [sflag:$0x2] =	stream.indirect.gather [hbm4b:s2+s17], $0x40, s28, s17, $0xb8;
	[tilespmem:$0xCB20] =	vst v63  }
0x1d0: {  	_ =	swait.ge [sflag:s13], $0x3200  }
0x1d1: {  	[sflag:s13] =	ssyncset.done $0x0  }
0x1d2: {  	[sflag:s13] =	ssyncadd.s32 $0xFFFFCE00  }
0x1d3: {  	_ =	swait.ge [sflag:s13], $0x3200  }
0x1d4: {  	[sflag:s13] =	ssyncset.done $0x0  }
0x1d5: {  	s0 =	rddreg [dreg:$0xf];
	[sflag:s13] =	ssyncadd.s32 $0xFFFFCE00  }
0x1d6: {  	[hbm4b:s0+s10] =	stream.strided.scatter [tilespmem:s8], [sflag:$0x3], $0x3200, s12, s10, $0x38;
	[tilespmem:$0xCB20] =	vst v63  }
0x1d7: {  	_ =	swait.ge [sflag:s4], $0x3200  }
0x1d8: {  	[sflag:s4] =	ssyncset.done $0x0  }
0x1d9: {  	s0 =	rddreg [dreg:$0x10];
	[sflag:s4] =	ssyncadd.s32 $0xFFFFCE00  }
0x1da: {  	[hbm4b:s0+s10] =	stream.strided.scatter [tilespmem:s7], [sflag:$0x3], $0x3200, s12, s10, $0x38;
	[tilespmem:$0xCB20] =	vst v63  }
0x1db: {  	_ =	swait.ge [sflag:s4], $0x3200  }
0x1dc: {  	[sflag:s4] =	ssyncset.done $0x0  }
0x1dd: {  	s0 =	rddreg [dreg:$0x11];
	[sflag:s4] =	ssyncadd.s32 $0xFFFFCE00  }
0x1de: {  	[tilespmem:s3], [sflag:$0x3] =	stream.linear.gather [hbm4b:s0+s3], $0xC8, $0x38;
	[tilespmem:$0xCB20] =	vst v63  }
0x1df: {  	_ =	swait.ge [sflag:s4], $0xC8  }
0x1e0: {  	[sflag:s4] =	ssyncset.done $0x0  }
0x1e1: {  	s0 =	rddreg [dreg:$0x12];
	[sflag:s4] =	ssyncadd.s32 $0xFFFFFF38  }
0x1e2: {  	[tilespmem:s17], [sflag:$0x3] =	stream.linear.gather [hbm4b:s0+s3], $0xC8, $0x38;
	[tilespmem:$0xCB20] =	vst v63  }
0x1e3: {  	_ =	swait.ge [sflag:s4], $0xC8  }
0x1e4: {  	[sflag:s4] =	ssyncset.done $0x0  }
0x1e5: {  	[sflag:s4] =	ssyncadd.s32 $0xFFFFFF38  }
0x1e6: {  	[tilespmem:s8], [sflag:$0x1] =	stream.indirect.gather [hbm4b:s2+s17], $0x40, s3, s17, $0xb8;
	[tilespmem:$0xCB20] =	vst v63  }
0x1e7: {  	_ = 	snop  }
0x1e8: {  	[tilespmem:s7], [sflag:$0x1] =	stream.indirect.gather [hbm4b:s2+s17], $0x40, s17, s17, $0xb8;
	[tilespmem:$0xCB20] =	vst v63  }
0x1e9: {  	_ =	swait.ge [sflag:s21], $0x3200  }
0x1ea: {  	[sflag:s21] =	ssyncset.done $0x0  }
0x1eb: {  	[sflag:s21] =	ssyncadd.s32 $0xFFFFCE00  }
0x1ec: {  	_ =	swait.ge [sflag:s21], $0x3200  }
0x1ed: {  	[sflag:s21] =	ssyncset.done $0x0  }
0x1ee: {  	s0 =	rddreg [dreg:$0x13];
	[sflag:s21] =	ssyncadd.s32 $0xFFFFCE00  }
0x1ef: {  	[hbm4b:s0+s10] =	stream.strided.scatter [tilespmem:s18], [sflag:$0x3], $0x3200, s12, s10, $0x38;
	[tilespmem:$0xCB20] =	vst v63  }
0x1f0: {  	_ =	swait.ge [sflag:s4], $0x3200  }
0x1f1: {  	[sflag:s4] =	ssyncset.done $0x0  }
0x1f2: {  	s0 =	rddreg [dreg:$0x14];
	[sflag:s4] =	ssyncadd.s32 $0xFFFFCE00  }
0x1f3: {  	[hbm4b:s0+s10] =	stream.strided.scatter [tilespmem:s15], [sflag:$0x3], $0x3200, s12, s10, $0x38;
	[tilespmem:$0xCB20] =	vst v63  }
0x1f4: {  	_ =	swait.ge [sflag:s4], $0x3200  }
0x1f5: {  	[sflag:s4] =	ssyncset.done $0x0  }
0x1f6: {  	s0 =	rddreg [dreg:$0x15];
	[sflag:s4] =	ssyncadd.s32 $0xFFFFCE00  }
0x1f7: {  	[tilespmem:s26], [sflag:$0x3] =	stream.linear.gather [hbm4b:s0+s3], $0xC8, $0x38;
	[tilespmem:$0xCB20] =	vst v63  }
0x1f8: {  	_ =	swait.ge [sflag:s4], $0xC8  }
0x1f9: {  	[sflag:s4] =	ssyncset.done $0x0  }
0x1fa: {  	s0 =	rddreg [dreg:$0x16];
	[sflag:s4] =	ssyncadd.s32 $0xFFFFFF38  }
0x1fb: {  	[tilespmem:s28], [sflag:$0x3] =	stream.linear.gather [hbm4b:s0+s3], $0xC8, $0x38;
	[tilespmem:$0xCB20] =	vst v63  }
0x1fc: {  	_ =	swait.ge [sflag:s4], $0xC8  }
0x1fd: {  	[sflag:s4] =	ssyncset.done $0x0  }
0x1fe: {  	[sflag:s4] =	ssyncadd.s32 $0xFFFFFF38  }
0x1ff: {  	[tilespmem:s18], [sflag:$0x2] =	stream.indirect.gather [hbm4b:s2+s17], $0x40, s26, s17, $0xb8;
	[tilespmem:$0xCB20] =	vst v63  }
0x200: {  	_ = 	snop  }
0x201: {  	[tilespmem:s15], [sflag:$0x2] =	stream.indirect.gather [hbm4b:s2+s17], $0x40, s28, s17, $0xb8;
	[tilespmem:$0xCB20] =	vst v63  }
0x202: {  	_ =	swait.ge [sflag:s13], $0x3200  }
0x203: {  	[sflag:s13] =	ssyncset.done $0x0  }
0x204: {  	[sflag:s13] =	ssyncadd.s32 $0xFFFFCE00  }
0x205: {  	_ =	swait.ge [sflag:s13], $0x3200  }
0x206: {  	[sflag:s13] =	ssyncset.done $0x0  }
0x207: {  	s0 =	rddreg [dreg:$0x17];
	[sflag:s13] =	ssyncadd.s32 $0xFFFFCE00  }
0x208: {  	[hbm4b:s0+s10] =	stream.strided.scatter [tilespmem:s8], [sflag:$0x3], $0x3200, s12, s10, $0x38;
	[tilespmem:$0xCB20] =	vst v63  }
0x209: {  	_ =	swait.ge [sflag:s4], $0x3200  }
0x20a: {  	[sflag:s4] =	ssyncset.done $0x0  }
0x20b: {  	s0 =	rddreg [dreg:$0x18];
	[sflag:s4] =	ssyncadd.s32 $0xFFFFCE00  }
0x20c: {  	[hbm4b:s0+s10] =	stream.strided.scatter [tilespmem:s7], [sflag:$0x3], $0x3200, s12, s10, $0x38;
	[tilespmem:$0xCB20] =	vst v63  }
0x20d: {  	_ =	swait.ge [sflag:s4], $0x3200  }
0x20e: {  	[sflag:s4] =	ssyncset.done $0x0  }
0x20f: {  	s0 =	rddreg [dreg:$0x19];
	[sflag:s4] =	ssyncadd.s32 $0xFFFFCE00  }
0x210: {  	[tilespmem:s3], [sflag:$0x3] =	stream.linear.gather [hbm4b:s0+s3], $0xC8, $0x38;
	[tilespmem:$0xCB20] =	vst v63  }
0x211: {  	_ =	swait.ge [sflag:s4], $0xC8  }
0x212: {  	[sflag:s4] =	ssyncset.done $0x0  }
0x213: {  	s0 =	rddreg [dreg:$0x1a];
	[sflag:s4] =	ssyncadd.s32 $0xFFFFFF38  }
0x214: {  	[tilespmem:s17], [sflag:$0x3] =	stream.linear.gather [hbm4b:s0+s3], $0xC8, $0x38;
	[tilespmem:$0xCB20] =	vst v63  }
0x215: {  	_ =	swait.ge [sflag:s4], $0xC8  }
0x216: {  	[sflag:s4] =	ssyncset.done $0x0  }
0x217: {  	[sflag:s4] =	ssyncadd.s32 $0xFFFFFF38  }
0x218: {  	[tilespmem:s8], [sflag:$0x1] =	stream.indirect.gather [hbm4b:s2+s17], $0x40, s3, s17, $0xb8;
	[tilespmem:$0xCB20] =	vst v63  }
0x219: {  	_ = 	snop  }
0x21a: {  	[tilespmem:s7], [sflag:$0x1] =	stream.indirect.gather [hbm4b:s2+s17], $0x40, s17, s17, $0xb8;
	[tilespmem:$0xCB20] =	vst v63  }
0x21b: {  	_ =	swait.ge [sflag:s21], $0x3200  }
0x21c: {  	[sflag:s21] =	ssyncset.done $0x0  }
0x21d: {  	[sflag:s21] =	ssyncadd.s32 $0xFFFFCE00  }
0x21e: {  	_ =	swait.ge [sflag:s21], $0x3200  }
0x21f: {  	[sflag:s21] =	ssyncset.done $0x0  }
0x220: {  	s0 =	rddreg [dreg:$0x1b];
	[sflag:s21] =	ssyncadd.s32 $0xFFFFCE00  }
0x221: {  	[hbm4b:s0+s10] =	stream.strided.scatter [tilespmem:s18], [sflag:$0x3], $0x3200, s12, s10, $0x38;
	[tilespmem:$0xCB20] =	vst v63  }
0x222: {  	_ =	swait.ge [sflag:s4], $0x3200  }
0x223: {  	[sflag:s4] =	ssyncset.done $0x0  }
0x224: {  	s0 =	rddreg [dreg:$0x1c];
	[sflag:s4] =	ssyncadd.s32 $0xFFFFCE00  }
0x225: {  	[hbm4b:s0+s10] =	stream.strided.scatter [tilespmem:s15], [sflag:$0x3], $0x3200, s12, s10, $0x38;
	[tilespmem:$0xCB20] =	vst v63  }
0x226: {  	_ =	swait.ge [sflag:s4], $0x3200  }
0x227: {  	[sflag:s4] =	ssyncset.done $0x0  }
0x228: {  	s0 =	rddreg [dreg:$0x1d];
	[sflag:s4] =	ssyncadd.s32 $0xFFFFCE00  }
0x229: {  	[tilespmem:s26], [sflag:$0x3] =	stream.linear.gather [hbm4b:s0+s3], $0xC8, $0x38;
	[tilespmem:$0xCB20] =	vst v63  }
0x22a: {  	_ =	swait.ge [sflag:s4], $0xC8  }
0x22b: {  	[sflag:s4] =	ssyncset.done $0x0  }
0x22c: {  	s0 =	rddreg [dreg:$0x1e];
	[sflag:s4] =	ssyncadd.s32 $0xFFFFFF38  }
0x22d: {  	[tilespmem:s28], [sflag:$0x3] =	stream.linear.gather [hbm4b:s0+s3], $0xC8, $0x38;
	[tilespmem:$0xCB20] =	vst v63  }
0x22e: {  	_ =	swait.ge [sflag:s4], $0xC8  }
0x22f: {  	[sflag:s4] =	ssyncset.done $0x0  }
0x230: {  	[sflag:s4] =	ssyncadd.s32 $0xFFFFFF38  }
0x231: {  	[tilespmem:s18], [sflag:$0x2] =	stream.indirect.gather [hbm4b:s2+s17], $0x40, s26, s17, $0xb8;
	[tilespmem:$0xCB20] =	vst v63  }
0x232: {  	_ = 	snop  }
0x233: {  	[tilespmem:s15], [sflag:$0x2] =	stream.indirect.gather [hbm4b:s2+s17], $0x40, s28, s17, $0xb8;
	[tilespmem:$0xCB20] =	vst v63  }
0x234: {  	_ =	swait.ge [sflag:s13], $0x3200  }
0x235: {  	[sflag:s13] =	ssyncset.done $0x0  }
0x236: {  	[sflag:s13] =	ssyncadd.s32 $0xFFFFCE00  }
0x237: {  	_ =	swait.ge [sflag:s13], $0x3200  }
0x238: {  	[sflag:s13] =	ssyncset.done $0x0  }
0x239: {  	s0 =	rddreg [dreg:$0x1f];
	[sflag:s13] =	ssyncadd.s32 $0xFFFFCE00  }
0x23a: {  	[hbm4b:s0+s10] =	stream.strided.scatter [tilespmem:s8], [sflag:$0x3], $0x3200, s12, s10, $0x38;
	[tilespmem:$0xCB20] =	vst v63  }
0x23b: {  	_ =	swait.ge [sflag:s4], $0x3200  }
0x23c: {  	s0 =	sld [smem:$0x7F6]  }
0x23d: {  	[sflag:s4] =	ssyncset.done $0x0  }
0x23e: {  	[sflag:s4] =	ssyncadd.s32 $0xFFFFCE00  }
0x23f: {  	[hbm4b:s0+s10] =	stream.strided.scatter [tilespmem:s7], [sflag:$0x3], $0x3200, s12, s10, $0x38;
	[tilespmem:$0xCB20] =	vst v63  }
0x240: {  	_ =	swait.ge [sflag:s4], $0x3200  }
0x241: {  	s0 =	sld [smem:$0x7F7]  }
0x242: {  	[sflag:s4] =	ssyncset.done $0x0  }
0x243: {  	[sflag:s4] =	ssyncadd.s32 $0xFFFFCE00  }
0x244: {  	[tilespmem:s3], [sflag:$0x3] =	stream.linear.gather [hbm4b:s0+s3], $0xC8, $0x38;
	[tilespmem:$0xCB20] =	vst v63  }
0x245: {  	_ =	swait.ge [sflag:s4], $0xC8  }
0x246: {  	s0 =	sld [smem:$0x7F8]  }
0x247: {  	[sflag:s4] =	ssyncset.done $0x0  }
0x248: {  	[sflag:s4] =	ssyncadd.s32 $0xFFFFFF38  }
0x249: {  	[tilespmem:s17], [sflag:$0x3] =	stream.linear.gather [hbm4b:s0+s3], $0xC8, $0x38;
	[tilespmem:$0xCB20] =	vst v63  }
0x24a: {  	_ =	swait.ge [sflag:s4], $0xC8  }
0x24b: {  	[sflag:s4] =	ssyncset.done $0x0  }
0x24c: {  	[sflag:s4] =	ssyncadd.s32 $0xFFFFFF38  }
0x24d: {  	[tilespmem:s8], [sflag:$0x1] =	stream.indirect.gather [hbm4b:s2+s17], $0x40, s3, s17, $0xb8;
	[tilespmem:$0xCB20] =	vst v63  }
0x24e: {  	_ = 	snop  }
0x24f: {  	[tilespmem:s7], [sflag:$0x1] =	stream.indirect.gather [hbm4b:s2+s17], $0x40, s17, s17, $0xb8;
	[tilespmem:$0xCB20] =	vst v63  }
0x250: {  	_ =	swait.ge [sflag:s21], $0x3200  }
0x251: {  	[sflag:s21] =	ssyncset.done $0x0  }
0x252: {  	[sflag:s21] =	ssyncadd.s32 $0xFFFFCE00  }
0x253: {  	_ =	swait.ge [sflag:s21], $0x3200  }
0x254: {  	s0 =	sld [smem:$0x7F9]  }
0x255: {  	[sflag:s21] =	ssyncset.done $0x0  }
0x256: {  	[sflag:s21] =	ssyncadd.s32 $0xFFFFCE00  }
0x257: {  	[hbm4b:s0+s10] =	stream.strided.scatter [tilespmem:s18], [sflag:$0x3], $0x3200, s12, s10, $0x38;
	[tilespmem:$0xCB20] =	vst v63  }
0x258: {  	_ =	swait.ge [sflag:s4], $0x3200  }
0x259: {  	s0 =	sld [smem:$0x7FA]  }
0x25a: {  	[sflag:s4] =	ssyncset.done $0x0  }
0x25b: {  	[sflag:s4] =	ssyncadd.s32 $0xFFFFCE00  }
0x25c: {  	[hbm4b:s0+s10] =	stream.strided.scatter [tilespmem:s15], [sflag:$0x3], $0x3200, s12, s10, $0x38;
	[tilespmem:$0xCB20] =	vst v63  }
0x25d: {  	_ =	swait.ge [sflag:s4], $0x3200  }
0x25e: {  	s0 =	sld [smem:$0x7FB]  }
0x25f: {  	[sflag:s4] =	ssyncset.done $0x0  }
0x260: {  	[sflag:s4] =	ssyncadd.s32 $0xFFFFCE00  }
0x261: {  	[tilespmem:s26], [sflag:$0x3] =	stream.linear.gather [hbm4b:s0+s3], $0xC8, $0x38;
	[tilespmem:$0xCB20] =	vst v63  }
0x262: {  	_ =	swait.ge [sflag:s4], $0xC8  }
0x263: {  	s0 =	sld [smem:$0x7FC]  }
0x264: {  	[sflag:s4] =	ssyncset.done $0x0  }
0x265: {  	[sflag:s4] =	ssyncadd.s32 $0xFFFFFF38  }
0x266: {  	[tilespmem:s28], [sflag:$0x3] =	stream.linear.gather [hbm4b:s0+s3], $0xC8, $0x38;
	[tilespmem:$0xCB20] =	vst v63  }
0x267: {  	_ =	swait.ge [sflag:s4], $0xC8  }
0x268: {  	[sflag:s4] =	ssyncset.done $0x0  }
0x269: {  	[sflag:s4] =	ssyncadd.s32 $0xFFFFFF38  }
0x26a: {  	[tilespmem:s18], [sflag:$0x2] =	stream.indirect.gather [hbm4b:s2+s17], $0x40, s26, s17, $0xb8;
	[tilespmem:$0xCB20] =	vst v63  }
0x26b: {  	_ = 	snop  }
0x26c: {  	[tilespmem:s15], [sflag:$0x2] =	stream.indirect.gather [hbm4b:s2+s17], $0x40, s28, s17, $0xb8;
	[tilespmem:$0xCB20] =	vst v63  }
0x26d: {  	_ =	swait.ge [sflag:s13], $0x3200  }
0x26e: {  	[sflag:s13] =	ssyncset.done $0x0  }
0x26f: {  	[sflag:s13] =	ssyncadd.s32 $0xFFFFCE00  }
0x270: {  	_ =	swait.ge [sflag:s13], $0x3200  }
0x271: {  	s0 =	sld [smem:$0x7FD]  }
0x272: {  	[sflag:s13] =	ssyncset.done $0x0  }
0x273: {  	[sflag:s13] =	ssyncadd.s32 $0xFFFFCE00  }
0x274: {  	[hbm4b:s0+s10] =	stream.strided.scatter [tilespmem:s8], [sflag:$0x3], $0x3200, s12, s10, $0x38;
	[tilespmem:$0xCB20] =	vst v63  }
0x275: {  	_ =	swait.ge [sflag:s4], $0x3200  }
0x276: {  	[sflag:s4] =	ssyncset.done $0x0  }
0x277: {  	[sflag:s4] =	ssyncadd.s32 $0xFFFFCE00  }
0x278: {  	[hbm4b:s31+s10] =	stream.strided.scatter [tilespmem:s7], [sflag:$0x3], $0x3200, s12, s10, $0x38;
	[tilespmem:$0xCB20] =	vst v63  }
0x279: {  	_ =	swait.ge [sflag:s4], $0x3200  }
0x27a: {  	[sflag:s4] =	ssyncset.done $0x0  }
0x27b: {  	[sflag:s4] =	ssyncadd.s32 $0xFFFFCE00  }
0x27c: {  	[tilespmem:s3], [sflag:$0x3] =	stream.linear.gather [hbm4b:s30+s3], $0xC8, $0x38;
	[tilespmem:$0xCB20] =	vst v63  }
0x27d: {  	_ =	swait.ge [sflag:s4], $0xC8  }
0x27e: {  	[sflag:s4] =	ssyncset.done $0x0  }
0x27f: {  	[sflag:s4] =	ssyncadd.s32 $0xFFFFFF38  }
0x280: {  	[tilespmem:s17], [sflag:$0x3] =	stream.linear.gather [hbm4b:s29+s3], $0xC8, $0x38;
	[tilespmem:$0xCB20] =	vst v63  }
0x281: {  	_ =	swait.ge [sflag:s4], $0xC8  }
0x282: {  	[sflag:s4] =	ssyncset.done $0x0  }
0x283: {  	[sflag:s4] =	ssyncadd.s32 $0xFFFFFF38  }
0x284: {  	[tilespmem:s8], [sflag:$0x1] =	stream.indirect.gather [hbm4b:s2+s17], $0x40, s3, s17, $0xb8;
	[tilespmem:$0xCB20] =	vst v63  }
0x285: {  	_ = 	snop  }
0x286: {  	[tilespmem:s7], [sflag:$0x1] =	stream.indirect.gather [hbm4b:s2+s17], $0x40, s17, s17, $0xb8;
	[tilespmem:$0xCB20] =	vst v63  }
0x287: {  	_ =	swait.ge [sflag:s21], $0x3200  }
0x288: {  	[sflag:s21] =	ssyncset.done $0x0  }
0x289: {  	[sflag:s21] =	ssyncadd.s32 $0xFFFFCE00  }
0x28a: {  	_ =	swait.ge [sflag:s21], $0x3200  }
0x28b: {  	[sflag:s21] =	ssyncset.done $0x0  }
0x28c: {  	[sflag:s21] =	ssyncadd.s32 $0xFFFFCE00  }
0x28d: {  	[hbm4b:s25+s10] =	stream.strided.scatter [tilespmem:s18], [sflag:$0x3], $0x3200, s12, s10, $0x38;
	[tilespmem:$0xCB20] =	vst v63  }
0x28e: {  	_ =	swait.ge [sflag:s4], $0x3200  }
0x28f: {  	[sflag:s4] =	ssyncset.done $0x0  }
0x290: {  	[sflag:s4] =	ssyncadd.s32 $0xFFFFCE00  }
0x291: {  	[hbm4b:s24+s10] =	stream.strided.scatter [tilespmem:s15], [sflag:$0x3], $0x3200, s12, s10, $0x38;
	[tilespmem:$0xCB20] =	vst v63  }
0x292: {  	_ =	swait.ge [sflag:s4], $0x3200  }
0x293: {  	[sflag:s4] =	ssyncset.done $0x0  }
0x294: {  	[sflag:s4] =	ssyncadd.s32 $0xFFFFCE00  }
0x295: {  	[tilespmem:s26], [sflag:$0x3] =	stream.linear.gather [hbm4b:s23+s3], $0xC8, $0x38;
	[tilespmem:$0xCB20] =	vst v63  }
0x296: {  	_ =	swait.ge [sflag:s4], $0xC8  }
0x297: {  	[sflag:s4] =	ssyncset.done $0x0  }
0x298: {  	[sflag:s4] =	ssyncadd.s32 $0xFFFFFF38  }
0x299: {  	[tilespmem:s28], [sflag:$0x3] =	stream.linear.gather [hbm4b:s22+s3], $0xC8, $0x38;
	[tilespmem:$0xCB20] =	vst v63  }
0x29a: {  	_ =	swait.ge [sflag:s4], $0xC8  }
0x29b: {  	[sflag:s4] =	ssyncset.done $0x0  }
0x29c: {  	[sflag:s4] =	ssyncadd.s32 $0xFFFFFF38  }
0x29d: {  	[tilespmem:s18], [sflag:$0x2] =	stream.indirect.gather [hbm4b:s2+s17], $0x40, s26, s17, $0xb8;
	[tilespmem:$0xCB20] =	vst v63  }
0x29e: {  	_ = 	snop  }
0x29f: {  	[tilespmem:s15], [sflag:$0x2] =	stream.indirect.gather [hbm4b:s2+s17], $0x40, s28, s17, $0xb8;
	[tilespmem:$0xCB20] =	vst v63  }
0x2a0: {  	_ =	swait.ge [sflag:s13], $0x3200  }
0x2a1: {  	[sflag:s13] =	ssyncset.done $0x0  }
0x2a2: {  	[sflag:s13] =	ssyncadd.s32 $0xFFFFCE00  }
0x2a3: {  	_ =	swait.ge [sflag:s13], $0x3200  }
0x2a4: {  	[sflag:s13] =	ssyncset.done $0x0  }
0x2a5: {  	[sflag:s13] =	ssyncadd.s32 $0xFFFFCE00  }
0x2a6: {  	[hbm4b:s20+s10] =	stream.strided.scatter [tilespmem:s8], [sflag:$0x3], $0x3200, s12, s10, $0x38;
	[tilespmem:$0xCB20] =	vst v63  }
0x2a7: {  	_ =	swait.ge [sflag:s4], $0x3200  }
0x2a8: {  	[sflag:s4] =	ssyncset.done $0x0  }
0x2a9: {  	[sflag:s4] =	ssyncadd.s32 $0xFFFFCE00  }
0x2aa: {  	[hbm4b:s19+s10] =	stream.strided.scatter [tilespmem:s7], [sflag:$0x3], $0x3200, s12, s10, $0x38;
	[tilespmem:$0xCB20] =	vst v63  }
0x2ab: {  	_ =	swait.ge [sflag:s4], $0x3200  }
0x2ac: {  	[sflag:s4] =	ssyncset.done $0x0  }
0x2ad: {  	[sflag:s4] =	ssyncadd.s32 $0xFFFFCE00  }
0x2ae: {  	[tilespmem:s3], [sflag:$0x3] =	stream.linear.gather [hbm4b:s16+s3], $0xC8, $0x38;
	[tilespmem:$0xCB20] =	vst v63  }
0x2af: {  	_ =	swait.ge [sflag:s4], $0xC8  }
0x2b0: {  	[sflag:s4] =	ssyncset.done $0x0  }
0x2b1: {  	[sflag:s4] =	ssyncadd.s32 $0xFFFFFF38  }
0x2b2: {  	[tilespmem:s17], [sflag:$0x3] =	stream.linear.gather [hbm4b:s14+s3], $0xC8, $0x38;
	[tilespmem:$0xCB20] =	vst v63  }
0x2b3: {  	_ =	swait.ge [sflag:s4], $0xC8  }
0x2b4: {  	[sflag:s4] =	ssyncset.done $0x0  }
0x2b5: {  	[sflag:s4] =	ssyncadd.s32 $0xFFFFFF38  }
0x2b6: {  	[tilespmem:s8], [sflag:$0x1] =	stream.indirect.gather [hbm4b:s2+s17], $0x40, s3, s17, $0xb8;
	[tilespmem:$0xCB20] =	vst v63  }
0x2b7: {  	_ = 	snop  }
0x2b8: {  	[tilespmem:s7], [sflag:$0x1] =	stream.indirect.gather [hbm4b:s2+s17], $0x40, s17, s17, $0xb8;
	[tilespmem:$0xCB20] =	vst v63  }
0x2b9: {  	_ =	swait.ge [sflag:s21], $0x3200  }
0x2ba: {  	[sflag:s21] =	ssyncset.done $0x0  }
0x2bb: {  	[sflag:s21] =	ssyncadd.s32 $0xFFFFCE00  }
0x2bc: {  	_ =	swait.ge [sflag:s21], $0x3200  }
0x2bd: {  	[sflag:s21] =	ssyncset.done $0x0  }
0x2be: {  	[sflag:s21] =	ssyncadd.s32 $0xFFFFCE00  }
0x2bf: {  	[hbm4b:s11+s10] =	stream.strided.scatter [tilespmem:s18], [sflag:$0x3], $0x3200, s12, s10, $0x38;
	[tilespmem:$0xCB20] =	vst v63  }
0x2c0: {  	_ =	swait.ge [sflag:s4], $0x3200  }
0x2c1: {  	[sflag:s4] =	ssyncset.done $0x0  }
0x2c2: {  	[sflag:s4] =	ssyncadd.s32 $0xFFFFCE00  }
0x2c3: {  	[hbm4b:s9+s10] =	stream.strided.scatter [tilespmem:s15], [sflag:$0x3], $0x3200, s12, s10, $0x38;
	[tilespmem:$0xCB20] =	vst v63  }
0x2c4: {  	_ =	swait.ge [sflag:s4], $0x3200  }
0x2c5: {  	[sflag:s4] =	ssyncset.done $0x0  }
0x2c6: {  	[sflag:s4] =	ssyncadd.s32 $0xFFFFCE00  }
0x2c7: {  	_ =	swait.ge [sflag:s13], $0x3200  }
0x2c8: {  	[sflag:s13] =	ssyncset.done $0x0  }
0x2c9: {  	[sflag:s13] =	ssyncadd.s32 $0xFFFFCE00  }
0x2ca: {  	_ =	swait.ge [sflag:s13], $0x3200  }
0x2cb: {  	[sflag:s13] =	ssyncset.done $0x0  }
0x2cc: {  	[sflag:s13] =	ssyncadd.s32 $0xFFFFCE00  }
0x2cd: {  	[hbm4b:s6+s10] =	stream.strided.scatter [tilespmem:s8], [sflag:$0x3], $0x3200, s12, s10, $0x38;
	[tilespmem:$0xCB20] =	vst v63  }
0x2ce: {  	p1 =	sne.s32 s1, $0x1;
	_ =	swait.ge [sflag:s4], $0x3200  }
.Ltmp2:
0x2cf: {  	[sflag:s4] =	ssyncset.done $0x0;
	(pc) =	sbr.rel @p1 .LBB2_2-.Ltmp2, $4  }
0x2d0: {  	[sflag:s4] =	ssyncadd.s32 $0xFFFFCE00  }
0x2d1: {  	[hbm4b:s5+s10] =	stream.strided.scatter [tilespmem:s7], [sflag:$0x3], $0x3200, s12, s10, $0x38;
	[tilespmem:$0xCB20] =	vst v63  }
0x2d2: {  	_ =	swait.ge [sflag:s4], $0x3200  }
0x2d3: {  	s1 =	sadd.s32 $0xFFFFFFFF, s1;
	s0 =	rddreg [dreg:$0x3];
	[sflag:s4] =	ssyncset.done $0x0  }
.LBB2_3:
0x2d4: {  	[sflag:s4] =	ssyncadd.s32 @p0 $0xFFFFCE00  }
0x2d5: {  	[tilespmem:s3], [sflag:$0x3] =	stream.linear.gather [hbm4b:s0+s3], $0xC8, $0x38;
	[tilespmem:$0xCB20] =	vst v63  }
0x2d6: {  	_ =	swait.ge [sflag:s4], $0xC8  }
0x2d7: {  	[sflag:s4] =	ssyncset.done $0x0  }
0x2d8: {  	s1 =	rddreg [dreg:$0x4];
	[sflag:s4] =	ssyncadd.s32 $0xFFFFFF38  }
0x2d9: {  	[tilespmem:s17], [sflag:$0x3] =	stream.linear.gather [hbm4b:s1+s3], $0xC8, $0x38;
	[tilespmem:$0xCB20] =	vst v63  }
0x2da: {  	_ =	swait.ge [sflag:s4], $0xC8  }
0x2db: {  	[sflag:s4] =	ssyncset.done $0x0  }
0x2dc: {  	[sflag:s4] =	ssyncadd.s32 $0xFFFFFF38  }
0x2dd: {  	[tilespmem:s8], [sflag:$0x1] =	stream.indirect.gather [hbm4b:s2+s17], $0x40, s3, s17, $0xb8;
	[tilespmem:$0xCB20] =	vst v63  }
0x2de: {  	_ = 	snop  }
0x2df: {  	[tilespmem:s7], [sflag:$0x1] =	stream.indirect.gather [hbm4b:s2+s17], $0x40, s17, s17, $0xb8;
	[tilespmem:$0xCB20] =	vst v63  }
0x2e0: {  	s1 =	rddreg [dreg:$0x5]  }
0x2e1: {  	[tilespmem:s26], [sflag:$0x3] =	stream.linear.gather [hbm4b:s1+s3], $0xC8, $0x38;
	[tilespmem:$0xCB20] =	vst v63  }
0x2e2: {  	_ =	swait.ge [sflag:s4], $0xC8  }
0x2e3: {  	[sflag:s4] =	ssyncset.done $0x0  }
0x2e4: {  	s1 =	rddreg [dreg:$0x6];
	[sflag:s4] =	ssyncadd.s32 $0xFFFFFF38  }
0x2e5: {  	[tilespmem:s28], [sflag:$0x3] =	stream.linear.gather [hbm4b:s1+s3], $0xC8, $0x38;
	[tilespmem:$0xCB20] =	vst v63  }
0x2e6: {  	_ =	swait.ge [sflag:s4], $0xC8  }
0x2e7: {  	[sflag:s4] =	ssyncset.done $0x0  }
0x2e8: {  	[sflag:s4] =	ssyncadd.s32 $0xFFFFFF38  }
0x2e9: {  	[tilespmem:s18], [sflag:$0x2] =	stream.indirect.gather [hbm4b:s2+s17], $0x40, s26, s17, $0xb8;
	[tilespmem:$0xCB20] =	vst v63  }
0x2ea: {  	_ = 	snop  }
0x2eb: {  	[tilespmem:s15], [sflag:$0x2] =	stream.indirect.gather [hbm4b:s2+s17], $0x40, s28, s17, $0xb8;
	[tilespmem:$0xCB20] =	vst v63  }
0x2ec: {  	_ =	swait.ge [sflag:s13], $0x3200  }
0x2ed: {  	[sflag:s13] =	ssyncset.done $0x0  }
0x2ee: {  	[sflag:s13] =	ssyncadd.s32 $0xFFFFCE00  }
0x2ef: {  	_ =	swait.ge [sflag:s13], $0x3200  }
0x2f0: {  	[sflag:s13] =	ssyncset.done $0x0  }
0x2f1: {  	s1 =	rddreg [dreg:$0x7];
	[sflag:s13] =	ssyncadd.s32 $0xFFFFCE00  }
0x2f2: {  	[hbm4b:s1+s10] =	stream.strided.scatter [tilespmem:s8], [sflag:$0x3], $0x3200, s12, s10, $0x38;
	[tilespmem:$0xCB20] =	vst v63  }
0x2f3: {  	_ =	swait.ge [sflag:s4], $0x3200  }
0x2f4: {  	[sflag:s4] =	ssyncset.done $0x0  }
0x2f5: {  	s1 =	rddreg [dreg:$0x8];
	[sflag:s4] =	ssyncadd.s32 $0xFFFFCE00  }
0x2f6: {  	[hbm4b:s1+s10] =	stream.strided.scatter [tilespmem:s7], [sflag:$0x3], $0x3200, s12, s10, $0x38;
	[tilespmem:$0xCB20] =	vst v63  }
0x2f7: {  	_ =	swait.ge [sflag:s4], $0x3200  }
0x2f8: {  	[sflag:s4] =	ssyncset.done $0x0  }
0x2f9: {  	s1 =	rddreg [dreg:$0x9];
	[sflag:s4] =	ssyncadd.s32 $0xFFFFCE00  }
0x2fa: {  	[tilespmem:s3], [sflag:$0x3] =	stream.linear.gather [hbm4b:s1+s3], $0xC8, $0x38;
	[tilespmem:$0xCB20] =	vst v63  }
0x2fb: {  	_ =	swait.ge [sflag:s4], $0xC8  }
0x2fc: {  	[sflag:s4] =	ssyncset.done $0x0  }
0x2fd: {  	s1 =	rddreg [dreg:$0xa];
	[sflag:s4] =	ssyncadd.s32 $0xFFFFFF38  }
0x2fe: {  	[tilespmem:s17], [sflag:$0x3] =	stream.linear.gather [hbm4b:s1+s3], $0xC8, $0x38;
	[tilespmem:$0xCB20] =	vst v63  }
0x2ff: {  	_ =	swait.ge [sflag:s4], $0xC8  }
0x300: {  	[sflag:s4] =	ssyncset.done $0x0  }
0x301: {  	[sflag:s4] =	ssyncadd.s32 $0xFFFFFF38  }
0x302: {  	[tilespmem:s8], [sflag:$0x1] =	stream.indirect.gather [hbm4b:s2+s17], $0x40, s3, s17, $0xb8;
	[tilespmem:$0xCB20] =	vst v63  }
0x303: {  	_ = 	snop  }
0x304: {  	[tilespmem:s7], [sflag:$0x1] =	stream.indirect.gather [hbm4b:s2+s17], $0x40, s17, s17, $0xb8;
	[tilespmem:$0xCB20] =	vst v63  }
0x305: {  	_ =	swait.ge [sflag:s21], $0x3200  }
0x306: {  	[sflag:s21] =	ssyncset.done $0x0  }
0x307: {  	[sflag:s21] =	ssyncadd.s32 $0xFFFFCE00  }
0x308: {  	_ =	swait.ge [sflag:s21], $0x3200  }
0x309: {  	[sflag:s21] =	ssyncset.done $0x0  }
0x30a: {  	s1 =	rddreg [dreg:$0xb];
	[sflag:s21] =	ssyncadd.s32 $0xFFFFCE00  }
0x30b: {  	[hbm4b:s1+s10] =	stream.strided.scatter [tilespmem:s18], [sflag:$0x3], $0x3200, s12, s10, $0x38;
	[tilespmem:$0xCB20] =	vst v63  }
0x30c: {  	_ =	swait.ge [sflag:s4], $0x3200  }
0x30d: {  	[sflag:s4] =	ssyncset.done $0x0  }
0x30e: {  	s1 =	rddreg [dreg:$0xc];
	[sflag:s4] =	ssyncadd.s32 $0xFFFFCE00  }
0x30f: {  	[hbm4b:s1+s10] =	stream.strided.scatter [tilespmem:s15], [sflag:$0x3], $0x3200, s12, s10, $0x38;
	[tilespmem:$0xCB20] =	vst v63  }
0x310: {  	_ =	swait.ge [sflag:s4], $0x3200  }
0x311: {  	[sflag:s4] =	ssyncset.done $0x0  }
0x312: {  	s1 =	rddreg [dreg:$0xd];
	[sflag:s4] =	ssyncadd.s32 $0xFFFFCE00  }
0x313: {  	[tilespmem:s26], [sflag:$0x3] =	stream.linear.gather [hbm4b:s1+s3], $0xC8, $0x38;
	[tilespmem:$0xCB20] =	vst v63  }
0x314: {  	_ =	swait.ge [sflag:s4], $0xC8  }
0x315: {  	[sflag:s4] =	ssyncset.done $0x0  }
0x316: {  	s1 =	rddreg [dreg:$0xe];
	[sflag:s4] =	ssyncadd.s32 $0xFFFFFF38  }
0x317: {  	[tilespmem:s28], [sflag:$0x3] =	stream.linear.gather [hbm4b:s1+s3], $0xC8, $0x38;
	[tilespmem:$0xCB20] =	vst v63  }
0x318: {  	_ =	swait.ge [sflag:s4], $0xC8  }
0x319: {  	[sflag:s4] =	ssyncset.done $0x0  }
0x31a: {  	[sflag:s4] =	ssyncadd.s32 $0xFFFFFF38  }
0x31b: {  	[tilespmem:s18], [sflag:$0x2] =	stream.indirect.gather [hbm4b:s2+s17], $0x40, s26, s17, $0xb8;
	[tilespmem:$0xCB20] =	vst v63  }
0x31c: {  	_ = 	snop  }
0x31d: {  	[tilespmem:s15], [sflag:$0x2] =	stream.indirect.gather [hbm4b:s2+s17], $0x40, s28, s17, $0xb8;
	[tilespmem:$0xCB20] =	vst v63  }
0x31e: {  	_ =	swait.ge [sflag:s13], $0x3200  }
0x31f: {  	[sflag:s13] =	ssyncset.done $0x0  }
0x320: {  	[sflag:s13] =	ssyncadd.s32 $0xFFFFCE00  }
0x321: {  	_ =	swait.ge [sflag:s13], $0x3200  }
0x322: {  	[sflag:s13] =	ssyncset.done $0x0  }
0x323: {  	s1 =	rddreg [dreg:$0xf];
	[sflag:s13] =	ssyncadd.s32 $0xFFFFCE00  }
0x324: {  	[hbm4b:s1+s10] =	stream.strided.scatter [tilespmem:s8], [sflag:$0x3], $0x3200, s12, s10, $0x38;
	[tilespmem:$0xCB20] =	vst v63  }
0x325: {  	_ =	swait.ge [sflag:s4], $0x3200  }
0x326: {  	[sflag:s4] =	ssyncset.done $0x0  }
0x327: {  	s1 =	rddreg [dreg:$0x10];
	[sflag:s4] =	ssyncadd.s32 $0xFFFFCE00  }
0x328: {  	[hbm4b:s1+s10] =	stream.strided.scatter [tilespmem:s7], [sflag:$0x3], $0x3200, s12, s10, $0x38;
	[tilespmem:$0xCB20] =	vst v63  }
0x329: {  	_ =	swait.ge [sflag:s4], $0x3200  }
0x32a: {  	[sflag:s4] =	ssyncset.done $0x0  }
0x32b: {  	s1 =	rddreg [dreg:$0x11];
	[sflag:s4] =	ssyncadd.s32 $0xFFFFCE00  }
0x32c: {  	[tilespmem:s3], [sflag:$0x3] =	stream.linear.gather [hbm4b:s1+s3], $0xC8, $0x38;
	[tilespmem:$0xCB20] =	vst v63  }
0x32d: {  	_ =	swait.ge [sflag:s4], $0xC8  }
0x32e: {  	[sflag:s4] =	ssyncset.done $0x0  }
0x32f: {  	s1 =	rddreg [dreg:$0x12];
	[sflag:s4] =	ssyncadd.s32 $0xFFFFFF38  }
0x330: {  	[tilespmem:s17], [sflag:$0x3] =	stream.linear.gather [hbm4b:s1+s3], $0xC8, $0x38;
	[tilespmem:$0xCB20] =	vst v63  }
0x331: {  	_ =	swait.ge [sflag:s4], $0xC8  }
0x332: {  	[sflag:s4] =	ssyncset.done $0x0  }
0x333: {  	[sflag:s4] =	ssyncadd.s32 $0xFFFFFF38  }
0x334: {  	[tilespmem:s8], [sflag:$0x1] =	stream.indirect.gather [hbm4b:s2+s17], $0x40, s3, s17, $0xb8;
	[tilespmem:$0xCB20] =	vst v63  }
0x335: {  	_ = 	snop  }
0x336: {  	[tilespmem:s7], [sflag:$0x1] =	stream.indirect.gather [hbm4b:s2+s17], $0x40, s17, s17, $0xb8;
	[tilespmem:$0xCB20] =	vst v63  }
0x337: {  	_ =	swait.ge [sflag:s21], $0x3200  }
0x338: {  	[sflag:s21] =	ssyncset.done $0x0  }
0x339: {  	[sflag:s21] =	ssyncadd.s32 $0xFFFFCE00  }
0x33a: {  	_ =	swait.ge [sflag:s21], $0x3200  }
0x33b: {  	[sflag:s21] =	ssyncset.done $0x0  }
0x33c: {  	s1 =	rddreg [dreg:$0x13];
	[sflag:s21] =	ssyncadd.s32 $0xFFFFCE00  }
0x33d: {  	[hbm4b:s1+s10] =	stream.strided.scatter [tilespmem:s18], [sflag:$0x3], $0x3200, s12, s10, $0x38;
	[tilespmem:$0xCB20] =	vst v63  }
0x33e: {  	_ =	swait.ge [sflag:s4], $0x3200  }
0x33f: {  	[sflag:s4] =	ssyncset.done $0x0  }
0x340: {  	s1 =	rddreg [dreg:$0x14];
	[sflag:s4] =	ssyncadd.s32 $0xFFFFCE00  }
0x341: {  	[hbm4b:s1+s10] =	stream.strided.scatter [tilespmem:s15], [sflag:$0x3], $0x3200, s12, s10, $0x38;
	[tilespmem:$0xCB20] =	vst v63  }
0x342: {  	_ =	swait.ge [sflag:s4], $0x3200  }
0x343: {  	[sflag:s4] =	ssyncset.done $0x0  }
0x344: {  	s1 =	rddreg [dreg:$0x15];
	[sflag:s4] =	ssyncadd.s32 $0xFFFFCE00  }
0x345: {  	[tilespmem:s26], [sflag:$0x3] =	stream.linear.gather [hbm4b:s1+s3], $0xC8, $0x38;
	[tilespmem:$0xCB20] =	vst v63  }
0x346: {  	_ =	swait.ge [sflag:s4], $0xC8  }
0x347: {  	[sflag:s4] =	ssyncset.done $0x0  }
0x348: {  	s1 =	rddreg [dreg:$0x16];
	[sflag:s4] =	ssyncadd.s32 $0xFFFFFF38  }
0x349: {  	[tilespmem:s28], [sflag:$0x3] =	stream.linear.gather [hbm4b:s1+s3], $0xC8, $0x38;
	[tilespmem:$0xCB20] =	vst v63  }
0x34a: {  	_ =	swait.ge [sflag:s4], $0xC8  }
0x34b: {  	[sflag:s4] =	ssyncset.done $0x0  }
0x34c: {  	[sflag:s4] =	ssyncadd.s32 $0xFFFFFF38  }
0x34d: {  	[tilespmem:s18], [sflag:$0x2] =	stream.indirect.gather [hbm4b:s2+s17], $0x40, s26, s17, $0xb8;
	[tilespmem:$0xCB20] =	vst v63  }
0x34e: {  	_ = 	snop  }
0x34f: {  	[tilespmem:s15], [sflag:$0x2] =	stream.indirect.gather [hbm4b:s2+s17], $0x40, s28, s17, $0xb8;
	[tilespmem:$0xCB20] =	vst v63  }
0x350: {  	_ =	swait.ge [sflag:s13], $0x3200  }
0x351: {  	[sflag:s13] =	ssyncset.done $0x0  }
0x352: {  	[sflag:s13] =	ssyncadd.s32 $0xFFFFCE00  }
0x353: {  	_ =	swait.ge [sflag:s13], $0x3200  }
0x354: {  	[sflag:s13] =	ssyncset.done $0x0  }
0x355: {  	s1 =	rddreg [dreg:$0x17];
	[sflag:s13] =	ssyncadd.s32 $0xFFFFCE00  }
0x356: {  	[hbm4b:s1+s10] =	stream.strided.scatter [tilespmem:s8], [sflag:$0x3], $0x3200, s12, s10, $0x38;
	[tilespmem:$0xCB20] =	vst v63  }
0x357: {  	_ =	swait.ge [sflag:s4], $0x3200  }
0x358: {  	[sflag:s4] =	ssyncset.done $0x0  }
0x359: {  	s1 =	rddreg [dreg:$0x18];
	[sflag:s4] =	ssyncadd.s32 $0xFFFFCE00  }
0x35a: {  	[hbm4b:s1+s10] =	stream.strided.scatter [tilespmem:s7], [sflag:$0x3], $0x3200, s12, s10, $0x38;
	[tilespmem:$0xCB20] =	vst v63  }
0x35b: {  	_ =	swait.ge [sflag:s4], $0x3200  }
0x35c: {  	[sflag:s4] =	ssyncset.done $0x0  }
0x35d: {  	s1 =	rddreg [dreg:$0x19];
	[sflag:s4] =	ssyncadd.s32 $0xFFFFCE00  }
0x35e: {  	[tilespmem:s3], [sflag:$0x3] =	stream.linear.gather [hbm4b:s1+s3], $0xC8, $0x38;
	[tilespmem:$0xCB20] =	vst v63  }
0x35f: {  	_ =	swait.ge [sflag:s4], $0xC8  }
0x360: {  	[sflag:s4] =	ssyncset.done $0x0  }
0x361: {  	s1 =	rddreg [dreg:$0x1a];
	[sflag:s4] =	ssyncadd.s32 $0xFFFFFF38  }
0x362: {  	[tilespmem:s17], [sflag:$0x3] =	stream.linear.gather [hbm4b:s1+s3], $0xC8, $0x38;
	[tilespmem:$0xCB20] =	vst v63  }
0x363: {  	_ =	swait.ge [sflag:s4], $0xC8  }
0x364: {  	[sflag:s4] =	ssyncset.done $0x0  }
0x365: {  	[sflag:s4] =	ssyncadd.s32 $0xFFFFFF38  }
0x366: {  	[tilespmem:s8], [sflag:$0x1] =	stream.indirect.gather [hbm4b:s2+s17], $0x40, s3, s17, $0xb8;
	[tilespmem:$0xCB20] =	vst v63  }
0x367: {  	_ = 	snop  }
0x368: {  	[tilespmem:s7], [sflag:$0x1] =	stream.indirect.gather [hbm4b:s2+s17], $0x40, s17, s17, $0xb8;
	[tilespmem:$0xCB20] =	vst v63  }
0x369: {  	_ =	swait.ge [sflag:s21], $0x3200  }
0x36a: {  	[sflag:s21] =	ssyncset.done $0x0  }
0x36b: {  	[sflag:s21] =	ssyncadd.s32 $0xFFFFCE00  }
0x36c: {  	_ =	swait.ge [sflag:s21], $0x3200  }
0x36d: {  	[sflag:s21] =	ssyncset.done $0x0  }
0x36e: {  	s1 =	rddreg [dreg:$0x1b];
	[sflag:s21] =	ssyncadd.s32 $0xFFFFCE00  }
0x36f: {  	[hbm4b:s1+s10] =	stream.strided.scatter [tilespmem:s18], [sflag:$0x3], $0x3200, s12, s10, $0x38;
	[tilespmem:$0xCB20] =	vst v63  }
0x370: {  	_ =	swait.ge [sflag:s4], $0x3200  }
0x371: {  	[sflag:s4] =	ssyncset.done $0x0  }
0x372: {  	s1 =	rddreg [dreg:$0x1c];
	[sflag:s4] =	ssyncadd.s32 $0xFFFFCE00  }
0x373: {  	[hbm4b:s1+s10] =	stream.strided.scatter [tilespmem:s15], [sflag:$0x3], $0x3200, s12, s10, $0x38;
	[tilespmem:$0xCB20] =	vst v63  }
0x374: {  	_ =	swait.ge [sflag:s4], $0x3200  }
0x375: {  	[sflag:s4] =	ssyncset.done $0x0  }
0x376: {  	s1 =	rddreg [dreg:$0x1d];
	[sflag:s4] =	ssyncadd.s32 $0xFFFFCE00  }
0x377: {  	[tilespmem:s26], [sflag:$0x3] =	stream.linear.gather [hbm4b:s1+s3], $0xC8, $0x38;
	[tilespmem:$0xCB20] =	vst v63  }
0x378: {  	_ =	swait.ge [sflag:s4], $0xC8  }
0x379: {  	[sflag:s4] =	ssyncset.done $0x0  }
0x37a: {  	s1 =	rddreg [dreg:$0x1e];
	[sflag:s4] =	ssyncadd.s32 $0xFFFFFF38  }
0x37b: {  	[tilespmem:s28], [sflag:$0x3] =	stream.linear.gather [hbm4b:s1+s3], $0xC8, $0x38;
	[tilespmem:$0xCB20] =	vst v63  }
0x37c: {  	_ =	swait.ge [sflag:s4], $0xC8  }
0x37d: {  	[sflag:s4] =	ssyncset.done $0x0  }
0x37e: {  	[sflag:s4] =	ssyncadd.s32 $0xFFFFFF38  }
0x37f: {  	[tilespmem:s18], [sflag:$0x2] =	stream.indirect.gather [hbm4b:s2+s17], $0x40, s26, s17, $0xb8;
	[tilespmem:$0xCB20] =	vst v63  }
0x380: {  	_ = 	snop  }
0x381: {  	[tilespmem:s15], [sflag:$0x2] =	stream.indirect.gather [hbm4b:s2+s17], $0x40, s28, s17, $0xb8;
	[tilespmem:$0xCB20] =	vst v63  }
0x382: {  	_ =	swait.ge [sflag:s13], $0x3200  }
0x383: {  	[sflag:s13] =	ssyncset.done $0x0  }
0x384: {  	[sflag:s13] =	ssyncadd.s32 $0xFFFFCE00  }
0x385: {  	_ =	swait.ge [sflag:s13], $0x3200  }
0x386: {  	[sflag:s13] =	ssyncset.done $0x0  }
0x387: {  	s1 =	rddreg [dreg:$0x1f];
	[sflag:s13] =	ssyncadd.s32 $0xFFFFCE00  }
0x388: {  	[hbm4b:s1+s10] =	stream.strided.scatter [tilespmem:s8], [sflag:$0x3], $0x3200, s12, s10, $0x38;
	[tilespmem:$0xCB20] =	vst v63  }
0x389: {  	_ =	swait.ge [sflag:s4], $0x3200  }
0x38a: {  	s1 =	sld [smem:$0x7F6]  }
0x38b: {  	[sflag:s4] =	ssyncset.done $0x0  }
0x38c: {  	[sflag:s4] =	ssyncadd.s32 $0xFFFFCE00  }
0x38d: {  	[hbm4b:s1+s10] =	stream.strided.scatter [tilespmem:s7], [sflag:$0x3], $0x3200, s12, s10, $0x38;
	[tilespmem:$0xCB20] =	vst v63  }
0x38e: {  	_ =	swait.ge [sflag:s4], $0x3200  }
0x38f: {  	s1 =	sld [smem:$0x7F7]  }
0x390: {  	[sflag:s4] =	ssyncset.done $0x0  }
0x391: {  	[sflag:s4] =	ssyncadd.s32 $0xFFFFCE00  }
0x392: {  	[tilespmem:s3], [sflag:$0x3] =	stream.linear.gather [hbm4b:s1+s3], $0xC8, $0x38;
	[tilespmem:$0xCB20] =	vst v63  }
0x393: {  	_ =	swait.ge [sflag:s4], $0xC8  }
0x394: {  	s1 =	sld [smem:$0x7F8]  }
0x395: {  	[sflag:s4] =	ssyncset.done $0x0  }
0x396: {  	[sflag:s4] =	ssyncadd.s32 $0xFFFFFF38  }
0x397: {  	[tilespmem:s17], [sflag:$0x3] =	stream.linear.gather [hbm4b:s1+s3], $0xC8, $0x38;
	[tilespmem:$0xCB20] =	vst v63  }
0x398: {  	_ =	swait.ge [sflag:s4], $0xC8  }
0x399: {  	[sflag:s4] =	ssyncset.done $0x0  }
0x39a: {  	[sflag:s4] =	ssyncadd.s32 $0xFFFFFF38  }
0x39b: {  	[tilespmem:s8], [sflag:$0x1] =	stream.indirect.gather [hbm4b:s2+s17], $0x40, s3, s17, $0xb8;
	[tilespmem:$0xCB20] =	vst v63  }
0x39c: {  	_ = 	snop  }
0x39d: {  	[tilespmem:s7], [sflag:$0x1] =	stream.indirect.gather [hbm4b:s2+s17], $0x40, s17, s17, $0xb8;
	[tilespmem:$0xCB20] =	vst v63  }
0x39e: {  	_ =	swait.ge [sflag:s21], $0x3200  }
0x39f: {  	[sflag:s21] =	ssyncset.done $0x0  }
0x3a0: {  	[sflag:s21] =	ssyncadd.s32 $0xFFFFCE00  }
0x3a1: {  	_ =	swait.ge [sflag:s21], $0x3200  }
0x3a2: {  	s1 =	sld [smem:$0x7F9]  }
0x3a3: {  	[sflag:s21] =	ssyncset.done $0x0  }
0x3a4: {  	[sflag:s21] =	ssyncadd.s32 $0xFFFFCE00  }
0x3a5: {  	[hbm4b:s1+s10] =	stream.strided.scatter [tilespmem:s18], [sflag:$0x3], $0x3200, s12, s10, $0x38;
	[tilespmem:$0xCB20] =	vst v63  }
0x3a6: {  	_ =	swait.ge [sflag:s4], $0x3200  }
0x3a7: {  	s1 =	sld [smem:$0x7FA]  }
0x3a8: {  	[sflag:s4] =	ssyncset.done $0x0  }
0x3a9: {  	[sflag:s4] =	ssyncadd.s32 $0xFFFFCE00  }
0x3aa: {  	[hbm4b:s1+s10] =	stream.strided.scatter [tilespmem:s15], [sflag:$0x3], $0x3200, s12, s10, $0x38;
	[tilespmem:$0xCB20] =	vst v63  }
0x3ab: {  	_ =	swait.ge [sflag:s4], $0x3200  }
0x3ac: {  	s1 =	sld [smem:$0x7FB]  }
0x3ad: {  	[sflag:s4] =	ssyncset.done $0x0  }
0x3ae: {  	[sflag:s4] =	ssyncadd.s32 $0xFFFFCE00  }
0x3af: {  	[tilespmem:s26], [sflag:$0x3] =	stream.linear.gather [hbm4b:s1+s3], $0xC8, $0x38;
	[tilespmem:$0xCB20] =	vst v63  }
0x3b0: {  	_ =	swait.ge [sflag:s4], $0xC8  }
0x3b1: {  	s1 =	sld [smem:$0x7FC]  }
0x3b2: {  	[sflag:s4] =	ssyncset.done $0x0  }
0x3b3: {  	[sflag:s4] =	ssyncadd.s32 $0xFFFFFF38  }
0x3b4: {  	[tilespmem:s28], [sflag:$0x3] =	stream.linear.gather [hbm4b:s1+s3], $0xC8, $0x38;
	[tilespmem:$0xCB20] =	vst v63  }
0x3b5: {  	_ =	swait.ge [sflag:s4], $0xC8  }
0x3b6: {  	[sflag:s4] =	ssyncset.done $0x0  }
0x3b7: {  	[sflag:s4] =	ssyncadd.s32 $0xFFFFFF38  }
0x3b8: {  	[tilespmem:s18], [sflag:$0x2] =	stream.indirect.gather [hbm4b:s2+s17], $0x40, s26, s17, $0xb8;
	[tilespmem:$0xCB20] =	vst v63  }
0x3b9: {  	_ = 	snop  }
0x3ba: {  	[tilespmem:s15], [sflag:$0x2] =	stream.indirect.gather [hbm4b:s2+s17], $0x40, s28, s17, $0xb8;
	[tilespmem:$0xCB20] =	vst v63  }
0x3bb: {  	_ =	swait.ge [sflag:s13], $0x3200  }
0x3bc: {  	[sflag:s13] =	ssyncset.done $0x0  }
0x3bd: {  	[sflag:s13] =	ssyncadd.s32 $0xFFFFCE00  }
0x3be: {  	_ =	swait.ge [sflag:s13], $0x3200  }
0x3bf: {  	s1 =	sld [smem:$0x7FD]  }
0x3c0: {  	[sflag:s13] =	ssyncset.done $0x0  }
0x3c1: {  	[sflag:s13] =	ssyncadd.s32 $0xFFFFCE00  }
0x3c2: {  	[hbm4b:s1+s10] =	stream.strided.scatter [tilespmem:s8], [sflag:$0x3], $0x3200, s12, s10, $0x38;
	[tilespmem:$0xCB20] =	vst v63  }
0x3c3: {  	_ =	swait.ge [sflag:s4], $0x3200  }
0x3c4: {  	[sflag:s4] =	ssyncset.done $0x0  }
0x3c5: {  	[sflag:s4] =	ssyncadd.s32 $0xFFFFCE00  }
0x3c6: {  	[hbm4b:s31+s10] =	stream.strided.scatter [tilespmem:s7], [sflag:$0x3], $0x3200, s12, s10, $0x38;
	[tilespmem:$0xCB20] =	vst v63  }
0x3c7: {  	_ =	swait.ge [sflag:s4], $0x3200  }
0x3c8: {  	[sflag:s4] =	ssyncset.done $0x0  }
0x3c9: {  	[sflag:s4] =	ssyncadd.s32 $0xFFFFCE00  }
0x3ca: {  	[tilespmem:s3], [sflag:$0x3] =	stream.linear.gather [hbm4b:s30+s3], $0xC8, $0x38;
	[tilespmem:$0xCB20] =	vst v63  }
0x3cb: {  	_ =	swait.ge [sflag:s4], $0xC8  }
0x3cc: {  	[sflag:s4] =	ssyncset.done $0x0  }
0x3cd: {  	[sflag:s4] =	ssyncadd.s32 $0xFFFFFF38  }
0x3ce: {  	[tilespmem:s17], [sflag:$0x3] =	stream.linear.gather [hbm4b:s29+s3], $0xC8, $0x38;
	[tilespmem:$0xCB20] =	vst v63  }
0x3cf: {  	_ =	swait.ge [sflag:s4], $0xC8  }
0x3d0: {  	[sflag:s4] =	ssyncset.done $0x0  }
0x3d1: {  	[sflag:s4] =	ssyncadd.s32 $0xFFFFFF38  }
0x3d2: {  	[tilespmem:s8], [sflag:$0x1] =	stream.indirect.gather [hbm4b:s2+s17], $0x40, s3, s17, $0xb8;
	[tilespmem:$0xCB20] =	vst v63  }
0x3d3: {  	_ = 	snop  }
0x3d4: {  	[tilespmem:s7], [sflag:$0x1] =	stream.indirect.gather [hbm4b:s2+s17], $0x40, s17, s17, $0xb8;
	[tilespmem:$0xCB20] =	vst v63  }
0x3d5: {  	_ =	swait.ge [sflag:s21], $0x3200  }
0x3d6: {  	[sflag:s21] =	ssyncset.done $0x0  }
0x3d7: {  	[sflag:s21] =	ssyncadd.s32 $0xFFFFCE00  }
0x3d8: {  	_ =	swait.ge [sflag:s21], $0x3200  }
0x3d9: {  	[sflag:s21] =	ssyncset.done $0x0  }
0x3da: {  	[sflag:s21] =	ssyncadd.s32 $0xFFFFCE00  }
0x3db: {  	[hbm4b:s25+s10] =	stream.strided.scatter [tilespmem:s18], [sflag:$0x3], $0x3200, s12, s10, $0x38;
	[tilespmem:$0xCB20] =	vst v63  }
0x3dc: {  	_ =	swait.ge [sflag:s4], $0x3200  }
0x3dd: {  	[sflag:s4] =	ssyncset.done $0x0  }
0x3de: {  	[sflag:s4] =	ssyncadd.s32 $0xFFFFCE00  }
0x3df: {  	[hbm4b:s24+s10] =	stream.strided.scatter [tilespmem:s15], [sflag:$0x3], $0x3200, s12, s10, $0x38;
	[tilespmem:$0xCB20] =	vst v63  }
0x3e0: {  	_ =	swait.ge [sflag:s4], $0x3200  }
0x3e1: {  	[sflag:s4] =	ssyncset.done $0x0  }
0x3e2: {  	[sflag:s4] =	ssyncadd.s32 $0xFFFFCE00  }
0x3e3: {  	[tilespmem:s26], [sflag:$0x3] =	stream.linear.gather [hbm4b:s23+s3], $0xC8, $0x38;
	[tilespmem:$0xCB20] =	vst v63  }
0x3e4: {  	_ =	swait.ge [sflag:s4], $0xC8  }
0x3e5: {  	[sflag:s4] =	ssyncset.done $0x0  }
0x3e6: {  	[sflag:s4] =	ssyncadd.s32 $0xFFFFFF38  }
0x3e7: {  	[tilespmem:s28], [sflag:$0x3] =	stream.linear.gather [hbm4b:s22+s3], $0xC8, $0x38;
	[tilespmem:$0xCB20] =	vst v63  }
0x3e8: {  	_ =	swait.ge [sflag:s4], $0xC8  }
0x3e9: {  	[sflag:s4] =	ssyncset.done $0x0  }
0x3ea: {  	[sflag:s4] =	ssyncadd.s32 $0xFFFFFF38  }
0x3eb: {  	[tilespmem:s18], [sflag:$0x2] =	stream.indirect.gather [hbm4b:s2+s17], $0x40, s26, s17, $0xb8;
	[tilespmem:$0xCB20] =	vst v63  }
0x3ec: {  	_ = 	snop  }
0x3ed: {  	[tilespmem:s15], [sflag:$0x2] =	stream.indirect.gather [hbm4b:s2+s17], $0x40, s28, s17, $0xb8;
	[tilespmem:$0xCB20] =	vst v63  }
0x3ee: {  	_ =	swait.ge [sflag:s13], $0x3200  }
0x3ef: {  	[sflag:s13] =	ssyncset.done $0x0  }
0x3f0: {  	[sflag:s13] =	ssyncadd.s32 $0xFFFFCE00  }
0x3f1: {  	_ =	swait.ge [sflag:s13], $0x3200  }
0x3f2: {  	[sflag:s13] =	ssyncset.done $0x0  }
0x3f3: {  	[sflag:s13] =	ssyncadd.s32 $0xFFFFCE00  }
0x3f4: {  	[hbm4b:s20+s10] =	stream.strided.scatter [tilespmem:s8], [sflag:$0x3], $0x3200, s12, s10, $0x38;
	[tilespmem:$0xCB20] =	vst v63  }
0x3f5: {  	_ =	swait.ge [sflag:s4], $0x3200  }
0x3f6: {  	[sflag:s4] =	ssyncset.done $0x0  }
0x3f7: {  	[sflag:s4] =	ssyncadd.s32 $0xFFFFCE00  }
0x3f8: {  	[hbm4b:s19+s10] =	stream.strided.scatter [tilespmem:s7], [sflag:$0x3], $0x3200, s12, s10, $0x38;
	[tilespmem:$0xCB20] =	vst v63  }
0x3f9: {  	_ =	swait.ge [sflag:s4], $0x3200  }
0x3fa: {  	[sflag:s4] =	ssyncset.done $0x0  }
0x3fb: {  	[sflag:s4] =	ssyncadd.s32 $0xFFFFCE00  }
0x3fc: {  	[tilespmem:s3], [sflag:$0x3] =	stream.linear.gather [hbm4b:s16+s3], $0xC8, $0x38;
	[tilespmem:$0xCB20] =	vst v63  }
0x3fd: {  	_ =	swait.ge [sflag:s4], $0xC8  }
0x3fe: {  	[sflag:s4] =	ssyncset.done $0x0  }
0x3ff: {  	[sflag:s4] =	ssyncadd.s32 $0xFFFFFF38  }
0x400: {  	[tilespmem:s17], [sflag:$0x3] =	stream.linear.gather [hbm4b:s14+s3], $0xC8, $0x38;
	[tilespmem:$0xCB20] =	vst v63  }
0x401: {  	_ =	swait.ge [sflag:s4], $0xC8  }
0x402: {  	[sflag:s4] =	ssyncset.done $0x0  }
0x403: {  	[sflag:s4] =	ssyncadd.s32 $0xFFFFFF38  }
0x404: {  	[tilespmem:s8], [sflag:$0x1] =	stream.indirect.gather [hbm4b:s2+s17], $0x40, s3, s17, $0xb8;
	[tilespmem:$0xCB20] =	vst v63  }
0x405: {  	_ = 	snop  }
0x406: {  	[tilespmem:s7], [sflag:$0x1] =	stream.indirect.gather [hbm4b:s2+s17], $0x40, s17, s17, $0xb8;
	[tilespmem:$0xCB20] =	vst v63  }
0x407: {  	_ =	swait.ge [sflag:s21], $0x3200  }
0x408: {  	[sflag:s21] =	ssyncset.done $0x0  }
0x409: {  	[sflag:s21] =	ssyncadd.s32 $0xFFFFCE00  }
0x40a: {  	_ =	swait.ge [sflag:s21], $0x3200  }
0x40b: {  	[sflag:s21] =	ssyncset.done $0x0  }
0x40c: {  	[sflag:s21] =	ssyncadd.s32 $0xFFFFCE00  }
0x40d: {  	[hbm4b:s11+s10] =	stream.strided.scatter [tilespmem:s18], [sflag:$0x3], $0x3200, s12, s10, $0x38;
	[tilespmem:$0xCB20] =	vst v63  }
0x40e: {  	_ =	swait.ge [sflag:s4], $0x3200  }
0x40f: {  	[sflag:s4] =	ssyncset.done $0x0  }
0x410: {  	[sflag:s4] =	ssyncadd.s32 $0xFFFFCE00  }
0x411: {  	[hbm4b:s9+s10] =	stream.strided.scatter [tilespmem:s15], [sflag:$0x3], $0x3200, s12, s10, $0x38;
	[tilespmem:$0xCB20] =	vst v63  }
0x412: {  	_ =	swait.ge [sflag:s4], $0x3200  }
0x413: {  	[sflag:s4] =	ssyncset.done $0x0  }
0x414: {  	[sflag:s4] =	ssyncadd.s32 $0xFFFFCE00  }
0x415: {  	_ =	swait.ge [sflag:s13], $0x3200  }
0x416: {  	[sflag:s13] =	ssyncset.done $0x0  }
0x417: {  	[sflag:s13] =	ssyncadd.s32 $0xFFFFCE00  }
0x418: {  	_ =	swait.ge [sflag:s13], $0x3200  }
0x419: {  	[sflag:s13] =	ssyncset.done $0x0  }
0x41a: {  	[sflag:s13] =	ssyncadd.s32 $0xFFFFCE00  }
0x41b: {  	[hbm4b:s6+s10] =	stream.strided.scatter [tilespmem:s8], [sflag:$0x3], $0x3200, s12, s10, $0x38;
	[tilespmem:$0xCB20] =	vst v63  }
0x41c: {  	_ =	swait.ge [sflag:s4], $0x3200  }
0x41d: {  	[sflag:s4] =	ssyncset.done $0x0  }
0x41e: {  	[sflag:s4] =	ssyncadd.s32 $0xFFFFCE00  }
0x41f: {  	[hbm4b:s5+s10] =	stream.strided.scatter [tilespmem:s7], [sflag:$0x3], $0x3200, s12, s10, $0x38;
	[tilespmem:$0xCB20] =	vst v63  }
0x420: {  	_ =	swait.ge [sflag:s4], $0x3200  }
0x421: {  	[sflag:s4] =	ssyncset.done $0x0  }
0x422: {  	[sflag:s4] =	ssyncadd.s32 $0xFFFFCE00  }
0x423: {  	_ =	sfence.sel $0x180000  }
0x424: {  	[bflag:$0x0] =	sbarrier.arrive $0xFFFF  }
0x425: {  	_ =	strace $0x9000004A  }
0x426: {  	s31 =	stileid.u32;
	[bflag:$0x2] =	sbarrier.arrive $0xFFFF  }
0x427: {  	p0 =	sne.s32 s31, $0x0;
	s0 =	rddreg [dreg:$0x2]  }
0x428: {  	s0 =	sadd.s32 @!p0 $0x100000, s0  }
0x429: {  	[sflag:s0] =	ssyncadd.tile.s32 @!p0 $0x1;
	_ =	shalt  }
.Lfunc_end2:
_tile_overlayer_lowered:
.L_overlay_start_2:
0x42a: {  	(tag) =	ssettag $0x2  }
0x42b: {  	s0 =	rddreg [dreg:$0x0];
	s2 =	stileid.u32  }
0x42c: {  	s1 =	rddreg [dreg:$0x1];
	p0 =	sne.s32 s2, $0x0  }
0x42d: {  	s3 =	rddreg [dreg:$0x2];
	[bflag:$0x3] =	sbarrier.arrive $0xFFFF;
	s2 =	simm.s32 @!p0 $0x1C03  }
0x42e: {  	[timem:s3], [sflag:s2] =	dma.local @!p0 [hbm:s0], s1  }
0x42f: {  	s0 =	simm.s32 @!p0 $0x3  }
0x430: {  	_ =	swait.ge @!p0 [sflag:s0], s1  }
0x431: {  	s1 =	ssub.s32 @!p0 $0x0, s1;
	[sflag:s0] =	ssyncset.done @!p0 $0x0  }
0x432: {  	[sflag:s0] =	ssyncadd.s32 @!p0 s1  }
0x433: {  	[bflag:$0x3] =	sbarrier.arrive $0xFFFF  }
0x434: {  	_ =	shalt  }

</sc_bundles>
